<compile_context>
chip_gen: v7x
topology: tpu7x:2x2x1
jax: 0.10.2.dev20260603
libtpu: 0.0.44.dev20260713+nightly
codegen_flags: <defaults>
</compile_context>

<pallas_src>
import jax
import jax.numpy as jnp
from jax import lax
from jax.experimental import pallas as pl
from jax.experimental.pallas import tpu as pltpu
from jax.experimental.pallas import tpu_sc as plsc

_B, _N, _K = 2, 10000, 16
_NPAD = 10240
_NROW = _B * _NPAD
_NE = _NROW * _K
_NW = 32
_EPW = _NE // _NW
_CH = 128
_NCH = _EPW // _CH
_RN = 256
_NCB = _NROW // _RN
_R = 1024
_NBLK = _NROW // _R
_EPS = 1e-5
_CNT2D = float(_B * _N * _K)
_CNT1D = float(_B * _N)


def _lrelu(v):
    return jnp.where(v >= 0, v, 0.2 * v)


def _row_mask(i, rows_per_block, v):
    rows = i * rows_per_block + lax.broadcasted_iota(
        jnp.int32, (rows_per_block, 1), 0)
    return jnp.where(rows % _NPAD < _N, v, 0.0)


def _dot(a, w):
    return lax.dot_general(a, w, (((1,), (1,)), ((), ())),
                           preferred_element_type=jnp.float32)


def _scale_shift(p_ref, g_ref, b_ref, cnt):
    p = p_ref[...]
    s = jnp.sum(p[:, 0, :], 0)
    s2 = jnp.sum(p[:, 1, :], 0)
    mean = s / cnt
    var = s2 / cnt - mean * mean
    scale = g_ref[...] * (1.0 / jnp.sqrt(var + _EPS))
    shift = b_ref[...] - mean * scale
    return scale, shift



def _sc_gather_rows(tab, idxkm):
    C = tab.shape[1]
    NBUF = 8 if C <= 64 else 5
    mesh = plsc.VectorSubcoreMesh(core_axis_name="c", subcore_axis_name="s")

    def body_with(tab_hbm, idx_hbm, out_hbm, Iall, Rws, gss, dss):
        cid = lax.axis_index("c")
        sid = lax.axis_index("s")
        wid = sid * 2 + cid
        k0 = wid // 2
        rbase = (wid % 2) * (_NROW // 2)

        pltpu.sync_copy(idx_hbm.at[pl.ds(wid * _NCH, _NCH)], Iall)

        def start(c, j):
            pltpu.async_copy(tab_hbm.at[Iall.at[c]], Rws[j], gss[j])

        for j in range(NBUF - 2):
            start(j, j)

        def dst(c):
            return out_hbm.at[k0, pl.ds(rbase + c * _CH, _CH), pl.ds(0, C)]

        def step(c, j):
            q = (j + NBUF - 2) % NBUF
            pltpu.make_async_copy(tab_hbm.at[Iall.at[c]], Rws[j],
                                  gss[j]).wait()
            pltpu.async_copy(Rws[j], dst(c), dss[j])

            @pl.when(c + NBUF - 2 < _NCH)
            def _():
                @pl.when(c >= 2)
                def _():
                    pltpu.make_async_copy(Rws[q], dst(c), dss[q]).wait()
                start(c + NBUF - 2, q)

        @pl.loop(0, _NCH, step=NBUF)
        def lp(c):
            for j in range(NBUF):
                step(c + j, j)

        for j in range(NBUF):
            pltpu.make_async_copy(Rws[j], dst(0), dss[j]).wait()

    if NBUF == 8:
        def kbody(tab_hbm, idx_hbm, out_hbm, Iall,
                  R0, R1, R2, R3, R4, R5, R6, R7,
                  g0, g1, g2, g3, g4, g5, g6, g7,
                  d0, d1, d2, d3, d4, d5, d6, d7):
            body_with(tab_hbm, idx_hbm, out_hbm, Iall,
                      [R0, R1, R2, R3, R4, R5, R6, R7],
                      [g0, g1, g2, g3, g4, g5, g6, g7],
                      [d0, d1, d2, d3, d4, d5, d6, d7])
    else:
        def kbody(tab_hbm, idx_hbm, out_hbm, Iall,
                  R0, R1, R2, R3, R4,
                  g0, g1, g2, g3, g4,
                  d0, d1, d2, d3, d4):
            body_with(tab_hbm, idx_hbm, out_hbm, Iall,
                      [R0, R1, R2, R3, R4],
                      [g0, g1, g2, g3, g4],
                      [d0, d1, d2, d3, d4])

    return pl.kernel(
        kbody,
        out_type=jax.ShapeDtypeStruct((_K, _NROW, 128), jnp.float32),
        mesh=mesh,
        compiler_params=pltpu.CompilerParams(use_tc_tiling_on_sc=False),
        scratch_types=(
            [pltpu.VMEM((_NCH, _CH), jnp.int32)]
            + [pltpu.VMEM((_CH, C), jnp.float32)] * NBUF
            + [pltpu.SemaphoreType.DMA] * (2 * NBUF)
        ),
    )(tab, idxkm)



def _tc_conv_call(gath3, tab, W):
    O = W.shape[0]
    C = tab.shape[1]

    def body(g_ref, x_ref, w_ref, m_ref, p_ref):
        own = x_ref[...]
        if C < 128:
            own = jnp.concatenate(
                [own, jnp.zeros((_RN, 128 - C), jnp.float32)], axis=1)
        w = w_ref[...]
        lane = lax.broadcasted_iota(jnp.int32, (_K * _RN, 128), 1)
        d = (g_ref[...] - own[None, :, :]).reshape(_K * _RN, 128)
        d = jnp.where(lane < C, d, 0.0)
        p = _dot(d, w)
        m = p[0:_RN]
        for k in range(1, _K):
            m = jnp.maximum(m, p[k * _RN:(k + 1) * _RN])
        m_ref[...] = m
        p_ref[...] = jnp.stack([jnp.sum(p, 0), jnp.sum(p * p, 0)])[None]

    return pl.pallas_call(
        body,
        grid=(_NCB,),
        in_specs=[pl.BlockSpec((_K, _RN, 128), lambda i: (0, i, 0)),
                  pl.BlockSpec((_RN, C), lambda i: (i, 0)),
                  pl.BlockSpec((O, 128), lambda i: (0, 0))],
        out_specs=[pl.BlockSpec((_RN, O), lambda i: (i, 0)),
                   pl.BlockSpec((1, 2, O), lambda i: (i, 0, 0))],
        out_shape=[jax.ShapeDtypeStruct((_NROW, O), jnp.float32),
                   jax.ShapeDtypeStruct((_NCB, 2, O), jnp.float32)],
    )(gath3, tab, W)


def _tc_apply_call(M, P, g, b):
    O = M.shape[1]

    def body(m_ref, p_ref, g_ref, b_ref, o_ref):
        i = pl.program_id(0)
        scale, shift = _scale_shift(p_ref, g_ref, b_ref, _CNT2D)
        o_ref[...] = _row_mask(i, _R, _lrelu(m_ref[...] * scale[None, :]
                                             + shift[None, :]))

    return pl.pallas_call(
        body,
        grid=(_NBLK,),
        in_specs=[pl.BlockSpec((_R, O), lambda i: (i, 0)),
                  pl.BlockSpec((_NCB, 2, O), lambda i: (0, 0, 0)),
                  pl.BlockSpec((O,), lambda i: (0,)),
                  pl.BlockSpec((O,), lambda i: (0,))],
        out_specs=pl.BlockSpec((_R, O), lambda i: (i, 0)),
        out_shape=jax.ShapeDtypeStruct((_NROW, O), jnp.float32),
    )(M, P, g, b)


def _tc_apply4_call(M, P, g, b, x1, x2, x3, W5a, W5b, W5c, W5d):
    O = M.shape[1]
    On = W5a.shape[0]

    def body(m_ref, p_ref, g_ref, b_ref, x1_ref, x2_ref, x3_ref,
             w5a_ref, w5b_ref, w5c_ref, w5d_ref, y_ref, pout_ref):
        i = pl.program_id(0)
        scale, shift = _scale_shift(p_ref, g_ref, b_ref, _CNT2D)
        x4v = _row_mask(i, _R, _lrelu(m_ref[...] * scale[None, :]
                                      + shift[None, :]))
        y = (_dot(x1_ref[...], w5a_ref[...])
             + _dot(x2_ref[...], w5b_ref[...])
             + _dot(x3_ref[...], w5c_ref[...])
             + _dot(x4v, w5d_ref[...]))
        y_ref[...] = y
        pout_ref[...] = jnp.stack([jnp.sum(y, 0), jnp.sum(y * y, 0)])[None]

    return pl.pallas_call(
        body,
        grid=(_NBLK,),
        in_specs=[pl.BlockSpec((_R, O), lambda i: (i, 0)),
                  pl.BlockSpec((_NCB, 2, O), lambda i: (0, 0, 0)),
                  pl.BlockSpec((O,), lambda i: (0,)),
                  pl.BlockSpec((O,), lambda i: (0,)),
                  pl.BlockSpec((_R, 64), lambda i: (i, 0)),
                  pl.BlockSpec((_R, 64), lambda i: (i, 0)),
                  pl.BlockSpec((_R, 128), lambda i: (i, 0)),
                  pl.BlockSpec((On, 64), lambda i: (0, 0)),
                  pl.BlockSpec((On, 64), lambda i: (0, 0)),
                  pl.BlockSpec((On, 128), lambda i: (0, 0)),
                  pl.BlockSpec((On, 256), lambda i: (0, 0))],
        out_specs=[pl.BlockSpec((_R, On), lambda i: (i, 0)),
                   pl.BlockSpec((1, 2, On), lambda i: (i, 0, 0))],
        out_shape=[jax.ShapeDtypeStruct((_NROW, On), jnp.float32),
                   jax.ShapeDtypeStruct((_NBLK, 2, On), jnp.float32)],
    )(M, P, g, b, x1, x2, x3, W5a, W5b, W5c, W5d)


def _apply_mlp_call(Hpre, P, g, b, Wn):
    O = Hpre.shape[1]
    On = Wn.shape[0]
    npart = P.shape[0]

    def body(h_ref, p_ref, g_ref, b_ref, w_ref, y_ref, pout_ref):
        i = pl.program_id(0)
        scale, shift = _scale_shift(p_ref, g_ref, b_ref, _CNT1D)
        hv = _row_mask(i, _R, _lrelu(h_ref[...] * scale[None, :]
                                     + shift[None, :]))
        y = _dot(hv, w_ref[...])
        y_ref[...] = y
        pout_ref[...] = jnp.stack([jnp.sum(y, 0), jnp.sum(y * y, 0)])[None]

    return pl.pallas_call(
        body,
        grid=(_NBLK,),
        in_specs=[pl.BlockSpec((_R, O), lambda i: (i, 0)),
                  pl.BlockSpec((npart, 2, O), lambda i: (0, 0, 0)),
                  pl.BlockSpec((O,), lambda i: (0,)),
                  pl.BlockSpec((O,), lambda i: (0,)),
                  pl.BlockSpec((On, O), lambda i: (0, 0))],
        out_specs=[pl.BlockSpec((_R, On), lambda i: (i, 0)),
                   pl.BlockSpec((1, 2, On), lambda i: (i, 0, 0))],
        out_shape=[jax.ShapeDtypeStruct((_NROW, On), jnp.float32),
                   jax.ShapeDtypeStruct((_NBLK, 2, On), jnp.float32)],
    )(Hpre, P, g, b, Wn)


def _final_call(Hpre, P, g, b, W7):
    O = Hpre.shape[1]

    def body(h_ref, p_ref, g_ref, b_ref, w_ref, o_ref):
        scale, shift = _scale_shift(p_ref, g_ref, b_ref, _CNT1D)
        hv = _lrelu(h_ref[...] * scale[None, :] + shift[None, :])
        o_ref[...] = _lrelu(_dot(hv, w_ref[...]))

    return pl.pallas_call(
        body,
        grid=(_NBLK,),
        in_specs=[pl.BlockSpec((_R, O), lambda i: (i, 0)),
                  pl.BlockSpec((_NBLK, 2, O), lambda i: (0, 0, 0)),
                  pl.BlockSpec((O,), lambda i: (0,)),
                  pl.BlockSpec((O,), lambda i: (0,)),
                  pl.BlockSpec((1, O), lambda i: (0, 0))],
        out_specs=pl.BlockSpec((_R, 1), lambda i: (i, 0)),
        out_shape=jax.ShapeDtypeStruct((_NROW, 1), jnp.float32),
    )(Hpre, P, g, b, W7)



@jax.jit
def kernel(x, idx, W1, W2, W3, W4, W5, W6, W7,
           g1, b1, g2, b2, g3, b3, g4, b4, g5, b5, g6, b6):
    xT = jnp.transpose(x, (0, 2, 1))
    xT = jnp.pad(xT, ((0, 0), (0, _NPAD - _N), (0, 13)))
    T1 = xT.reshape(_NROW, 16)

    W1p = jnp.pad(W1, ((0, 0), (0, 125)))
    W2p = jnp.pad(W2, ((0, 0), (0, 64)))
    W3p = jnp.pad(W3, ((0, 0), (0, 64)))
    W5a = W5[:, 0:64]
    W5b = W5[:, 64:128]
    W5c = W5[:, 128:256]
    W5d = W5[:, 256:512]

    idxp = jnp.pad(idx, ((0, 0), (0, _NPAD - _N), (0, 0)), constant_values=_N)
    idxg = idxp + (jnp.arange(_B, dtype=jnp.int32) * _NPAD)[:, None, None]
    idxkm = jnp.transpose(idxg.reshape(_NROW, _K), (1, 0)).reshape(-1, _CH)

    def edge_layer(T, W, g, b):
        return _tc_conv_call(_sc_gather_rows(T, idxkm), T, W)

    M1, P1 = edge_layer(T1, W1p, g1, b1)
    T2 = _tc_apply_call(M1, P1, g1, b1)
    M2, P2 = edge_layer(T2, W2p, g2, b2)
    T3 = _tc_apply_call(M2, P2, g2, b2)
    M3, P3 = edge_layer(T3, W3p, g3, b3)
    T4 = _tc_apply_call(M3, P3, g3, b3)
    M4, P4 = edge_layer(T4, W4, g4, b4)
    h5pre, P5 = _tc_apply4_call(M4, P4, g4, b4, T2, T3, T4,
                                W5a, W5b, W5c, W5d)
    h6pre, P6 = _apply_mlp_call(h5pre, P5, g5, b5, W6)
    out = _final_call(h6pre, P6, g6, b6, W7)
    return out.reshape(_B, _NPAD, 1)[:, :_N, :]

# --- scband reference (transcript-rebuilt; emitter-appended) ---
"""Pipeline reference for scband-slgcnn-82076825026669 (READ-ONLY COPY).

The authoritative reference and input builder live on the scoring server;
editing this copy changes nothing except your own understanding.
"""

import jax, jax.numpy as jnp
import numpy as np

B, N, K = 2, 10000, 16


def _lrelu(x):
    return jnp.where(x >= 0, x, 0.2 * x)


def _bn2d(x, g, b):
    m = x.mean(axis=(0, 2, 3), keepdims=True)
    v = x.var(axis=(0, 2, 3), keepdims=True)
    return (x - m) / jnp.sqrt(v + 1e-5) * g[None, :, None, None] + b[None, :, None, None]


def _bn1d(x, g, b):
    m = x.mean(axis=(0, 2), keepdims=True)
    v = x.var(axis=(0, 2), keepdims=True)
    return (x - m) / jnp.sqrt(v + 1e-5) * g[None, :, None] + b[None, :, None]


def _graph_feature(x, idx):
    # x: [B, C, N], idx: [B, N, K] -> [B, C, N, K] of (x_j - x_i)
    xt = jnp.transpose(x, (0, 2, 1))  # [B, N, C]
    gathered = jax.vmap(lambda xb, ib: xb[ib])(xt, idx)  # [B, N, K, C]
    feat = gathered - xt[:, :, None, :]
    return jnp.transpose(feat, (0, 3, 1, 2))


def _forward(x, idx, W1, W2, W3, W4, W5, W6, W7, g1, b1, g2, b2, g3, b3, g4, b4, g5, b5, g6, b6):
    h = _graph_feature(x, idx)
    h = _lrelu(_bn2d(jnp.einsum('oc,bcnk->bonk', W1, h), g1, b1))
    x1 = h.max(axis=-1)
    h = _graph_feature(x1, idx)
    h = _lrelu(_bn2d(jnp.einsum('oc,bcnk->bonk', W2, h), g2, b2))
    x2 = h.max(axis=-1)
    h = _graph_feature(x2, idx)
    h = _lrelu(_bn2d(jnp.einsum('oc,bcnk->bonk', W3, h), g3, b3))
    x3 = h.max(axis=-1)
    h = _graph_feature(x3, idx)
    h = _lrelu(_bn2d(jnp.einsum('oc,bcnk->bonk', W4, h), g4, b4))
    x4 = h.max(axis=-1)
    h = jnp.concatenate((x1, x2, x3, x4), axis=1)  # [B, 512, N]
    h = _lrelu(_bn1d(jnp.einsum('oc,bcn->bon', W5, h), g5, b5))
    h = _lrelu(_bn1d(jnp.einsum('oc,bcn->bon', W6, h), g6, b6))
    h = _lrelu(jnp.einsum('oc,bcn->bon', W7, h))
    return jnp.transpose(h, (0, 2, 1))  # [B, N, 1]


def setup_inputs(seed: int = 0) -> dict:
    key = jax.random.key(seed)
    ks = jax.random.split(key, 24)

    def w(k, o, c):
        return (jax.random.normal(k, (o, c), dtype=jnp.float32) / np.sqrt(c)).astype(jnp.float32)

    inp = {
        'x': jax.random.normal(ks[0], (B, 3, N), dtype=jnp.float32),
        'idx': jax.random.randint(ks[1], (B, N, K), 0, N, dtype=jnp.int32),
        'W1': w(ks[2], 64, 3),
        'W2': w(ks[3], 64, 64),
        'W3': w(ks[4], 128, 64),
        'W4': w(ks[5], 256, 128),
        'W5': w(ks[6], 256, 512),
        'W6': w(ks[7], 128, 256),
        'W7': w(ks[8], 1, 128),
    }
    for i, c in zip(range(1, 7), (64, 64, 128, 256, 256, 128)):
        inp['g%d' % i] = jnp.ones((c,), jnp.float32)
        inp['b%d' % i] = jnp.zeros((c,), jnp.float32)
    return inp


def reference(x, idx, W1, W2, W3, W4, W5, W6, W7, g1, b1, g2, b2, g3, b3, g4, b4, g5, b5, g6, b6):
    return _forward(x, idx, W1, W2, W3, W4, W5, W6, W7, g1, b1, g2, b2, g3, b3, g4, b4, g5, b5, g6, b6)

if __name__ == "__main__":
    import jax
    _d = setup_inputs()
    print(jax.jit(kernel)(*tuple(_d.values())))

</pallas_src>

<mosaic_0001>
#map = affine_map<(d0, d1) -> (0, 0)>
#map1 = affine_map<(d0, d1) -> (0, 0, 0)>
module attributes {stable_mosaic.version = 14 : i64} {
  func.func @kbody(%arg0: i32, %arg1: i32, %arg2: memref<20480x16xf32, #tpu.memory_space<hbm>>, %arg3: memref<2560x128xi32, #tpu.memory_space<hbm>>, %arg4: memref<16x20480x128xf32, #tpu.memory_space<hbm>>, %arg5: memref<80x128xi32, #tpu.memory_space<vmem>>, %arg6: memref<128x16xf32, #tpu.memory_space<vmem>>, %arg7: memref<128x16xf32, #tpu.memory_space<vmem>>, %arg8: memref<128x16xf32, #tpu.memory_space<vmem>>, %arg9: memref<128x16xf32, #tpu.memory_space<vmem>>, %arg10: memref<128x16xf32, #tpu.memory_space<vmem>>, %arg11: memref<128x16xf32, #tpu.memory_space<vmem>>, %arg12: memref<128x16xf32, #tpu.memory_space<vmem>>, %arg13: memref<128x16xf32, #tpu.memory_space<vmem>>, %arg14: memref<!tpu.dma_semaphore, #tpu.memory_space<semaphore_mem>>, %arg15: memref<!tpu.dma_semaphore, #tpu.memory_space<semaphore_mem>>, %arg16: memref<!tpu.dma_semaphore, #tpu.memory_space<semaphore_mem>>, %arg17: memref<!tpu.dma_semaphore, #tpu.memory_space<semaphore_mem>>, %arg18: memref<!tpu.dma_semaphore, #tpu.memory_space<semaphore_mem>>, %arg19: memref<!tpu.dma_semaphore, #tpu.memory_space<semaphore_mem>>, %arg20: memref<!tpu.dma_semaphore, #tpu.memory_space<semaphore_mem>>, %arg21: memref<!tpu.dma_semaphore, #tpu.memory_space<semaphore_mem>>, %arg22: memref<!tpu.dma_semaphore, #tpu.memory_space<semaphore_mem>>, %arg23: memref<!tpu.dma_semaphore, #tpu.memory_space<semaphore_mem>>, %arg24: memref<!tpu.dma_semaphore, #tpu.memory_space<semaphore_mem>>, %arg25: memref<!tpu.dma_semaphore, #tpu.memory_space<semaphore_mem>>, %arg26: memref<!tpu.dma_semaphore, #tpu.memory_space<semaphore_mem>>, %arg27: memref<!tpu.dma_semaphore, #tpu.memory_space<semaphore_mem>>, %arg28: memref<!tpu.dma_semaphore, #tpu.memory_space<semaphore_mem>>, %arg29: memref<!tpu.dma_semaphore, #tpu.memory_space<semaphore_mem>>) attributes {dimension_semantics = [#tpu.dimension_semantics<core_parallel>, #tpu.dimension_semantics<subcore_parallel>], iteration_bounds = array<i64: 2, 16>, scalar_prefetch = 0 : i64, scratch_operands = 25 : i64, tpu.core_type = #tpu.core_type<sc_vector_subcore>, window_params = [{transform_indices = #map}, {transform_indices = #map}, {transform_indices = #map1}]} {
    %mul3A = arith.constant 2 : i32
    %mul3A_0 = arith.muli %arg1, %mul3A : i32
    %add3A = arith.addi %mul3A_0, %arg0 : i32
    %jit3A = arith.constant 2 : i32
    %div3A = arith.divsi %add3A, %jit3A : i32
    %sign3A = arith.constant 0 : i32
    %sign3A_1 = arith.cmpi sgt, %add3A, %sign3A : i32
    %sign3A_2 = arith.extui %sign3A_1 : i1 to i32
    %sign3A_3 = arith.constant 0 : i32
    %sign3A_4 = arith.cmpi slt, %add3A, %sign3A_3 : i32
    %sign3A_5 = arith.extui %sign3A_4 : i1 to i32
    %sign3A_6 = arith.subi %sign3A_2, %sign3A_5 : i32
    %sign3A_7 = arith.constant 0 : i32
    %sign3A_8 = arith.cmpi sgt, %jit3A, %sign3A_7 : i32
    %sign3A_9 = arith.extui %sign3A_8 : i1 to i32
    %sign3A_10 = arith.constant 0 : i32
    %sign3A_11 = arith.cmpi slt, %jit3A, %sign3A_10 : i32
    %sign3A_12 = arith.extui %sign3A_11 : i1 to i32
    %sign3A_13 = arith.subi %sign3A_9, %sign3A_12 : i32
    %ne3A = arith.cmpi ne, %sign3A_6, %sign3A_13 : i32
    %rem3A = arith.remsi %add3A, %jit3A : i32
    %ne3A_14 = arith.constant 0 : i32
    %ne3A_15 = arith.cmpi ne, %rem3A, %ne3A_14 : i32
    %and3A = arith.andi %ne3A, %ne3A_15 : i1
    %sub3A = arith.constant 1 : i32
    %sub3A_16 = arith.subi %div3A, %sub3A : i32
    %select_n3A = arith.select %and3A, %sub3A_16, %div3A : i32
    %jit3A_17 = arith.constant 2 : i32
    %eq3A = arith.constant 0 : i32
    %eq3A_18 = arith.cmpi eq, %jit3A_17, %eq3A : i32
    %jit3A_19 = arith.constant 1 : i32
    %select_n3A_20 = arith.select %eq3A_18, %jit3A_19, %jit3A_17 : i32
    %rem3A_21 = arith.remsi %add3A, %select_n3A_20 : i32
    %ne3A_22 = arith.constant 0 : i32
    %ne3A_23 = arith.cmpi ne, %rem3A_21, %ne3A_22 : i32
    %lt3A = arith.constant 0 : i32
    %lt3A_24 = arith.cmpi slt, %rem3A_21, %lt3A : i32
    %lt3A_25 = arith.constant 0 : i32
    %lt3A_26 = arith.cmpi slt, %select_n3A_20, %lt3A_25 : i32
    %ne3A_27 = arith.xori %lt3A_24, %lt3A_26 : i1
    %and3A_28 = arith.andi %ne3A_27, %ne3A_23 : i1
    %add3A_29 = arith.addi %rem3A_21, %select_n3A_20 : i32
    %select_n3A_30 = arith.select %and3A_28, %add3A_29, %rem3A_21 : i32
    %mul3A_31 = arith.constant 10240 : i32
    %mul3A_32 = arith.muli %select_n3A_30, %mul3A_31 : i32
    %mul3A_33 = arith.constant 80 : i32
    %mul3A_34 = arith.muli %add3A, %mul3A_33 : i32
    "tpu.region"() ({
      %run_scoped3A = tpu.sem_alloc : memref<!tpu.dma_semaphore, #tpu.memory_space<semaphore_mem>>
      %dma_start3A_143 = arith.constant 0 : i32
      %dma_start3A_144 = tpu.memref_slice %arg3[%mul3A_34, %dma_start3A_143] : memref<2560x128xi32, #tpu.memory_space<hbm>> -> memref<80x128xi32, #tpu.memory_space<hbm>>
      %dma_start3A_145 = arith.constant 0 : i32
      %dma_start3A_146 = tpu.memref_slice %arg3[%mul3A_34, %dma_start3A_145] : memref<2560x128xi32, #tpu.memory_space<hbm>> -> memref<80x128xi32, #tpu.memory_space<hbm>>
      tpu.enqueue_dma source(%dma_start3A_146 : memref<80x128xi32, #tpu.memory_space<hbm>>) target(%arg5 : memref<80x128xi32, #tpu.memory_space<vmem>>) target_semaphore(%run_scoped3A : memref<!tpu.dma_semaphore, #tpu.memory_space<semaphore_mem>>)
      %dma_wait3A_147 = arith.constant 0 : i32
      %dma_wait3A_148 = tpu.memref_slice %arg3[%mul3A_34, %dma_wait3A_147] : memref<2560x128xi32, #tpu.memory_space<hbm>> -> memref<80x128xi32, #tpu.memory_space<hbm>>
      %dma_wait3A_149 = arith.constant 0 : i32
      %dma_wait3A_150 = tpu.memref_slice %arg3[%mul3A_34, %dma_wait3A_149] : memref<2560x128xi32, #tpu.memory_space<hbm>> -> memref<80x128xi32, #tpu.memory_space<hbm>>
      tpu.wait_dma2 semaphore(%run_scoped3A : memref<!tpu.dma_semaphore, #tpu.memory_space<semaphore_mem>>) src(%dma_wait3A_150 : memref<80x128xi32, #tpu.memory_space<hbm>>) dst(%arg5 : memref<80x128xi32, #tpu.memory_space<vmem>>)
      tpu.yield
    }) : () -> ()
    %dma_start3A = arith.constant 0 : i32
    %dma_start3A_35 = arith.constant 0 : i32
    %dma_start3A_36 = tpu.memref_slice %arg5[%dma_start3A, %dma_start3A_35] : memref<80x128xi32, #tpu.memory_space<vmem>> -> memref<1x128xi32, #tpu.memory_space<vmem>>
    %dma_start3A_37 = tpu.memref_squeeze %dma_start3A_36 : memref<1x128xi32, #tpu.memory_space<vmem>> -> memref<128xi32, #tpu.memory_space<vmem>>
    %dma_start3A_38 = arith.constant 0 : i32
    %dma_start3A_39 = arith.constant 0 : i32
    %dma_start3A_40 = tpu.memref_slice %arg2[%dma_start3A_38, %dma_start3A_39] : memref<20480x16xf32, #tpu.memory_space<hbm>> -> memref<20480x16xf32, #tpu.memory_space<hbm>>
    tpu.enqueue_indirect_dma source(%dma_start3A_40 : memref<20480x16xf32, #tpu.memory_space<hbm>>) target(%arg6 : memref<128x16xf32, #tpu.memory_space<vmem>>) offsets(%dma_start3A_37 : memref<128xi32, #tpu.memory_space<vmem>>) semaphore(%arg14 : memref<!tpu.dma_semaphore, #tpu.memory_space<semaphore_mem>>)
    %dma_start3A_41 = arith.constant 1 : i32
    %dma_start3A_42 = arith.constant 0 : i32
    %dma_start3A_43 = tpu.memref_slice %arg5[%dma_start3A_41, %dma_start3A_42] : memref<80x128xi32, #tpu.memory_space<vmem>> -> memref<1x128xi32, #tpu.memory_space<vmem>>
    %dma_start3A_44 = tpu.memref_squeeze %dma_start3A_43 : memref<1x128xi32, #tpu.memory_space<vmem>> -> memref<128xi32, #tpu.memory_space<vmem>>
    %dma_start3A_45 = arith.constant 0 : i32
    %dma_start3A_46 = arith.constant 0 : i32
    %dma_start3A_47 = tpu.memref_slice %arg2[%dma_start3A_45, %dma_start3A_46] : memref<20480x16xf32, #tpu.memory_space<hbm>> -> memref<20480x16xf32, #tpu.memory_space<hbm>>
    tpu.enqueue_indirect_dma source(%dma_start3A_47 : memref<20480x16xf32, #tpu.memory_space<hbm>>) target(%arg7 : memref<128x16xf32, #tpu.memory_space<vmem>>) offsets(%dma_start3A_44 : memref<128xi32, #tpu.memory_space<vmem>>) semaphore(%arg15 : memref<!tpu.dma_semaphore, #tpu.memory_space<semaphore_mem>>)
    %dma_start3A_48 = arith.constant 2 : i32
    %dma_start3A_49 = arith.constant 0 : i32
    %dma_start3A_50 = tpu.memref_slice %arg5[%dma_start3A_48, %dma_start3A_49] : memref<80x128xi32, #tpu.memory_space<vmem>> -> memref<1x128xi32, #tpu.memory_space<vmem>>
    %dma_start3A_51 = tpu.memref_squeeze %dma_start3A_50 : memref<1x128xi32, #tpu.memory_space<vmem>> -> memref<128xi32, #tpu.memory_space<vmem>>
    %dma_start3A_52 = arith.constant 0 : i32
    %dma_start3A_53 = arith.constant 0 : i32
    %dma_start3A_54 = tpu.memref_slice %arg2[%dma_start3A_52, %dma_start3A_53] : memref<20480x16xf32, #tpu.memory_space<hbm>> -> memref<20480x16xf32, #tpu.memory_space<hbm>>
    tpu.enqueue_indirect_dma source(%dma_start3A_54 : memref<20480x16xf32, #tpu.memory_space<hbm>>) target(%arg8 : memref<128x16xf32, #tpu.memory_space<vmem>>) offsets(%dma_start3A_51 : memref<128xi32, #tpu.memory_space<vmem>>) semaphore(%arg16 : memref<!tpu.dma_semaphore, #tpu.memory_space<semaphore_mem>>)
    %dma_start3A_55 = arith.constant 3 : i32
    %dma_start3A_56 = arith.constant 0 : i32
    %dma_start3A_57 = tpu.memref_slice %arg5[%dma_start3A_55, %dma_start3A_56] : memref<80x128xi32, #tpu.memory_space<vmem>> -> memref<1x128xi32, #tpu.memory_space<vmem>>
    %dma_start3A_58 = tpu.memref_squeeze %dma_start3A_57 : memref<1x128xi32, #tpu.memory_space<vmem>> -> memref<128xi32, #tpu.memory_space<vmem>>
    %dma_start3A_59 = arith.constant 0 : i32
    %dma_start3A_60 = arith.constant 0 : i32
    %dma_start3A_61 = tpu.memref_slice %arg2[%dma_start3A_59, %dma_start3A_60] : memref<20480x16xf32, #tpu.memory_space<hbm>> -> memref<20480x16xf32, #tpu.memory_space<hbm>>
    tpu.enqueue_indirect_dma source(%dma_start3A_61 : memref<20480x16xf32, #tpu.memory_space<hbm>>) target(%arg9 : memref<128x16xf32, #tpu.memory_space<vmem>>) offsets(%dma_start3A_58 : memref<128xi32, #tpu.memory_space<vmem>>) semaphore(%arg17 : memref<!tpu.dma_semaphore, #tpu.memory_space<semaphore_mem>>)
    %dma_start3A_62 = arith.constant 4 : i32
    %dma_start3A_63 = arith.constant 0 : i32
    %dma_start3A_64 = tpu.memref_slice %arg5[%dma_start3A_62, %dma_start3A_63] : memref<80x128xi32, #tpu.memory_space<vmem>> -> memref<1x128xi32, #tpu.memory_space<vmem>>
    %dma_start3A_65 = tpu.memref_squeeze %dma_start3A_64 : memref<1x128xi32, #tpu.memory_space<vmem>> -> memref<128xi32, #tpu.memory_space<vmem>>
    %dma_start3A_66 = arith.constant 0 : i32
    %dma_start3A_67 = arith.constant 0 : i32
    %dma_start3A_68 = tpu.memref_slice %arg2[%dma_start3A_66, %dma_start3A_67] : memref<20480x16xf32, #tpu.memory_space<hbm>> -> memref<20480x16xf32, #tpu.memory_space<hbm>>
    tpu.enqueue_indirect_dma source(%dma_start3A_68 : memref<20480x16xf32, #tpu.memory_space<hbm>>) target(%arg10 : memref<128x16xf32, #tpu.memory_space<vmem>>) offsets(%dma_start3A_65 : memref<128xi32, #tpu.memory_space<vmem>>) semaphore(%arg18 : memref<!tpu.dma_semaphore, #tpu.memory_space<semaphore_mem>>)
    %dma_start3A_69 = arith.constant 5 : i32
    %dma_start3A_70 = arith.constant 0 : i32
    %dma_start3A_71 = tpu.memref_slice %arg5[%dma_start3A_69, %dma_start3A_70] : memref<80x128xi32, #tpu.memory_space<vmem>> -> memref<1x128xi32, #tpu.memory_space<vmem>>
    %dma_start3A_72 = tpu.memref_squeeze %dma_start3A_71 : memref<1x128xi32, #tpu.memory_space<vmem>> -> memref<128xi32, #tpu.memory_space<vmem>>
    %dma_start3A_73 = arith.constant 0 : i32
    %dma_start3A_74 = arith.constant 0 : i32
    %dma_start3A_75 = tpu.memref_slice %arg2[%dma_start3A_73, %dma_start3A_74] : memref<20480x16xf32, #tpu.memory_space<hbm>> -> memref<20480x16xf32, #tpu.memory_space<hbm>>
    tpu.enqueue_indirect_dma source(%dma_start3A_75 : memref<20480x16xf32, #tpu.memory_space<hbm>>) target(%arg11 : memref<128x16xf32, #tpu.memory_space<vmem>>) offsets(%dma_start3A_72 : memref<128xi32, #tpu.memory_space<vmem>>) semaphore(%arg19 : memref<!tpu.dma_semaphore, #tpu.memory_space<semaphore_mem>>)
    %scan3A = arith.constant 0 : i32
    %scan3A_76 = arith.constant 10 : i32
    %scan3A_77 = arith.addi %scan3A, %scan3A_76 : i32
    %scan3A_78 = arith.constant 1 : i32
    scf.for %scan3A_143 = %scan3A to %scan3A_77 step %scan3A_78  : i32 {
      %mul3A_144 = arith.constant 8 : i32
      %mul3A_145 = arith.muli %scan3A_143, %mul3A_144 : i32
      %add3A_146 = arith.constant 0 : i32
      %add3A_147 = arith.addi %add3A_146, %mul3A_145 : i32
      %add3A_148 = arith.constant 0 : i32
      %add3A_149 = arith.addi %add3A_147, %add3A_148 : i32
      %dma_wait3A_150 = arith.constant 0 : i32
      %dma_wait3A_151 = tpu.memref_slice %arg5[%add3A_149, %dma_wait3A_150] : memref<80x128xi32, #tpu.memory_space<vmem>> -> memref<1x128xi32, #tpu.memory_space<vmem>>
      %dma_wait3A_152 = tpu.memref_squeeze %dma_wait3A_151 : memref<1x128xi32, #tpu.memory_space<vmem>> -> memref<128xi32, #tpu.memory_space<vmem>>
      %dma_wait3A_153 = arith.constant 0 : i32
      %dma_wait3A_154 = arith.constant 0 : i32
      %dma_wait3A_155 = tpu.memref_slice %arg2[%dma_wait3A_153, %dma_wait3A_154] : memref<20480x16xf32, #tpu.memory_space<hbm>> -> memref<20480x16xf32, #tpu.memory_space<hbm>>
      tpu.wait_indirect_dma semaphore(%arg14 : memref<!tpu.dma_semaphore, #tpu.memory_space<semaphore_mem>>) src(%dma_wait3A_155 : memref<20480x16xf32, #tpu.memory_space<hbm>>) dst(%arg6 : memref<128x16xf32, #tpu.memory_space<vmem>>)
      %mul3A_156 = arith.constant 128 : i32
      %mul3A_157 = arith.muli %add3A_149, %mul3A_156 : i32
      %add3A_158 = arith.addi %mul3A_32, %mul3A_157 : i32
      %dma_start3A_159 = arith.constant 0 : i32
      %dma_start3A_160 = tpu.memref_slice %arg4[%select_n3A, %add3A_158, %dma_start3A_159] : memref<16x20480x128xf32, #tpu.memory_space<hbm>> -> memref<1x128x16xf32, #tpu.memory_space<hbm>>
      %dma_start3A_161 = tpu.memref_squeeze %dma_start3A_160 : memref<1x128x16xf32, #tpu.memory_space<hbm>> -> memref<128x16xf32, #tpu.memory_space<hbm>>
      %dma_start3A_162 = arith.constant 0 : i32
      %dma_start3A_163 = tpu.memref_slice %arg4[%select_n3A, %add3A_158, %dma_start3A_162] : memref<16x20480x128xf32, #tpu.memory_space<hbm>> -> memref<1x128x16xf32, #tpu.memory_space<hbm>>
      %dma_start3A_164 = tpu.memref_squeeze %dma_start3A_163 : memref<1x128x16xf32, #tpu.memory_space<hbm>> -> memref<128x16xf32, #tpu.memory_space<hbm>>
      tpu.enqueue_dma source(%arg6 : memref<128x16xf32, #tpu.memory_space<vmem>>) target(%dma_start3A_164 : memref<128x16xf32, #tpu.memory_space<hbm>>) target_semaphore(%arg22 : memref<!tpu.dma_semaphore, #tpu.memory_space<semaphore_mem>>)
      %add3A_165 = arith.constant 8 : i32
      %add3A_166 = arith.addi %add3A_149, %add3A_165 : i32
      %sub3A_167 = arith.constant 2 : i32
      %sub3A_168 = arith.subi %add3A_166, %sub3A_167 : i32
      %lt3A_169 = arith.constant 80 : i32
      %lt3A_170 = arith.cmpi slt, %sub3A_168, %lt3A_169 : i32
      %convert_element_type3A = arith.extui %lt3A_170 : i1 to i32
      %cond3A = arith.constant 0 : i32
      %cond3A_171 = arith.cmpi ne, %convert_element_type3A, %cond3A : i32
      scf.if %cond3A_171 {
        %ge3A = arith.constant 2 : i32
        %ge3A_354 = arith.cmpi sge, %add3A_149, %ge3A : i32
        %convert_element_type3A_355 = arith.extui %ge3A_354 : i1 to i32
        %cond3A_356 = arith.constant 0 : i32
        %cond3A_357 = arith.cmpi ne, %convert_element_type3A_355, %cond3A_356 : i32
        scf.if %cond3A_357 {
          %mul3A_368 = arith.constant 128 : i32
          %mul3A_369 = arith.muli %add3A_149, %mul3A_368 : i32
          %add3A_370 = arith.addi %mul3A_32, %mul3A_369 : i32
          %dma_wait3A_371 = arith.constant 0 : i32
          %dma_wait3A_372 = tpu.memref_slice %arg4[%select_n3A, %add3A_370, %dma_wait3A_371] : memref<16x20480x128xf32, #tpu.memory_space<hbm>> -> memref<1x128x16xf32, #tpu.memory_space<hbm>>
          %dma_wait3A_373 = tpu.memref_squeeze %dma_wait3A_372 : memref<1x128x16xf32, #tpu.memory_space<hbm>> -> memref<128x16xf32, #tpu.memory_space<hbm>>
          %dma_wait3A_374 = arith.constant 0 : i32
          %dma_wait3A_375 = tpu.memref_slice %arg4[%select_n3A, %add3A_370, %dma_wait3A_374] : memref<16x20480x128xf32, #tpu.memory_space<hbm>> -> memref<1x128x16xf32, #tpu.memory_space<hbm>>
          %dma_wait3A_376 = tpu.memref_squeeze %dma_wait3A_375 : memref<1x128x16xf32, #tpu.memory_space<hbm>> -> memref<128x16xf32, #tpu.memory_space<hbm>>
          tpu.wait_dma2 semaphore(%arg28 : memref<!tpu.dma_semaphore, #tpu.memory_space<semaphore_mem>>) src(%arg12 : memref<128x16xf32, #tpu.memory_space<vmem>>) dst(%dma_wait3A_376 : memref<128x16xf32, #tpu.memory_space<hbm>>)
        } else {
        }
        %add3A_358 = arith.constant 8 : i32
        %add3A_359 = arith.addi %add3A_149, %add3A_358 : i32
        %sub3A_360 = arith.constant 2 : i32
        %sub3A_361 = arith.subi %add3A_359, %sub3A_360 : i32
        %dma_start3A_362 = arith.constant 0 : i32
        %dma_start3A_363 = tpu.memref_slice %arg5[%sub3A_361, %dma_start3A_362] : memref<80x128xi32, #tpu.memory_space<vmem>> -> memref<1x128xi32, #tpu.memory_space<vmem>>
        %dma_start3A_364 = tpu.memref_squeeze %dma_start3A_363 : memref<1x128xi32, #tpu.memory_space<vmem>> -> memref<128xi32, #tpu.memory_space<vmem>>
        %dma_start3A_365 = arith.constant 0 : i32
        %dma_start3A_366 = arith.constant 0 : i32
        %dma_start3A_367 = tpu.memref_slice %arg2[%dma_start3A_365, %dma_start3A_366] : memref<20480x16xf32, #tpu.memory_space<hbm>> -> memref<20480x16xf32, #tpu.memory_space<hbm>>
        tpu.enqueue_indirect_dma source(%dma_start3A_367 : memref<20480x16xf32, #tpu.memory_space<hbm>>) target(%arg12 : memref<128x16xf32, #tpu.memory_space<vmem>>) offsets(%dma_start3A_364 : memref<128xi32, #tpu.memory_space<vmem>>) semaphore(%arg20 : memref<!tpu.dma_semaphore, #tpu.memory_space<semaphore_mem>>)
      } else {
      }
      %add3A_172 = arith.constant 1 : i32
      %add3A_173 = arith.addi %add3A_147, %add3A_172 : i32
      %dma_wait3A_174 = arith.constant 0 : i32
      %dma_wait3A_175 = tpu.memref_slice %arg5[%add3A_173, %dma_wait3A_174] : memref<80x128xi32, #tpu.memory_space<vmem>> -> memref<1x128xi32, #tpu.memory_space<vmem>>
      %dma_wait3A_176 = tpu.memref_squeeze %dma_wait3A_175 : memref<1x128xi32, #tpu.memory_space<vmem>> -> memref<128xi32, #tpu.memory_space<vmem>>
      %dma_wait3A_177 = arith.constant 0 : i32
      %dma_wait3A_178 = arith.constant 0 : i32
      %dma_wait3A_179 = tpu.memref_slice %arg2[%dma_wait3A_177, %dma_wait3A_178] : memref<20480x16xf32, #tpu.memory_space<hbm>> -> memref<20480x16xf32, #tpu.memory_space<hbm>>
      tpu.wait_indirect_dma semaphore(%arg15 : memref<!tpu.dma_semaphore, #tpu.memory_space<semaphore_mem>>) src(%dma_wait3A_179 : memref<20480x16xf32, #tpu.memory_space<hbm>>) dst(%arg7 : memref<128x16xf32, #tpu.memory_space<vmem>>)
      %mul3A_180 = arith.constant 128 : i32
      %mul3A_181 = arith.muli %add3A_173, %mul3A_180 : i32
      %add3A_182 = arith.addi %mul3A_32, %mul3A_181 : i32
      %dma_start3A_183 = arith.constant 0 : i32
      %dma_start3A_184 = tpu.memref_slice %arg4[%select_n3A, %add3A_182, %dma_start3A_183] : memref<16x20480x128xf32, #tpu.memory_space<hbm>> -> memref<1x128x16xf32, #tpu.memory_space<hbm>>
      %dma_start3A_185 = tpu.memref_squeeze %dma_start3A_184 : memref<1x128x16xf32, #tpu.memory_space<hbm>> -> memref<128x16xf32, #tpu.memory_space<hbm>>
      %dma_start3A_186 = arith.constant 0 : i32
      %dma_start3A_187 = tpu.memref_slice %arg4[%select_n3A, %add3A_182, %dma_start3A_186] : memref<16x20480x128xf32, #tpu.memory_space<hbm>> -> memref<1x128x16xf32, #tpu.memory_space<hbm>>
      %dma_start3A_188 = tpu.memref_squeeze %dma_start3A_187 : memref<1x128x16xf32, #tpu.memory_space<hbm>> -> memref<128x16xf32, #tpu.memory_space<hbm>>
      tpu.enqueue_dma source(%arg7 : memref<128x16xf32, #tpu.memory_space<vmem>>) target(%dma_start3A_188 : memref<128x16xf32, #tpu.memory_space<hbm>>) target_semaphore(%arg23 : memref<!tpu.dma_semaphore, #tpu.memory_space<semaphore_mem>>)
      %add3A_189 = arith.constant 8 : i32
      %add3A_190 = arith.addi %add3A_173, %add3A_189 : i32
      %sub3A_191 = arith.constant 2 : i32
      %sub3A_192 = arith.subi %add3A_190, %sub3A_191 : i32
      %lt3A_193 = arith.constant 80 : i32
      %lt3A_194 = arith.cmpi slt, %sub3A_192, %lt3A_193 : i32
      %convert_element_type3A_195 = arith.extui %lt3A_194 : i1 to i32
      %cond3A_196 = arith.constant 0 : i32
      %cond3A_197 = arith.cmpi ne, %convert_element_type3A_195, %cond3A_196 : i32
      scf.if %cond3A_197 {
        %ge3A = arith.constant 2 : i32
        %ge3A_354 = arith.cmpi sge, %add3A_173, %ge3A : i32
        %convert_element_type3A_355 = arith.extui %ge3A_354 : i1 to i32
        %cond3A_356 = arith.constant 0 : i32
        %cond3A_357 = arith.cmpi ne, %convert_element_type3A_355, %cond3A_356 : i32
        scf.if %cond3A_357 {
          %mul3A_368 = arith.constant 128 : i32
          %mul3A_369 = arith.muli %add3A_173, %mul3A_368 : i32
          %add3A_370 = arith.addi %mul3A_32, %mul3A_369 : i32
          %dma_wait3A_371 = arith.constant 0 : i32
          %dma_wait3A_372 = tpu.memref_slice %arg4[%select_n3A, %add3A_370, %dma_wait3A_371] : memref<16x20480x128xf32, #tpu.memory_space<hbm>> -> memref<1x128x16xf32, #tpu.memory_space<hbm>>
          %dma_wait3A_373 = tpu.memref_squeeze %dma_wait3A_372 : memref<1x128x16xf32, #tpu.memory_space<hbm>> -> memref<128x16xf32, #tpu.memory_space<hbm>>
          %dma_wait3A_374 = arith.constant 0 : i32
          %dma_wait3A_375 = tpu.memref_slice %arg4[%select_n3A, %add3A_370, %dma_wait3A_374] : memref<16x20480x128xf32, #tpu.memory_space<hbm>> -> memref<1x128x16xf32, #tpu.memory_space<hbm>>
          %dma_wait3A_376 = tpu.memref_squeeze %dma_wait3A_375 : memref<1x128x16xf32, #tpu.memory_space<hbm>> -> memref<128x16xf32, #tpu.memory_space<hbm>>
          tpu.wait_dma2 semaphore(%arg29 : memref<!tpu.dma_semaphore, #tpu.memory_space<semaphore_mem>>) src(%arg13 : memref<128x16xf32, #tpu.memory_space<vmem>>) dst(%dma_wait3A_376 : memref<128x16xf32, #tpu.memory_space<hbm>>)
        } else {
        }
        %add3A_358 = arith.constant 8 : i32
        %add3A_359 = arith.addi %add3A_173, %add3A_358 : i32
        %sub3A_360 = arith.constant 2 : i32
        %sub3A_361 = arith.subi %add3A_359, %sub3A_360 : i32
        %dma_start3A_362 = arith.constant 0 : i32
        %dma_start3A_363 = tpu.memref_slice %arg5[%sub3A_361, %dma_start3A_362] : memref<80x128xi32, #tpu.memory_space<vmem>> -> memref<1x128xi32, #tpu.memory_space<vmem>>
        %dma_start3A_364 = tpu.memref_squeeze %dma_start3A_363 : memref<1x128xi32, #tpu.memory_space<vmem>> -> memref<128xi32, #tpu.memory_space<vmem>>
        %dma_start3A_365 = arith.constant 0 : i32
        %dma_start3A_366 = arith.constant 0 : i32
        %dma_start3A_367 = tpu.memref_slice %arg2[%dma_start3A_365, %dma_start3A_366] : memref<20480x16xf32, #tpu.memory_space<hbm>> -> memref<20480x16xf32, #tpu.memory_space<hbm>>
        tpu.enqueue_indirect_dma source(%dma_start3A_367 : memref<20480x16xf32, #tpu.memory_space<hbm>>) target(%arg13 : memref<128x16xf32, #tpu.memory_space<vmem>>) offsets(%dma_start3A_364 : memref<128xi32, #tpu.memory_space<vmem>>) semaphore(%arg21 : memref<!tpu.dma_semaphore, #tpu.memory_space<semaphore_mem>>)
      } else {
      }
      %add3A_198 = arith.constant 2 : i32
      %add3A_199 = arith.addi %add3A_147, %add3A_198 : i32
      %dma_wait3A_200 = arith.constant 0 : i32
      %dma_wait3A_201 = tpu.memref_slice %arg5[%add3A_199, %dma_wait3A_200] : memref<80x128xi32, #tpu.memory_space<vmem>> -> memref<1x128xi32, #tpu.memory_space<vmem>>
      %dma_wait3A_202 = tpu.memref_squeeze %dma_wait3A_201 : memref<1x128xi32, #tpu.memory_space<vmem>> -> memref<128xi32, #tpu.memory_space<vmem>>
      %dma_wait3A_203 = arith.constant 0 : i32
      %dma_wait3A_204 = arith.constant 0 : i32
      %dma_wait3A_205 = tpu.memref_slice %arg2[%dma_wait3A_203, %dma_wait3A_204] : memref<20480x16xf32, #tpu.memory_space<hbm>> -> memref<20480x16xf32, #tpu.memory_space<hbm>>
      tpu.wait_indirect_dma semaphore(%arg16 : memref<!tpu.dma_semaphore, #tpu.memory_space<semaphore_mem>>) src(%dma_wait3A_205 : memref<20480x16xf32, #tpu.memory_space<hbm>>) dst(%arg8 : memref<128x16xf32, #tpu.memory_space<vmem>>)
      %mul3A_206 = arith.constant 128 : i32
      %mul3A_207 = arith.muli %add3A_199, %mul3A_206 : i32
      %add3A_208 = arith.addi %mul3A_32, %mul3A_207 : i32
      %dma_start3A_209 = arith.constant 0 : i32
      %dma_start3A_210 = tpu.memref_slice %arg4[%select_n3A, %add3A_208, %dma_start3A_209] : memref<16x20480x128xf32, #tpu.memory_space<hbm>> -> memref<1x128x16xf32, #tpu.memory_space<hbm>>
      %dma_start3A_211 = tpu.memref_squeeze %dma_start3A_210 : memref<1x128x16xf32, #tpu.memory_space<hbm>> -> memref<128x16xf32, #tpu.memory_space<hbm>>
      %dma_start3A_212 = arith.constant 0 : i32
      %dma_start3A_213 = tpu.memref_slice %arg4[%select_n3A, %add3A_208, %dma_start3A_212] : memref<16x20480x128xf32, #tpu.memory_space<hbm>> -> memref<1x128x16xf32, #tpu.memory_space<hbm>>
      %dma_start3A_214 = tpu.memref_squeeze %dma_start3A_213 : memref<1x128x16xf32, #tpu.memory_space<hbm>> -> memref<128x16xf32, #tpu.memory_space<hbm>>
      tpu.enqueue_dma source(%arg8 : memref<128x16xf32, #tpu.memory_space<vmem>>) target(%dma_start3A_214 : memref<128x16xf32, #tpu.memory_space<hbm>>) target_semaphore(%arg24 : memref<!tpu.dma_semaphore, #tpu.memory_space<semaphore_mem>>)
      %add3A_215 = arith.constant 8 : i32
      %add3A_216 = arith.addi %add3A_199, %add3A_215 : i32
      %sub3A_217 = arith.constant 2 : i32
      %sub3A_218 = arith.subi %add3A_216, %sub3A_217 : i32
      %lt3A_219 = arith.constant 80 : i32
      %lt3A_220 = arith.cmpi slt, %sub3A_218, %lt3A_219 : i32
      %convert_element_type3A_221 = arith.extui %lt3A_220 : i1 to i32
      %cond3A_222 = arith.constant 0 : i32
      %cond3A_223 = arith.cmpi ne, %convert_element_type3A_221, %cond3A_222 : i32
      scf.if %cond3A_223 {
        %ge3A = arith.constant 2 : i32
        %ge3A_354 = arith.cmpi sge, %add3A_199, %ge3A : i32
        %convert_element_type3A_355 = arith.extui %ge3A_354 : i1 to i32
        %cond3A_356 = arith.constant 0 : i32
        %cond3A_357 = arith.cmpi ne, %convert_element_type3A_355, %cond3A_356 : i32
        scf.if %cond3A_357 {
          %mul3A_368 = arith.constant 128 : i32
          %mul3A_369 = arith.muli %add3A_199, %mul3A_368 : i32
          %add3A_370 = arith.addi %mul3A_32, %mul3A_369 : i32
          %dma_wait3A_371 = arith.constant 0 : i32
          %dma_wait3A_372 = tpu.memref_slice %arg4[%select_n3A, %add3A_370, %dma_wait3A_371] : memref<16x20480x128xf32, #tpu.memory_space<hbm>> -> memref<1x128x16xf32, #tpu.memory_space<hbm>>
          %dma_wait3A_373 = tpu.memref_squeeze %dma_wait3A_372 : memref<1x128x16xf32, #tpu.memory_space<hbm>> -> memref<128x16xf32, #tpu.memory_space<hbm>>
          %dma_wait3A_374 = arith.constant 0 : i32
          %dma_wait3A_375 = tpu.memref_slice %arg4[%select_n3A, %add3A_370, %dma_wait3A_374] : memref<16x20480x128xf32, #tpu.memory_space<hbm>> -> memref<1x128x16xf32, #tpu.memory_space<hbm>>
          %dma_wait3A_376 = tpu.memref_squeeze %dma_wait3A_375 : memref<1x128x16xf32, #tpu.memory_space<hbm>> -> memref<128x16xf32, #tpu.memory_space<hbm>>
          tpu.wait_dma2 semaphore(%arg22 : memref<!tpu.dma_semaphore, #tpu.memory_space<semaphore_mem>>) src(%arg6 : memref<128x16xf32, #tpu.memory_space<vmem>>) dst(%dma_wait3A_376 : memref<128x16xf32, #tpu.memory_space<hbm>>)
        } else {
        }
        %add3A_358 = arith.constant 8 : i32
        %add3A_359 = arith.addi %add3A_199, %add3A_358 : i32
        %sub3A_360 = arith.constant 2 : i32
        %sub3A_361 = arith.subi %add3A_359, %sub3A_360 : i32
        %dma_start3A_362 = arith.constant 0 : i32
        %dma_start3A_363 = tpu.memref_slice %arg5[%sub3A_361, %dma_start3A_362] : memref<80x128xi32, #tpu.memory_space<vmem>> -> memref<1x128xi32, #tpu.memory_space<vmem>>
        %dma_start3A_364 = tpu.memref_squeeze %dma_start3A_363 : memref<1x128xi32, #tpu.memory_space<vmem>> -> memref<128xi32, #tpu.memory_space<vmem>>
        %dma_start3A_365 = arith.constant 0 : i32
        %dma_start3A_366 = arith.constant 0 : i32
        %dma_start3A_367 = tpu.memref_slice %arg2[%dma_start3A_365, %dma_start3A_366] : memref<20480x16xf32, #tpu.memory_space<hbm>> -> memref<20480x16xf32, #tpu.memory_space<hbm>>
        tpu.enqueue_indirect_dma source(%dma_start3A_367 : memref<20480x16xf32, #tpu.memory_space<hbm>>) target(%arg6 : memref<128x16xf32, #tpu.memory_space<vmem>>) offsets(%dma_start3A_364 : memref<128xi32, #tpu.memory_space<vmem>>) semaphore(%arg14 : memref<!tpu.dma_semaphore, #tpu.memory_space<semaphore_mem>>)
      } else {
      }
      %add3A_224 = arith.constant 3 : i32
      %add3A_225 = arith.addi %add3A_147, %add3A_224 : i32
      %dma_wait3A_226 = arith.constant 0 : i32
      %dma_wait3A_227 = tpu.memref_slice %arg5[%add3A_225, %dma_wait3A_226] : memref<80x128xi32, #tpu.memory_space<vmem>> -> memref<1x128xi32, #tpu.memory_space<vmem>>
      %dma_wait3A_228 = tpu.memref_squeeze %dma_wait3A_227 : memref<1x128xi32, #tpu.memory_space<vmem>> -> memref<128xi32, #tpu.memory_space<vmem>>
      %dma_wait3A_229 = arith.constant 0 : i32
      %dma_wait3A_230 = arith.constant 0 : i32
      %dma_wait3A_231 = tpu.memref_slice %arg2[%dma_wait3A_229, %dma_wait3A_230] : memref<20480x16xf32, #tpu.memory_space<hbm>> -> memref<20480x16xf32, #tpu.memory_space<hbm>>
      tpu.wait_indirect_dma semaphore(%arg17 : memref<!tpu.dma_semaphore, #tpu.memory_space<semaphore_mem>>) src(%dma_wait3A_231 : memref<20480x16xf32, #tpu.memory_space<hbm>>) dst(%arg9 : memref<128x16xf32, #tpu.memory_space<vmem>>)
      %mul3A_232 = arith.constant 128 : i32
      %mul3A_233 = arith.muli %add3A_225, %mul3A_232 : i32
      %add3A_234 = arith.addi %mul3A_32, %mul3A_233 : i32
      %dma_start3A_235 = arith.constant 0 : i32
      %dma_start3A_236 = tpu.memref_slice %arg4[%select_n3A, %add3A_234, %dma_start3A_235] : memref<16x20480x128xf32, #tpu.memory_space<hbm>> -> memref<1x128x16xf32, #tpu.memory_space<hbm>>
      %dma_start3A_237 = tpu.memref_squeeze %dma_start3A_236 : memref<1x128x16xf32, #tpu.memory_space<hbm>> -> memref<128x16xf32, #tpu.memory_space<hbm>>
      %dma_start3A_238 = arith.constant 0 : i32
      %dma_start3A_239 = tpu.memref_slice %arg4[%select_n3A, %add3A_234, %dma_start3A_238] : memref<16x20480x128xf32, #tpu.memory_space<hbm>> -> memref<1x128x16xf32, #tpu.memory_space<hbm>>
      %dma_start3A_240 = tpu.memref_squeeze %dma_start3A_239 : memref<1x128x16xf32, #tpu.memory_space<hbm>> -> memref<128x16xf32, #tpu.memory_space<hbm>>
      tpu.enqueue_dma source(%arg9 : memref<128x16xf32, #tpu.memory_space<vmem>>) target(%dma_start3A_240 : memref<128x16xf32, #tpu.memory_space<hbm>>) target_semaphore(%arg25 : memref<!tpu.dma_semaphore, #tpu.memory_space<semaphore_mem>>)
      %add3A_241 = arith.constant 8 : i32
      %add3A_242 = arith.addi %add3A_225, %add3A_241 : i32
      %sub3A_243 = arith.constant 2 : i32
      %sub3A_244 = arith.subi %add3A_242, %sub3A_243 : i32
      %lt3A_245 = arith.constant 80 : i32
      %lt3A_246 = arith.cmpi slt, %sub3A_244, %lt3A_245 : i32
      %convert_element_type3A_247 = arith.extui %lt3A_246 : i1 to i32
      %cond3A_248 = arith.constant 0 : i32
      %cond3A_249 = arith.cmpi ne, %convert_element_type3A_247, %cond3A_248 : i32
      scf.if %cond3A_249 {
        %ge3A = arith.constant 2 : i32
        %ge3A_354 = arith.cmpi sge, %add3A_225, %ge3A : i32
        %convert_element_type3A_355 = arith.extui %ge3A_354 : i1 to i32
        %cond3A_356 = arith.constant 0 : i32
        %cond3A_357 = arith.cmpi ne, %convert_element_type3A_355, %cond3A_356 : i32
        scf.if %cond3A_357 {
          %mul3A_368 = arith.constant 128 : i32
          %mul3A_369 = arith.muli %add3A_225, %mul3A_368 : i32
          %add3A_370 = arith.addi %mul3A_32, %mul3A_369 : i32
          %dma_wait3A_371 = arith.constant 0 : i32
          %dma_wait3A_372 = tpu.memref_slice %arg4[%select_n3A, %add3A_370, %dma_wait3A_371] : memref<16x20480x128xf32, #tpu.memory_space<hbm>> -> memref<1x128x16xf32, #tpu.memory_space<hbm>>
          %dma_wait3A_373 = tpu.memref_squeeze %dma_wait3A_372 : memref<1x128x16xf32, #tpu.memory_space<hbm>> -> memref<128x16xf32, #tpu.memory_space<hbm>>
          %dma_wait3A_374 = arith.constant 0 : i32
          %dma_wait3A_375 = tpu.memref_slice %arg4[%select_n3A, %add3A_370, %dma_wait3A_374] : memref<16x20480x128xf32, #tpu.memory_space<hbm>> -> memref<1x128x16xf32, #tpu.memory_space<hbm>>
          %dma_wait3A_376 = tpu.memref_squeeze %dma_wait3A_375 : memref<1x128x16xf32, #tpu.memory_space<hbm>> -> memref<128x16xf32, #tpu.memory_space<hbm>>
          tpu.wait_dma2 semaphore(%arg23 : memref<!tpu.dma_semaphore, #tpu.memory_space<semaphore_mem>>) src(%arg7 : memref<128x16xf32, #tpu.memory_space<vmem>>) dst(%dma_wait3A_376 : memref<128x16xf32, #tpu.memory_space<hbm>>)
        } else {
        }
        %add3A_358 = arith.constant 8 : i32
        %add3A_359 = arith.addi %add3A_225, %add3A_358 : i32
        %sub3A_360 = arith.constant 2 : i32
        %sub3A_361 = arith.subi %add3A_359, %sub3A_360 : i32
        %dma_start3A_362 = arith.constant 0 : i32
        %dma_start3A_363 = tpu.memref_slice %arg5[%sub3A_361, %dma_start3A_362] : memref<80x128xi32, #tpu.memory_space<vmem>> -> memref<1x128xi32, #tpu.memory_space<vmem>>
        %dma_start3A_364 = tpu.memref_squeeze %dma_start3A_363 : memref<1x128xi32, #tpu.memory_space<vmem>> -> memref<128xi32, #tpu.memory_space<vmem>>
        %dma_start3A_365 = arith.constant 0 : i32
        %dma_start3A_366 = arith.constant 0 : i32
        %dma_start3A_367 = tpu.memref_slice %arg2[%dma_start3A_365, %dma_start3A_366] : memref<20480x16xf32, #tpu.memory_space<hbm>> -> memref<20480x16xf32, #tpu.memory_space<hbm>>
        tpu.enqueue_indirect_dma source(%dma_start3A_367 : memref<20480x16xf32, #tpu.memory_space<hbm>>) target(%arg7 : memref<128x16xf32, #tpu.memory_space<vmem>>) offsets(%dma_start3A_364 : memref<128xi32, #tpu.memory_space<vmem>>) semaphore(%arg15 : memref<!tpu.dma_semaphore, #tpu.memory_space<semaphore_mem>>)
      } else {
      }
      %add3A_250 = arith.constant 4 : i32
      %add3A_251 = arith.addi %add3A_147, %add3A_250 : i32
      %dma_wait3A_252 = arith.constant 0 : i32
      %dma_wait3A_253 = tpu.memref_slice %arg5[%add3A_251, %dma_wait3A_252] : memref<80x128xi32, #tpu.memory_space<vmem>> -> memref<1x128xi32, #tpu.memory_space<vmem>>
      %dma_wait3A_254 = tpu.memref_squeeze %dma_wait3A_253 : memref<1x128xi32, #tpu.memory_space<vmem>> -> memref<128xi32, #tpu.memory_space<vmem>>
      %dma_wait3A_255 = arith.constant 0 : i32
      %dma_wait3A_256 = arith.constant 0 : i32
      %dma_wait3A_257 = tpu.memref_slice %arg2[%dma_wait3A_255, %dma_wait3A_256] : memref<20480x16xf32, #tpu.memory_space<hbm>> -> memref<20480x16xf32, #tpu.memory_space<hbm>>
      tpu.wait_indirect_dma semaphore(%arg18 : memref<!tpu.dma_semaphore, #tpu.memory_space<semaphore_mem>>) src(%dma_wait3A_257 : memref<20480x16xf32, #tpu.memory_space<hbm>>) dst(%arg10 : memref<128x16xf32, #tpu.memory_space<vmem>>)
      %mul3A_258 = arith.constant 128 : i32
      %mul3A_259 = arith.muli %add3A_251, %mul3A_258 : i32
      %add3A_260 = arith.addi %mul3A_32, %mul3A_259 : i32
      %dma_start3A_261 = arith.constant 0 : i32
      %dma_start3A_262 = tpu.memref_slice %arg4[%select_n3A, %add3A_260, %dma_start3A_261] : memref<16x20480x128xf32, #tpu.memory_space<hbm>> -> memref<1x128x16xf32, #tpu.memory_space<hbm>>
      %dma_start3A_263 = tpu.memref_squeeze %dma_start3A_262 : memref<1x128x16xf32, #tpu.memory_space<hbm>> -> memref<128x16xf32, #tpu.memory_space<hbm>>
      %dma_start3A_264 = arith.constant 0 : i32
      %dma_start3A_265 = tpu.memref_slice %arg4[%select_n3A, %add3A_260, %dma_start3A_264] : memref<16x20480x128xf32, #tpu.memory_space<hbm>> -> memref<1x128x16xf32, #tpu.memory_space<hbm>>
      %dma_start3A_266 = tpu.memref_squeeze %dma_start3A_265 : memref<1x128x16xf32, #tpu.memory_space<hbm>> -> memref<128x16xf32, #tpu.memory_space<hbm>>
      tpu.enqueue_dma source(%arg10 : memref<128x16xf32, #tpu.memory_space<vmem>>) target(%dma_start3A_266 : memref<128x16xf32, #tpu.memory_space<hbm>>) target_semaphore(%arg26 : memref<!tpu.dma_semaphore, #tpu.memory_space<semaphore_mem>>)
      %add3A_267 = arith.constant 8 : i32
      %add3A_268 = arith.addi %add3A_251, %add3A_267 : i32
      %sub3A_269 = arith.constant 2 : i32
      %sub3A_270 = arith.subi %add3A_268, %sub3A_269 : i32
      %lt3A_271 = arith.constant 80 : i32
      %lt3A_272 = arith.cmpi slt, %sub3A_270, %lt3A_271 : i32
      %convert_element_type3A_273 = arith.extui %lt3A_272 : i1 to i32
      %cond3A_274 = arith.constant 0 : i32
      %cond3A_275 = arith.cmpi ne, %convert_element_type3A_273, %cond3A_274 : i32
      scf.if %cond3A_275 {
        %ge3A = arith.constant 2 : i32
        %ge3A_354 = arith.cmpi sge, %add3A_251, %ge3A : i32
        %convert_element_type3A_355 = arith.extui %ge3A_354 : i1 to i32
        %cond3A_356 = arith.constant 0 : i32
        %cond3A_357 = arith.cmpi ne, %convert_element_type3A_355, %cond3A_356 : i32
        scf.if %cond3A_357 {
          %mul3A_368 = arith.constant 128 : i32
          %mul3A_369 = arith.muli %add3A_251, %mul3A_368 : i32
          %add3A_370 = arith.addi %mul3A_32, %mul3A_369 : i32
          %dma_wait3A_371 = arith.constant 0 : i32
          %dma_wait3A_372 = tpu.memref_slice %arg4[%select_n3A, %add3A_370, %dma_wait3A_371] : memref<16x20480x128xf32, #tpu.memory_space<hbm>> -> memref<1x128x16xf32, #tpu.memory_space<hbm>>
          %dma_wait3A_373 = tpu.memref_squeeze %dma_wait3A_372 : memref<1x128x16xf32, #tpu.memory_space<hbm>> -> memref<128x16xf32, #tpu.memory_space<hbm>>
          %dma_wait3A_374 = arith.constant 0 : i32
          %dma_wait3A_375 = tpu.memref_slice %arg4[%select_n3A, %add3A_370, %dma_wait3A_374] : memref<16x20480x128xf32, #tpu.memory_space<hbm>> -> memref<1x128x16xf32, #tpu.memory_space<hbm>>
          %dma_wait3A_376 = tpu.memref_squeeze %dma_wait3A_375 : memref<1x128x16xf32, #tpu.memory_space<hbm>> -> memref<128x16xf32, #tpu.memory_space<hbm>>
          tpu.wait_dma2 semaphore(%arg24 : memref<!tpu.dma_semaphore, #tpu.memory_space<semaphore_mem>>) src(%arg8 : memref<128x16xf32, #tpu.memory_space<vmem>>) dst(%dma_wait3A_376 : memref<128x16xf32, #tpu.memory_space<hbm>>)
        } else {
        }
        %add3A_358 = arith.constant 8 : i32
        %add3A_359 = arith.addi %add3A_251, %add3A_358 : i32
        %sub3A_360 = arith.constant 2 : i32
        %sub3A_361 = arith.subi %add3A_359, %sub3A_360 : i32
        %dma_start3A_362 = arith.constant 0 : i32
        %dma_start3A_363 = tpu.memref_slice %arg5[%sub3A_361, %dma_start3A_362] : memref<80x128xi32, #tpu.memory_space<vmem>> -> memref<1x128xi32, #tpu.memory_space<vmem>>
        %dma_start3A_364 = tpu.memref_squeeze %dma_start3A_363 : memref<1x128xi32, #tpu.memory_space<vmem>> -> memref<128xi32, #tpu.memory_space<vmem>>
        %dma_start3A_365 = arith.constant 0 : i32
        %dma_start3A_366 = arith.constant 0 : i32
        %dma_start3A_367 = tpu.memref_slice %arg2[%dma_start3A_365, %dma_start3A_366] : memref<20480x16xf32, #tpu.memory_space<hbm>> -> memref<20480x16xf32, #tpu.memory_space<hbm>>
        tpu.enqueue_indirect_dma source(%dma_start3A_367 : memref<20480x16xf32, #tpu.memory_space<hbm>>) target(%arg8 : memref<128x16xf32, #tpu.memory_space<vmem>>) offsets(%dma_start3A_364 : memref<128xi32, #tpu.memory_space<vmem>>) semaphore(%arg16 : memref<!tpu.dma_semaphore, #tpu.memory_space<semaphore_mem>>)
      } else {
      }
      %add3A_276 = arith.constant 5 : i32
      %add3A_277 = arith.addi %add3A_147, %add3A_276 : i32
      %dma_wait3A_278 = arith.constant 0 : i32
      %dma_wait3A_279 = tpu.memref_slice %arg5[%add3A_277, %dma_wait3A_278] : memref<80x128xi32, #tpu.memory_space<vmem>> -> memref<1x128xi32, #tpu.memory_space<vmem>>
      %dma_wait3A_280 = tpu.memref_squeeze %dma_wait3A_279 : memref<1x128xi32, #tpu.memory_space<vmem>> -> memref<128xi32, #tpu.memory_space<vmem>>
      %dma_wait3A_281 = arith.constant 0 : i32
      %dma_wait3A_282 = arith.constant 0 : i32
      %dma_wait3A_283 = tpu.memref_slice %arg2[%dma_wait3A_281, %dma_wait3A_282] : memref<20480x16xf32, #tpu.memory_space<hbm>> -> memref<20480x16xf32, #tpu.memory_space<hbm>>
      tpu.wait_indirect_dma semaphore(%arg19 : memref<!tpu.dma_semaphore, #tpu.memory_space<semaphore_mem>>) src(%dma_wait3A_283 : memref<20480x16xf32, #tpu.memory_space<hbm>>) dst(%arg11 : memref<128x16xf32, #tpu.memory_space<vmem>>)
      %mul3A_284 = arith.constant 128 : i32
      %mul3A_285 = arith.muli %add3A_277, %mul3A_284 : i32
      %add3A_286 = arith.addi %mul3A_32, %mul3A_285 : i32
      %dma_start3A_287 = arith.constant 0 : i32
      %dma_start3A_288 = tpu.memref_slice %arg4[%select_n3A, %add3A_286, %dma_start3A_287] : memref<16x20480x128xf32, #tpu.memory_space<hbm>> -> memref<1x128x16xf32, #tpu.memory_space<hbm>>
      %dma_start3A_289 = tpu.memref_squeeze %dma_start3A_288 : memref<1x128x16xf32, #tpu.memory_space<hbm>> -> memref<128x16xf32, #tpu.memory_space<hbm>>
      %dma_start3A_290 = arith.constant 0 : i32
      %dma_start3A_291 = tpu.memref_slice %arg4[%select_n3A, %add3A_286, %dma_start3A_290] : memref<16x20480x128xf32, #tpu.memory_space<hbm>> -> memref<1x128x16xf32, #tpu.memory_space<hbm>>
      %dma_start3A_292 = tpu.memref_squeeze %dma_start3A_291 : memref<1x128x16xf32, #tpu.memory_space<hbm>> -> memref<128x16xf32, #tpu.memory_space<hbm>>
      tpu.enqueue_dma source(%arg11 : memref<128x16xf32, #tpu.memory_space<vmem>>) target(%dma_start3A_292 : memref<128x16xf32, #tpu.memory_space<hbm>>) target_semaphore(%arg27 : memref<!tpu.dma_semaphore, #tpu.memory_space<semaphore_mem>>)
      %add3A_293 = arith.constant 8 : i32
      %add3A_294 = arith.addi %add3A_277, %add3A_293 : i32
      %sub3A_295 = arith.constant 2 : i32
      %sub3A_296 = arith.subi %add3A_294, %sub3A_295 : i32
      %lt3A_297 = arith.constant 80 : i32
      %lt3A_298 = arith.cmpi slt, %sub3A_296, %lt3A_297 : i32
      %convert_element_type3A_299 = arith.extui %lt3A_298 : i1 to i32
      %cond3A_300 = arith.constant 0 : i32
      %cond3A_301 = arith.cmpi ne, %convert_element_type3A_299, %cond3A_300 : i32
      scf.if %cond3A_301 {
        %ge3A = arith.constant 2 : i32
        %ge3A_354 = arith.cmpi sge, %add3A_277, %ge3A : i32
        %convert_element_type3A_355 = arith.extui %ge3A_354 : i1 to i32
        %cond3A_356 = arith.constant 0 : i32
        %cond3A_357 = arith.cmpi ne, %convert_element_type3A_355, %cond3A_356 : i32
        scf.if %cond3A_357 {
          %mul3A_368 = arith.constant 128 : i32
          %mul3A_369 = arith.muli %add3A_277, %mul3A_368 : i32
          %add3A_370 = arith.addi %mul3A_32, %mul3A_369 : i32
          %dma_wait3A_371 = arith.constant 0 : i32
          %dma_wait3A_372 = tpu.memref_slice %arg4[%select_n3A, %add3A_370, %dma_wait3A_371] : memref<16x20480x128xf32, #tpu.memory_space<hbm>> -> memref<1x128x16xf32, #tpu.memory_space<hbm>>
          %dma_wait3A_373 = tpu.memref_squeeze %dma_wait3A_372 : memref<1x128x16xf32, #tpu.memory_space<hbm>> -> memref<128x16xf32, #tpu.memory_space<hbm>>
          %dma_wait3A_374 = arith.constant 0 : i32
          %dma_wait3A_375 = tpu.memref_slice %arg4[%select_n3A, %add3A_370, %dma_wait3A_374] : memref<16x20480x128xf32, #tpu.memory_space<hbm>> -> memref<1x128x16xf32, #tpu.memory_space<hbm>>
          %dma_wait3A_376 = tpu.memref_squeeze %dma_wait3A_375 : memref<1x128x16xf32, #tpu.memory_space<hbm>> -> memref<128x16xf32, #tpu.memory_space<hbm>>
          tpu.wait_dma2 semaphore(%arg25 : memref<!tpu.dma_semaphore, #tpu.memory_space<semaphore_mem>>) src(%arg9 : memref<128x16xf32, #tpu.memory_space<vmem>>) dst(%dma_wait3A_376 : memref<128x16xf32, #tpu.memory_space<hbm>>)
        } else {
        }
        %add3A_358 = arith.constant 8 : i32
        %add3A_359 = arith.addi %add3A_277, %add3A_358 : i32
        %sub3A_360 = arith.constant 2 : i32
        %sub3A_361 = arith.subi %add3A_359, %sub3A_360 : i32
        %dma_start3A_362 = arith.constant 0 : i32
        %dma_start3A_363 = tpu.memref_slice %arg5[%sub3A_361, %dma_start3A_362] : memref<80x128xi32, #tpu.memory_space<vmem>> -> memref<1x128xi32, #tpu.memory_space<vmem>>
        %dma_start3A_364 = tpu.memref_squeeze %dma_start3A_363 : memref<1x128xi32, #tpu.memory_space<vmem>> -> memref<128xi32, #tpu.memory_space<vmem>>
        %dma_start3A_365 = arith.constant 0 : i32
        %dma_start3A_366 = arith.constant 0 : i32
        %dma_start3A_367 = tpu.memref_slice %arg2[%dma_start3A_365, %dma_start3A_366] : memref<20480x16xf32, #tpu.memory_space<hbm>> -> memref<20480x16xf32, #tpu.memory_space<hbm>>
        tpu.enqueue_indirect_dma source(%dma_start3A_367 : memref<20480x16xf32, #tpu.memory_space<hbm>>) target(%arg9 : memref<128x16xf32, #tpu.memory_space<vmem>>) offsets(%dma_start3A_364 : memref<128xi32, #tpu.memory_space<vmem>>) semaphore(%arg17 : memref<!tpu.dma_semaphore, #tpu.memory_space<semaphore_mem>>)
      } else {
      }
      %add3A_302 = arith.constant 6 : i32
      %add3A_303 = arith.addi %add3A_147, %add3A_302 : i32
      %dma_wait3A_304 = arith.constant 0 : i32
      %dma_wait3A_305 = tpu.memref_slice %arg5[%add3A_303, %dma_wait3A_304] : memref<80x128xi32, #tpu.memory_space<vmem>> -> memref<1x128xi32, #tpu.memory_space<vmem>>
      %dma_wait3A_306 = tpu.memref_squeeze %dma_wait3A_305 : memref<1x128xi32, #tpu.memory_space<vmem>> -> memref<128xi32, #tpu.memory_space<vmem>>
      %dma_wait3A_307 = arith.constant 0 : i32
      %dma_wait3A_308 = arith.constant 0 : i32
      %dma_wait3A_309 = tpu.memref_slice %arg2[%dma_wait3A_307, %dma_wait3A_308] : memref<20480x16xf32, #tpu.memory_space<hbm>> -> memref<20480x16xf32, #tpu.memory_space<hbm>>
      tpu.wait_indirect_dma semaphore(%arg20 : memref<!tpu.dma_semaphore, #tpu.memory_space<semaphore_mem>>) src(%dma_wait3A_309 : memref<20480x16xf32, #tpu.memory_space<hbm>>) dst(%arg12 : memref<128x16xf32, #tpu.memory_space<vmem>>)
      %mul3A_310 = arith.constant 128 : i32
      %mul3A_311 = arith.muli %add3A_303, %mul3A_310 : i32
      %add3A_312 = arith.addi %mul3A_32, %mul3A_311 : i32
      %dma_start3A_313 = arith.constant 0 : i32
      %dma_start3A_314 = tpu.memref_slice %arg4[%select_n3A, %add3A_312, %dma_start3A_313] : memref<16x20480x128xf32, #tpu.memory_space<hbm>> -> memref<1x128x16xf32, #tpu.memory_space<hbm>>
      %dma_start3A_315 = tpu.memref_squeeze %dma_start3A_314 : memref<1x128x16xf32, #tpu.memory_space<hbm>> -> memref<128x16xf32, #tpu.memory_space<hbm>>
      %dma_start3A_316 = arith.constant 0 : i32
      %dma_start3A_317 = tpu.memref_slice %arg4[%select_n3A, %add3A_312, %dma_start3A_316] : memref<16x20480x128xf32, #tpu.memory_space<hbm>> -> memref<1x128x16xf32, #tpu.memory_space<hbm>>
      %dma_start3A_318 = tpu.memref_squeeze %dma_start3A_317 : memref<1x128x16xf32, #tpu.memory_space<hbm>> -> memref<128x16xf32, #tpu.memory_space<hbm>>
      tpu.enqueue_dma source(%arg12 : memref<128x16xf32, #tpu.memory_space<vmem>>) target(%dma_start3A_318 : memref<128x16xf32, #tpu.memory_space<hbm>>) target_semaphore(%arg28 : memref<!tpu.dma_semaphore, #tpu.memory_space<semaphore_mem>>)
      %add3A_319 = arith.constant 8 : i32
      %add3A_320 = arith.addi %add3A_303, %add3A_319 : i32
      %sub3A_321 = arith.constant 2 : i32
      %sub3A_322 = arith.subi %add3A_320, %sub3A_321 : i32
      %lt3A_323 = arith.constant 80 : i32
      %lt3A_324 = arith.cmpi slt, %sub3A_322, %lt3A_323 : i32
      %convert_element_type3A_325 = arith.extui %lt3A_324 : i1 to i32
      %cond3A_326 = arith.constant 0 : i32
      %cond3A_327 = arith.cmpi ne, %convert_element_type3A_325, %cond3A_326 : i32
      scf.if %cond3A_327 {
        %ge3A = arith.constant 2 : i32
        %ge3A_354 = arith.cmpi sge, %add3A_303, %ge3A : i32
        %convert_element_type3A_355 = arith.extui %ge3A_354 : i1 to i32
        %cond3A_356 = arith.constant 0 : i32
        %cond3A_357 = arith.cmpi ne, %convert_element_type3A_355, %cond3A_356 : i32
        scf.if %cond3A_357 {
          %mul3A_368 = arith.constant 128 : i32
          %mul3A_369 = arith.muli %add3A_303, %mul3A_368 : i32
          %add3A_370 = arith.addi %mul3A_32, %mul3A_369 : i32
          %dma_wait3A_371 = arith.constant 0 : i32
          %dma_wait3A_372 = tpu.memref_slice %arg4[%select_n3A, %add3A_370, %dma_wait3A_371] : memref<16x20480x128xf32, #tpu.memory_space<hbm>> -> memref<1x128x16xf32, #tpu.memory_space<hbm>>
          %dma_wait3A_373 = tpu.memref_squeeze %dma_wait3A_372 : memref<1x128x16xf32, #tpu.memory_space<hbm>> -> memref<128x16xf32, #tpu.memory_space<hbm>>
          %dma_wait3A_374 = arith.constant 0 : i32
          %dma_wait3A_375 = tpu.memref_slice %arg4[%select_n3A, %add3A_370, %dma_wait3A_374] : memref<16x20480x128xf32, #tpu.memory_space<hbm>> -> memref<1x128x16xf32, #tpu.memory_space<hbm>>
          %dma_wait3A_376 = tpu.memref_squeeze %dma_wait3A_375 : memref<1x128x16xf32, #tpu.memory_space<hbm>> -> memref<128x16xf32, #tpu.memory_space<hbm>>
          tpu.wait_dma2 semaphore(%arg26 : memref<!tpu.dma_semaphore, #tpu.memory_space<semaphore_mem>>) src(%arg10 : memref<128x16xf32, #tpu.memory_space<vmem>>) dst(%dma_wait3A_376 : memref<128x16xf32, #tpu.memory_space<hbm>>)
        } else {
        }
        %add3A_358 = arith.constant 8 : i32
        %add3A_359 = arith.addi %add3A_303, %add3A_358 : i32
        %sub3A_360 = arith.constant 2 : i32
        %sub3A_361 = arith.subi %add3A_359, %sub3A_360 : i32
        %dma_start3A_362 = arith.constant 0 : i32
        %dma_start3A_363 = tpu.memref_slice %arg5[%sub3A_361, %dma_start3A_362] : memref<80x128xi32, #tpu.memory_space<vmem>> -> memref<1x128xi32, #tpu.memory_space<vmem>>
        %dma_start3A_364 = tpu.memref_squeeze %dma_start3A_363 : memref<1x128xi32, #tpu.memory_space<vmem>> -> memref<128xi32, #tpu.memory_space<vmem>>
        %dma_start3A_365 = arith.constant 0 : i32
        %dma_start3A_366 = arith.constant 0 : i32
        %dma_start3A_367 = tpu.memref_slice %arg2[%dma_start3A_365, %dma_start3A_366] : memref<20480x16xf32, #tpu.memory_space<hbm>> -> memref<20480x16xf32, #tpu.memory_space<hbm>>
        tpu.enqueue_indirect_dma source(%dma_start3A_367 : memref<20480x16xf32, #tpu.memory_space<hbm>>) target(%arg10 : memref<128x16xf32, #tpu.memory_space<vmem>>) offsets(%dma_start3A_364 : memref<128xi32, #tpu.memory_space<vmem>>) semaphore(%arg18 : memref<!tpu.dma_semaphore, #tpu.memory_space<semaphore_mem>>)
      } else {
      }
      %add3A_328 = arith.constant 7 : i32
      %add3A_329 = arith.addi %add3A_147, %add3A_328 : i32
      %dma_wait3A_330 = arith.constant 0 : i32
      %dma_wait3A_331 = tpu.memref_slice %arg5[%add3A_329, %dma_wait3A_330] : memref<80x128xi32, #tpu.memory_space<vmem>> -> memref<1x128xi32, #tpu.memory_space<vmem>>
      %dma_wait3A_332 = tpu.memref_squeeze %dma_wait3A_331 : memref<1x128xi32, #tpu.memory_space<vmem>> -> memref<128xi32, #tpu.memory_space<vmem>>
      %dma_wait3A_333 = arith.constant 0 : i32
      %dma_wait3A_334 = arith.constant 0 : i32
      %dma_wait3A_335 = tpu.memref_slice %arg2[%dma_wait3A_333, %dma_wait3A_334] : memref<20480x16xf32, #tpu.memory_space<hbm>> -> memref<20480x16xf32, #tpu.memory_space<hbm>>
      tpu.wait_indirect_dma semaphore(%arg21 : memref<!tpu.dma_semaphore, #tpu.memory_space<semaphore_mem>>) src(%dma_wait3A_335 : memref<20480x16xf32, #tpu.memory_space<hbm>>) dst(%arg13 : memref<128x16xf32, #tpu.memory_space<vmem>>)
      %mul3A_336 = arith.constant 128 : i32
      %mul3A_337 = arith.muli %add3A_329, %mul3A_336 : i32
      %add3A_338 = arith.addi %mul3A_32, %mul3A_337 : i32
      %dma_start3A_339 = arith.constant 0 : i32
      %dma_start3A_340 = tpu.memref_slice %arg4[%select_n3A, %add3A_338, %dma_start3A_339] : memref<16x20480x128xf32, #tpu.memory_space<hbm>> -> memref<1x128x16xf32, #tpu.memory_space<hbm>>
      %dma_start3A_341 = tpu.memref_squeeze %dma_start3A_340 : memref<1x128x16xf32, #tpu.memory_space<hbm>> -> memref<128x16xf32, #tpu.memory_space<hbm>>
      %dma_start3A_342 = arith.constant 0 : i32
      %dma_start3A_343 = tpu.memref_slice %arg4[%select_n3A, %add3A_338, %dma_start3A_342] : memref<16x20480x128xf32, #tpu.memory_space<hbm>> -> memref<1x128x16xf32, #tpu.memory_space<hbm>>
      %dma_start3A_344 = tpu.memref_squeeze %dma_start3A_343 : memref<1x128x16xf32, #tpu.memory_space<hbm>> -> memref<128x16xf32, #tpu.memory_space<hbm>>
      tpu.enqueue_dma source(%arg13 : memref<128x16xf32, #tpu.memory_space<vmem>>) target(%dma_start3A_344 : memref<128x16xf32, #tpu.memory_space<hbm>>) target_semaphore(%arg29 : memref<!tpu.dma_semaphore, #tpu.memory_space<semaphore_mem>>)
      %add3A_345 = arith.constant 8 : i32
      %add3A_346 = arith.addi %add3A_329, %add3A_345 : i32
      %sub3A_347 = arith.constant 2 : i32
      %sub3A_348 = arith.subi %add3A_346, %sub3A_347 : i32
      %lt3A_349 = arith.constant 80 : i32
      %lt3A_350 = arith.cmpi slt, %sub3A_348, %lt3A_349 : i32
      %convert_element_type3A_351 = arith.extui %lt3A_350 : i1 to i32
      %cond3A_352 = arith.constant 0 : i32
      %cond3A_353 = arith.cmpi ne, %convert_element_type3A_351, %cond3A_352 : i32
      scf.if %cond3A_353 {
        %ge3A = arith.constant 2 : i32
        %ge3A_354 = arith.cmpi sge, %add3A_329, %ge3A : i32
        %convert_element_type3A_355 = arith.extui %ge3A_354 : i1 to i32
        %cond3A_356 = arith.constant 0 : i32
        %cond3A_357 = arith.cmpi ne, %convert_element_type3A_355, %cond3A_356 : i32
        scf.if %cond3A_357 {
          %mul3A_368 = arith.constant 128 : i32
          %mul3A_369 = arith.muli %add3A_329, %mul3A_368 : i32
          %add3A_370 = arith.addi %mul3A_32, %mul3A_369 : i32
          %dma_wait3A_371 = arith.constant 0 : i32
          %dma_wait3A_372 = tpu.memref_slice %arg4[%select_n3A, %add3A_370, %dma_wait3A_371] : memref<16x20480x128xf32, #tpu.memory_space<hbm>> -> memref<1x128x16xf32, #tpu.memory_space<hbm>>
          %dma_wait3A_373 = tpu.memref_squeeze %dma_wait3A_372 : memref<1x128x16xf32, #tpu.memory_space<hbm>> -> memref<128x16xf32, #tpu.memory_space<hbm>>
          %dma_wait3A_374 = arith.constant 0 : i32
          %dma_wait3A_375 = tpu.memref_slice %arg4[%select_n3A, %add3A_370, %dma_wait3A_374] : memref<16x20480x128xf32, #tpu.memory_space<hbm>> -> memref<1x128x16xf32, #tpu.memory_space<hbm>>
          %dma_wait3A_376 = tpu.memref_squeeze %dma_wait3A_375 : memref<1x128x16xf32, #tpu.memory_space<hbm>> -> memref<128x16xf32, #tpu.memory_space<hbm>>
          tpu.wait_dma2 semaphore(%arg27 : memref<!tpu.dma_semaphore, #tpu.memory_space<semaphore_mem>>) src(%arg11 : memref<128x16xf32, #tpu.memory_space<vmem>>) dst(%dma_wait3A_376 : memref<128x16xf32, #tpu.memory_space<hbm>>)
        } else {
        }
        %add3A_358 = arith.constant 8 : i32
        %add3A_359 = arith.addi %add3A_329, %add3A_358 : i32
        %sub3A_360 = arith.constant 2 : i32
        %sub3A_361 = arith.subi %add3A_359, %sub3A_360 : i32
        %dma_start3A_362 = arith.constant 0 : i32
        %dma_start3A_363 = tpu.memref_slice %arg5[%sub3A_361, %dma_start3A_362] : memref<80x128xi32, #tpu.memory_space<vmem>> -> memref<1x128xi32, #tpu.memory_space<vmem>>
        %dma_start3A_364 = tpu.memref_squeeze %dma_start3A_363 : memref<1x128xi32, #tpu.memory_space<vmem>> -> memref<128xi32, #tpu.memory_space<vmem>>
        %dma_start3A_365 = arith.constant 0 : i32
        %dma_start3A_366 = arith.constant 0 : i32
        %dma_start3A_367 = tpu.memref_slice %arg2[%dma_start3A_365, %dma_start3A_366] : memref<20480x16xf32, #tpu.memory_space<hbm>> -> memref<20480x16xf32, #tpu.memory_space<hbm>>
        tpu.enqueue_indirect_dma source(%dma_start3A_367 : memref<20480x16xf32, #tpu.memory_space<hbm>>) target(%arg11 : memref<128x16xf32, #tpu.memory_space<vmem>>) offsets(%dma_start3A_364 : memref<128xi32, #tpu.memory_space<vmem>>) semaphore(%arg19 : memref<!tpu.dma_semaphore, #tpu.memory_space<semaphore_mem>>)
      } else {
      }
    }
    %scan3A_79 = arith.constant 10 : i32
    %add3A_80 = arith.constant 0 : i32
    %add3A_81 = arith.addi %mul3A_32, %add3A_80 : i32
    %dma_wait3A = arith.constant 0 : i32
    %dma_wait3A_82 = tpu.memref_slice %arg4[%select_n3A, %add3A_81, %dma_wait3A] : memref<16x20480x128xf32, #tpu.memory_space<hbm>> -> memref<1x128x16xf32, #tpu.memory_space<hbm>>
    %dma_wait3A_83 = tpu.memref_squeeze %dma_wait3A_82 : memref<1x128x16xf32, #tpu.memory_space<hbm>> -> memref<128x16xf32, #tpu.memory_space<hbm>>
    %dma_wait3A_84 = arith.constant 0 : i32
    %dma_wait3A_85 = tpu.memref_slice %arg4[%select_n3A, %add3A_81, %dma_wait3A_84] : memref<16x20480x128xf32, #tpu.memory_space<hbm>> -> memref<1x128x16xf32, #tpu.memory_space<hbm>>
    %dma_wait3A_86 = tpu.memref_squeeze %dma_wait3A_85 : memref<1x128x16xf32, #tpu.memory_space<hbm>> -> memref<128x16xf32, #tpu.memory_space<hbm>>
    tpu.wait_dma2 semaphore(%arg22 : memref<!tpu.dma_semaphore, #tpu.memory_space<semaphore_mem>>) src(%arg6 : memref<128x16xf32, #tpu.memory_space<vmem>>) dst(%dma_wait3A_86 : memref<128x16xf32, #tpu.memory_space<hbm>>)
    %add3A_87 = arith.constant 0 : i32
    %add3A_88 = arith.addi %mul3A_32, %add3A_87 : i32
    %dma_wait3A_89 = arith.constant 0 : i32
    %dma_wait3A_90 = tpu.memref_slice %arg4[%select_n3A, %add3A_88, %dma_wait3A_89] : memref<16x20480x128xf32, #tpu.memory_space<hbm>> -> memref<1x128x16xf32, #tpu.memory_space<hbm>>
    %dma_wait3A_91 = tpu.memref_squeeze %dma_wait3A_90 : memref<1x128x16xf32, #tpu.memory_space<hbm>> -> memref<128x16xf32, #tpu.memory_space<hbm>>
    %dma_wait3A_92 = arith.constant 0 : i32
    %dma_wait3A_93 = tpu.memref_slice %arg4[%select_n3A, %add3A_88, %dma_wait3A_92] : memref<16x20480x128xf32, #tpu.memory_space<hbm>> -> memref<1x128x16xf32, #tpu.memory_space<hbm>>
    %dma_wait3A_94 = tpu.memref_squeeze %dma_wait3A_93 : memref<1x128x16xf32, #tpu.memory_space<hbm>> -> memref<128x16xf32, #tpu.memory_space<hbm>>
    tpu.wait_dma2 semaphore(%arg23 : memref<!tpu.dma_semaphore, #tpu.memory_space<semaphore_mem>>) src(%arg7 : memref<128x16xf32, #tpu.memory_space<vmem>>) dst(%dma_wait3A_94 : memref<128x16xf32, #tpu.memory_space<hbm>>)
    %add3A_95 = arith.constant 0 : i32
    %add3A_96 = arith.addi %mul3A_32, %add3A_95 : i32
    %dma_wait3A_97 = arith.constant 0 : i32
    %dma_wait3A_98 = tpu.memref_slice %arg4[%select_n3A, %add3A_96, %dma_wait3A_97] : memref<16x20480x128xf32, #tpu.memory_space<hbm>> -> memref<1x128x16xf32, #tpu.memory_space<hbm>>
    %dma_wait3A_99 = tpu.memref_squeeze %dma_wait3A_98 : memref<1x128x16xf32, #tpu.memory_space<hbm>> -> memref<128x16xf32, #tpu.memory_space<hbm>>
    %dma_wait3A_100 = arith.constant 0 : i32
    %dma_wait3A_101 = tpu.memref_slice %arg4[%select_n3A, %add3A_96, %dma_wait3A_100] : memref<16x20480x128xf32, #tpu.memory_space<hbm>> -> memref<1x128x16xf32, #tpu.memory_space<hbm>>
    %dma_wait3A_102 = tpu.memref_squeeze %dma_wait3A_101 : memref<1x128x16xf32, #tpu.memory_space<hbm>> -> memref<128x16xf32, #tpu.memory_space<hbm>>
    tpu.wait_dma2 semaphore(%arg24 : memref<!tpu.dma_semaphore, #tpu.memory_space<semaphore_mem>>) src(%arg8 : memref<128x16xf32, #tpu.memory_space<vmem>>) dst(%dma_wait3A_102 : memref<128x16xf32, #tpu.memory_space<hbm>>)
    %add3A_103 = arith.constant 0 : i32
    %add3A_104 = arith.addi %mul3A_32, %add3A_103 : i32
    %dma_wait3A_105 = arith.constant 0 : i32
    %dma_wait3A_106 = tpu.memref_slice %arg4[%select_n3A, %add3A_104, %dma_wait3A_105] : memref<16x20480x128xf32, #tpu.memory_space<hbm>> -> memref<1x128x16xf32, #tpu.memory_space<hbm>>
    %dma_wait3A_107 = tpu.memref_squeeze %dma_wait3A_106 : memref<1x128x16xf32, #tpu.memory_space<hbm>> -> memref<128x16xf32, #tpu.memory_space<hbm>>
    %dma_wait3A_108 = arith.constant 0 : i32
    %dma_wait3A_109 = tpu.memref_slice %arg4[%select_n3A, %add3A_104, %dma_wait3A_108] : memref<16x20480x128xf32, #tpu.memory_space<hbm>> -> memref<1x128x16xf32, #tpu.memory_space<hbm>>
    %dma_wait3A_110 = tpu.memref_squeeze %dma_wait3A_109 : memref<1x128x16xf32, #tpu.memory_space<hbm>> -> memref<128x16xf32, #tpu.memory_space<hbm>>
    tpu.wait_dma2 semaphore(%arg25 : memref<!tpu.dma_semaphore, #tpu.memory_space<semaphore_mem>>) src(%arg9 : memref<128x16xf32, #tpu.memory_space<vmem>>) dst(%dma_wait3A_110 : memref<128x16xf32, #tpu.memory_space<hbm>>)
    %add3A_111 = arith.constant 0 : i32
    %add3A_112 = arith.addi %mul3A_32, %add3A_111 : i32
    %dma_wait3A_113 = arith.constant 0 : i32
    %dma_wait3A_114 = tpu.memref_slice %arg4[%select_n3A, %add3A_112, %dma_wait3A_113] : memref<16x20480x128xf32, #tpu.memory_space<hbm>> -> memref<1x128x16xf32, #tpu.memory_space<hbm>>
    %dma_wait3A_115 = tpu.memref_squeeze %dma_wait3A_114 : memref<1x128x16xf32, #tpu.memory_space<hbm>> -> memref<128x16xf32, #tpu.memory_space<hbm>>
    %dma_wait3A_116 = arith.constant 0 : i32
    %dma_wait3A_117 = tpu.memref_slice %arg4[%select_n3A, %add3A_112, %dma_wait3A_116] : memref<16x20480x128xf32, #tpu.memory_space<hbm>> -> memref<1x128x16xf32, #tpu.memory_space<hbm>>
    %dma_wait3A_118 = tpu.memref_squeeze %dma_wait3A_117 : memref<1x128x16xf32, #tpu.memory_space<hbm>> -> memref<128x16xf32, #tpu.memory_space<hbm>>
    tpu.wait_dma2 semaphore(%arg26 : memref<!tpu.dma_semaphore, #tpu.memory_space<semaphore_mem>>) src(%arg10 : memref<128x16xf32, #tpu.memory_space<vmem>>) dst(%dma_wait3A_118 : memref<128x16xf32, #tpu.memory_space<hbm>>)
    %add3A_119 = arith.constant 0 : i32
    %add3A_120 = arith.addi %mul3A_32, %add3A_119 : i32
    %dma_wait3A_121 = arith.constant 0 : i32
    %dma_wait3A_122 = tpu.memref_slice %arg4[%select_n3A, %add3A_120, %dma_wait3A_121] : memref<16x20480x128xf32, #tpu.memory_space<hbm>> -> memref<1x128x16xf32, #tpu.memory_space<hbm>>
    %dma_wait3A_123 = tpu.memref_squeeze %dma_wait3A_122 : memref<1x128x16xf32, #tpu.memory_space<hbm>> -> memref<128x16xf32, #tpu.memory_space<hbm>>
    %dma_wait3A_124 = arith.constant 0 : i32
    %dma_wait3A_125 = tpu.memref_slice %arg4[%select_n3A, %add3A_120, %dma_wait3A_124] : memref<16x20480x128xf32, #tpu.memory_space<hbm>> -> memref<1x128x16xf32, #tpu.memory_space<hbm>>
    %dma_wait3A_126 = tpu.memref_squeeze %dma_wait3A_125 : memref<1x128x16xf32, #tpu.memory_space<hbm>> -> memref<128x16xf32, #tpu.memory_space<hbm>>
    tpu.wait_dma2 semaphore(%arg27 : memref<!tpu.dma_semaphore, #tpu.memory_space<semaphore_mem>>) src(%arg11 : memref<128x16xf32, #tpu.memory_space<vmem>>) dst(%dma_wait3A_126 : memref<128x16xf32, #tpu.memory_space<hbm>>)
    %add3A_127 = arith.constant 0 : i32
    %add3A_128 = arith.addi %mul3A_32, %add3A_127 : i32
    %dma_wait3A_129 = arith.constant 0 : i32
    %dma_wait3A_130 = tpu.memref_slice %arg4[%select_n3A, %add3A_128, %dma_wait3A_129] : memref<16x20480x128xf32, #tpu.memory_space<hbm>> -> memref<1x128x16xf32, #tpu.memory_space<hbm>>
    %dma_wait3A_131 = tpu.memref_squeeze %dma_wait3A_130 : memref<1x128x16xf32, #tpu.memory_space<hbm>> -> memref<128x16xf32, #tpu.memory_space<hbm>>
    %dma_wait3A_132 = arith.constant 0 : i32
    %dma_wait3A_133 = tpu.memref_slice %arg4[%select_n3A, %add3A_128, %dma_wait3A_132] : memref<16x20480x128xf32, #tpu.memory_space<hbm>> -> memref<1x128x16xf32, #tpu.memory_space<hbm>>
    %dma_wait3A_134 = tpu.memref_squeeze %dma_wait3A_133 : memref<1x128x16xf32, #tpu.memory_space<hbm>> -> memref<128x16xf32, #tpu.memory_space<hbm>>
    tpu.wait_dma2 semaphore(%arg28 : memref<!tpu.dma_semaphore, #tpu.memory_space<semaphore_mem>>) src(%arg12 : memref<128x16xf32, #tpu.memory_space<vmem>>) dst(%dma_wait3A_134 : memref<128x16xf32, #tpu.memory_space<hbm>>)
    %add3A_135 = arith.constant 0 : i32
    %add3A_136 = arith.addi %mul3A_32, %add3A_135 : i32
    %dma_wait3A_137 = arith.constant 0 : i32
    %dma_wait3A_138 = tpu.memref_slice %arg4[%select_n3A, %add3A_136, %dma_wait3A_137] : memref<16x20480x128xf32, #tpu.memory_space<hbm>> -> memref<1x128x16xf32, #tpu.memory_space<hbm>>
    %dma_wait3A_139 = tpu.memref_squeeze %dma_wait3A_138 : memref<1x128x16xf32, #tpu.memory_space<hbm>> -> memref<128x16xf32, #tpu.memory_space<hbm>>
    %dma_wait3A_140 = arith.constant 0 : i32
    %dma_wait3A_141 = tpu.memref_slice %arg4[%select_n3A, %add3A_136, %dma_wait3A_140] : memref<16x20480x128xf32, #tpu.memory_space<hbm>> -> memref<1x128x16xf32, #tpu.memory_space<hbm>>
    %dma_wait3A_142 = tpu.memref_squeeze %dma_wait3A_141 : memref<1x128x16xf32, #tpu.memory_space<hbm>> -> memref<128x16xf32, #tpu.memory_space<hbm>>
    tpu.wait_dma2 semaphore(%arg29 : memref<!tpu.dma_semaphore, #tpu.memory_space<semaphore_mem>>) src(%arg13 : memref<128x16xf32, #tpu.memory_space<vmem>>) dst(%dma_wait3A_142 : memref<128x16xf32, #tpu.memory_space<hbm>>)
    return
  }
}

#map = affine_map<(d0, d1) -> (0, 0)>
#map1 = affine_map<(d0, d1) -> (0, 0, 0)>
module attributes {stable_mosaic.version = 14 : i64} {
  func.func @kbody(%arg0: i32, %arg1: i32, %arg2: memref<20480x128xf32, #tpu.memory_space<hbm>>, %arg3: memref<2560x128xi32, #tpu.memory_space<hbm>>, %arg4: memref<16x20480x128xf32, #tpu.memory_space<hbm>>, %arg5: memref<80x128xi32, #tpu.memory_space<vmem>>, %arg6: memref<128x128xf32, #tpu.memory_space<vmem>>, %arg7: memref<128x128xf32, #tpu.memory_space<vmem>>, %arg8: memref<128x128xf32, #tpu.memory_space<vmem>>, %arg9: memref<128x128xf32, #tpu.memory_space<vmem>>, %arg10: memref<128x128xf32, #tpu.memory_space<vmem>>, %arg11: memref<!tpu.dma_semaphore, #tpu.memory_space<semaphore_mem>>, %arg12: memref<!tpu.dma_semaphore, #tpu.memory_space<semaphore_mem>>, %arg13: memref<!tpu.dma_semaphore, #tpu.memory_space<semaphore_mem>>, %arg14: memref<!tpu.dma_semaphore, #tpu.memory_space<semaphore_mem>>, %arg15: memref<!tpu.dma_semaphore, #tpu.memory_space<semaphore_mem>>, %arg16: memref<!tpu.dma_semaphore, #tpu.memory_space<semaphore_mem>>, %arg17: memref<!tpu.dma_semaphore, #tpu.memory_space<semaphore_mem>>, %arg18: memref<!tpu.dma_semaphore, #tpu.memory_space<semaphore_mem>>, %arg19: memref<!tpu.dma_semaphore, #tpu.memory_space<semaphore_mem>>, %arg20: memref<!tpu.dma_semaphore, #tpu.memory_space<semaphore_mem>>) attributes {dimension_semantics = [#tpu.dimension_semantics<core_parallel>, #tpu.dimension_semantics<subcore_parallel>], iteration_bounds = array<i64: 2, 16>, scalar_prefetch = 0 : i64, scratch_operands = 16 : i64, tpu.core_type = #tpu.core_type<sc_vector_subcore>, window_params = [{transform_indices = #map}, {transform_indices = #map}, {transform_indices = #map1}]} {
    %mul3A = arith.constant 2 : i32
    %mul3A_0 = arith.muli %arg1, %mul3A : i32
    %add3A = arith.addi %mul3A_0, %arg0 : i32
    %jit3A = arith.constant 2 : i32
    %div3A = arith.divsi %add3A, %jit3A : i32
    %sign3A = arith.constant 0 : i32
    %sign3A_1 = arith.cmpi sgt, %add3A, %sign3A : i32
    %sign3A_2 = arith.extui %sign3A_1 : i1 to i32
    %sign3A_3 = arith.constant 0 : i32
    %sign3A_4 = arith.cmpi slt, %add3A, %sign3A_3 : i32
    %sign3A_5 = arith.extui %sign3A_4 : i1 to i32
    %sign3A_6 = arith.subi %sign3A_2, %sign3A_5 : i32
    %sign3A_7 = arith.constant 0 : i32
    %sign3A_8 = arith.cmpi sgt, %jit3A, %sign3A_7 : i32
    %sign3A_9 = arith.extui %sign3A_8 : i1 to i32
    %sign3A_10 = arith.constant 0 : i32
    %sign3A_11 = arith.cmpi slt, %jit3A, %sign3A_10 : i32
    %sign3A_12 = arith.extui %sign3A_11 : i1 to i32
    %sign3A_13 = arith.subi %sign3A_9, %sign3A_12 : i32
    %ne3A = arith.cmpi ne, %sign3A_6, %sign3A_13 : i32
    %rem3A = arith.remsi %add3A, %jit3A : i32
    %ne3A_14 = arith.constant 0 : i32
    %ne3A_15 = arith.cmpi ne, %rem3A, %ne3A_14 : i32
    %and3A = arith.andi %ne3A, %ne3A_15 : i1
    %sub3A = arith.constant 1 : i32
    %sub3A_16 = arith.subi %div3A, %sub3A : i32
    %select_n3A = arith.select %and3A, %sub3A_16, %div3A : i32
    %jit3A_17 = arith.constant 2 : i32
    %eq3A = arith.constant 0 : i32
    %eq3A_18 = arith.cmpi eq, %jit3A_17, %eq3A : i32
    %jit3A_19 = arith.constant 1 : i32
    %select_n3A_20 = arith.select %eq3A_18, %jit3A_19, %jit3A_17 : i32
    %rem3A_21 = arith.remsi %add3A, %select_n3A_20 : i32
    %ne3A_22 = arith.constant 0 : i32
    %ne3A_23 = arith.cmpi ne, %rem3A_21, %ne3A_22 : i32
    %lt3A = arith.constant 0 : i32
    %lt3A_24 = arith.cmpi slt, %rem3A_21, %lt3A : i32
    %lt3A_25 = arith.constant 0 : i32
    %lt3A_26 = arith.cmpi slt, %select_n3A_20, %lt3A_25 : i32
    %ne3A_27 = arith.xori %lt3A_24, %lt3A_26 : i1
    %and3A_28 = arith.andi %ne3A_27, %ne3A_23 : i1
    %add3A_29 = arith.addi %rem3A_21, %select_n3A_20 : i32
    %select_n3A_30 = arith.select %and3A_28, %add3A_29, %rem3A_21 : i32
    %mul3A_31 = arith.constant 10240 : i32
    %mul3A_32 = arith.muli %select_n3A_30, %mul3A_31 : i32
    %mul3A_33 = arith.constant 80 : i32
    %mul3A_34 = arith.muli %add3A, %mul3A_33 : i32
    "tpu.region"() ({
      %run_scoped3A = tpu.sem_alloc : memref<!tpu.dma_semaphore, #tpu.memory_space<semaphore_mem>>
      %dma_start3A_98 = arith.constant 0 : i32
      %dma_start3A_99 = tpu.memref_slice %arg3[%mul3A_34, %dma_start3A_98] : memref<2560x128xi32, #tpu.memory_space<hbm>> -> memref<80x128xi32, #tpu.memory_space<hbm>>
      %dma_start3A_100 = arith.constant 0 : i32
      %dma_start3A_101 = tpu.memref_slice %arg3[%mul3A_34, %dma_start3A_100] : memref<2560x128xi32, #tpu.memory_space<hbm>> -> memref<80x128xi32, #tpu.memory_space<hbm>>
      tpu.enqueue_dma source(%dma_start3A_101 : memref<80x128xi32, #tpu.memory_space<hbm>>) target(%arg5 : memref<80x128xi32, #tpu.memory_space<vmem>>) target_semaphore(%run_scoped3A : memref<!tpu.dma_semaphore, #tpu.memory_space<semaphore_mem>>)
      %dma_wait3A_102 = arith.constant 0 : i32
      %dma_wait3A_103 = tpu.memref_slice %arg3[%mul3A_34, %dma_wait3A_102] : memref<2560x128xi32, #tpu.memory_space<hbm>> -> memref<80x128xi32, #tpu.memory_space<hbm>>
      %dma_wait3A_104 = arith.constant 0 : i32
      %dma_wait3A_105 = tpu.memref_slice %arg3[%mul3A_34, %dma_wait3A_104] : memref<2560x128xi32, #tpu.memory_space<hbm>> -> memref<80x128xi32, #tpu.memory_space<hbm>>
      tpu.wait_dma2 semaphore(%run_scoped3A : memref<!tpu.dma_semaphore, #tpu.memory_space<semaphore_mem>>) src(%dma_wait3A_105 : memref<80x128xi32, #tpu.memory_space<hbm>>) dst(%arg5 : memref<80x128xi32, #tpu.memory_space<vmem>>)
      tpu.yield
    }) : () -> ()
    %dma_start3A = arith.constant 0 : i32
    %dma_start3A_35 = arith.constant 0 : i32
    %dma_start3A_36 = tpu.memref_slice %arg5[%dma_start3A, %dma_start3A_35] : memref<80x128xi32, #tpu.memory_space<vmem>> -> memref<1x128xi32, #tpu.memory_space<vmem>>
    %dma_start3A_37 = tpu.memref_squeeze %dma_start3A_36 : memref<1x128xi32, #tpu.memory_space<vmem>> -> memref<128xi32, #tpu.memory_space<vmem>>
    %dma_start3A_38 = arith.constant 0 : i32
    %dma_start3A_39 = arith.constant 0 : i32
    %dma_start3A_40 = tpu.memref_slice %arg2[%dma_start3A_38, %dma_start3A_39] : memref<20480x128xf32, #tpu.memory_space<hbm>> -> memref<20480x128xf32, #tpu.memory_space<hbm>>
    tpu.enqueue_indirect_dma source(%dma_start3A_40 : memref<20480x128xf32, #tpu.memory_space<hbm>>) target(%arg6 : memref<128x128xf32, #tpu.memory_space<vmem>>) offsets(%dma_start3A_37 : memref<128xi32, #tpu.memory_space<vmem>>) semaphore(%arg11 : memref<!tpu.dma_semaphore, #tpu.memory_space<semaphore_mem>>)
    %dma_start3A_41 = arith.constant 1 : i32
    %dma_start3A_42 = arith.constant 0 : i32
    %dma_start3A_43 = tpu.memref_slice %arg5[%dma_start3A_41, %dma_start3A_42] : memref<80x128xi32, #tpu.memory_space<vmem>> -> memref<1x128xi32, #tpu.memory_space<vmem>>
    %dma_start3A_44 = tpu.memref_squeeze %dma_start3A_43 : memref<1x128xi32, #tpu.memory_space<vmem>> -> memref<128xi32, #tpu.memory_space<vmem>>
    %dma_start3A_45 = arith.constant 0 : i32
    %dma_start3A_46 = arith.constant 0 : i32
    %dma_start3A_47 = tpu.memref_slice %arg2[%dma_start3A_45, %dma_start3A_46] : memref<20480x128xf32, #tpu.memory_space<hbm>> -> memref<20480x128xf32, #tpu.memory_space<hbm>>
    tpu.enqueue_indirect_dma source(%dma_start3A_47 : memref<20480x128xf32, #tpu.memory_space<hbm>>) target(%arg7 : memref<128x128xf32, #tpu.memory_space<vmem>>) offsets(%dma_start3A_44 : memref<128xi32, #tpu.memory_space<vmem>>) semaphore(%arg12 : memref<!tpu.dma_semaphore, #tpu.memory_space<semaphore_mem>>)
    %dma_start3A_48 = arith.constant 2 : i32
    %dma_start3A_49 = arith.constant 0 : i32
    %dma_start3A_50 = tpu.memref_slice %arg5[%dma_start3A_48, %dma_start3A_49] : memref<80x128xi32, #tpu.memory_space<vmem>> -> memref<1x128xi32, #tpu.memory_space<vmem>>
    %dma_start3A_51 = tpu.memref_squeeze %dma_start3A_50 : memref<1x128xi32, #tpu.memory_space<vmem>> -> memref<128xi32, #tpu.memory_space<vmem>>
    %dma_start3A_52 = arith.constant 0 : i32
    %dma_start3A_53 = arith.constant 0 : i32
    %dma_start3A_54 = tpu.memref_slice %arg2[%dma_start3A_52, %dma_start3A_53] : memref<20480x128xf32, #tpu.memory_space<hbm>> -> memref<20480x128xf32, #tpu.memory_space<hbm>>
    tpu.enqueue_indirect_dma source(%dma_start3A_54 : memref<20480x128xf32, #tpu.memory_space<hbm>>) target(%arg8 : memref<128x128xf32, #tpu.memory_space<vmem>>) offsets(%dma_start3A_51 : memref<128xi32, #tpu.memory_space<vmem>>) semaphore(%arg13 : memref<!tpu.dma_semaphore, #tpu.memory_space<semaphore_mem>>)
    %scan3A = arith.constant 0 : i32
    %scan3A_55 = arith.constant 16 : i32
    %scan3A_56 = arith.addi %scan3A, %scan3A_55 : i32
    %scan3A_57 = arith.constant 1 : i32
    scf.for %scan3A_98 = %scan3A to %scan3A_56 step %scan3A_57  : i32 {
      %mul3A_99 = arith.constant 5 : i32
      %mul3A_100 = arith.muli %scan3A_98, %mul3A_99 : i32
      %add3A_101 = arith.constant 0 : i32
      %add3A_102 = arith.addi %add3A_101, %mul3A_100 : i32
      %add3A_103 = arith.constant 0 : i32
      %add3A_104 = arith.addi %add3A_102, %add3A_103 : i32
      %dma_wait3A_105 = arith.constant 0 : i32
      %dma_wait3A_106 = tpu.memref_slice %arg5[%add3A_104, %dma_wait3A_105] : memref<80x128xi32, #tpu.memory_space<vmem>> -> memref<1x128xi32, #tpu.memory_space<vmem>>
      %dma_wait3A_107 = tpu.memref_squeeze %dma_wait3A_106 : memref<1x128xi32, #tpu.memory_space<vmem>> -> memref<128xi32, #tpu.memory_space<vmem>>
      %dma_wait3A_108 = arith.constant 0 : i32
      %dma_wait3A_109 = arith.constant 0 : i32
      %dma_wait3A_110 = tpu.memref_slice %arg2[%dma_wait3A_108, %dma_wait3A_109] : memref<20480x128xf32, #tpu.memory_space<hbm>> -> memref<20480x128xf32, #tpu.memory_space<hbm>>
      tpu.wait_indirect_dma semaphore(%arg11 : memref<!tpu.dma_semaphore, #tpu.memory_space<semaphore_mem>>) src(%dma_wait3A_110 : memref<20480x128xf32, #tpu.memory_space<hbm>>) dst(%arg6 : memref<128x128xf32, #tpu.memory_space<vmem>>)
      %mul3A_111 = arith.constant 128 : i32
      %mul3A_112 = arith.muli %add3A_104, %mul3A_111 : i32
      %add3A_113 = arith.addi %mul3A_32, %mul3A_112 : i32
      %dma_start3A_114 = arith.constant 0 : i32
      %dma_start3A_115 = tpu.memref_slice %arg4[%select_n3A, %add3A_113, %dma_start3A_114] : memref<16x20480x128xf32, #tpu.memory_space<hbm>> -> memref<1x128x128xf32, #tpu.memory_space<hbm>>
      %dma_start3A_116 = tpu.memref_squeeze %dma_start3A_115 : memref<1x128x128xf32, #tpu.memory_space<hbm>> -> memref<128x128xf32, #tpu.memory_space<hbm>>
      %dma_start3A_117 = arith.constant 0 : i32
      %dma_start3A_118 = tpu.memref_slice %arg4[%select_n3A, %add3A_113, %dma_start3A_117] : memref<16x20480x128xf32, #tpu.memory_space<hbm>> -> memref<1x128x128xf32, #tpu.memory_space<hbm>>
      %dma_start3A_119 = tpu.memref_squeeze %dma_start3A_118 : memref<1x128x128xf32, #tpu.memory_space<hbm>> -> memref<128x128xf32, #tpu.memory_space<hbm>>
      tpu.enqueue_dma source(%arg6 : memref<128x128xf32, #tpu.memory_space<vmem>>) target(%dma_start3A_119 : memref<128x128xf32, #tpu.memory_space<hbm>>) target_semaphore(%arg16 : memref<!tpu.dma_semaphore, #tpu.memory_space<semaphore_mem>>)
      %add3A_120 = arith.constant 5 : i32
      %add3A_121 = arith.addi %add3A_104, %add3A_120 : i32
      %sub3A_122 = arith.constant 2 : i32
      %sub3A_123 = arith.subi %add3A_121, %sub3A_122 : i32
      %lt3A_124 = arith.constant 80 : i32
      %lt3A_125 = arith.cmpi slt, %sub3A_123, %lt3A_124 : i32
      %convert_element_type3A = arith.extui %lt3A_125 : i1 to i32
      %cond3A = arith.constant 0 : i32
      %cond3A_126 = arith.cmpi ne, %convert_element_type3A, %cond3A : i32
      scf.if %cond3A_126 {
        %ge3A = arith.constant 2 : i32
        %ge3A_231 = arith.cmpi sge, %add3A_104, %ge3A : i32
        %convert_element_type3A_232 = arith.extui %ge3A_231 : i1 to i32
        %cond3A_233 = arith.constant 0 : i32
        %cond3A_234 = arith.cmpi ne, %convert_element_type3A_232, %cond3A_233 : i32
        scf.if %cond3A_234 {
          %mul3A_245 = arith.constant 128 : i32
          %mul3A_246 = arith.muli %add3A_104, %mul3A_245 : i32
          %add3A_247 = arith.addi %mul3A_32, %mul3A_246 : i32
          %dma_wait3A_248 = arith.constant 0 : i32
          %dma_wait3A_249 = tpu.memref_slice %arg4[%select_n3A, %add3A_247, %dma_wait3A_248] : memref<16x20480x128xf32, #tpu.memory_space<hbm>> -> memref<1x128x128xf32, #tpu.memory_space<hbm>>
          %dma_wait3A_250 = tpu.memref_squeeze %dma_wait3A_249 : memref<1x128x128xf32, #tpu.memory_space<hbm>> -> memref<128x128xf32, #tpu.memory_space<hbm>>
          %dma_wait3A_251 = arith.constant 0 : i32
          %dma_wait3A_252 = tpu.memref_slice %arg4[%select_n3A, %add3A_247, %dma_wait3A_251] : memref<16x20480x128xf32, #tpu.memory_space<hbm>> -> memref<1x128x128xf32, #tpu.memory_space<hbm>>
          %dma_wait3A_253 = tpu.memref_squeeze %dma_wait3A_252 : memref<1x128x128xf32, #tpu.memory_space<hbm>> -> memref<128x128xf32, #tpu.memory_space<hbm>>
          tpu.wait_dma2 semaphore(%arg19 : memref<!tpu.dma_semaphore, #tpu.memory_space<semaphore_mem>>) src(%arg9 : memref<128x128xf32, #tpu.memory_space<vmem>>) dst(%dma_wait3A_253 : memref<128x128xf32, #tpu.memory_space<hbm>>)
        } else {
        }
        %add3A_235 = arith.constant 5 : i32
        %add3A_236 = arith.addi %add3A_104, %add3A_235 : i32
        %sub3A_237 = arith.constant 2 : i32
        %sub3A_238 = arith.subi %add3A_236, %sub3A_237 : i32
        %dma_start3A_239 = arith.constant 0 : i32
        %dma_start3A_240 = tpu.memref_slice %arg5[%sub3A_238, %dma_start3A_239] : memref<80x128xi32, #tpu.memory_space<vmem>> -> memref<1x128xi32, #tpu.memory_space<vmem>>
        %dma_start3A_241 = tpu.memref_squeeze %dma_start3A_240 : memref<1x128xi32, #tpu.memory_space<vmem>> -> memref<128xi32, #tpu.memory_space<vmem>>
        %dma_start3A_242 = arith.constant 0 : i32
        %dma_start3A_243 = arith.constant 0 : i32
        %dma_start3A_244 = tpu.memref_slice %arg2[%dma_start3A_242, %dma_start3A_243] : memref<20480x128xf32, #tpu.memory_space<hbm>> -> memref<20480x128xf32, #tpu.memory_space<hbm>>
        tpu.enqueue_indirect_dma source(%dma_start3A_244 : memref<20480x128xf32, #tpu.memory_space<hbm>>) target(%arg9 : memref<128x128xf32, #tpu.memory_space<vmem>>) offsets(%dma_start3A_241 : memref<128xi32, #tpu.memory_space<vmem>>) semaphore(%arg14 : memref<!tpu.dma_semaphore, #tpu.memory_space<semaphore_mem>>)
      } else {
      }
      %add3A_127 = arith.constant 1 : i32
      %add3A_128 = arith.addi %add3A_102, %add3A_127 : i32
      %dma_wait3A_129 = arith.constant 0 : i32
      %dma_wait3A_130 = tpu.memref_slice %arg5[%add3A_128, %dma_wait3A_129] : memref<80x128xi32, #tpu.memory_space<vmem>> -> memref<1x128xi32, #tpu.memory_space<vmem>>
      %dma_wait3A_131 = tpu.memref_squeeze %dma_wait3A_130 : memref<1x128xi32, #tpu.memory_space<vmem>> -> memref<128xi32, #tpu.memory_space<vmem>>
      %dma_wait3A_132 = arith.constant 0 : i32
      %dma_wait3A_133 = arith.constant 0 : i32
      %dma_wait3A_134 = tpu.memref_slice %arg2[%dma_wait3A_132, %dma_wait3A_133] : memref<20480x128xf32, #tpu.memory_space<hbm>> -> memref<20480x128xf32, #tpu.memory_space<hbm>>
      tpu.wait_indirect_dma semaphore(%arg12 : memref<!tpu.dma_semaphore, #tpu.memory_space<semaphore_mem>>) src(%dma_wait3A_134 : memref<20480x128xf32, #tpu.memory_space<hbm>>) dst(%arg7 : memref<128x128xf32, #tpu.memory_space<vmem>>)
      %mul3A_135 = arith.constant 128 : i32
      %mul3A_136 = arith.muli %add3A_128, %mul3A_135 : i32
      %add3A_137 = arith.addi %mul3A_32, %mul3A_136 : i32
      %dma_start3A_138 = arith.constant 0 : i32
      %dma_start3A_139 = tpu.memref_slice %arg4[%select_n3A, %add3A_137, %dma_start3A_138] : memref<16x20480x128xf32, #tpu.memory_space<hbm>> -> memref<1x128x128xf32, #tpu.memory_space<hbm>>
      %dma_start3A_140 = tpu.memref_squeeze %dma_start3A_139 : memref<1x128x128xf32, #tpu.memory_space<hbm>> -> memref<128x128xf32, #tpu.memory_space<hbm>>
      %dma_start3A_141 = arith.constant 0 : i32
      %dma_start3A_142 = tpu.memref_slice %arg4[%select_n3A, %add3A_137, %dma_start3A_141] : memref<16x20480x128xf32, #tpu.memory_space<hbm>> -> memref<1x128x128xf32, #tpu.memory_space<hbm>>
      %dma_start3A_143 = tpu.memref_squeeze %dma_start3A_142 : memref<1x128x128xf32, #tpu.memory_space<hbm>> -> memref<128x128xf32, #tpu.memory_space<hbm>>
      tpu.enqueue_dma source(%arg7 : memref<128x128xf32, #tpu.memory_space<vmem>>) target(%dma_start3A_143 : memref<128x128xf32, #tpu.memory_space<hbm>>) target_semaphore(%arg17 : memref<!tpu.dma_semaphore, #tpu.memory_space<semaphore_mem>>)
      %add3A_144 = arith.constant 5 : i32
      %add3A_145 = arith.addi %add3A_128, %add3A_144 : i32
      %sub3A_146 = arith.constant 2 : i32
      %sub3A_147 = arith.subi %add3A_145, %sub3A_146 : i32
      %lt3A_148 = arith.constant 80 : i32
      %lt3A_149 = arith.cmpi slt, %sub3A_147, %lt3A_148 : i32
      %convert_element_type3A_150 = arith.extui %lt3A_149 : i1 to i32
      %cond3A_151 = arith.constant 0 : i32
      %cond3A_152 = arith.cmpi ne, %convert_element_type3A_150, %cond3A_151 : i32
      scf.if %cond3A_152 {
        %ge3A = arith.constant 2 : i32
        %ge3A_231 = arith.cmpi sge, %add3A_128, %ge3A : i32
        %convert_element_type3A_232 = arith.extui %ge3A_231 : i1 to i32
        %cond3A_233 = arith.constant 0 : i32
        %cond3A_234 = arith.cmpi ne, %convert_element_type3A_232, %cond3A_233 : i32
        scf.if %cond3A_234 {
          %mul3A_245 = arith.constant 128 : i32
          %mul3A_246 = arith.muli %add3A_128, %mul3A_245 : i32
          %add3A_247 = arith.addi %mul3A_32, %mul3A_246 : i32
          %dma_wait3A_248 = arith.constant 0 : i32
          %dma_wait3A_249 = tpu.memref_slice %arg4[%select_n3A, %add3A_247, %dma_wait3A_248] : memref<16x20480x128xf32, #tpu.memory_space<hbm>> -> memref<1x128x128xf32, #tpu.memory_space<hbm>>
          %dma_wait3A_250 = tpu.memref_squeeze %dma_wait3A_249 : memref<1x128x128xf32, #tpu.memory_space<hbm>> -> memref<128x128xf32, #tpu.memory_space<hbm>>
          %dma_wait3A_251 = arith.constant 0 : i32
          %dma_wait3A_252 = tpu.memref_slice %arg4[%select_n3A, %add3A_247, %dma_wait3A_251] : memref<16x20480x128xf32, #tpu.memory_space<hbm>> -> memref<1x128x128xf32, #tpu.memory_space<hbm>>
          %dma_wait3A_253 = tpu.memref_squeeze %dma_wait3A_252 : memref<1x128x128xf32, #tpu.memory_space<hbm>> -> memref<128x128xf32, #tpu.memory_space<hbm>>
          tpu.wait_dma2 semaphore(%arg20 : memref<!tpu.dma_semaphore, #tpu.memory_space<semaphore_mem>>) src(%arg10 : memref<128x128xf32, #tpu.memory_space<vmem>>) dst(%dma_wait3A_253 : memref<128x128xf32, #tpu.memory_space<hbm>>)
        } else {
        }
        %add3A_235 = arith.constant 5 : i32
        %add3A_236 = arith.addi %add3A_128, %add3A_235 : i32
        %sub3A_237 = arith.constant 2 : i32
        %sub3A_238 = arith.subi %add3A_236, %sub3A_237 : i32
        %dma_start3A_239 = arith.constant 0 : i32
        %dma_start3A_240 = tpu.memref_slice %arg5[%sub3A_238, %dma_start3A_239] : memref<80x128xi32, #tpu.memory_space<vmem>> -> memref<1x128xi32, #tpu.memory_space<vmem>>
        %dma_start3A_241 = tpu.memref_squeeze %dma_start3A_240 : memref<1x128xi32, #tpu.memory_space<vmem>> -> memref<128xi32, #tpu.memory_space<vmem>>
        %dma_start3A_242 = arith.constant 0 : i32
        %dma_start3A_243 = arith.constant 0 : i32
        %dma_start3A_244 = tpu.memref_slice %arg2[%dma_start3A_242, %dma_start3A_243] : memref<20480x128xf32, #tpu.memory_space<hbm>> -> memref<20480x128xf32, #tpu.memory_space<hbm>>
        tpu.enqueue_indirect_dma source(%dma_start3A_244 : memref<20480x128xf32, #tpu.memory_space<hbm>>) target(%arg10 : memref<128x128xf32, #tpu.memory_space<vmem>>) offsets(%dma_start3A_241 : memref<128xi32, #tpu.memory_space<vmem>>) semaphore(%arg15 : memref<!tpu.dma_semaphore, #tpu.memory_space<semaphore_mem>>)
      } else {
      }
      %add3A_153 = arith.constant 2 : i32
      %add3A_154 = arith.addi %add3A_102, %add3A_153 : i32
      %dma_wait3A_155 = arith.constant 0 : i32
      %dma_wait3A_156 = tpu.memref_slice %arg5[%add3A_154, %dma_wait3A_155] : memref<80x128xi32, #tpu.memory_space<vmem>> -> memref<1x128xi32, #tpu.memory_space<vmem>>
      %dma_wait3A_157 = tpu.memref_squeeze %dma_wait3A_156 : memref<1x128xi32, #tpu.memory_space<vmem>> -> memref<128xi32, #tpu.memory_space<vmem>>
      %dma_wait3A_158 = arith.constant 0 : i32
      %dma_wait3A_159 = arith.constant 0 : i32
      %dma_wait3A_160 = tpu.memref_slice %arg2[%dma_wait3A_158, %dma_wait3A_159] : memref<20480x128xf32, #tpu.memory_space<hbm>> -> memref<20480x128xf32, #tpu.memory_space<hbm>>
      tpu.wait_indirect_dma semaphore(%arg13 : memref<!tpu.dma_semaphore, #tpu.memory_space<semaphore_mem>>) src(%dma_wait3A_160 : memref<20480x128xf32, #tpu.memory_space<hbm>>) dst(%arg8 : memref<128x128xf32, #tpu.memory_space<vmem>>)
      %mul3A_161 = arith.constant 128 : i32
      %mul3A_162 = arith.muli %add3A_154, %mul3A_161 : i32
      %add3A_163 = arith.addi %mul3A_32, %mul3A_162 : i32
      %dma_start3A_164 = arith.constant 0 : i32
      %dma_start3A_165 = tpu.memref_slice %arg4[%select_n3A, %add3A_163, %dma_start3A_164] : memref<16x20480x128xf32, #tpu.memory_space<hbm>> -> memref<1x128x128xf32, #tpu.memory_space<hbm>>
      %dma_start3A_166 = tpu.memref_squeeze %dma_start3A_165 : memref<1x128x128xf32, #tpu.memory_space<hbm>> -> memref<128x128xf32, #tpu.memory_space<hbm>>
      %dma_start3A_167 = arith.constant 0 : i32
      %dma_start3A_168 = tpu.memref_slice %arg4[%select_n3A, %add3A_163, %dma_start3A_167] : memref<16x20480x128xf32, #tpu.memory_space<hbm>> -> memref<1x128x128xf32, #tpu.memory_space<hbm>>
      %dma_start3A_169 = tpu.memref_squeeze %dma_start3A_168 : memref<1x128x128xf32, #tpu.memory_space<hbm>> -> memref<128x128xf32, #tpu.memory_space<hbm>>
      tpu.enqueue_dma source(%arg8 : memref<128x128xf32, #tpu.memory_space<vmem>>) target(%dma_start3A_169 : memref<128x128xf32, #tpu.memory_space<hbm>>) target_semaphore(%arg18 : memref<!tpu.dma_semaphore, #tpu.memory_space<semaphore_mem>>)
      %add3A_170 = arith.constant 5 : i32
      %add3A_171 = arith.addi %add3A_154, %add3A_170 : i32
      %sub3A_172 = arith.constant 2 : i32
      %sub3A_173 = arith.subi %add3A_171, %sub3A_172 : i32
      %lt3A_174 = arith.constant 80 : i32
      %lt3A_175 = arith.cmpi slt, %sub3A_173, %lt3A_174 : i32
      %convert_element_type3A_176 = arith.extui %lt3A_175 : i1 to i32
      %cond3A_177 = arith.constant 0 : i32
      %cond3A_178 = arith.cmpi ne, %convert_element_type3A_176, %cond3A_177 : i32
      scf.if %cond3A_178 {
        %ge3A = arith.constant 2 : i32
        %ge3A_231 = arith.cmpi sge, %add3A_154, %ge3A : i32
        %convert_element_type3A_232 = arith.extui %ge3A_231 : i1 to i32
        %cond3A_233 = arith.constant 0 : i32
        %cond3A_234 = arith.cmpi ne, %convert_element_type3A_232, %cond3A_233 : i32
        scf.if %cond3A_234 {
          %mul3A_245 = arith.constant 128 : i32
          %mul3A_246 = arith.muli %add3A_154, %mul3A_245 : i32
          %add3A_247 = arith.addi %mul3A_32, %mul3A_246 : i32
          %dma_wait3A_248 = arith.constant 0 : i32
          %dma_wait3A_249 = tpu.memref_slice %arg4[%select_n3A, %add3A_247, %dma_wait3A_248] : memref<16x20480x128xf32, #tpu.memory_space<hbm>> -> memref<1x128x128xf32, #tpu.memory_space<hbm>>
          %dma_wait3A_250 = tpu.memref_squeeze %dma_wait3A_249 : memref<1x128x128xf32, #tpu.memory_space<hbm>> -> memref<128x128xf32, #tpu.memory_space<hbm>>
          %dma_wait3A_251 = arith.constant 0 : i32
          %dma_wait3A_252 = tpu.memref_slice %arg4[%select_n3A, %add3A_247, %dma_wait3A_251] : memref<16x20480x128xf32, #tpu.memory_space<hbm>> -> memref<1x128x128xf32, #tpu.memory_space<hbm>>
          %dma_wait3A_253 = tpu.memref_squeeze %dma_wait3A_252 : memref<1x128x128xf32, #tpu.memory_space<hbm>> -> memref<128x128xf32, #tpu.memory_space<hbm>>
          tpu.wait_dma2 semaphore(%arg16 : memref<!tpu.dma_semaphore, #tpu.memory_space<semaphore_mem>>) src(%arg6 : memref<128x128xf32, #tpu.memory_space<vmem>>) dst(%dma_wait3A_253 : memref<128x128xf32, #tpu.memory_space<hbm>>)
        } else {
        }
        %add3A_235 = arith.constant 5 : i32
        %add3A_236 = arith.addi %add3A_154, %add3A_235 : i32
        %sub3A_237 = arith.constant 2 : i32
        %sub3A_238 = arith.subi %add3A_236, %sub3A_237 : i32
        %dma_start3A_239 = arith.constant 0 : i32
        %dma_start3A_240 = tpu.memref_slice %arg5[%sub3A_238, %dma_start3A_239] : memref<80x128xi32, #tpu.memory_space<vmem>> -> memref<1x128xi32, #tpu.memory_space<vmem>>
        %dma_start3A_241 = tpu.memref_squeeze %dma_start3A_240 : memref<1x128xi32, #tpu.memory_space<vmem>> -> memref<128xi32, #tpu.memory_space<vmem>>
        %dma_start3A_242 = arith.constant 0 : i32
        %dma_start3A_243 = arith.constant 0 : i32
        %dma_start3A_244 = tpu.memref_slice %arg2[%dma_start3A_242, %dma_start3A_243] : memref<20480x128xf32, #tpu.memory_space<hbm>> -> memref<20480x128xf32, #tpu.memory_space<hbm>>
        tpu.enqueue_indirect_dma source(%dma_start3A_244 : memref<20480x128xf32, #tpu.memory_space<hbm>>) target(%arg6 : memref<128x128xf32, #tpu.memory_space<vmem>>) offsets(%dma_start3A_241 : memref<128xi32, #tpu.memory_space<vmem>>) semaphore(%arg11 : memref<!tpu.dma_semaphore, #tpu.memory_space<semaphore_mem>>)
      } else {
      }
      %add3A_179 = arith.constant 3 : i32
      %add3A_180 = arith.addi %add3A_102, %add3A_179 : i32
      %dma_wait3A_181 = arith.constant 0 : i32
      %dma_wait3A_182 = tpu.memref_slice %arg5[%add3A_180, %dma_wait3A_181] : memref<80x128xi32, #tpu.memory_space<vmem>> -> memref<1x128xi32, #tpu.memory_space<vmem>>
      %dma_wait3A_183 = tpu.memref_squeeze %dma_wait3A_182 : memref<1x128xi32, #tpu.memory_space<vmem>> -> memref<128xi32, #tpu.memory_space<vmem>>
      %dma_wait3A_184 = arith.constant 0 : i32
      %dma_wait3A_185 = arith.constant 0 : i32
      %dma_wait3A_186 = tpu.memref_slice %arg2[%dma_wait3A_184, %dma_wait3A_185] : memref<20480x128xf32, #tpu.memory_space<hbm>> -> memref<20480x128xf32, #tpu.memory_space<hbm>>
      tpu.wait_indirect_dma semaphore(%arg14 : memref<!tpu.dma_semaphore, #tpu.memory_space<semaphore_mem>>) src(%dma_wait3A_186 : memref<20480x128xf32, #tpu.memory_space<hbm>>) dst(%arg9 : memref<128x128xf32, #tpu.memory_space<vmem>>)
      %mul3A_187 = arith.constant 128 : i32
      %mul3A_188 = arith.muli %add3A_180, %mul3A_187 : i32
      %add3A_189 = arith.addi %mul3A_32, %mul3A_188 : i32
      %dma_start3A_190 = arith.constant 0 : i32
      %dma_start3A_191 = tpu.memref_slice %arg4[%select_n3A, %add3A_189, %dma_start3A_190] : memref<16x20480x128xf32, #tpu.memory_space<hbm>> -> memref<1x128x128xf32, #tpu.memory_space<hbm>>
      %dma_start3A_192 = tpu.memref_squeeze %dma_start3A_191 : memref<1x128x128xf32, #tpu.memory_space<hbm>> -> memref<128x128xf32, #tpu.memory_space<hbm>>
      %dma_start3A_193 = arith.constant 0 : i32
      %dma_start3A_194 = tpu.memref_slice %arg4[%select_n3A, %add3A_189, %dma_start3A_193] : memref<16x20480x128xf32, #tpu.memory_space<hbm>> -> memref<1x128x128xf32, #tpu.memory_space<hbm>>
      %dma_start3A_195 = tpu.memref_squeeze %dma_start3A_194 : memref<1x128x128xf32, #tpu.memory_space<hbm>> -> memref<128x128xf32, #tpu.memory_space<hbm>>
      tpu.enqueue_dma source(%arg9 : memref<128x128xf32, #tpu.memory_space<vmem>>) target(%dma_start3A_195 : memref<128x128xf32, #tpu.memory_space<hbm>>) target_semaphore(%arg19 : memref<!tpu.dma_semaphore, #tpu.memory_space<semaphore_mem>>)
      %add3A_196 = arith.constant 5 : i32
      %add3A_197 = arith.addi %add3A_180, %add3A_196 : i32
      %sub3A_198 = arith.constant 2 : i32
      %sub3A_199 = arith.subi %add3A_197, %sub3A_198 : i32
      %lt3A_200 = arith.constant 80 : i32
      %lt3A_201 = arith.cmpi slt, %sub3A_199, %lt3A_200 : i32
      %convert_element_type3A_202 = arith.extui %lt3A_201 : i1 to i32
      %cond3A_203 = arith.constant 0 : i32
      %cond3A_204 = arith.cmpi ne, %convert_element_type3A_202, %cond3A_203 : i32
      scf.if %cond3A_204 {
        %ge3A = arith.constant 2 : i32
        %ge3A_231 = arith.cmpi sge, %add3A_180, %ge3A : i32
        %convert_element_type3A_232 = arith.extui %ge3A_231 : i1 to i32
        %cond3A_233 = arith.constant 0 : i32
        %cond3A_234 = arith.cmpi ne, %convert_element_type3A_232, %cond3A_233 : i32
        scf.if %cond3A_234 {
          %mul3A_245 = arith.constant 128 : i32
          %mul3A_246 = arith.muli %add3A_180, %mul3A_245 : i32
          %add3A_247 = arith.addi %mul3A_32, %mul3A_246 : i32
          %dma_wait3A_248 = arith.constant 0 : i32
          %dma_wait3A_249 = tpu.memref_slice %arg4[%select_n3A, %add3A_247, %dma_wait3A_248] : memref<16x20480x128xf32, #tpu.memory_space<hbm>> -> memref<1x128x128xf32, #tpu.memory_space<hbm>>
          %dma_wait3A_250 = tpu.memref_squeeze %dma_wait3A_249 : memref<1x128x128xf32, #tpu.memory_space<hbm>> -> memref<128x128xf32, #tpu.memory_space<hbm>>
          %dma_wait3A_251 = arith.constant 0 : i32
          %dma_wait3A_252 = tpu.memref_slice %arg4[%select_n3A, %add3A_247, %dma_wait3A_251] : memref<16x20480x128xf32, #tpu.memory_space<hbm>> -> memref<1x128x128xf32, #tpu.memory_space<hbm>>
          %dma_wait3A_253 = tpu.memref_squeeze %dma_wait3A_252 : memref<1x128x128xf32, #tpu.memory_space<hbm>> -> memref<128x128xf32, #tpu.memory_space<hbm>>
          tpu.wait_dma2 semaphore(%arg17 : memref<!tpu.dma_semaphore, #tpu.memory_space<semaphore_mem>>) src(%arg7 : memref<128x128xf32, #tpu.memory_space<vmem>>) dst(%dma_wait3A_253 : memref<128x128xf32, #tpu.memory_space<hbm>>)
        } else {
        }
        %add3A_235 = arith.constant 5 : i32
        %add3A_236 = arith.addi %add3A_180, %add3A_235 : i32
        %sub3A_237 = arith.constant 2 : i32
        %sub3A_238 = arith.subi %add3A_236, %sub3A_237 : i32
        %dma_start3A_239 = arith.constant 0 : i32
        %dma_start3A_240 = tpu.memref_slice %arg5[%sub3A_238, %dma_start3A_239] : memref<80x128xi32, #tpu.memory_space<vmem>> -> memref<1x128xi32, #tpu.memory_space<vmem>>
        %dma_start3A_241 = tpu.memref_squeeze %dma_start3A_240 : memref<1x128xi32, #tpu.memory_space<vmem>> -> memref<128xi32, #tpu.memory_space<vmem>>
        %dma_start3A_242 = arith.constant 0 : i32
        %dma_start3A_243 = arith.constant 0 : i32
        %dma_start3A_244 = tpu.memref_slice %arg2[%dma_start3A_242, %dma_start3A_243] : memref<20480x128xf32, #tpu.memory_space<hbm>> -> memref<20480x128xf32, #tpu.memory_space<hbm>>
        tpu.enqueue_indirect_dma source(%dma_start3A_244 : memref<20480x128xf32, #tpu.memory_space<hbm>>) target(%arg7 : memref<128x128xf32, #tpu.memory_space<vmem>>) offsets(%dma_start3A_241 : memref<128xi32, #tpu.memory_space<vmem>>) semaphore(%arg12 : memref<!tpu.dma_semaphore, #tpu.memory_space<semaphore_mem>>)
      } else {
      }
      %add3A_205 = arith.constant 4 : i32
      %add3A_206 = arith.addi %add3A_102, %add3A_205 : i32
      %dma_wait3A_207 = arith.constant 0 : i32
      %dma_wait3A_208 = tpu.memref_slice %arg5[%add3A_206, %dma_wait3A_207] : memref<80x128xi32, #tpu.memory_space<vmem>> -> memref<1x128xi32, #tpu.memory_space<vmem>>
      %dma_wait3A_209 = tpu.memref_squeeze %dma_wait3A_208 : memref<1x128xi32, #tpu.memory_space<vmem>> -> memref<128xi32, #tpu.memory_space<vmem>>
      %dma_wait3A_210 = arith.constant 0 : i32
      %dma_wait3A_211 = arith.constant 0 : i32
      %dma_wait3A_212 = tpu.memref_slice %arg2[%dma_wait3A_210, %dma_wait3A_211] : memref<20480x128xf32, #tpu.memory_space<hbm>> -> memref<20480x128xf32, #tpu.memory_space<hbm>>
      tpu.wait_indirect_dma semaphore(%arg15 : memref<!tpu.dma_semaphore, #tpu.memory_space<semaphore_mem>>) src(%dma_wait3A_212 : memref<20480x128xf32, #tpu.memory_space<hbm>>) dst(%arg10 : memref<128x128xf32, #tpu.memory_space<vmem>>)
      %mul3A_213 = arith.constant 128 : i32
      %mul3A_214 = arith.muli %add3A_206, %mul3A_213 : i32
      %add3A_215 = arith.addi %mul3A_32, %mul3A_214 : i32
      %dma_start3A_216 = arith.constant 0 : i32
      %dma_start3A_217 = tpu.memref_slice %arg4[%select_n3A, %add3A_215, %dma_start3A_216] : memref<16x20480x128xf32, #tpu.memory_space<hbm>> -> memref<1x128x128xf32, #tpu.memory_space<hbm>>
      %dma_start3A_218 = tpu.memref_squeeze %dma_start3A_217 : memref<1x128x128xf32, #tpu.memory_space<hbm>> -> memref<128x128xf32, #tpu.memory_space<hbm>>
      %dma_start3A_219 = arith.constant 0 : i32
      %dma_start3A_220 = tpu.memref_slice %arg4[%select_n3A, %add3A_215, %dma_start3A_219] : memref<16x20480x128xf32, #tpu.memory_space<hbm>> -> memref<1x128x128xf32, #tpu.memory_space<hbm>>
      %dma_start3A_221 = tpu.memref_squeeze %dma_start3A_220 : memref<1x128x128xf32, #tpu.memory_space<hbm>> -> memref<128x128xf32, #tpu.memory_space<hbm>>
      tpu.enqueue_dma source(%arg10 : memref<128x128xf32, #tpu.memory_space<vmem>>) target(%dma_start3A_221 : memref<128x128xf32, #tpu.memory_space<hbm>>) target_semaphore(%arg20 : memref<!tpu.dma_semaphore, #tpu.memory_space<semaphore_mem>>)
      %add3A_222 = arith.constant 5 : i32
      %add3A_223 = arith.addi %add3A_206, %add3A_222 : i32
      %sub3A_224 = arith.constant 2 : i32
      %sub3A_225 = arith.subi %add3A_223, %sub3A_224 : i32
      %lt3A_226 = arith.constant 80 : i32
      %lt3A_227 = arith.cmpi slt, %sub3A_225, %lt3A_226 : i32
      %convert_element_type3A_228 = arith.extui %lt3A_227 : i1 to i32
      %cond3A_229 = arith.constant 0 : i32
      %cond3A_230 = arith.cmpi ne, %convert_element_type3A_228, %cond3A_229 : i32
      scf.if %cond3A_230 {
        %ge3A = arith.constant 2 : i32
        %ge3A_231 = arith.cmpi sge, %add3A_206, %ge3A : i32
        %convert_element_type3A_232 = arith.extui %ge3A_231 : i1 to i32
        %cond3A_233 = arith.constant 0 : i32
        %cond3A_234 = arith.cmpi ne, %convert_element_type3A_232, %cond3A_233 : i32
        scf.if %cond3A_234 {
          %mul3A_245 = arith.constant 128 : i32
          %mul3A_246 = arith.muli %add3A_206, %mul3A_245 : i32
          %add3A_247 = arith.addi %mul3A_32, %mul3A_246 : i32
          %dma_wait3A_248 = arith.constant 0 : i32
          %dma_wait3A_249 = tpu.memref_slice %arg4[%select_n3A, %add3A_247, %dma_wait3A_248] : memref<16x20480x128xf32, #tpu.memory_space<hbm>> -> memref<1x128x128xf32, #tpu.memory_space<hbm>>
          %dma_wait3A_250 = tpu.memref_squeeze %dma_wait3A_249 : memref<1x128x128xf32, #tpu.memory_space<hbm>> -> memref<128x128xf32, #tpu.memory_space<hbm>>
          %dma_wait3A_251 = arith.constant 0 : i32
          %dma_wait3A_252 = tpu.memref_slice %arg4[%select_n3A, %add3A_247, %dma_wait3A_251] : memref<16x20480x128xf32, #tpu.memory_space<hbm>> -> memref<1x128x128xf32, #tpu.memory_space<hbm>>
          %dma_wait3A_253 = tpu.memref_squeeze %dma_wait3A_252 : memref<1x128x128xf32, #tpu.memory_space<hbm>> -> memref<128x128xf32, #tpu.memory_space<hbm>>
          tpu.wait_dma2 semaphore(%arg18 : memref<!tpu.dma_semaphore, #tpu.memory_space<semaphore_mem>>) src(%arg8 : memref<128x128xf32, #tpu.memory_space<vmem>>) dst(%dma_wait3A_253 : memref<128x128xf32, #tpu.memory_space<hbm>>)
        } else {
        }
        %add3A_235 = arith.constant 5 : i32
        %add3A_236 = arith.addi %add3A_206, %add3A_235 : i32
        %sub3A_237 = arith.constant 2 : i32
        %sub3A_238 = arith.subi %add3A_236, %sub3A_237 : i32
        %dma_start3A_239 = arith.constant 0 : i32
        %dma_start3A_240 = tpu.memref_slice %arg5[%sub3A_238, %dma_start3A_239] : memref<80x128xi32, #tpu.memory_space<vmem>> -> memref<1x128xi32, #tpu.memory_space<vmem>>
        %dma_start3A_241 = tpu.memref_squeeze %dma_start3A_240 : memref<1x128xi32, #tpu.memory_space<vmem>> -> memref<128xi32, #tpu.memory_space<vmem>>
        %dma_start3A_242 = arith.constant 0 : i32
        %dma_start3A_243 = arith.constant 0 : i32
        %dma_start3A_244 = tpu.memref_slice %arg2[%dma_start3A_242, %dma_start3A_243] : memref<20480x128xf32, #tpu.memory_space<hbm>> -> memref<20480x128xf32, #tpu.memory_space<hbm>>
        tpu.enqueue_indirect_dma source(%dma_start3A_244 : memref<20480x128xf32, #tpu.memory_space<hbm>>) target(%arg8 : memref<128x128xf32, #tpu.memory_space<vmem>>) offsets(%dma_start3A_241 : memref<128xi32, #tpu.memory_space<vmem>>) semaphore(%arg13 : memref<!tpu.dma_semaphore, #tpu.memory_space<semaphore_mem>>)
      } else {
      }
    }
    %scan3A_58 = arith.constant 16 : i32
    %add3A_59 = arith.constant 0 : i32
    %add3A_60 = arith.addi %mul3A_32, %add3A_59 : i32
    %dma_wait3A = arith.constant 0 : i32
    %dma_wait3A_61 = tpu.memref_slice %arg4[%select_n3A, %add3A_60, %dma_wait3A] : memref<16x20480x128xf32, #tpu.memory_space<hbm>> -> memref<1x128x128xf32, #tpu.memory_space<hbm>>
    %dma_wait3A_62 = tpu.memref_squeeze %dma_wait3A_61 : memref<1x128x128xf32, #tpu.memory_space<hbm>> -> memref<128x128xf32, #tpu.memory_space<hbm>>
    %dma_wait3A_63 = arith.constant 0 : i32
    %dma_wait3A_64 = tpu.memref_slice %arg4[%select_n3A, %add3A_60, %dma_wait3A_63] : memref<16x20480x128xf32, #tpu.memory_space<hbm>> -> memref<1x128x128xf32, #tpu.memory_space<hbm>>
    %dma_wait3A_65 = tpu.memref_squeeze %dma_wait3A_64 : memref<1x128x128xf32, #tpu.memory_space<hbm>> -> memref<128x128xf32, #tpu.memory_space<hbm>>
    tpu.wait_dma2 semaphore(%arg16 : memref<!tpu.dma_semaphore, #tpu.memory_space<semaphore_mem>>) src(%arg6 : memref<128x128xf32, #tpu.memory_space<vmem>>) dst(%dma_wait3A_65 : memref<128x128xf32, #tpu.memory_space<hbm>>)
    %add3A_66 = arith.constant 0 : i32
    %add3A_67 = arith.addi %mul3A_32, %add3A_66 : i32
    %dma_wait3A_68 = arith.constant 0 : i32
    %dma_wait3A_69 = tpu.memref_slice %arg4[%select_n3A, %add3A_67, %dma_wait3A_68] : memref<16x20480x128xf32, #tpu.memory_space<hbm>> -> memref<1x128x128xf32, #tpu.memory_space<hbm>>
    %dma_wait3A_70 = tpu.memref_squeeze %dma_wait3A_69 : memref<1x128x128xf32, #tpu.memory_space<hbm>> -> memref<128x128xf32, #tpu.memory_space<hbm>>
    %dma_wait3A_71 = arith.constant 0 : i32
    %dma_wait3A_72 = tpu.memref_slice %arg4[%select_n3A, %add3A_67, %dma_wait3A_71] : memref<16x20480x128xf32, #tpu.memory_space<hbm>> -> memref<1x128x128xf32, #tpu.memory_space<hbm>>
    %dma_wait3A_73 = tpu.memref_squeeze %dma_wait3A_72 : memref<1x128x128xf32, #tpu.memory_space<hbm>> -> memref<128x128xf32, #tpu.memory_space<hbm>>
    tpu.wait_dma2 semaphore(%arg17 : memref<!tpu.dma_semaphore, #tpu.memory_space<semaphore_mem>>) src(%arg7 : memref<128x128xf32, #tpu.memory_space<vmem>>) dst(%dma_wait3A_73 : memref<128x128xf32, #tpu.memory_space<hbm>>)
    %add3A_74 = arith.constant 0 : i32
    %add3A_75 = arith.addi %mul3A_32, %add3A_74 : i32
    %dma_wait3A_76 = arith.constant 0 : i32
    %dma_wait3A_77 = tpu.memref_slice %arg4[%select_n3A, %add3A_75, %dma_wait3A_76] : memref<16x20480x128xf32, #tpu.memory_space<hbm>> -> memref<1x128x128xf32, #tpu.memory_space<hbm>>
    %dma_wait3A_78 = tpu.memref_squeeze %dma_wait3A_77 : memref<1x128x128xf32, #tpu.memory_space<hbm>> -> memref<128x128xf32, #tpu.memory_space<hbm>>
    %dma_wait3A_79 = arith.constant 0 : i32
    %dma_wait3A_80 = tpu.memref_slice %arg4[%select_n3A, %add3A_75, %dma_wait3A_79] : memref<16x20480x128xf32, #tpu.memory_space<hbm>> -> memref<1x128x128xf32, #tpu.memory_space<hbm>>
    %dma_wait3A_81 = tpu.memref_squeeze %dma_wait3A_80 : memref<1x128x128xf32, #tpu.memory_space<hbm>> -> memref<128x128xf32, #tpu.memory_space<hbm>>
    tpu.wait_dma2 semaphore(%arg18 : memref<!tpu.dma_semaphore, #tpu.memory_space<semaphore_mem>>) src(%arg8 : memref<128x128xf32, #tpu.memory_space<vmem>>) dst(%dma_wait3A_81 : memref<128x128xf32, #tpu.memory_space<hbm>>)
    %add3A_82 = arith.constant 0 : i32
    %add3A_83 = arith.addi %mul3A_32, %add3A_82 : i32
    %dma_wait3A_84 = arith.constant 0 : i32
    %dma_wait3A_85 = tpu.memref_slice %arg4[%select_n3A, %add3A_83, %dma_wait3A_84] : memref<16x20480x128xf32, #tpu.memory_space<hbm>> -> memref<1x128x128xf32, #tpu.memory_space<hbm>>
    %dma_wait3A_86 = tpu.memref_squeeze %dma_wait3A_85 : memref<1x128x128xf32, #tpu.memory_space<hbm>> -> memref<128x128xf32, #tpu.memory_space<hbm>>
    %dma_wait3A_87 = arith.constant 0 : i32
    %dma_wait3A_88 = tpu.memref_slice %arg4[%select_n3A, %add3A_83, %dma_wait3A_87] : memref<16x20480x128xf32, #tpu.memory_space<hbm>> -> memref<1x128x128xf32, #tpu.memory_space<hbm>>
    %dma_wait3A_89 = tpu.memref_squeeze %dma_wait3A_88 : memref<1x128x128xf32, #tpu.memory_space<hbm>> -> memref<128x128xf32, #tpu.memory_space<hbm>>
    tpu.wait_dma2 semaphore(%arg19 : memref<!tpu.dma_semaphore, #tpu.memory_space<semaphore_mem>>) src(%arg9 : memref<128x128xf32, #tpu.memory_space<vmem>>) dst(%dma_wait3A_89 : memref<128x128xf32, #tpu.memory_space<hbm>>)
    %add3A_90 = arith.constant 0 : i32
    %add3A_91 = arith.addi %mul3A_32, %add3A_90 : i32
    %dma_wait3A_92 = arith.constant 0 : i32
    %dma_wait3A_93 = tpu.memref_slice %arg4[%select_n3A, %add3A_91, %dma_wait3A_92] : memref<16x20480x128xf32, #tpu.memory_space<hbm>> -> memref<1x128x128xf32, #tpu.memory_space<hbm>>
    %dma_wait3A_94 = tpu.memref_squeeze %dma_wait3A_93 : memref<1x128x128xf32, #tpu.memory_space<hbm>> -> memref<128x128xf32, #tpu.memory_space<hbm>>
    %dma_wait3A_95 = arith.constant 0 : i32
    %dma_wait3A_96 = tpu.memref_slice %arg4[%select_n3A, %add3A_91, %dma_wait3A_95] : memref<16x20480x128xf32, #tpu.memory_space<hbm>> -> memref<1x128x128xf32, #tpu.memory_space<hbm>>
    %dma_wait3A_97 = tpu.memref_squeeze %dma_wait3A_96 : memref<1x128x128xf32, #tpu.memory_space<hbm>> -> memref<128x128xf32, #tpu.memory_space<hbm>>
    tpu.wait_dma2 semaphore(%arg20 : memref<!tpu.dma_semaphore, #tpu.memory_space<semaphore_mem>>) src(%arg10 : memref<128x128xf32, #tpu.memory_space<vmem>>) dst(%dma_wait3A_97 : memref<128x128xf32, #tpu.memory_space<hbm>>)
    return
  }
}

#map = affine_map<(d0, d1) -> (0, 0)>
#map1 = affine_map<(d0, d1) -> (0, 0, 0)>
module attributes {stable_mosaic.version = 14 : i64} {
  func.func @kbody(%arg0: i32, %arg1: i32, %arg2: memref<20480x64xf32, #tpu.memory_space<hbm>>, %arg3: memref<2560x128xi32, #tpu.memory_space<hbm>>, %arg4: memref<16x20480x128xf32, #tpu.memory_space<hbm>>, %arg5: memref<80x128xi32, #tpu.memory_space<vmem>>, %arg6: memref<128x64xf32, #tpu.memory_space<vmem>>, %arg7: memref<128x64xf32, #tpu.memory_space<vmem>>, %arg8: memref<128x64xf32, #tpu.memory_space<vmem>>, %arg9: memref<128x64xf32, #tpu.memory_space<vmem>>, %arg10: memref<128x64xf32, #tpu.memory_space<vmem>>, %arg11: memref<128x64xf32, #tpu.memory_space<vmem>>, %arg12: memref<128x64xf32, #tpu.memory_space<vmem>>, %arg13: memref<128x64xf32, #tpu.memory_space<vmem>>, %arg14: memref<!tpu.dma_semaphore, #tpu.memory_space<semaphore_mem>>, %arg15: memref<!tpu.dma_semaphore, #tpu.memory_space<semaphore_mem>>, %arg16: memref<!tpu.dma_semaphore, #tpu.memory_space<semaphore_mem>>, %arg17: memref<!tpu.dma_semaphore, #tpu.memory_space<semaphore_mem>>, %arg18: memref<!tpu.dma_semaphore, #tpu.memory_space<semaphore_mem>>, %arg19: memref<!tpu.dma_semaphore, #tpu.memory_space<semaphore_mem>>, %arg20: memref<!tpu.dma_semaphore, #tpu.memory_space<semaphore_mem>>, %arg21: memref<!tpu.dma_semaphore, #tpu.memory_space<semaphore_mem>>, %arg22: memref<!tpu.dma_semaphore, #tpu.memory_space<semaphore_mem>>, %arg23: memref<!tpu.dma_semaphore, #tpu.memory_space<semaphore_mem>>, %arg24: memref<!tpu.dma_semaphore, #tpu.memory_space<semaphore_mem>>, %arg25: memref<!tpu.dma_semaphore, #tpu.memory_space<semaphore_mem>>, %arg26: memref<!tpu.dma_semaphore, #tpu.memory_space<semaphore_mem>>, %arg27: memref<!tpu.dma_semaphore, #tpu.memory_space<semaphore_mem>>, %arg28: memref<!tpu.dma_semaphore, #tpu.memory_space<semaphore_mem>>, %arg29: memref<!tpu.dma_semaphore, #tpu.memory_space<semaphore_mem>>) attributes {dimension_semantics = [#tpu.dimension_semantics<core_parallel>, #tpu.dimension_semantics<subcore_parallel>], iteration_bounds = array<i64: 2, 16>, scalar_prefetch = 0 : i64, scratch_operands = 25 : i64, tpu.core_type = #tpu.core_type<sc_vector_subcore>, window_params = [{transform_indices = #map}, {transform_indices = #map}, {transform_indices = #map1}]} {
    %mul3A = arith.constant 2 : i32
    %mul3A_0 = arith.muli %arg1, %mul3A : i32
    %add3A = arith.addi %mul3A_0, %arg0 : i32
    %jit3A = arith.constant 2 : i32
    %div3A = arith.divsi %add3A, %jit3A : i32
    %sign3A = arith.constant 0 : i32
    %sign3A_1 = arith.cmpi sgt, %add3A, %sign3A : i32
    %sign3A_2 = arith.extui %sign3A_1 : i1 to i32
    %sign3A_3 = arith.constant 0 : i32
    %sign3A_4 = arith.cmpi slt, %add3A, %sign3A_3 : i32
    %sign3A_5 = arith.extui %sign3A_4 : i1 to i32
    %sign3A_6 = arith.subi %sign3A_2, %sign3A_5 : i32
    %sign3A_7 = arith.constant 0 : i32
    %sign3A_8 = arith.cmpi sgt, %jit3A, %sign3A_7 : i32
    %sign3A_9 = arith.extui %sign3A_8 : i1 to i32
    %sign3A_10 = arith.constant 0 : i32
    %sign3A_11 = arith.cmpi slt, %jit3A, %sign3A_10 : i32
    %sign3A_12 = arith.extui %sign3A_11 : i1 to i32
    %sign3A_13 = arith.subi %sign3A_9, %sign3A_12 : i32
    %ne3A = arith.cmpi ne, %sign3A_6, %sign3A_13 : i32
    %rem3A = arith.remsi %add3A, %jit3A : i32
    %ne3A_14 = arith.constant 0 : i32
    %ne3A_15 = arith.cmpi ne, %rem3A, %ne3A_14 : i32
    %and3A = arith.andi %ne3A, %ne3A_15 : i1
    %sub3A = arith.constant 1 : i32
    %sub3A_16 = arith.subi %div3A, %sub3A : i32
    %select_n3A = arith.select %and3A, %sub3A_16, %div3A : i32
    %jit3A_17 = arith.constant 2 : i32
    %eq3A = arith.constant 0 : i32
    %eq3A_18 = arith.cmpi eq, %jit3A_17, %eq3A : i32
    %jit3A_19 = arith.constant 1 : i32
    %select_n3A_20 = arith.select %eq3A_18, %jit3A_19, %jit3A_17 : i32
    %rem3A_21 = arith.remsi %add3A, %select_n3A_20 : i32
    %ne3A_22 = arith.constant 0 : i32
    %ne3A_23 = arith.cmpi ne, %rem3A_21, %ne3A_22 : i32
    %lt3A = arith.constant 0 : i32
    %lt3A_24 = arith.cmpi slt, %rem3A_21, %lt3A : i32
    %lt3A_25 = arith.constant 0 : i32
    %lt3A_26 = arith.cmpi slt, %select_n3A_20, %lt3A_25 : i32
    %ne3A_27 = arith.xori %lt3A_24, %lt3A_26 : i1
    %and3A_28 = arith.andi %ne3A_27, %ne3A_23 : i1
    %add3A_29 = arith.addi %rem3A_21, %select_n3A_20 : i32
    %select_n3A_30 = arith.select %and3A_28, %add3A_29, %rem3A_21 : i32
    %mul3A_31 = arith.constant 10240 : i32
    %mul3A_32 = arith.muli %select_n3A_30, %mul3A_31 : i32
    %mul3A_33 = arith.constant 80 : i32
    %mul3A_34 = arith.muli %add3A, %mul3A_33 : i32
    "tpu.region"() ({
      %run_scoped3A = tpu.sem_alloc : memref<!tpu.dma_semaphore, #tpu.memory_space<semaphore_mem>>
      %dma_start3A_143 = arith.constant 0 : i32
      %dma_start3A_144 = tpu.memref_slice %arg3[%mul3A_34, %dma_start3A_143] : memref<2560x128xi32, #tpu.memory_space<hbm>> -> memref<80x128xi32, #tpu.memory_space<hbm>>
      %dma_start3A_145 = arith.constant 0 : i32
      %dma_start3A_146 = tpu.memref_slice %arg3[%mul3A_34, %dma_start3A_145] : memref<2560x128xi32, #tpu.memory_space<hbm>> -> memref<80x128xi32, #tpu.memory_space<hbm>>
      tpu.enqueue_dma source(%dma_start3A_146 : memref<80x128xi32, #tpu.memory_space<hbm>>) target(%arg5 : memref<80x128xi32, #tpu.memory_space<vmem>>) target_semaphore(%run_scoped3A : memref<!tpu.dma_semaphore, #tpu.memory_space<semaphore_mem>>)
      %dma_wait3A_147 = arith.constant 0 : i32
      %dma_wait3A_148 = tpu.memref_slice %arg3[%mul3A_34, %dma_wait3A_147] : memref<2560x128xi32, #tpu.memory_space<hbm>> -> memref<80x128xi32, #tpu.memory_space<hbm>>
      %dma_wait3A_149 = arith.constant 0 : i32
      %dma_wait3A_150 = tpu.memref_slice %arg3[%mul3A_34, %dma_wait3A_149] : memref<2560x128xi32, #tpu.memory_space<hbm>> -> memref<80x128xi32, #tpu.memory_space<hbm>>
      tpu.wait_dma2 semaphore(%run_scoped3A : memref<!tpu.dma_semaphore, #tpu.memory_space<semaphore_mem>>) src(%dma_wait3A_150 : memref<80x128xi32, #tpu.memory_space<hbm>>) dst(%arg5 : memref<80x128xi32, #tpu.memory_space<vmem>>)
      tpu.yield
    }) : () -> ()
    %dma_start3A = arith.constant 0 : i32
    %dma_start3A_35 = arith.constant 0 : i32
    %dma_start3A_36 = tpu.memref_slice %arg5[%dma_start3A, %dma_start3A_35] : memref<80x128xi32, #tpu.memory_space<vmem>> -> memref<1x128xi32, #tpu.memory_space<vmem>>
    %dma_start3A_37 = tpu.memref_squeeze %dma_start3A_36 : memref<1x128xi32, #tpu.memory_space<vmem>> -> memref<128xi32, #tpu.memory_space<vmem>>
    %dma_start3A_38 = arith.constant 0 : i32
    %dma_start3A_39 = arith.constant 0 : i32
    %dma_start3A_40 = tpu.memref_slice %arg2[%dma_start3A_38, %dma_start3A_39] : memref<20480x64xf32, #tpu.memory_space<hbm>> -> memref<20480x64xf32, #tpu.memory_space<hbm>>
    tpu.enqueue_indirect_dma source(%dma_start3A_40 : memref<20480x64xf32, #tpu.memory_space<hbm>>) target(%arg6 : memref<128x64xf32, #tpu.memory_space<vmem>>) offsets(%dma_start3A_37 : memref<128xi32, #tpu.memory_space<vmem>>) semaphore(%arg14 : memref<!tpu.dma_semaphore, #tpu.memory_space<semaphore_mem>>)
    %dma_start3A_41 = arith.constant 1 : i32
    %dma_start3A_42 = arith.constant 0 : i32
    %dma_start3A_43 = tpu.memref_slice %arg5[%dma_start3A_41, %dma_start3A_42] : memref<80x128xi32, #tpu.memory_space<vmem>> -> memref<1x128xi32, #tpu.memory_space<vmem>>
    %dma_start3A_44 = tpu.memref_squeeze %dma_start3A_43 : memref<1x128xi32, #tpu.memory_space<vmem>> -> memref<128xi32, #tpu.memory_space<vmem>>
    %dma_start3A_45 = arith.constant 0 : i32
    %dma_start3A_46 = arith.constant 0 : i32
    %dma_start3A_47 = tpu.memref_slice %arg2[%dma_start3A_45, %dma_start3A_46] : memref<20480x64xf32, #tpu.memory_space<hbm>> -> memref<20480x64xf32, #tpu.memory_space<hbm>>
    tpu.enqueue_indirect_dma source(%dma_start3A_47 : memref<20480x64xf32, #tpu.memory_space<hbm>>) target(%arg7 : memref<128x64xf32, #tpu.memory_space<vmem>>) offsets(%dma_start3A_44 : memref<128xi32, #tpu.memory_space<vmem>>) semaphore(%arg15 : memref<!tpu.dma_semaphore, #tpu.memory_space<semaphore_mem>>)
    %dma_start3A_48 = arith.constant 2 : i32
    %dma_start3A_49 = arith.constant 0 : i32
    %dma_start3A_50 = tpu.memref_slice %arg5[%dma_start3A_48, %dma_start3A_49] : memref<80x128xi32, #tpu.memory_space<vmem>> -> memref<1x128xi32, #tpu.memory_space<vmem>>
    %dma_start3A_51 = tpu.memref_squeeze %dma_start3A_50 : memref<1x128xi32, #tpu.memory_space<vmem>> -> memref<128xi32, #tpu.memory_space<vmem>>
    %dma_start3A_52 = arith.constant 0 : i32
    %dma_start3A_53 = arith.constant 0 : i32
    %dma_start3A_54 = tpu.memref_slice %arg2[%dma_start3A_52, %dma_start3A_53] : memref<20480x64xf32, #tpu.memory_space<hbm>> -> memref<20480x64xf32, #tpu.memory_space<hbm>>
    tpu.enqueue_indirect_dma source(%dma_start3A_54 : memref<20480x64xf32, #tpu.memory_space<hbm>>) target(%arg8 : memref<128x64xf32, #tpu.memory_space<vmem>>) offsets(%dma_start3A_51 : memref<128xi32, #tpu.memory_space<vmem>>) semaphore(%arg16 : memref<!tpu.dma_semaphore, #tpu.memory_space<semaphore_mem>>)
    %dma_start3A_55 = arith.constant 3 : i32
    %dma_start3A_56 = arith.constant 0 : i32
    %dma_start3A_57 = tpu.memref_slice %arg5[%dma_start3A_55, %dma_start3A_56] : memref<80x128xi32, #tpu.memory_space<vmem>> -> memref<1x128xi32, #tpu.memory_space<vmem>>
    %dma_start3A_58 = tpu.memref_squeeze %dma_start3A_57 : memref<1x128xi32, #tpu.memory_space<vmem>> -> memref<128xi32, #tpu.memory_space<vmem>>
    %dma_start3A_59 = arith.constant 0 : i32
    %dma_start3A_60 = arith.constant 0 : i32
    %dma_start3A_61 = tpu.memref_slice %arg2[%dma_start3A_59, %dma_start3A_60] : memref<20480x64xf32, #tpu.memory_space<hbm>> -> memref<20480x64xf32, #tpu.memory_space<hbm>>
    tpu.enqueue_indirect_dma source(%dma_start3A_61 : memref<20480x64xf32, #tpu.memory_space<hbm>>) target(%arg9 : memref<128x64xf32, #tpu.memory_space<vmem>>) offsets(%dma_start3A_58 : memref<128xi32, #tpu.memory_space<vmem>>) semaphore(%arg17 : memref<!tpu.dma_semaphore, #tpu.memory_space<semaphore_mem>>)
    %dma_start3A_62 = arith.constant 4 : i32
    %dma_start3A_63 = arith.constant 0 : i32
    %dma_start3A_64 = tpu.memref_slice %arg5[%dma_start3A_62, %dma_start3A_63] : memref<80x128xi32, #tpu.memory_space<vmem>> -> memref<1x128xi32, #tpu.memory_space<vmem>>
    %dma_start3A_65 = tpu.memref_squeeze %dma_start3A_64 : memref<1x128xi32, #tpu.memory_space<vmem>> -> memref<128xi32, #tpu.memory_space<vmem>>
    %dma_start3A_66 = arith.constant 0 : i32
    %dma_start3A_67 = arith.constant 0 : i32
    %dma_start3A_68 = tpu.memref_slice %arg2[%dma_start3A_66, %dma_start3A_67] : memref<20480x64xf32, #tpu.memory_space<hbm>> -> memref<20480x64xf32, #tpu.memory_space<hbm>>
    tpu.enqueue_indirect_dma source(%dma_start3A_68 : memref<20480x64xf32, #tpu.memory_space<hbm>>) target(%arg10 : memref<128x64xf32, #tpu.memory_space<vmem>>) offsets(%dma_start3A_65 : memref<128xi32, #tpu.memory_space<vmem>>) semaphore(%arg18 : memref<!tpu.dma_semaphore, #tpu.memory_space<semaphore_mem>>)
    %dma_start3A_69 = arith.constant 5 : i32
    %dma_start3A_70 = arith.constant 0 : i32
    %dma_start3A_71 = tpu.memref_slice %arg5[%dma_start3A_69, %dma_start3A_70] : memref<80x128xi32, #tpu.memory_space<vmem>> -> memref<1x128xi32, #tpu.memory_space<vmem>>
    %dma_start3A_72 = tpu.memref_squeeze %dma_start3A_71 : memref<1x128xi32, #tpu.memory_space<vmem>> -> memref<128xi32, #tpu.memory_space<vmem>>
    %dma_start3A_73 = arith.constant 0 : i32
    %dma_start3A_74 = arith.constant 0 : i32
    %dma_start3A_75 = tpu.memref_slice %arg2[%dma_start3A_73, %dma_start3A_74] : memref<20480x64xf32, #tpu.memory_space<hbm>> -> memref<20480x64xf32, #tpu.memory_space<hbm>>
    tpu.enqueue_indirect_dma source(%dma_start3A_75 : memref<20480x64xf32, #tpu.memory_space<hbm>>) target(%arg11 : memref<128x64xf32, #tpu.memory_space<vmem>>) offsets(%dma_start3A_72 : memref<128xi32, #tpu.memory_space<vmem>>) semaphore(%arg19 : memref<!tpu.dma_semaphore, #tpu.memory_space<semaphore_mem>>)
    %scan3A = arith.constant 0 : i32
    %scan3A_76 = arith.constant 10 : i32
    %scan3A_77 = arith.addi %scan3A, %scan3A_76 : i32
    %scan3A_78 = arith.constant 1 : i32
    scf.for %scan3A_143 = %scan3A to %scan3A_77 step %scan3A_78  : i32 {
      %mul3A_144 = arith.constant 8 : i32
      %mul3A_145 = arith.muli %scan3A_143, %mul3A_144 : i32
      %add3A_146 = arith.constant 0 : i32
      %add3A_147 = arith.addi %add3A_146, %mul3A_145 : i32
      %add3A_148 = arith.constant 0 : i32
      %add3A_149 = arith.addi %add3A_147, %add3A_148 : i32
      %dma_wait3A_150 = arith.constant 0 : i32
      %dma_wait3A_151 = tpu.memref_slice %arg5[%add3A_149, %dma_wait3A_150] : memref<80x128xi32, #tpu.memory_space<vmem>> -> memref<1x128xi32, #tpu.memory_space<vmem>>
      %dma_wait3A_152 = tpu.memref_squeeze %dma_wait3A_151 : memref<1x128xi32, #tpu.memory_space<vmem>> -> memref<128xi32, #tpu.memory_space<vmem>>
      %dma_wait3A_153 = arith.constant 0 : i32
      %dma_wait3A_154 = arith.constant 0 : i32
      %dma_wait3A_155 = tpu.memref_slice %arg2[%dma_wait3A_153, %dma_wait3A_154] : memref<20480x64xf32, #tpu.memory_space<hbm>> -> memref<20480x64xf32, #tpu.memory_space<hbm>>
      tpu.wait_indirect_dma semaphore(%arg14 : memref<!tpu.dma_semaphore, #tpu.memory_space<semaphore_mem>>) src(%dma_wait3A_155 : memref<20480x64xf32, #tpu.memory_space<hbm>>) dst(%arg6 : memref<128x64xf32, #tpu.memory_space<vmem>>)
      %mul3A_156 = arith.constant 128 : i32
      %mul3A_157 = arith.muli %add3A_149, %mul3A_156 : i32
      %add3A_158 = arith.addi %mul3A_32, %mul3A_157 : i32
      %dma_start3A_159 = arith.constant 0 : i32
      %dma_start3A_160 = tpu.memref_slice %arg4[%select_n3A, %add3A_158, %dma_start3A_159] : memref<16x20480x128xf32, #tpu.memory_space<hbm>> -> memref<1x128x64xf32, #tpu.memory_space<hbm>>
      %dma_start3A_161 = tpu.memref_squeeze %dma_start3A_160 : memref<1x128x64xf32, #tpu.memory_space<hbm>> -> memref<128x64xf32, #tpu.memory_space<hbm>>
      %dma_start3A_162 = arith.constant 0 : i32
      %dma_start3A_163 = tpu.memref_slice %arg4[%select_n3A, %add3A_158, %dma_start3A_162] : memref<16x20480x128xf32, #tpu.memory_space<hbm>> -> memref<1x128x64xf32, #tpu.memory_space<hbm>>
      %dma_start3A_164 = tpu.memref_squeeze %dma_start3A_163 : memref<1x128x64xf32, #tpu.memory_space<hbm>> -> memref<128x64xf32, #tpu.memory_space<hbm>>
      tpu.enqueue_dma source(%arg6 : memref<128x64xf32, #tpu.memory_space<vmem>>) target(%dma_start3A_164 : memref<128x64xf32, #tpu.memory_space<hbm>>) target_semaphore(%arg22 : memref<!tpu.dma_semaphore, #tpu.memory_space<semaphore_mem>>)
      %add3A_165 = arith.constant 8 : i32
      %add3A_166 = arith.addi %add3A_149, %add3A_165 : i32
      %sub3A_167 = arith.constant 2 : i32
      %sub3A_168 = arith.subi %add3A_166, %sub3A_167 : i32
      %lt3A_169 = arith.constant 80 : i32
      %lt3A_170 = arith.cmpi slt, %sub3A_168, %lt3A_169 : i32
      %convert_element_type3A = arith.extui %lt3A_170 : i1 to i32
      %cond3A = arith.constant 0 : i32
      %cond3A_171 = arith.cmpi ne, %convert_element_type3A, %cond3A : i32
      scf.if %cond3A_171 {
        %ge3A = arith.constant 2 : i32
        %ge3A_354 = arith.cmpi sge, %add3A_149, %ge3A : i32
        %convert_element_type3A_355 = arith.extui %ge3A_354 : i1 to i32
        %cond3A_356 = arith.constant 0 : i32
        %cond3A_357 = arith.cmpi ne, %convert_element_type3A_355, %cond3A_356 : i32
        scf.if %cond3A_357 {
          %mul3A_368 = arith.constant 128 : i32
          %mul3A_369 = arith.muli %add3A_149, %mul3A_368 : i32
          %add3A_370 = arith.addi %mul3A_32, %mul3A_369 : i32
          %dma_wait3A_371 = arith.constant 0 : i32
          %dma_wait3A_372 = tpu.memref_slice %arg4[%select_n3A, %add3A_370, %dma_wait3A_371] : memref<16x20480x128xf32, #tpu.memory_space<hbm>> -> memref<1x128x64xf32, #tpu.memory_space<hbm>>
          %dma_wait3A_373 = tpu.memref_squeeze %dma_wait3A_372 : memref<1x128x64xf32, #tpu.memory_space<hbm>> -> memref<128x64xf32, #tpu.memory_space<hbm>>
          %dma_wait3A_374 = arith.constant 0 : i32
          %dma_wait3A_375 = tpu.memref_slice %arg4[%select_n3A, %add3A_370, %dma_wait3A_374] : memref<16x20480x128xf32, #tpu.memory_space<hbm>> -> memref<1x128x64xf32, #tpu.memory_space<hbm>>
          %dma_wait3A_376 = tpu.memref_squeeze %dma_wait3A_375 : memref<1x128x64xf32, #tpu.memory_space<hbm>> -> memref<128x64xf32, #tpu.memory_space<hbm>>
          tpu.wait_dma2 semaphore(%arg28 : memref<!tpu.dma_semaphore, #tpu.memory_space<semaphore_mem>>) src(%arg12 : memref<128x64xf32, #tpu.memory_space<vmem>>) dst(%dma_wait3A_376 : memref<128x64xf32, #tpu.memory_space<hbm>>)
        } else {
        }
        %add3A_358 = arith.constant 8 : i32
        %add3A_359 = arith.addi %add3A_149, %add3A_358 : i32
        %sub3A_360 = arith.constant 2 : i32
        %sub3A_361 = arith.subi %add3A_359, %sub3A_360 : i32
        %dma_start3A_362 = arith.constant 0 : i32
        %dma_start3A_363 = tpu.memref_slice %arg5[%sub3A_361, %dma_start3A_362] : memref<80x128xi32, #tpu.memory_space<vmem>> -> memref<1x128xi32, #tpu.memory_space<vmem>>
        %dma_start3A_364 = tpu.memref_squeeze %dma_start3A_363 : memref<1x128xi32, #tpu.memory_space<vmem>> -> memref<128xi32, #tpu.memory_space<vmem>>
        %dma_start3A_365 = arith.constant 0 : i32
        %dma_start3A_366 = arith.constant 0 : i32
        %dma_start3A_367 = tpu.memref_slice %arg2[%dma_start3A_365, %dma_start3A_366] : memref<20480x64xf32, #tpu.memory_space<hbm>> -> memref<20480x64xf32, #tpu.memory_space<hbm>>
        tpu.enqueue_indirect_dma source(%dma_start3A_367 : memref<20480x64xf32, #tpu.memory_space<hbm>>) target(%arg12 : memref<128x64xf32, #tpu.memory_space<vmem>>) offsets(%dma_start3A_364 : memref<128xi32, #tpu.memory_space<vmem>>) semaphore(%arg20 : memref<!tpu.dma_semaphore, #tpu.memory_space<semaphore_mem>>)
      } else {
      }
      %add3A_172 = arith.constant 1 : i32
      %add3A_173 = arith.addi %add3A_147, %add3A_172 : i32
      %dma_wait3A_174 = arith.constant 0 : i32
      %dma_wait3A_175 = tpu.memref_slice %arg5[%add3A_173, %dma_wait3A_174] : memref<80x128xi32, #tpu.memory_space<vmem>> -> memref<1x128xi32, #tpu.memory_space<vmem>>
      %dma_wait3A_176 = tpu.memref_squeeze %dma_wait3A_175 : memref<1x128xi32, #tpu.memory_space<vmem>> -> memref<128xi32, #tpu.memory_space<vmem>>
      %dma_wait3A_177 = arith.constant 0 : i32
      %dma_wait3A_178 = arith.constant 0 : i32
      %dma_wait3A_179 = tpu.memref_slice %arg2[%dma_wait3A_177, %dma_wait3A_178] : memref<20480x64xf32, #tpu.memory_space<hbm>> -> memref<20480x64xf32, #tpu.memory_space<hbm>>
      tpu.wait_indirect_dma semaphore(%arg15 : memref<!tpu.dma_semaphore, #tpu.memory_space<semaphore_mem>>) src(%dma_wait3A_179 : memref<20480x64xf32, #tpu.memory_space<hbm>>) dst(%arg7 : memref<128x64xf32, #tpu.memory_space<vmem>>)
      %mul3A_180 = arith.constant 128 : i32
      %mul3A_181 = arith.muli %add3A_173, %mul3A_180 : i32
      %add3A_182 = arith.addi %mul3A_32, %mul3A_181 : i32
      %dma_start3A_183 = arith.constant 0 : i32
      %dma_start3A_184 = tpu.memref_slice %arg4[%select_n3A, %add3A_182, %dma_start3A_183] : memref<16x20480x128xf32, #tpu.memory_space<hbm>> -> memref<1x128x64xf32, #tpu.memory_space<hbm>>
      %dma_start3A_185 = tpu.memref_squeeze %dma_start3A_184 : memref<1x128x64xf32, #tpu.memory_space<hbm>> -> memref<128x64xf32, #tpu.memory_space<hbm>>
      %dma_start3A_186 = arith.constant 0 : i32
      %dma_start3A_187 = tpu.memref_slice %arg4[%select_n3A, %add3A_182, %dma_start3A_186] : memref<16x20480x128xf32, #tpu.memory_space<hbm>> -> memref<1x128x64xf32, #tpu.memory_space<hbm>>
      %dma_start3A_188 = tpu.memref_squeeze %dma_start3A_187 : memref<1x128x64xf32, #tpu.memory_space<hbm>> -> memref<128x64xf32, #tpu.memory_space<hbm>>
      tpu.enqueue_dma source(%arg7 : memref<128x64xf32, #tpu.memory_space<vmem>>) target(%dma_start3A_188 : memref<128x64xf32, #tpu.memory_space<hbm>>) target_semaphore(%arg23 : memref<!tpu.dma_semaphore, #tpu.memory_space<semaphore_mem>>)
      %add3A_189 = arith.constant 8 : i32
      %add3A_190 = arith.addi %add3A_173, %add3A_189 : i32
      %sub3A_191 = arith.constant 2 : i32
      %sub3A_192 = arith.subi %add3A_190, %sub3A_191 : i32
      %lt3A_193 = arith.constant 80 : i32
      %lt3A_194 = arith.cmpi slt, %sub3A_192, %lt3A_193 : i32
      %convert_element_type3A_195 = arith.extui %lt3A_194 : i1 to i32
      %cond3A_196 = arith.constant 0 : i32
      %cond3A_197 = arith.cmpi ne, %convert_element_type3A_195, %cond3A_196 : i32
      scf.if %cond3A_197 {
        %ge3A = arith.constant 2 : i32
        %ge3A_354 = arith.cmpi sge, %add3A_173, %ge3A : i32
        %convert_element_type3A_355 = arith.extui %ge3A_354 : i1 to i32
        %cond3A_356 = arith.constant 0 : i32
        %cond3A_357 = arith.cmpi ne, %convert_element_type3A_355, %cond3A_356 : i32
        scf.if %cond3A_357 {
          %mul3A_368 = arith.constant 128 : i32
          %mul3A_369 = arith.muli %add3A_173, %mul3A_368 : i32
          %add3A_370 = arith.addi %mul3A_32, %mul3A_369 : i32
          %dma_wait3A_371 = arith.constant 0 : i32
          %dma_wait3A_372 = tpu.memref_slice %arg4[%select_n3A, %add3A_370, %dma_wait3A_371] : memref<16x20480x128xf32, #tpu.memory_space<hbm>> -> memref<1x128x64xf32, #tpu.memory_space<hbm>>
          %dma_wait3A_373 = tpu.memref_squeeze %dma_wait3A_372 : memref<1x128x64xf32, #tpu.memory_space<hbm>> -> memref<128x64xf32, #tpu.memory_space<hbm>>
          %dma_wait3A_374 = arith.constant 0 : i32
          %dma_wait3A_375 = tpu.memref_slice %arg4[%select_n3A, %add3A_370, %dma_wait3A_374] : memref<16x20480x128xf32, #tpu.memory_space<hbm>> -> memref<1x128x64xf32, #tpu.memory_space<hbm>>
          %dma_wait3A_376 = tpu.memref_squeeze %dma_wait3A_375 : memref<1x128x64xf32, #tpu.memory_space<hbm>> -> memref<128x64xf32, #tpu.memory_space<hbm>>
          tpu.wait_dma2 semaphore(%arg29 : memref<!tpu.dma_semaphore, #tpu.memory_space<semaphore_mem>>) src(%arg13 : memref<128x64xf32, #tpu.memory_space<vmem>>) dst(%dma_wait3A_376 : memref<128x64xf32, #tpu.memory_space<hbm>>)
        } else {
        }
        %add3A_358 = arith.constant 8 : i32
        %add3A_359 = arith.addi %add3A_173, %add3A_358 : i32
        %sub3A_360 = arith.constant 2 : i32
        %sub3A_361 = arith.subi %add3A_359, %sub3A_360 : i32
        %dma_start3A_362 = arith.constant 0 : i32
        %dma_start3A_363 = tpu.memref_slice %arg5[%sub3A_361, %dma_start3A_362] : memref<80x128xi32, #tpu.memory_space<vmem>> -> memref<1x128xi32, #tpu.memory_space<vmem>>
        %dma_start3A_364 = tpu.memref_squeeze %dma_start3A_363 : memref<1x128xi32, #tpu.memory_space<vmem>> -> memref<128xi32, #tpu.memory_space<vmem>>
        %dma_start3A_365 = arith.constant 0 : i32
        %dma_start3A_366 = arith.constant 0 : i32
        %dma_start3A_367 = tpu.memref_slice %arg2[%dma_start3A_365, %dma_start3A_366] : memref<20480x64xf32, #tpu.memory_space<hbm>> -> memref<20480x64xf32, #tpu.memory_space<hbm>>
        tpu.enqueue_indirect_dma source(%dma_start3A_367 : memref<20480x64xf32, #tpu.memory_space<hbm>>) target(%arg13 : memref<128x64xf32, #tpu.memory_space<vmem>>) offsets(%dma_start3A_364 : memref<128xi32, #tpu.memory_space<vmem>>) semaphore(%arg21 : memref<!tpu.dma_semaphore, #tpu.memory_space<semaphore_mem>>)
      } else {
      }
      %add3A_198 = arith.constant 2 : i32
      %add3A_199 = arith.addi %add3A_147, %add3A_198 : i32
      %dma_wait3A_200 = arith.constant 0 : i32
      %dma_wait3A_201 = tpu.memref_slice %arg5[%add3A_199, %dma_wait3A_200] : memref<80x128xi32, #tpu.memory_space<vmem>> -> memref<1x128xi32, #tpu.memory_space<vmem>>
      %dma_wait3A_202 = tpu.memref_squeeze %dma_wait3A_201 : memref<1x128xi32, #tpu.memory_space<vmem>> -> memref<128xi32, #tpu.memory_space<vmem>>
      %dma_wait3A_203 = arith.constant 0 : i32
      %dma_wait3A_204 = arith.constant 0 : i32
      %dma_wait3A_205 = tpu.memref_slice %arg2[%dma_wait3A_203, %dma_wait3A_204] : memref<20480x64xf32, #tpu.memory_space<hbm>> -> memref<20480x64xf32, #tpu.memory_space<hbm>>
      tpu.wait_indirect_dma semaphore(%arg16 : memref<!tpu.dma_semaphore, #tpu.memory_space<semaphore_mem>>) src(%dma_wait3A_205 : memref<20480x64xf32, #tpu.memory_space<hbm>>) dst(%arg8 : memref<128x64xf32, #tpu.memory_space<vmem>>)
      %mul3A_206 = arith.constant 128 : i32
      %mul3A_207 = arith.muli %add3A_199, %mul3A_206 : i32
      %add3A_208 = arith.addi %mul3A_32, %mul3A_207 : i32
      %dma_start3A_209 = arith.constant 0 : i32
      %dma_start3A_210 = tpu.memref_slice %arg4[%select_n3A, %add3A_208, %dma_start3A_209] : memref<16x20480x128xf32, #tpu.memory_space<hbm>> -> memref<1x128x64xf32, #tpu.memory_space<hbm>>
      %dma_start3A_211 = tpu.memref_squeeze %dma_start3A_210 : memref<1x128x64xf32, #tpu.memory_space<hbm>> -> memref<128x64xf32, #tpu.memory_space<hbm>>
      %dma_start3A_212 = arith.constant 0 : i32
      %dma_start3A_213 = tpu.memref_slice %arg4[%select_n3A, %add3A_208, %dma_start3A_212] : memref<16x20480x128xf32, #tpu.memory_space<hbm>> -> memref<1x128x64xf32, #tpu.memory_space<hbm>>
      %dma_start3A_214 = tpu.memref_squeeze %dma_start3A_213 : memref<1x128x64xf32, #tpu.memory_space<hbm>> -> memref<128x64xf32, #tpu.memory_space<hbm>>
      tpu.enqueue_dma source(%arg8 : memref<128x64xf32, #tpu.memory_space<vmem>>) target(%dma_start3A_214 : memref<128x64xf32, #tpu.memory_space<hbm>>) target_semaphore(%arg24 : memref<!tpu.dma_semaphore, #tpu.memory_space<semaphore_mem>>)
      %add3A_215 = arith.constant 8 : i32
      %add3A_216 = arith.addi %add3A_199, %add3A_215 : i32
      %sub3A_217 = arith.constant 2 : i32
      %sub3A_218 = arith.subi %add3A_216, %sub3A_217 : i32
      %lt3A_219 = arith.constant 80 : i32
      %lt3A_220 = arith.cmpi slt, %sub3A_218, %lt3A_219 : i32
      %convert_element_type3A_221 = arith.extui %lt3A_220 : i1 to i32
      %cond3A_222 = arith.constant 0 : i32
      %cond3A_223 = arith.cmpi ne, %convert_element_type3A_221, %cond3A_222 : i32
      scf.if %cond3A_223 {
        %ge3A = arith.constant 2 : i32
        %ge3A_354 = arith.cmpi sge, %add3A_199, %ge3A : i32
        %convert_element_type3A_355 = arith.extui %ge3A_354 : i1 to i32
        %cond3A_356 = arith.constant 0 : i32
        %cond3A_357 = arith.cmpi ne, %convert_element_type3A_355, %cond3A_356 : i32
        scf.if %cond3A_357 {
          %mul3A_368 = arith.constant 128 : i32
          %mul3A_369 = arith.muli %add3A_199, %mul3A_368 : i32
          %add3A_370 = arith.addi %mul3A_32, %mul3A_369 : i32
          %dma_wait3A_371 = arith.constant 0 : i32
          %dma_wait3A_372 = tpu.memref_slice %arg4[%select_n3A, %add3A_370, %dma_wait3A_371] : memref<16x20480x128xf32, #tpu.memory_space<hbm>> -> memref<1x128x64xf32, #tpu.memory_space<hbm>>
          %dma_wait3A_373 = tpu.memref_squeeze %dma_wait3A_372 : memref<1x128x64xf32, #tpu.memory_space<hbm>> -> memref<128x64xf32, #tpu.memory_space<hbm>>
          %dma_wait3A_374 = arith.constant 0 : i32
          %dma_wait3A_375 = tpu.memref_slice %arg4[%select_n3A, %add3A_370, %dma_wait3A_374] : memref<16x20480x128xf32, #tpu.memory_space<hbm>> -> memref<1x128x64xf32, #tpu.memory_space<hbm>>
          %dma_wait3A_376 = tpu.memref_squeeze %dma_wait3A_375 : memref<1x128x64xf32, #tpu.memory_space<hbm>> -> memref<128x64xf32, #tpu.memory_space<hbm>>
          tpu.wait_dma2 semaphore(%arg22 : memref<!tpu.dma_semaphore, #tpu.memory_space<semaphore_mem>>) src(%arg6 : memref<128x64xf32, #tpu.memory_space<vmem>>) dst(%dma_wait3A_376 : memref<128x64xf32, #tpu.memory_space<hbm>>)
        } else {
        }
        %add3A_358 = arith.constant 8 : i32
        %add3A_359 = arith.addi %add3A_199, %add3A_358 : i32
        %sub3A_360 = arith.constant 2 : i32
        %sub3A_361 = arith.subi %add3A_359, %sub3A_360 : i32
        %dma_start3A_362 = arith.constant 0 : i32
        %dma_start3A_363 = tpu.memref_slice %arg5[%sub3A_361, %dma_start3A_362] : memref<80x128xi32, #tpu.memory_space<vmem>> -> memref<1x128xi32, #tpu.memory_space<vmem>>
        %dma_start3A_364 = tpu.memref_squeeze %dma_start3A_363 : memref<1x128xi32, #tpu.memory_space<vmem>> -> memref<128xi32, #tpu.memory_space<vmem>>
        %dma_start3A_365 = arith.constant 0 : i32
        %dma_start3A_366 = arith.constant 0 : i32
        %dma_start3A_367 = tpu.memref_slice %arg2[%dma_start3A_365, %dma_start3A_366] : memref<20480x64xf32, #tpu.memory_space<hbm>> -> memref<20480x64xf32, #tpu.memory_space<hbm>>
        tpu.enqueue_indirect_dma source(%dma_start3A_367 : memref<20480x64xf32, #tpu.memory_space<hbm>>) target(%arg6 : memref<128x64xf32, #tpu.memory_space<vmem>>) offsets(%dma_start3A_364 : memref<128xi32, #tpu.memory_space<vmem>>) semaphore(%arg14 : memref<!tpu.dma_semaphore, #tpu.memory_space<semaphore_mem>>)
      } else {
      }
      %add3A_224 = arith.constant 3 : i32
      %add3A_225 = arith.addi %add3A_147, %add3A_224 : i32
      %dma_wait3A_226 = arith.constant 0 : i32
      %dma_wait3A_227 = tpu.memref_slice %arg5[%add3A_225, %dma_wait3A_226] : memref<80x128xi32, #tpu.memory_space<vmem>> -> memref<1x128xi32, #tpu.memory_space<vmem>>
      %dma_wait3A_228 = tpu.memref_squeeze %dma_wait3A_227 : memref<1x128xi32, #tpu.memory_space<vmem>> -> memref<128xi32, #tpu.memory_space<vmem>>
      %dma_wait3A_229 = arith.constant 0 : i32
      %dma_wait3A_230 = arith.constant 0 : i32
      %dma_wait3A_231 = tpu.memref_slice %arg2[%dma_wait3A_229, %dma_wait3A_230] : memref<20480x64xf32, #tpu.memory_space<hbm>> -> memref<20480x64xf32, #tpu.memory_space<hbm>>
      tpu.wait_indirect_dma semaphore(%arg17 : memref<!tpu.dma_semaphore, #tpu.memory_space<semaphore_mem>>) src(%dma_wait3A_231 : memref<20480x64xf32, #tpu.memory_space<hbm>>) dst(%arg9 : memref<128x64xf32, #tpu.memory_space<vmem>>)
      %mul3A_232 = arith.constant 128 : i32
      %mul3A_233 = arith.muli %add3A_225, %mul3A_232 : i32
      %add3A_234 = arith.addi %mul3A_32, %mul3A_233 : i32
      %dma_start3A_235 = arith.constant 0 : i32
      %dma_start3A_236 = tpu.memref_slice %arg4[%select_n3A, %add3A_234, %dma_start3A_235] : memref<16x20480x128xf32, #tpu.memory_space<hbm>> -> memref<1x128x64xf32, #tpu.memory_space<hbm>>
      %dma_start3A_237 = tpu.memref_squeeze %dma_start3A_236 : memref<1x128x64xf32, #tpu.memory_space<hbm>> -> memref<128x64xf32, #tpu.memory_space<hbm>>
      %dma_start3A_238 = arith.constant 0 : i32
      %dma_start3A_239 = tpu.memref_slice %arg4[%select_n3A, %add3A_234, %dma_start3A_238] : memref<16x20480x128xf32, #tpu.memory_space<hbm>> -> memref<1x128x64xf32, #tpu.memory_space<hbm>>
      %dma_start3A_240 = tpu.memref_squeeze %dma_start3A_239 : memref<1x128x64xf32, #tpu.memory_space<hbm>> -> memref<128x64xf32, #tpu.memory_space<hbm>>
      tpu.enqueue_dma source(%arg9 : memref<128x64xf32, #tpu.memory_space<vmem>>) target(%dma_start3A_240 : memref<128x64xf32, #tpu.memory_space<hbm>>) target_semaphore(%arg25 : memref<!tpu.dma_semaphore, #tpu.memory_space<semaphore_mem>>)
      %add3A_241 = arith.constant 8 : i32
      %add3A_242 = arith.addi %add3A_225, %add3A_241 : i32
      %sub3A_243 = arith.constant 2 : i32
      %sub3A_244 = arith.subi %add3A_242, %sub3A_243 : i32
      %lt3A_245 = arith.constant 80 : i32
      %lt3A_246 = arith.cmpi slt, %sub3A_244, %lt3A_245 : i32
      %convert_element_type3A_247 = arith.extui %lt3A_246 : i1 to i32
      %cond3A_248 = arith.constant 0 : i32
      %cond3A_249 = arith.cmpi ne, %convert_element_type3A_247, %cond3A_248 : i32
      scf.if %cond3A_249 {
        %ge3A = arith.constant 2 : i32
        %ge3A_354 = arith.cmpi sge, %add3A_225, %ge3A : i32
        %convert_element_type3A_355 = arith.extui %ge3A_354 : i1 to i32
        %cond3A_356 = arith.constant 0 : i32
        %cond3A_357 = arith.cmpi ne, %convert_element_type3A_355, %cond3A_356 : i32
        scf.if %cond3A_357 {
          %mul3A_368 = arith.constant 128 : i32
          %mul3A_369 = arith.muli %add3A_225, %mul3A_368 : i32
          %add3A_370 = arith.addi %mul3A_32, %mul3A_369 : i32
          %dma_wait3A_371 = arith.constant 0 : i32
          %dma_wait3A_372 = tpu.memref_slice %arg4[%select_n3A, %add3A_370, %dma_wait3A_371] : memref<16x20480x128xf32, #tpu.memory_space<hbm>> -> memref<1x128x64xf32, #tpu.memory_space<hbm>>
          %dma_wait3A_373 = tpu.memref_squeeze %dma_wait3A_372 : memref<1x128x64xf32, #tpu.memory_space<hbm>> -> memref<128x64xf32, #tpu.memory_space<hbm>>
          %dma_wait3A_374 = arith.constant 0 : i32
          %dma_wait3A_375 = tpu.memref_slice %arg4[%select_n3A, %add3A_370, %dma_wait3A_374] : memref<16x20480x128xf32, #tpu.memory_space<hbm>> -> memref<1x128x64xf32, #tpu.memory_space<hbm>>
          %dma_wait3A_376 = tpu.memref_squeeze %dma_wait3A_375 : memref<1x128x64xf32, #tpu.memory_space<hbm>> -> memref<128x64xf32, #tpu.memory_space<hbm>>
          tpu.wait_dma2 semaphore(%arg23 : memref<!tpu.dma_semaphore, #tpu.memory_space<semaphore_mem>>) src(%arg7 : memref<128x64xf32, #tpu.memory_space<vmem>>) dst(%dma_wait3A_376 : memref<128x64xf32, #tpu.memory_space<hbm>>)
        } else {
        }
        %add3A_358 = arith.constant 8 : i32
        %add3A_359 = arith.addi %add3A_225, %add3A_358 : i32
        %sub3A_360 = arith.constant 2 : i32
        %sub3A_361 = arith.subi %add3A_359, %sub3A_360 : i32
        %dma_start3A_362 = arith.constant 0 : i32
        %dma_start3A_363 = tpu.memref_slice %arg5[%sub3A_361, %dma_start3A_362] : memref<80x128xi32, #tpu.memory_space<vmem>> -> memref<1x128xi32, #tpu.memory_space<vmem>>
        %dma_start3A_364 = tpu.memref_squeeze %dma_start3A_363 : memref<1x128xi32, #tpu.memory_space<vmem>> -> memref<128xi32, #tpu.memory_space<vmem>>
        %dma_start3A_365 = arith.constant 0 : i32
        %dma_start3A_366 = arith.constant 0 : i32
        %dma_start3A_367 = tpu.memref_slice %arg2[%dma_start3A_365, %dma_start3A_366] : memref<20480x64xf32, #tpu.memory_space<hbm>> -> memref<20480x64xf32, #tpu.memory_space<hbm>>
        tpu.enqueue_indirect_dma source(%dma_start3A_367 : memref<20480x64xf32, #tpu.memory_space<hbm>>) target(%arg7 : memref<128x64xf32, #tpu.memory_space<vmem>>) offsets(%dma_start3A_364 : memref<128xi32, #tpu.memory_space<vmem>>) semaphore(%arg15 : memref<!tpu.dma_semaphore, #tpu.memory_space<semaphore_mem>>)
      } else {
      }
      %add3A_250 = arith.constant 4 : i32
      %add3A_251 = arith.addi %add3A_147, %add3A_250 : i32
      %dma_wait3A_252 = arith.constant 0 : i32
      %dma_wait3A_253 = tpu.memref_slice %arg5[%add3A_251, %dma_wait3A_252] : memref<80x128xi32, #tpu.memory_space<vmem>> -> memref<1x128xi32, #tpu.memory_space<vmem>>
      %dma_wait3A_254 = tpu.memref_squeeze %dma_wait3A_253 : memref<1x128xi32, #tpu.memory_space<vmem>> -> memref<128xi32, #tpu.memory_space<vmem>>
      %dma_wait3A_255 = arith.constant 0 : i32
      %dma_wait3A_256 = arith.constant 0 : i32
      %dma_wait3A_257 = tpu.memref_slice %arg2[%dma_wait3A_255, %dma_wait3A_256] : memref<20480x64xf32, #tpu.memory_space<hbm>> -> memref<20480x64xf32, #tpu.memory_space<hbm>>
      tpu.wait_indirect_dma semaphore(%arg18 : memref<!tpu.dma_semaphore, #tpu.memory_space<semaphore_mem>>) src(%dma_wait3A_257 : memref<20480x64xf32, #tpu.memory_space<hbm>>) dst(%arg10 : memref<128x64xf32, #tpu.memory_space<vmem>>)
      %mul3A_258 = arith.constant 128 : i32
      %mul3A_259 = arith.muli %add3A_251, %mul3A_258 : i32
      %add3A_260 = arith.addi %mul3A_32, %mul3A_259 : i32
      %dma_start3A_261 = arith.constant 0 : i32
      %dma_start3A_262 = tpu.memref_slice %arg4[%select_n3A, %add3A_260, %dma_start3A_261] : memref<16x20480x128xf32, #tpu.memory_space<hbm>> -> memref<1x128x64xf32, #tpu.memory_space<hbm>>
      %dma_start3A_263 = tpu.memref_squeeze %dma_start3A_262 : memref<1x128x64xf32, #tpu.memory_space<hbm>> -> memref<128x64xf32, #tpu.memory_space<hbm>>
      %dma_start3A_264 = arith.constant 0 : i32
      %dma_start3A_265 = tpu.memref_slice %arg4[%select_n3A, %add3A_260, %dma_start3A_264] : memref<16x20480x128xf32, #tpu.memory_space<hbm>> -> memref<1x128x64xf32, #tpu.memory_space<hbm>>
      %dma_start3A_266 = tpu.memref_squeeze %dma_start3A_265 : memref<1x128x64xf32, #tpu.memory_space<hbm>> -> memref<128x64xf32, #tpu.memory_space<hbm>>
      tpu.enqueue_dma source(%arg10 : memref<128x64xf32, #tpu.memory_space<vmem>>) target(%dma_start3A_266 : memref<128x64xf32, #tpu.memory_space<hbm>>) target_semaphore(%arg26 : memref<!tpu.dma_semaphore, #tpu.memory_space<semaphore_mem>>)
      %add3A_267 = arith.constant 8 : i32
      %add3A_268 = arith.addi %add3A_251, %add3A_267 : i32
      %sub3A_269 = arith.constant 2 : i32
      %sub3A_270 = arith.subi %add3A_268, %sub3A_269 : i32
      %lt3A_271 = arith.constant 80 : i32
      %lt3A_272 = arith.cmpi slt, %sub3A_270, %lt3A_271 : i32
      %convert_element_type3A_273 = arith.extui %lt3A_272 : i1 to i32
      %cond3A_274 = arith.constant 0 : i32
      %cond3A_275 = arith.cmpi ne, %convert_element_type3A_273, %cond3A_274 : i32
      scf.if %cond3A_275 {
        %ge3A = arith.constant 2 : i32
        %ge3A_354 = arith.cmpi sge, %add3A_251, %ge3A : i32
        %convert_element_type3A_355 = arith.extui %ge3A_354 : i1 to i32
        %cond3A_356 = arith.constant 0 : i32
        %cond3A_357 = arith.cmpi ne, %convert_element_type3A_355, %cond3A_356 : i32
        scf.if %cond3A_357 {
          %mul3A_368 = arith.constant 128 : i32
          %mul3A_369 = arith.muli %add3A_251, %mul3A_368 : i32
          %add3A_370 = arith.addi %mul3A_32, %mul3A_369 : i32
          %dma_wait3A_371 = arith.constant 0 : i32
          %dma_wait3A_372 = tpu.memref_slice %arg4[%select_n3A, %add3A_370, %dma_wait3A_371] : memref<16x20480x128xf32, #tpu.memory_space<hbm>> -> memref<1x128x64xf32, #tpu.memory_space<hbm>>
          %dma_wait3A_373 = tpu.memref_squeeze %dma_wait3A_372 : memref<1x128x64xf32, #tpu.memory_space<hbm>> -> memref<128x64xf32, #tpu.memory_space<hbm>>
          %dma_wait3A_374 = arith.constant 0 : i32
          %dma_wait3A_375 = tpu.memref_slice %arg4[%select_n3A, %add3A_370, %dma_wait3A_374] : memref<16x20480x128xf32, #tpu.memory_space<hbm>> -> memref<1x128x64xf32, #tpu.memory_space<hbm>>
          %dma_wait3A_376 = tpu.memref_squeeze %dma_wait3A_375 : memref<1x128x64xf32, #tpu.memory_space<hbm>> -> memref<128x64xf32, #tpu.memory_space<hbm>>
          tpu.wait_dma2 semaphore(%arg24 : memref<!tpu.dma_semaphore, #tpu.memory_space<semaphore_mem>>) src(%arg8 : memref<128x64xf32, #tpu.memory_space<vmem>>) dst(%dma_wait3A_376 : memref<128x64xf32, #tpu.memory_space<hbm>>)
        } else {
        }
        %add3A_358 = arith.constant 8 : i32
        %add3A_359 = arith.addi %add3A_251, %add3A_358 : i32
        %sub3A_360 = arith.constant 2 : i32
        %sub3A_361 = arith.subi %add3A_359, %sub3A_360 : i32
        %dma_start3A_362 = arith.constant 0 : i32
        %dma_start3A_363 = tpu.memref_slice %arg5[%sub3A_361, %dma_start3A_362] : memref<80x128xi32, #tpu.memory_space<vmem>> -> memref<1x128xi32, #tpu.memory_space<vmem>>
        %dma_start3A_364 = tpu.memref_squeeze %dma_start3A_363 : memref<1x128xi32, #tpu.memory_space<vmem>> -> memref<128xi32, #tpu.memory_space<vmem>>
        %dma_start3A_365 = arith.constant 0 : i32
        %dma_start3A_366 = arith.constant 0 : i32
        %dma_start3A_367 = tpu.memref_slice %arg2[%dma_start3A_365, %dma_start3A_366] : memref<20480x64xf32, #tpu.memory_space<hbm>> -> memref<20480x64xf32, #tpu.memory_space<hbm>>
        tpu.enqueue_indirect_dma source(%dma_start3A_367 : memref<20480x64xf32, #tpu.memory_space<hbm>>) target(%arg8 : memref<128x64xf32, #tpu.memory_space<vmem>>) offsets(%dma_start3A_364 : memref<128xi32, #tpu.memory_space<vmem>>) semaphore(%arg16 : memref<!tpu.dma_semaphore, #tpu.memory_space<semaphore_mem>>)
      } else {
      }
      %add3A_276 = arith.constant 5 : i32
      %add3A_277 = arith.addi %add3A_147, %add3A_276 : i32
      %dma_wait3A_278 = arith.constant 0 : i32
      %dma_wait3A_279 = tpu.memref_slice %arg5[%add3A_277, %dma_wait3A_278] : memref<80x128xi32, #tpu.memory_space<vmem>> -> memref<1x128xi32, #tpu.memory_space<vmem>>
      %dma_wait3A_280 = tpu.memref_squeeze %dma_wait3A_279 : memref<1x128xi32, #tpu.memory_space<vmem>> -> memref<128xi32, #tpu.memory_space<vmem>>
      %dma_wait3A_281 = arith.constant 0 : i32
      %dma_wait3A_282 = arith.constant 0 : i32
      %dma_wait3A_283 = tpu.memref_slice %arg2[%dma_wait3A_281, %dma_wait3A_282] : memref<20480x64xf32, #tpu.memory_space<hbm>> -> memref<20480x64xf32, #tpu.memory_space<hbm>>
      tpu.wait_indirect_dma semaphore(%arg19 : memref<!tpu.dma_semaphore, #tpu.memory_space<semaphore_mem>>) src(%dma_wait3A_283 : memref<20480x64xf32, #tpu.memory_space<hbm>>) dst(%arg11 : memref<128x64xf32, #tpu.memory_space<vmem>>)
      %mul3A_284 = arith.constant 128 : i32
      %mul3A_285 = arith.muli %add3A_277, %mul3A_284 : i32
      %add3A_286 = arith.addi %mul3A_32, %mul3A_285 : i32
      %dma_start3A_287 = arith.constant 0 : i32
      %dma_start3A_288 = tpu.memref_slice %arg4[%select_n3A, %add3A_286, %dma_start3A_287] : memref<16x20480x128xf32, #tpu.memory_space<hbm>> -> memref<1x128x64xf32, #tpu.memory_space<hbm>>
      %dma_start3A_289 = tpu.memref_squeeze %dma_start3A_288 : memref<1x128x64xf32, #tpu.memory_space<hbm>> -> memref<128x64xf32, #tpu.memory_space<hbm>>
      %dma_start3A_290 = arith.constant 0 : i32
      %dma_start3A_291 = tpu.memref_slice %arg4[%select_n3A, %add3A_286, %dma_start3A_290] : memref<16x20480x128xf32, #tpu.memory_space<hbm>> -> memref<1x128x64xf32, #tpu.memory_space<hbm>>
      %dma_start3A_292 = tpu.memref_squeeze %dma_start3A_291 : memref<1x128x64xf32, #tpu.memory_space<hbm>> -> memref<128x64xf32, #tpu.memory_space<hbm>>
      tpu.enqueue_dma source(%arg11 : memref<128x64xf32, #tpu.memory_space<vmem>>) target(%dma_start3A_292 : memref<128x64xf32, #tpu.memory_space<hbm>>) target_semaphore(%arg27 : memref<!tpu.dma_semaphore, #tpu.memory_space<semaphore_mem>>)
      %add3A_293 = arith.constant 8 : i32
      %add3A_294 = arith.addi %add3A_277, %add3A_293 : i32
      %sub3A_295 = arith.constant 2 : i32
      %sub3A_296 = arith.subi %add3A_294, %sub3A_295 : i32
      %lt3A_297 = arith.constant 80 : i32
      %lt3A_298 = arith.cmpi slt, %sub3A_296, %lt3A_297 : i32
      %convert_element_type3A_299 = arith.extui %lt3A_298 : i1 to i32
      %cond3A_300 = arith.constant 0 : i32
      %cond3A_301 = arith.cmpi ne, %convert_element_type3A_299, %cond3A_300 : i32
      scf.if %cond3A_301 {
        %ge3A = arith.constant 2 : i32
        %ge3A_354 = arith.cmpi sge, %add3A_277, %ge3A : i32
        %convert_element_type3A_355 = arith.extui %ge3A_354 : i1 to i32
        %cond3A_356 = arith.constant 0 : i32
        %cond3A_357 = arith.cmpi ne, %convert_element_type3A_355, %cond3A_356 : i32
        scf.if %cond3A_357 {
          %mul3A_368 = arith.constant 128 : i32
          %mul3A_369 = arith.muli %add3A_277, %mul3A_368 : i32
          %add3A_370 = arith.addi %mul3A_32, %mul3A_369 : i32
          %dma_wait3A_371 = arith.constant 0 : i32
          %dma_wait3A_372 = tpu.memref_slice %arg4[%select_n3A, %add3A_370, %dma_wait3A_371] : memref<16x20480x128xf32, #tpu.memory_space<hbm>> -> memref<1x128x64xf32, #tpu.memory_space<hbm>>
          %dma_wait3A_373 = tpu.memref_squeeze %dma_wait3A_372 : memref<1x128x64xf32, #tpu.memory_space<hbm>> -> memref<128x64xf32, #tpu.memory_space<hbm>>
          %dma_wait3A_374 = arith.constant 0 : i32
          %dma_wait3A_375 = tpu.memref_slice %arg4[%select_n3A, %add3A_370, %dma_wait3A_374] : memref<16x20480x128xf32, #tpu.memory_space<hbm>> -> memref<1x128x64xf32, #tpu.memory_space<hbm>>
          %dma_wait3A_376 = tpu.memref_squeeze %dma_wait3A_375 : memref<1x128x64xf32, #tpu.memory_space<hbm>> -> memref<128x64xf32, #tpu.memory_space<hbm>>
          tpu.wait_dma2 semaphore(%arg25 : memref<!tpu.dma_semaphore, #tpu.memory_space<semaphore_mem>>) src(%arg9 : memref<128x64xf32, #tpu.memory_space<vmem>>) dst(%dma_wait3A_376 : memref<128x64xf32, #tpu.memory_space<hbm>>)
        } else {
        }
        %add3A_358 = arith.constant 8 : i32
        %add3A_359 = arith.addi %add3A_277, %add3A_358 : i32
        %sub3A_360 = arith.constant 2 : i32
        %sub3A_361 = arith.subi %add3A_359, %sub3A_360 : i32
        %dma_start3A_362 = arith.constant 0 : i32
        %dma_start3A_363 = tpu.memref_slice %arg5[%sub3A_361, %dma_start3A_362] : memref<80x128xi32, #tpu.memory_space<vmem>> -> memref<1x128xi32, #tpu.memory_space<vmem>>
        %dma_start3A_364 = tpu.memref_squeeze %dma_start3A_363 : memref<1x128xi32, #tpu.memory_space<vmem>> -> memref<128xi32, #tpu.memory_space<vmem>>
        %dma_start3A_365 = arith.constant 0 : i32
        %dma_start3A_366 = arith.constant 0 : i32
        %dma_start3A_367 = tpu.memref_slice %arg2[%dma_start3A_365, %dma_start3A_366] : memref<20480x64xf32, #tpu.memory_space<hbm>> -> memref<20480x64xf32, #tpu.memory_space<hbm>>
        tpu.enqueue_indirect_dma source(%dma_start3A_367 : memref<20480x64xf32, #tpu.memory_space<hbm>>) target(%arg9 : memref<128x64xf32, #tpu.memory_space<vmem>>) offsets(%dma_start3A_364 : memref<128xi32, #tpu.memory_space<vmem>>) semaphore(%arg17 : memref<!tpu.dma_semaphore, #tpu.memory_space<semaphore_mem>>)
      } else {
      }
      %add3A_302 = arith.constant 6 : i32
      %add3A_303 = arith.addi %add3A_147, %add3A_302 : i32
      %dma_wait3A_304 = arith.constant 0 : i32
      %dma_wait3A_305 = tpu.memref_slice %arg5[%add3A_303, %dma_wait3A_304] : memref<80x128xi32, #tpu.memory_space<vmem>> -> memref<1x128xi32, #tpu.memory_space<vmem>>
      %dma_wait3A_306 = tpu.memref_squeeze %dma_wait3A_305 : memref<1x128xi32, #tpu.memory_space<vmem>> -> memref<128xi32, #tpu.memory_space<vmem>>
      %dma_wait3A_307 = arith.constant 0 : i32
      %dma_wait3A_308 = arith.constant 0 : i32
      %dma_wait3A_309 = tpu.memref_slice %arg2[%dma_wait3A_307, %dma_wait3A_308] : memref<20480x64xf32, #tpu.memory_space<hbm>> -> memref<20480x64xf32, #tpu.memory_space<hbm>>
      tpu.wait_indirect_dma semaphore(%arg20 : memref<!tpu.dma_semaphore, #tpu.memory_space<semaphore_mem>>) src(%dma_wait3A_309 : memref<20480x64xf32, #tpu.memory_space<hbm>>) dst(%arg12 : memref<128x64xf32, #tpu.memory_space<vmem>>)
      %mul3A_310 = arith.constant 128 : i32
      %mul3A_311 = arith.muli %add3A_303, %mul3A_310 : i32
      %add3A_312 = arith.addi %mul3A_32, %mul3A_311 : i32
      %dma_start3A_313 = arith.constant 0 : i32
      %dma_start3A_314 = tpu.memref_slice %arg4[%select_n3A, %add3A_312, %dma_start3A_313] : memref<16x20480x128xf32, #tpu.memory_space<hbm>> -> memref<1x128x64xf32, #tpu.memory_space<hbm>>
      %dma_start3A_315 = tpu.memref_squeeze %dma_start3A_314 : memref<1x128x64xf32, #tpu.memory_space<hbm>> -> memref<128x64xf32, #tpu.memory_space<hbm>>
      %dma_start3A_316 = arith.constant 0 : i32
      %dma_start3A_317 = tpu.memref_slice %arg4[%select_n3A, %add3A_312, %dma_start3A_316] : memref<16x20480x128xf32, #tpu.memory_space<hbm>> -> memref<1x128x64xf32, #tpu.memory_space<hbm>>
      %dma_start3A_318 = tpu.memref_squeeze %dma_start3A_317 : memref<1x128x64xf32, #tpu.memory_space<hbm>> -> memref<128x64xf32, #tpu.memory_space<hbm>>
      tpu.enqueue_dma source(%arg12 : memref<128x64xf32, #tpu.memory_space<vmem>>) target(%dma_start3A_318 : memref<128x64xf32, #tpu.memory_space<hbm>>) target_semaphore(%arg28 : memref<!tpu.dma_semaphore, #tpu.memory_space<semaphore_mem>>)
      %add3A_319 = arith.constant 8 : i32
      %add3A_320 = arith.addi %add3A_303, %add3A_319 : i32
      %sub3A_321 = arith.constant 2 : i32
      %sub3A_322 = arith.subi %add3A_320, %sub3A_321 : i32
      %lt3A_323 = arith.constant 80 : i32
      %lt3A_324 = arith.cmpi slt, %sub3A_322, %lt3A_323 : i32
      %convert_element_type3A_325 = arith.extui %lt3A_324 : i1 to i32
      %cond3A_326 = arith.constant 0 : i32
      %cond3A_327 = arith.cmpi ne, %convert_element_type3A_325, %cond3A_326 : i32
      scf.if %cond3A_327 {
        %ge3A = arith.constant 2 : i32
        %ge3A_354 = arith.cmpi sge, %add3A_303, %ge3A : i32
        %convert_element_type3A_355 = arith.extui %ge3A_354 : i1 to i32
        %cond3A_356 = arith.constant 0 : i32
        %cond3A_357 = arith.cmpi ne, %convert_element_type3A_355, %cond3A_356 : i32
        scf.if %cond3A_357 {
          %mul3A_368 = arith.constant 128 : i32
          %mul3A_369 = arith.muli %add3A_303, %mul3A_368 : i32
          %add3A_370 = arith.addi %mul3A_32, %mul3A_369 : i32
          %dma_wait3A_371 = arith.constant 0 : i32
          %dma_wait3A_372 = tpu.memref_slice %arg4[%select_n3A, %add3A_370, %dma_wait3A_371] : memref<16x20480x128xf32, #tpu.memory_space<hbm>> -> memref<1x128x64xf32, #tpu.memory_space<hbm>>
          %dma_wait3A_373 = tpu.memref_squeeze %dma_wait3A_372 : memref<1x128x64xf32, #tpu.memory_space<hbm>> -> memref<128x64xf32, #tpu.memory_space<hbm>>
          %dma_wait3A_374 = arith.constant 0 : i32
          %dma_wait3A_375 = tpu.memref_slice %arg4[%select_n3A, %add3A_370, %dma_wait3A_374] : memref<16x20480x128xf32, #tpu.memory_space<hbm>> -> memref<1x128x64xf32, #tpu.memory_space<hbm>>
          %dma_wait3A_376 = tpu.memref_squeeze %dma_wait3A_375 : memref<1x128x64xf32, #tpu.memory_space<hbm>> -> memref<128x64xf32, #tpu.memory_space<hbm>>
          tpu.wait_dma2 semaphore(%arg26 : memref<!tpu.dma_semaphore, #tpu.memory_space<semaphore_mem>>) src(%arg10 : memref<128x64xf32, #tpu.memory_space<vmem>>) dst(%dma_wait3A_376 : memref<128x64xf32, #tpu.memory_space<hbm>>)
        } else {
        }
        %add3A_358 = arith.constant 8 : i32
        %add3A_359 = arith.addi %add3A_303, %add3A_358 : i32
        %sub3A_360 = arith.constant 2 : i32
        %sub3A_361 = arith.subi %add3A_359, %sub3A_360 : i32
        %dma_start3A_362 = arith.constant 0 : i32
        %dma_start3A_363 = tpu.memref_slice %arg5[%sub3A_361, %dma_start3A_362] : memref<80x128xi32, #tpu.memory_space<vmem>> -> memref<1x128xi32, #tpu.memory_space<vmem>>
        %dma_start3A_364 = tpu.memref_squeeze %dma_start3A_363 : memref<1x128xi32, #tpu.memory_space<vmem>> -> memref<128xi32, #tpu.memory_space<vmem>>
        %dma_start3A_365 = arith.constant 0 : i32
        %dma_start3A_366 = arith.constant 0 : i32
        %dma_start3A_367 = tpu.memref_slice %arg2[%dma_start3A_365, %dma_start3A_366] : memref<20480x64xf32, #tpu.memory_space<hbm>> -> memref<20480x64xf32, #tpu.memory_space<hbm>>
        tpu.enqueue_indirect_dma source(%dma_start3A_367 : memref<20480x64xf32, #tpu.memory_space<hbm>>) target(%arg10 : memref<128x64xf32, #tpu.memory_space<vmem>>) offsets(%dma_start3A_364 : memref<128xi32, #tpu.memory_space<vmem>>) semaphore(%arg18 : memref<!tpu.dma_semaphore, #tpu.memory_space<semaphore_mem>>)
      } else {
      }
      %add3A_328 = arith.constant 7 : i32
      %add3A_329 = arith.addi %add3A_147, %add3A_328 : i32
      %dma_wait3A_330 = arith.constant 0 : i32
      %dma_wait3A_331 = tpu.memref_slice %arg5[%add3A_329, %dma_wait3A_330] : memref<80x128xi32, #tpu.memory_space<vmem>> -> memref<1x128xi32, #tpu.memory_space<vmem>>
      %dma_wait3A_332 = tpu.memref_squeeze %dma_wait3A_331 : memref<1x128xi32, #tpu.memory_space<vmem>> -> memref<128xi32, #tpu.memory_space<vmem>>
      %dma_wait3A_333 = arith.constant 0 : i32
      %dma_wait3A_334 = arith.constant 0 : i32
      %dma_wait3A_335 = tpu.memref_slice %arg2[%dma_wait3A_333, %dma_wait3A_334] : memref<20480x64xf32, #tpu.memory_space<hbm>> -> memref<20480x64xf32, #tpu.memory_space<hbm>>
      tpu.wait_indirect_dma semaphore(%arg21 : memref<!tpu.dma_semaphore, #tpu.memory_space<semaphore_mem>>) src(%dma_wait3A_335 : memref<20480x64xf32, #tpu.memory_space<hbm>>) dst(%arg13 : memref<128x64xf32, #tpu.memory_space<vmem>>)
      %mul3A_336 = arith.constant 128 : i32
      %mul3A_337 = arith.muli %add3A_329, %mul3A_336 : i32
      %add3A_338 = arith.addi %mul3A_32, %mul3A_337 : i32
      %dma_start3A_339 = arith.constant 0 : i32
      %dma_start3A_340 = tpu.memref_slice %arg4[%select_n3A, %add3A_338, %dma_start3A_339] : memref<16x20480x128xf32, #tpu.memory_space<hbm>> -> memref<1x128x64xf32, #tpu.memory_space<hbm>>
      %dma_start3A_341 = tpu.memref_squeeze %dma_start3A_340 : memref<1x128x64xf32, #tpu.memory_space<hbm>> -> memref<128x64xf32, #tpu.memory_space<hbm>>
      %dma_start3A_342 = arith.constant 0 : i32
      %dma_start3A_343 = tpu.memref_slice %arg4[%select_n3A, %add3A_338, %dma_start3A_342] : memref<16x20480x128xf32, #tpu.memory_space<hbm>> -> memref<1x128x64xf32, #tpu.memory_space<hbm>>
      %dma_start3A_344 = tpu.memref_squeeze %dma_start3A_343 : memref<1x128x64xf32, #tpu.memory_space<hbm>> -> memref<128x64xf32, #tpu.memory_space<hbm>>
      tpu.enqueue_dma source(%arg13 : memref<128x64xf32, #tpu.memory_space<vmem>>) target(%dma_start3A_344 : memref<128x64xf32, #tpu.memory_space<hbm>>) target_semaphore(%arg29 : memref<!tpu.dma_semaphore, #tpu.memory_space<semaphore_mem>>)
      %add3A_345 = arith.constant 8 : i32
      %add3A_346 = arith.addi %add3A_329, %add3A_345 : i32
      %sub3A_347 = arith.constant 2 : i32
      %sub3A_348 = arith.subi %add3A_346, %sub3A_347 : i32
      %lt3A_349 = arith.constant 80 : i32
      %lt3A_350 = arith.cmpi slt, %sub3A_348, %lt3A_349 : i32
      %convert_element_type3A_351 = arith.extui %lt3A_350 : i1 to i32
      %cond3A_352 = arith.constant 0 : i32
      %cond3A_353 = arith.cmpi ne, %convert_element_type3A_351, %cond3A_352 : i32
      scf.if %cond3A_353 {
        %ge3A = arith.constant 2 : i32
        %ge3A_354 = arith.cmpi sge, %add3A_329, %ge3A : i32
        %convert_element_type3A_355 = arith.extui %ge3A_354 : i1 to i32
        %cond3A_356 = arith.constant 0 : i32
        %cond3A_357 = arith.cmpi ne, %convert_element_type3A_355, %cond3A_356 : i32
        scf.if %cond3A_357 {
          %mul3A_368 = arith.constant 128 : i32
          %mul3A_369 = arith.muli %add3A_329, %mul3A_368 : i32
          %add3A_370 = arith.addi %mul3A_32, %mul3A_369 : i32
          %dma_wait3A_371 = arith.constant 0 : i32
          %dma_wait3A_372 = tpu.memref_slice %arg4[%select_n3A, %add3A_370, %dma_wait3A_371] : memref<16x20480x128xf32, #tpu.memory_space<hbm>> -> memref<1x128x64xf32, #tpu.memory_space<hbm>>
          %dma_wait3A_373 = tpu.memref_squeeze %dma_wait3A_372 : memref<1x128x64xf32, #tpu.memory_space<hbm>> -> memref<128x64xf32, #tpu.memory_space<hbm>>
          %dma_wait3A_374 = arith.constant 0 : i32
          %dma_wait3A_375 = tpu.memref_slice %arg4[%select_n3A, %add3A_370, %dma_wait3A_374] : memref<16x20480x128xf32, #tpu.memory_space<hbm>> -> memref<1x128x64xf32, #tpu.memory_space<hbm>>
          %dma_wait3A_376 = tpu.memref_squeeze %dma_wait3A_375 : memref<1x128x64xf32, #tpu.memory_space<hbm>> -> memref<128x64xf32, #tpu.memory_space<hbm>>
          tpu.wait_dma2 semaphore(%arg27 : memref<!tpu.dma_semaphore, #tpu.memory_space<semaphore_mem>>) src(%arg11 : memref<128x64xf32, #tpu.memory_space<vmem>>) dst(%dma_wait3A_376 : memref<128x64xf32, #tpu.memory_space<hbm>>)
        } else {
        }
        %add3A_358 = arith.constant 8 : i32
        %add3A_359 = arith.addi %add3A_329, %add3A_358 : i32
        %sub3A_360 = arith.constant 2 : i32
        %sub3A_361 = arith.subi %add3A_359, %sub3A_360 : i32
        %dma_start3A_362 = arith.constant 0 : i32
        %dma_start3A_363 = tpu.memref_slice %arg5[%sub3A_361, %dma_start3A_362] : memref<80x128xi32, #tpu.memory_space<vmem>> -> memref<1x128xi32, #tpu.memory_space<vmem>>
        %dma_start3A_364 = tpu.memref_squeeze %dma_start3A_363 : memref<1x128xi32, #tpu.memory_space<vmem>> -> memref<128xi32, #tpu.memory_space<vmem>>
        %dma_start3A_365 = arith.constant 0 : i32
        %dma_start3A_366 = arith.constant 0 : i32
        %dma_start3A_367 = tpu.memref_slice %arg2[%dma_start3A_365, %dma_start3A_366] : memref<20480x64xf32, #tpu.memory_space<hbm>> -> memref<20480x64xf32, #tpu.memory_space<hbm>>
        tpu.enqueue_indirect_dma source(%dma_start3A_367 : memref<20480x64xf32, #tpu.memory_space<hbm>>) target(%arg11 : memref<128x64xf32, #tpu.memory_space<vmem>>) offsets(%dma_start3A_364 : memref<128xi32, #tpu.memory_space<vmem>>) semaphore(%arg19 : memref<!tpu.dma_semaphore, #tpu.memory_space<semaphore_mem>>)
      } else {
      }
    }
    %scan3A_79 = arith.constant 10 : i32
    %add3A_80 = arith.constant 0 : i32
    %add3A_81 = arith.addi %mul3A_32, %add3A_80 : i32
    %dma_wait3A = arith.constant 0 : i32
    %dma_wait3A_82 = tpu.memref_slice %arg4[%select_n3A, %add3A_81, %dma_wait3A] : memref<16x20480x128xf32, #tpu.memory_space<hbm>> -> memref<1x128x64xf32, #tpu.memory_space<hbm>>
    %dma_wait3A_83 = tpu.memref_squeeze %dma_wait3A_82 : memref<1x128x64xf32, #tpu.memory_space<hbm>> -> memref<128x64xf32, #tpu.memory_space<hbm>>
    %dma_wait3A_84 = arith.constant 0 : i32
    %dma_wait3A_85 = tpu.memref_slice %arg4[%select_n3A, %add3A_81, %dma_wait3A_84] : memref<16x20480x128xf32, #tpu.memory_space<hbm>> -> memref<1x128x64xf32, #tpu.memory_space<hbm>>
    %dma_wait3A_86 = tpu.memref_squeeze %dma_wait3A_85 : memref<1x128x64xf32, #tpu.memory_space<hbm>> -> memref<128x64xf32, #tpu.memory_space<hbm>>
    tpu.wait_dma2 semaphore(%arg22 : memref<!tpu.dma_semaphore, #tpu.memory_space<semaphore_mem>>) src(%arg6 : memref<128x64xf32, #tpu.memory_space<vmem>>) dst(%dma_wait3A_86 : memref<128x64xf32, #tpu.memory_space<hbm>>)
    %add3A_87 = arith.constant 0 : i32
    %add3A_88 = arith.addi %mul3A_32, %add3A_87 : i32
    %dma_wait3A_89 = arith.constant 0 : i32
    %dma_wait3A_90 = tpu.memref_slice %arg4[%select_n3A, %add3A_88, %dma_wait3A_89] : memref<16x20480x128xf32, #tpu.memory_space<hbm>> -> memref<1x128x64xf32, #tpu.memory_space<hbm>>
    %dma_wait3A_91 = tpu.memref_squeeze %dma_wait3A_90 : memref<1x128x64xf32, #tpu.memory_space<hbm>> -> memref<128x64xf32, #tpu.memory_space<hbm>>
    %dma_wait3A_92 = arith.constant 0 : i32
    %dma_wait3A_93 = tpu.memref_slice %arg4[%select_n3A, %add3A_88, %dma_wait3A_92] : memref<16x20480x128xf32, #tpu.memory_space<hbm>> -> memref<1x128x64xf32, #tpu.memory_space<hbm>>
    %dma_wait3A_94 = tpu.memref_squeeze %dma_wait3A_93 : memref<1x128x64xf32, #tpu.memory_space<hbm>> -> memref<128x64xf32, #tpu.memory_space<hbm>>
    tpu.wait_dma2 semaphore(%arg23 : memref<!tpu.dma_semaphore, #tpu.memory_space<semaphore_mem>>) src(%arg7 : memref<128x64xf32, #tpu.memory_space<vmem>>) dst(%dma_wait3A_94 : memref<128x64xf32, #tpu.memory_space<hbm>>)
    %add3A_95 = arith.constant 0 : i32
    %add3A_96 = arith.addi %mul3A_32, %add3A_95 : i32
    %dma_wait3A_97 = arith.constant 0 : i32
    %dma_wait3A_98 = tpu.memref_slice %arg4[%select_n3A, %add3A_96, %dma_wait3A_97] : memref<16x20480x128xf32, #tpu.memory_space<hbm>> -> memref<1x128x64xf32, #tpu.memory_space<hbm>>
    %dma_wait3A_99 = tpu.memref_squeeze %dma_wait3A_98 : memref<1x128x64xf32, #tpu.memory_space<hbm>> -> memref<128x64xf32, #tpu.memory_space<hbm>>
    %dma_wait3A_100 = arith.constant 0 : i32
    %dma_wait3A_101 = tpu.memref_slice %arg4[%select_n3A, %add3A_96, %dma_wait3A_100] : memref<16x20480x128xf32, #tpu.memory_space<hbm>> -> memref<1x128x64xf32, #tpu.memory_space<hbm>>
    %dma_wait3A_102 = tpu.memref_squeeze %dma_wait3A_101 : memref<1x128x64xf32, #tpu.memory_space<hbm>> -> memref<128x64xf32, #tpu.memory_space<hbm>>
    tpu.wait_dma2 semaphore(%arg24 : memref<!tpu.dma_semaphore, #tpu.memory_space<semaphore_mem>>) src(%arg8 : memref<128x64xf32, #tpu.memory_space<vmem>>) dst(%dma_wait3A_102 : memref<128x64xf32, #tpu.memory_space<hbm>>)
    %add3A_103 = arith.constant 0 : i32
    %add3A_104 = arith.addi %mul3A_32, %add3A_103 : i32
    %dma_wait3A_105 = arith.constant 0 : i32
    %dma_wait3A_106 = tpu.memref_slice %arg4[%select_n3A, %add3A_104, %dma_wait3A_105] : memref<16x20480x128xf32, #tpu.memory_space<hbm>> -> memref<1x128x64xf32, #tpu.memory_space<hbm>>
    %dma_wait3A_107 = tpu.memref_squeeze %dma_wait3A_106 : memref<1x128x64xf32, #tpu.memory_space<hbm>> -> memref<128x64xf32, #tpu.memory_space<hbm>>
    %dma_wait3A_108 = arith.constant 0 : i32
    %dma_wait3A_109 = tpu.memref_slice %arg4[%select_n3A, %add3A_104, %dma_wait3A_108] : memref<16x20480x128xf32, #tpu.memory_space<hbm>> -> memref<1x128x64xf32, #tpu.memory_space<hbm>>
    %dma_wait3A_110 = tpu.memref_squeeze %dma_wait3A_109 : memref<1x128x64xf32, #tpu.memory_space<hbm>> -> memref<128x64xf32, #tpu.memory_space<hbm>>
    tpu.wait_dma2 semaphore(%arg25 : memref<!tpu.dma_semaphore, #tpu.memory_space<semaphore_mem>>) src(%arg9 : memref<128x64xf32, #tpu.memory_space<vmem>>) dst(%dma_wait3A_110 : memref<128x64xf32, #tpu.memory_space<hbm>>)
    %add3A_111 = arith.constant 0 : i32
    %add3A_112 = arith.addi %mul3A_32, %add3A_111 : i32
    %dma_wait3A_113 = arith.constant 0 : i32
    %dma_wait3A_114 = tpu.memref_slice %arg4[%select_n3A, %add3A_112, %dma_wait3A_113] : memref<16x20480x128xf32, #tpu.memory_space<hbm>> -> memref<1x128x64xf32, #tpu.memory_space<hbm>>
    %dma_wait3A_115 = tpu.memref_squeeze %dma_wait3A_114 : memref<1x128x64xf32, #tpu.memory_space<hbm>> -> memref<128x64xf32, #tpu.memory_space<hbm>>
    %dma_wait3A_116 = arith.constant 0 : i32
    %dma_wait3A_117 = tpu.memref_slice %arg4[%select_n3A, %add3A_112, %dma_wait3A_116] : memref<16x20480x128xf32, #tpu.memory_space<hbm>> -> memref<1x128x64xf32, #tpu.memory_space<hbm>>
    %dma_wait3A_118 = tpu.memref_squeeze %dma_wait3A_117 : memref<1x128x64xf32, #tpu.memory_space<hbm>> -> memref<128x64xf32, #tpu.memory_space<hbm>>
    tpu.wait_dma2 semaphore(%arg26 : memref<!tpu.dma_semaphore, #tpu.memory_space<semaphore_mem>>) src(%arg10 : memref<128x64xf32, #tpu.memory_space<vmem>>) dst(%dma_wait3A_118 : memref<128x64xf32, #tpu.memory_space<hbm>>)
    %add3A_119 = arith.constant 0 : i32
    %add3A_120 = arith.addi %mul3A_32, %add3A_119 : i32
    %dma_wait3A_121 = arith.constant 0 : i32
    %dma_wait3A_122 = tpu.memref_slice %arg4[%select_n3A, %add3A_120, %dma_wait3A_121] : memref<16x20480x128xf32, #tpu.memory_space<hbm>> -> memref<1x128x64xf32, #tpu.memory_space<hbm>>
    %dma_wait3A_123 = tpu.memref_squeeze %dma_wait3A_122 : memref<1x128x64xf32, #tpu.memory_space<hbm>> -> memref<128x64xf32, #tpu.memory_space<hbm>>
    %dma_wait3A_124 = arith.constant 0 : i32
    %dma_wait3A_125 = tpu.memref_slice %arg4[%select_n3A, %add3A_120, %dma_wait3A_124] : memref<16x20480x128xf32, #tpu.memory_space<hbm>> -> memref<1x128x64xf32, #tpu.memory_space<hbm>>
    %dma_wait3A_126 = tpu.memref_squeeze %dma_wait3A_125 : memref<1x128x64xf32, #tpu.memory_space<hbm>> -> memref<128x64xf32, #tpu.memory_space<hbm>>
    tpu.wait_dma2 semaphore(%arg27 : memref<!tpu.dma_semaphore, #tpu.memory_space<semaphore_mem>>) src(%arg11 : memref<128x64xf32, #tpu.memory_space<vmem>>) dst(%dma_wait3A_126 : memref<128x64xf32, #tpu.memory_space<hbm>>)
    %add3A_127 = arith.constant 0 : i32
    %add3A_128 = arith.addi %mul3A_32, %add3A_127 : i32
    %dma_wait3A_129 = arith.constant 0 : i32
    %dma_wait3A_130 = tpu.memref_slice %arg4[%select_n3A, %add3A_128, %dma_wait3A_129] : memref<16x20480x128xf32, #tpu.memory_space<hbm>> -> memref<1x128x64xf32, #tpu.memory_space<hbm>>
    %dma_wait3A_131 = tpu.memref_squeeze %dma_wait3A_130 : memref<1x128x64xf32, #tpu.memory_space<hbm>> -> memref<128x64xf32, #tpu.memory_space<hbm>>
    %dma_wait3A_132 = arith.constant 0 : i32
    %dma_wait3A_133 = tpu.memref_slice %arg4[%select_n3A, %add3A_128, %dma_wait3A_132] : memref<16x20480x128xf32, #tpu.memory_space<hbm>> -> memref<1x128x64xf32, #tpu.memory_space<hbm>>
    %dma_wait3A_134 = tpu.memref_squeeze %dma_wait3A_133 : memref<1x128x64xf32, #tpu.memory_space<hbm>> -> memref<128x64xf32, #tpu.memory_space<hbm>>
    tpu.wait_dma2 semaphore(%arg28 : memref<!tpu.dma_semaphore, #tpu.memory_space<semaphore_mem>>) src(%arg12 : memref<128x64xf32, #tpu.memory_space<vmem>>) dst(%dma_wait3A_134 : memref<128x64xf32, #tpu.memory_space<hbm>>)
    %add3A_135 = arith.constant 0 : i32
    %add3A_136 = arith.addi %mul3A_32, %add3A_135 : i32
    %dma_wait3A_137 = arith.constant 0 : i32
    %dma_wait3A_138 = tpu.memref_slice %arg4[%select_n3A, %add3A_136, %dma_wait3A_137] : memref<16x20480x128xf32, #tpu.memory_space<hbm>> -> memref<1x128x64xf32, #tpu.memory_space<hbm>>
    %dma_wait3A_139 = tpu.memref_squeeze %dma_wait3A_138 : memref<1x128x64xf32, #tpu.memory_space<hbm>> -> memref<128x64xf32, #tpu.memory_space<hbm>>
    %dma_wait3A_140 = arith.constant 0 : i32
    %dma_wait3A_141 = tpu.memref_slice %arg4[%select_n3A, %add3A_136, %dma_wait3A_140] : memref<16x20480x128xf32, #tpu.memory_space<hbm>> -> memref<1x128x64xf32, #tpu.memory_space<hbm>>
    %dma_wait3A_142 = tpu.memref_squeeze %dma_wait3A_141 : memref<1x128x64xf32, #tpu.memory_space<hbm>> -> memref<128x64xf32, #tpu.memory_space<hbm>>
    tpu.wait_dma2 semaphore(%arg29 : memref<!tpu.dma_semaphore, #tpu.memory_space<semaphore_mem>>) src(%arg13 : memref<128x64xf32, #tpu.memory_space<vmem>>) dst(%dma_wait3A_142 : memref<128x64xf32, #tpu.memory_space<hbm>>)
    return
  }
}

#map = affine_map<(d0, d1) -> (0, 0)>
#map1 = affine_map<(d0, d1) -> (0, 0, 0)>
module attributes {stable_mosaic.version = 14 : i64} {
  func.func @kbody(%arg0: i32, %arg1: i32, %arg2: memref<20480x64xf32, #tpu.memory_space<hbm>>, %arg3: memref<2560x128xi32, #tpu.memory_space<hbm>>, %arg4: memref<16x20480x128xf32, #tpu.memory_space<hbm>>, %arg5: memref<80x128xi32, #tpu.memory_space<vmem>>, %arg6: memref<128x64xf32, #tpu.memory_space<vmem>>, %arg7: memref<128x64xf32, #tpu.memory_space<vmem>>, %arg8: memref<128x64xf32, #tpu.memory_space<vmem>>, %arg9: memref<128x64xf32, #tpu.memory_space<vmem>>, %arg10: memref<128x64xf32, #tpu.memory_space<vmem>>, %arg11: memref<128x64xf32, #tpu.memory_space<vmem>>, %arg12: memref<128x64xf32, #tpu.memory_space<vmem>>, %arg13: memref<128x64xf32, #tpu.memory_space<vmem>>, %arg14: memref<!tpu.dma_semaphore, #tpu.memory_space<semaphore_mem>>, %arg15: memref<!tpu.dma_semaphore, #tpu.memory_space<semaphore_mem>>, %arg16: memref<!tpu.dma_semaphore, #tpu.memory_space<semaphore_mem>>, %arg17: memref<!tpu.dma_semaphore, #tpu.memory_space<semaphore_mem>>, %arg18: memref<!tpu.dma_semaphore, #tpu.memory_space<semaphore_mem>>, %arg19: memref<!tpu.dma_semaphore, #tpu.memory_space<semaphore_mem>>, %arg20: memref<!tpu.dma_semaphore, #tpu.memory_space<semaphore_mem>>, %arg21: memref<!tpu.dma_semaphore, #tpu.memory_space<semaphore_mem>>, %arg22: memref<!tpu.dma_semaphore, #tpu.memory_space<semaphore_mem>>, %arg23: memref<!tpu.dma_semaphore, #tpu.memory_space<semaphore_mem>>, %arg24: memref<!tpu.dma_semaphore, #tpu.memory_space<semaphore_mem>>, %arg25: memref<!tpu.dma_semaphore, #tpu.memory_space<semaphore_mem>>, %arg26: memref<!tpu.dma_semaphore, #tpu.memory_space<semaphore_mem>>, %arg27: memref<!tpu.dma_semaphore, #tpu.memory_space<semaphore_mem>>, %arg28: memref<!tpu.dma_semaphore, #tpu.memory_space<semaphore_mem>>, %arg29: memref<!tpu.dma_semaphore, #tpu.memory_space<semaphore_mem>>) attributes {dimension_semantics = [#tpu.dimension_semantics<core_parallel>, #tpu.dimension_semantics<subcore_parallel>], iteration_bounds = array<i64: 2, 16>, scalar_prefetch = 0 : i64, scratch_operands = 25 : i64, tpu.core_type = #tpu.core_type<sc_vector_subcore>, window_params = [{transform_indices = #map}, {transform_indices = #map}, {transform_indices = #map1}]} {
    %mul3A = arith.constant 2 : i32
    %mul3A_0 = arith.muli %arg1, %mul3A : i32
    %add3A = arith.addi %mul3A_0, %arg0 : i32
    %jit3A = arith.constant 2 : i32
    %div3A = arith.divsi %add3A, %jit3A : i32
    %sign3A = arith.constant 0 : i32
    %sign3A_1 = arith.cmpi sgt, %add3A, %sign3A : i32
    %sign3A_2 = arith.extui %sign3A_1 : i1 to i32
    %sign3A_3 = arith.constant 0 : i32
    %sign3A_4 = arith.cmpi slt, %add3A, %sign3A_3 : i32
    %sign3A_5 = arith.extui %sign3A_4 : i1 to i32
    %sign3A_6 = arith.subi %sign3A_2, %sign3A_5 : i32
    %sign3A_7 = arith.constant 0 : i32
    %sign3A_8 = arith.cmpi sgt, %jit3A, %sign3A_7 : i32
    %sign3A_9 = arith.extui %sign3A_8 : i1 to i32
    %sign3A_10 = arith.constant 0 : i32
    %sign3A_11 = arith.cmpi slt, %jit3A, %sign3A_10 : i32
    %sign3A_12 = arith.extui %sign3A_11 : i1 to i32
    %sign3A_13 = arith.subi %sign3A_9, %sign3A_12 : i32
    %ne3A = arith.cmpi ne, %sign3A_6, %sign3A_13 : i32
    %rem3A = arith.remsi %add3A, %jit3A : i32
    %ne3A_14 = arith.constant 0 : i32
    %ne3A_15 = arith.cmpi ne, %rem3A, %ne3A_14 : i32
    %and3A = arith.andi %ne3A, %ne3A_15 : i1
    %sub3A = arith.constant 1 : i32
    %sub3A_16 = arith.subi %div3A, %sub3A : i32
    %select_n3A = arith.select %and3A, %sub3A_16, %div3A : i32
    %jit3A_17 = arith.constant 2 : i32
    %eq3A = arith.constant 0 : i32
    %eq3A_18 = arith.cmpi eq, %jit3A_17, %eq3A : i32
    %jit3A_19 = arith.constant 1 : i32
    %select_n3A_20 = arith.select %eq3A_18, %jit3A_19, %jit3A_17 : i32
    %rem3A_21 = arith.remsi %add3A, %select_n3A_20 : i32
    %ne3A_22 = arith.constant 0 : i32
    %ne3A_23 = arith.cmpi ne, %rem3A_21, %ne3A_22 : i32
    %lt3A = arith.constant 0 : i32
    %lt3A_24 = arith.cmpi slt, %rem3A_21, %lt3A : i32
    %lt3A_25 = arith.constant 0 : i32
    %lt3A_26 = arith.cmpi slt, %select_n3A_20, %lt3A_25 : i32
    %ne3A_27 = arith.xori %lt3A_24, %lt3A_26 : i1
    %and3A_28 = arith.andi %ne3A_27, %ne3A_23 : i1
    %add3A_29 = arith.addi %rem3A_21, %select_n3A_20 : i32
    %select_n3A_30 = arith.select %and3A_28, %add3A_29, %rem3A_21 : i32
    %mul3A_31 = arith.constant 10240 : i32
    %mul3A_32 = arith.muli %select_n3A_30, %mul3A_31 : i32
    %mul3A_33 = arith.constant 80 : i32
    %mul3A_34 = arith.muli %add3A, %mul3A_33 : i32
    "tpu.region"() ({
      %run_scoped3A = tpu.sem_alloc : memref<!tpu.dma_semaphore, #tpu.memory_space<semaphore_mem>>
      %dma_start3A_143 = arith.constant 0 : i32
      %dma_start3A_144 = tpu.memref_slice %arg3[%mul3A_34, %dma_start3A_143] : memref<2560x128xi32, #tpu.memory_space<hbm>> -> memref<80x128xi32, #tpu.memory_space<hbm>>
      %dma_start3A_145 = arith.constant 0 : i32
      %dma_start3A_146 = tpu.memref_slice %arg3[%mul3A_34, %dma_start3A_145] : memref<2560x128xi32, #tpu.memory_space<hbm>> -> memref<80x128xi32, #tpu.memory_space<hbm>>
      tpu.enqueue_dma source(%dma_start3A_146 : memref<80x128xi32, #tpu.memory_space<hbm>>) target(%arg5 : memref<80x128xi32, #tpu.memory_space<vmem>>) target_semaphore(%run_scoped3A : memref<!tpu.dma_semaphore, #tpu.memory_space<semaphore_mem>>)
      %dma_wait3A_147 = arith.constant 0 : i32
      %dma_wait3A_148 = tpu.memref_slice %arg3[%mul3A_34, %dma_wait3A_147] : memref<2560x128xi32, #tpu.memory_space<hbm>> -> memref<80x128xi32, #tpu.memory_space<hbm>>
      %dma_wait3A_149 = arith.constant 0 : i32
      %dma_wait3A_150 = tpu.memref_slice %arg3[%mul3A_34, %dma_wait3A_149] : memref<2560x128xi32, #tpu.memory_space<hbm>> -> memref<80x128xi32, #tpu.memory_space<hbm>>
      tpu.wait_dma2 semaphore(%run_scoped3A : memref<!tpu.dma_semaphore, #tpu.memory_space<semaphore_mem>>) src(%dma_wait3A_150 : memref<80x128xi32, #tpu.memory_space<hbm>>) dst(%arg5 : memref<80x128xi32, #tpu.memory_space<vmem>>)
      tpu.yield
    }) : () -> ()
    %dma_start3A = arith.constant 0 : i32
    %dma_start3A_35 = arith.constant 0 : i32
    %dma_start3A_36 = tpu.memref_slice %arg5[%dma_start3A, %dma_start3A_35] : memref<80x128xi32, #tpu.memory_space<vmem>> -> memref<1x128xi32, #tpu.memory_space<vmem>>
    %dma_start3A_37 = tpu.memref_squeeze %dma_start3A_36 : memref<1x128xi32, #tpu.memory_space<vmem>> -> memref<128xi32, #tpu.memory_space<vmem>>
    %dma_start3A_38 = arith.constant 0 : i32
    %dma_start3A_39 = arith.constant 0 : i32
    %dma_start3A_40 = tpu.memref_slice %arg2[%dma_start3A_38, %dma_start3A_39] : memref<20480x64xf32, #tpu.memory_space<hbm>> -> memref<20480x64xf32, #tpu.memory_space<hbm>>
    tpu.enqueue_indirect_dma source(%dma_start3A_40 : memref<20480x64xf32, #tpu.memory_space<hbm>>) target(%arg6 : memref<128x64xf32, #tpu.memory_space<vmem>>) offsets(%dma_start3A_37 : memref<128xi32, #tpu.memory_space<vmem>>) semaphore(%arg14 : memref<!tpu.dma_semaphore, #tpu.memory_space<semaphore_mem>>)
    %dma_start3A_41 = arith.constant 1 : i32
    %dma_start3A_42 = arith.constant 0 : i32
    %dma_start3A_43 = tpu.memref_slice %arg5[%dma_start3A_41, %dma_start3A_42] : memref<80x128xi32, #tpu.memory_space<vmem>> -> memref<1x128xi32, #tpu.memory_space<vmem>>
    %dma_start3A_44 = tpu.memref_squeeze %dma_start3A_43 : memref<1x128xi32, #tpu.memory_space<vmem>> -> memref<128xi32, #tpu.memory_space<vmem>>
    %dma_start3A_45 = arith.constant 0 : i32
    %dma_start3A_46 = arith.constant 0 : i32
    %dma_start3A_47 = tpu.memref_slice %arg2[%dma_start3A_45, %dma_start3A_46] : memref<20480x64xf32, #tpu.memory_space<hbm>> -> memref<20480x64xf32, #tpu.memory_space<hbm>>
    tpu.enqueue_indirect_dma source(%dma_start3A_47 : memref<20480x64xf32, #tpu.memory_space<hbm>>) target(%arg7 : memref<128x64xf32, #tpu.memory_space<vmem>>) offsets(%dma_start3A_44 : memref<128xi32, #tpu.memory_space<vmem>>) semaphore(%arg15 : memref<!tpu.dma_semaphore, #tpu.memory_space<semaphore_mem>>)
    %dma_start3A_48 = arith.constant 2 : i32
    %dma_start3A_49 = arith.constant 0 : i32
    %dma_start3A_50 = tpu.memref_slice %arg5[%dma_start3A_48, %dma_start3A_49] : memref<80x128xi32, #tpu.memory_space<vmem>> -> memref<1x128xi32, #tpu.memory_space<vmem>>
    %dma_start3A_51 = tpu.memref_squeeze %dma_start3A_50 : memref<1x128xi32, #tpu.memory_space<vmem>> -> memref<128xi32, #tpu.memory_space<vmem>>
    %dma_start3A_52 = arith.constant 0 : i32
    %dma_start3A_53 = arith.constant 0 : i32
    %dma_start3A_54 = tpu.memref_slice %arg2[%dma_start3A_52, %dma_start3A_53] : memref<20480x64xf32, #tpu.memory_space<hbm>> -> memref<20480x64xf32, #tpu.memory_space<hbm>>
    tpu.enqueue_indirect_dma source(%dma_start3A_54 : memref<20480x64xf32, #tpu.memory_space<hbm>>) target(%arg8 : memref<128x64xf32, #tpu.memory_space<vmem>>) offsets(%dma_start3A_51 : memref<128xi32, #tpu.memory_space<vmem>>) semaphore(%arg16 : memref<!tpu.dma_semaphore, #tpu.memory_space<semaphore_mem>>)
    %dma_start3A_55 = arith.constant 3 : i32
    %dma_start3A_56 = arith.constant 0 : i32
    %dma_start3A_57 = tpu.memref_slice %arg5[%dma_start3A_55, %dma_start3A_56] : memref<80x128xi32, #tpu.memory_space<vmem>> -> memref<1x128xi32, #tpu.memory_space<vmem>>
    %dma_start3A_58 = tpu.memref_squeeze %dma_start3A_57 : memref<1x128xi32, #tpu.memory_space<vmem>> -> memref<128xi32, #tpu.memory_space<vmem>>
    %dma_start3A_59 = arith.constant 0 : i32
    %dma_start3A_60 = arith.constant 0 : i32
    %dma_start3A_61 = tpu.memref_slice %arg2[%dma_start3A_59, %dma_start3A_60] : memref<20480x64xf32, #tpu.memory_space<hbm>> -> memref<20480x64xf32, #tpu.memory_space<hbm>>
    tpu.enqueue_indirect_dma source(%dma_start3A_61 : memref<20480x64xf32, #tpu.memory_space<hbm>>) target(%arg9 : memref<128x64xf32, #tpu.memory_space<vmem>>) offsets(%dma_start3A_58 : memref<128xi32, #tpu.memory_space<vmem>>) semaphore(%arg17 : memref<!tpu.dma_semaphore, #tpu.memory_space<semaphore_mem>>)
    %dma_start3A_62 = arith.constant 4 : i32
    %dma_start3A_63 = arith.constant 0 : i32
    %dma_start3A_64 = tpu.memref_slice %arg5[%dma_start3A_62, %dma_start3A_63] : memref<80x128xi32, #tpu.memory_space<vmem>> -> memref<1x128xi32, #tpu.memory_space<vmem>>
    %dma_start3A_65 = tpu.memref_squeeze %dma_start3A_64 : memref<1x128xi32, #tpu.memory_space<vmem>> -> memref<128xi32, #tpu.memory_space<vmem>>
    %dma_start3A_66 = arith.constant 0 : i32
    %dma_start3A_67 = arith.constant 0 : i32
    %dma_start3A_68 = tpu.memref_slice %arg2[%dma_start3A_66, %dma_start3A_67] : memref<20480x64xf32, #tpu.memory_space<hbm>> -> memref<20480x64xf32, #tpu.memory_space<hbm>>
    tpu.enqueue_indirect_dma source(%dma_start3A_68 : memref<20480x64xf32, #tpu.memory_space<hbm>>) target(%arg10 : memref<128x64xf32, #tpu.memory_space<vmem>>) offsets(%dma_start3A_65 : memref<128xi32, #tpu.memory_space<vmem>>) semaphore(%arg18 : memref<!tpu.dma_semaphore, #tpu.memory_space<semaphore_mem>>)
    %dma_start3A_69 = arith.constant 5 : i32
    %dma_start3A_70 = arith.constant 0 : i32
    %dma_start3A_71 = tpu.memref_slice %arg5[%dma_start3A_69, %dma_start3A_70] : memref<80x128xi32, #tpu.memory_space<vmem>> -> memref<1x128xi32, #tpu.memory_space<vmem>>
    %dma_start3A_72 = tpu.memref_squeeze %dma_start3A_71 : memref<1x128xi32, #tpu.memory_space<vmem>> -> memref<128xi32, #tpu.memory_space<vmem>>
    %dma_start3A_73 = arith.constant 0 : i32
    %dma_start3A_74 = arith.constant 0 : i32
    %dma_start3A_75 = tpu.memref_slice %arg2[%dma_start3A_73, %dma_start3A_74] : memref<20480x64xf32, #tpu.memory_space<hbm>> -> memref<20480x64xf32, #tpu.memory_space<hbm>>
    tpu.enqueue_indirect_dma source(%dma_start3A_75 : memref<20480x64xf32, #tpu.memory_space<hbm>>) target(%arg11 : memref<128x64xf32, #tpu.memory_space<vmem>>) offsets(%dma_start3A_72 : memref<128xi32, #tpu.memory_space<vmem>>) semaphore(%arg19 : memref<!tpu.dma_semaphore, #tpu.memory_space<semaphore_mem>>)
    %scan3A = arith.constant 0 : i32
    %scan3A_76 = arith.constant 10 : i32
    %scan3A_77 = arith.addi %scan3A, %scan3A_76 : i32
    %scan3A_78 = arith.constant 1 : i32
    scf.for %scan3A_143 = %scan3A to %scan3A_77 step %scan3A_78  : i32 {
      %mul3A_144 = arith.constant 8 : i32
      %mul3A_145 = arith.muli %scan3A_143, %mul3A_144 : i32
      %add3A_146 = arith.constant 0 : i32
      %add3A_147 = arith.addi %add3A_146, %mul3A_145 : i32
      %add3A_148 = arith.constant 0 : i32
      %add3A_149 = arith.addi %add3A_147, %add3A_148 : i32
      %dma_wait3A_150 = arith.constant 0 : i32
      %dma_wait3A_151 = tpu.memref_slice %arg5[%add3A_149, %dma_wait3A_150] : memref<80x128xi32, #tpu.memory_space<vmem>> -> memref<1x128xi32, #tpu.memory_space<vmem>>
      %dma_wait3A_152 = tpu.memref_squeeze %dma_wait3A_151 : memref<1x128xi32, #tpu.memory_space<vmem>> -> memref<128xi32, #tpu.memory_space<vmem>>
      %dma_wait3A_153 = arith.constant 0 : i32
      %dma_wait3A_154 = arith.constant 0 : i32
      %dma_wait3A_155 = tpu.memref_slice %arg2[%dma_wait3A_153, %dma_wait3A_154] : memref<20480x64xf32, #tpu.memory_space<hbm>> -> memref<20480x64xf32, #tpu.memory_space<hbm>>
      tpu.wait_indirect_dma semaphore(%arg14 : memref<!tpu.dma_semaphore, #tpu.memory_space<semaphore_mem>>) src(%dma_wait3A_155 : memref<20480x64xf32, #tpu.memory_space<hbm>>) dst(%arg6 : memref<128x64xf32, #tpu.memory_space<vmem>>)
      %mul3A_156 = arith.constant 128 : i32
      %mul3A_157 = arith.muli %add3A_149, %mul3A_156 : i32
      %add3A_158 = arith.addi %mul3A_32, %mul3A_157 : i32
      %dma_start3A_159 = arith.constant 0 : i32
      %dma_start3A_160 = tpu.memref_slice %arg4[%select_n3A, %add3A_158, %dma_start3A_159] : memref<16x20480x128xf32, #tpu.memory_space<hbm>> -> memref<1x128x64xf32, #tpu.memory_space<hbm>>
      %dma_start3A_161 = tpu.memref_squeeze %dma_start3A_160 : memref<1x128x64xf32, #tpu.memory_space<hbm>> -> memref<128x64xf32, #tpu.memory_space<hbm>>
      %dma_start3A_162 = arith.constant 0 : i32
      %dma_start3A_163 = tpu.memref_slice %arg4[%select_n3A, %add3A_158, %dma_start3A_162] : memref<16x20480x128xf32, #tpu.memory_space<hbm>> -> memref<1x128x64xf32, #tpu.memory_space<hbm>>
      %dma_start3A_164 = tpu.memref_squeeze %dma_start3A_163 : memref<1x128x64xf32, #tpu.memory_space<hbm>> -> memref<128x64xf32, #tpu.memory_space<hbm>>
      tpu.enqueue_dma source(%arg6 : memref<128x64xf32, #tpu.memory_space<vmem>>) target(%dma_start3A_164 : memref<128x64xf32, #tpu.memory_space<hbm>>) target_semaphore(%arg22 : memref<!tpu.dma_semaphore, #tpu.memory_space<semaphore_mem>>)
      %add3A_165 = arith.constant 8 : i32
      %add3A_166 = arith.addi %add3A_149, %add3A_165 : i32
      %sub3A_167 = arith.constant 2 : i32
      %sub3A_168 = arith.subi %add3A_166, %sub3A_167 : i32
      %lt3A_169 = arith.constant 80 : i32
      %lt3A_170 = arith.cmpi slt, %sub3A_168, %lt3A_169 : i32
      %convert_element_type3A = arith.extui %lt3A_170 : i1 to i32
      %cond3A = arith.constant 0 : i32
      %cond3A_171 = arith.cmpi ne, %convert_element_type3A, %cond3A : i32
      scf.if %cond3A_171 {
        %ge3A = arith.constant 2 : i32
        %ge3A_354 = arith.cmpi sge, %add3A_149, %ge3A : i32
        %convert_element_type3A_355 = arith.extui %ge3A_354 : i1 to i32
        %cond3A_356 = arith.constant 0 : i32
        %cond3A_357 = arith.cmpi ne, %convert_element_type3A_355, %cond3A_356 : i32
        scf.if %cond3A_357 {
          %mul3A_368 = arith.constant 128 : i32
          %mul3A_369 = arith.muli %add3A_149, %mul3A_368 : i32
          %add3A_370 = arith.addi %mul3A_32, %mul3A_369 : i32
          %dma_wait3A_371 = arith.constant 0 : i32
          %dma_wait3A_372 = tpu.memref_slice %arg4[%select_n3A, %add3A_370, %dma_wait3A_371] : memref<16x20480x128xf32, #tpu.memory_space<hbm>> -> memref<1x128x64xf32, #tpu.memory_space<hbm>>
          %dma_wait3A_373 = tpu.memref_squeeze %dma_wait3A_372 : memref<1x128x64xf32, #tpu.memory_space<hbm>> -> memref<128x64xf32, #tpu.memory_space<hbm>>
          %dma_wait3A_374 = arith.constant 0 : i32
          %dma_wait3A_375 = tpu.memref_slice %arg4[%select_n3A, %add3A_370, %dma_wait3A_374] : memref<16x20480x128xf32, #tpu.memory_space<hbm>> -> memref<1x128x64xf32, #tpu.memory_space<hbm>>
          %dma_wait3A_376 = tpu.memref_squeeze %dma_wait3A_375 : memref<1x128x64xf32, #tpu.memory_space<hbm>> -> memref<128x64xf32, #tpu.memory_space<hbm>>
          tpu.wait_dma2 semaphore(%arg28 : memref<!tpu.dma_semaphore, #tpu.memory_space<semaphore_mem>>) src(%arg12 : memref<128x64xf32, #tpu.memory_space<vmem>>) dst(%dma_wait3A_376 : memref<128x64xf32, #tpu.memory_space<hbm>>)
        } else {
        }
        %add3A_358 = arith.constant 8 : i32
        %add3A_359 = arith.addi %add3A_149, %add3A_358 : i32
        %sub3A_360 = arith.constant 2 : i32
        %sub3A_361 = arith.subi %add3A_359, %sub3A_360 : i32
        %dma_start3A_362 = arith.constant 0 : i32
        %dma_start3A_363 = tpu.memref_slice %arg5[%sub3A_361, %dma_start3A_362] : memref<80x128xi32, #tpu.memory_space<vmem>> -> memref<1x128xi32, #tpu.memory_space<vmem>>
        %dma_start3A_364 = tpu.memref_squeeze %dma_start3A_363 : memref<1x128xi32, #tpu.memory_space<vmem>> -> memref<128xi32, #tpu.memory_space<vmem>>
        %dma_start3A_365 = arith.constant 0 : i32
        %dma_start3A_366 = arith.constant 0 : i32
        %dma_start3A_367 = tpu.memref_slice %arg2[%dma_start3A_365, %dma_start3A_366] : memref<20480x64xf32, #tpu.memory_space<hbm>> -> memref<20480x64xf32, #tpu.memory_space<hbm>>
        tpu.enqueue_indirect_dma source(%dma_start3A_367 : memref<20480x64xf32, #tpu.memory_space<hbm>>) target(%arg12 : memref<128x64xf32, #tpu.memory_space<vmem>>) offsets(%dma_start3A_364 : memref<128xi32, #tpu.memory_space<vmem>>) semaphore(%arg20 : memref<!tpu.dma_semaphore, #tpu.memory_space<semaphore_mem>>)
      } else {
      }
      %add3A_172 = arith.constant 1 : i32
      %add3A_173 = arith.addi %add3A_147, %add3A_172 : i32
      %dma_wait3A_174 = arith.constant 0 : i32
      %dma_wait3A_175 = tpu.memref_slice %arg5[%add3A_173, %dma_wait3A_174] : memref<80x128xi32, #tpu.memory_space<vmem>> -> memref<1x128xi32, #tpu.memory_space<vmem>>
      %dma_wait3A_176 = tpu.memref_squeeze %dma_wait3A_175 : memref<1x128xi32, #tpu.memory_space<vmem>> -> memref<128xi32, #tpu.memory_space<vmem>>
      %dma_wait3A_177 = arith.constant 0 : i32
      %dma_wait3A_178 = arith.constant 0 : i32
      %dma_wait3A_179 = tpu.memref_slice %arg2[%dma_wait3A_177, %dma_wait3A_178] : memref<20480x64xf32, #tpu.memory_space<hbm>> -> memref<20480x64xf32, #tpu.memory_space<hbm>>
      tpu.wait_indirect_dma semaphore(%arg15 : memref<!tpu.dma_semaphore, #tpu.memory_space<semaphore_mem>>) src(%dma_wait3A_179 : memref<20480x64xf32, #tpu.memory_space<hbm>>) dst(%arg7 : memref<128x64xf32, #tpu.memory_space<vmem>>)
      %mul3A_180 = arith.constant 128 : i32
      %mul3A_181 = arith.muli %add3A_173, %mul3A_180 : i32
      %add3A_182 = arith.addi %mul3A_32, %mul3A_181 : i32
      %dma_start3A_183 = arith.constant 0 : i32
      %dma_start3A_184 = tpu.memref_slice %arg4[%select_n3A, %add3A_182, %dma_start3A_183] : memref<16x20480x128xf32, #tpu.memory_space<hbm>> -> memref<1x128x64xf32, #tpu.memory_space<hbm>>
      %dma_start3A_185 = tpu.memref_squeeze %dma_start3A_184 : memref<1x128x64xf32, #tpu.memory_space<hbm>> -> memref<128x64xf32, #tpu.memory_space<hbm>>
      %dma_start3A_186 = arith.constant 0 : i32
      %dma_start3A_187 = tpu.memref_slice %arg4[%select_n3A, %add3A_182, %dma_start3A_186] : memref<16x20480x128xf32, #tpu.memory_space<hbm>> -> memref<1x128x64xf32, #tpu.memory_space<hbm>>
      %dma_start3A_188 = tpu.memref_squeeze %dma_start3A_187 : memref<1x128x64xf32, #tpu.memory_space<hbm>> -> memref<128x64xf32, #tpu.memory_space<hbm>>
      tpu.enqueue_dma source(%arg7 : memref<128x64xf32, #tpu.memory_space<vmem>>) target(%dma_start3A_188 : memref<128x64xf32, #tpu.memory_space<hbm>>) target_semaphore(%arg23 : memref<!tpu.dma_semaphore, #tpu.memory_space<semaphore_mem>>)
      %add3A_189 = arith.constant 8 : i32
      %add3A_190 = arith.addi %add3A_173, %add3A_189 : i32
      %sub3A_191 = arith.constant 2 : i32
      %sub3A_192 = arith.subi %add3A_190, %sub3A_191 : i32
      %lt3A_193 = arith.constant 80 : i32
      %lt3A_194 = arith.cmpi slt, %sub3A_192, %lt3A_193 : i32
      %convert_element_type3A_195 = arith.extui %lt3A_194 : i1 to i32
      %cond3A_196 = arith.constant 0 : i32
      %cond3A_197 = arith.cmpi ne, %convert_element_type3A_195, %cond3A_196 : i32
      scf.if %cond3A_197 {
        %ge3A = arith.constant 2 : i32
        %ge3A_354 = arith.cmpi sge, %add3A_173, %ge3A : i32
        %convert_element_type3A_355 = arith.extui %ge3A_354 : i1 to i32
        %cond3A_356 = arith.constant 0 : i32
        %cond3A_357 = arith.cmpi ne, %convert_element_type3A_355, %cond3A_356 : i32
        scf.if %cond3A_357 {
          %mul3A_368 = arith.constant 128 : i32
          %mul3A_369 = arith.muli %add3A_173, %mul3A_368 : i32
          %add3A_370 = arith.addi %mul3A_32, %mul3A_369 : i32
          %dma_wait3A_371 = arith.constant 0 : i32
          %dma_wait3A_372 = tpu.memref_slice %arg4[%select_n3A, %add3A_370, %dma_wait3A_371] : memref<16x20480x128xf32, #tpu.memory_space<hbm>> -> memref<1x128x64xf32, #tpu.memory_space<hbm>>
          %dma_wait3A_373 = tpu.memref_squeeze %dma_wait3A_372 : memref<1x128x64xf32, #tpu.memory_space<hbm>> -> memref<128x64xf32, #tpu.memory_space<hbm>>
          %dma_wait3A_374 = arith.constant 0 : i32
          %dma_wait3A_375 = tpu.memref_slice %arg4[%select_n3A, %add3A_370, %dma_wait3A_374] : memref<16x20480x128xf32, #tpu.memory_space<hbm>> -> memref<1x128x64xf32, #tpu.memory_space<hbm>>
          %dma_wait3A_376 = tpu.memref_squeeze %dma_wait3A_375 : memref<1x128x64xf32, #tpu.memory_space<hbm>> -> memref<128x64xf32, #tpu.memory_space<hbm>>
          tpu.wait_dma2 semaphore(%arg29 : memref<!tpu.dma_semaphore, #tpu.memory_space<semaphore_mem>>) src(%arg13 : memref<128x64xf32, #tpu.memory_space<vmem>>) dst(%dma_wait3A_376 : memref<128x64xf32, #tpu.memory_space<hbm>>)
        } else {
        }
        %add3A_358 = arith.constant 8 : i32
        %add3A_359 = arith.addi %add3A_173, %add3A_358 : i32
        %sub3A_360 = arith.constant 2 : i32
        %sub3A_361 = arith.subi %add3A_359, %sub3A_360 : i32
        %dma_start3A_362 = arith.constant 0 : i32
        %dma_start3A_363 = tpu.memref_slice %arg5[%sub3A_361, %dma_start3A_362] : memref<80x128xi32, #tpu.memory_space<vmem>> -> memref<1x128xi32, #tpu.memory_space<vmem>>
        %dma_start3A_364 = tpu.memref_squeeze %dma_start3A_363 : memref<1x128xi32, #tpu.memory_space<vmem>> -> memref<128xi32, #tpu.memory_space<vmem>>
        %dma_start3A_365 = arith.constant 0 : i32
        %dma_start3A_366 = arith.constant 0 : i32
        %dma_start3A_367 = tpu.memref_slice %arg2[%dma_start3A_365, %dma_start3A_366] : memref<20480x64xf32, #tpu.memory_space<hbm>> -> memref<20480x64xf32, #tpu.memory_space<hbm>>
        tpu.enqueue_indirect_dma source(%dma_start3A_367 : memref<20480x64xf32, #tpu.memory_space<hbm>>) target(%arg13 : memref<128x64xf32, #tpu.memory_space<vmem>>) offsets(%dma_start3A_364 : memref<128xi32, #tpu.memory_space<vmem>>) semaphore(%arg21 : memref<!tpu.dma_semaphore, #tpu.memory_space<semaphore_mem>>)
      } else {
      }
      %add3A_198 = arith.constant 2 : i32
      %add3A_199 = arith.addi %add3A_147, %add3A_198 : i32
      %dma_wait3A_200 = arith.constant 0 : i32
      %dma_wait3A_201 = tpu.memref_slice %arg5[%add3A_199, %dma_wait3A_200] : memref<80x128xi32, #tpu.memory_space<vmem>> -> memref<1x128xi32, #tpu.memory_space<vmem>>
      %dma_wait3A_202 = tpu.memref_squeeze %dma_wait3A_201 : memref<1x128xi32, #tpu.memory_space<vmem>> -> memref<128xi32, #tpu.memory_space<vmem>>
      %dma_wait3A_203 = arith.constant 0 : i32
      %dma_wait3A_204 = arith.constant 0 : i32
      %dma_wait3A_205 = tpu.memref_slice %arg2[%dma_wait3A_203, %dma_wait3A_204] : memref<20480x64xf32, #tpu.memory_space<hbm>> -> memref<20480x64xf32, #tpu.memory_space<hbm>>
      tpu.wait_indirect_dma semaphore(%arg16 : memref<!tpu.dma_semaphore, #tpu.memory_space<semaphore_mem>>) src(%dma_wait3A_205 : memref<20480x64xf32, #tpu.memory_space<hbm>>) dst(%arg8 : memref<128x64xf32, #tpu.memory_space<vmem>>)
      %mul3A_206 = arith.constant 128 : i32
      %mul3A_207 = arith.muli %add3A_199, %mul3A_206 : i32
      %add3A_208 = arith.addi %mul3A_32, %mul3A_207 : i32
      %dma_start3A_209 = arith.constant 0 : i32
      %dma_start3A_210 = tpu.memref_slice %arg4[%select_n3A, %add3A_208, %dma_start3A_209] : memref<16x20480x128xf32, #tpu.memory_space<hbm>> -> memref<1x128x64xf32, #tpu.memory_space<hbm>>
      %dma_start3A_211 = tpu.memref_squeeze %dma_start3A_210 : memref<1x128x64xf32, #tpu.memory_space<hbm>> -> memref<128x64xf32, #tpu.memory_space<hbm>>
      %dma_start3A_212 = arith.constant 0 : i32
      %dma_start3A_213 = tpu.memref_slice %arg4[%select_n3A, %add3A_208, %dma_start3A_212] : memref<16x20480x128xf32, #tpu.memory_space<hbm>> -> memref<1x128x64xf32, #tpu.memory_space<hbm>>
      %dma_start3A_214 = tpu.memref_squeeze %dma_start3A_213 : memref<1x128x64xf32, #tpu.memory_space<hbm>> -> memref<128x64xf32, #tpu.memory_space<hbm>>
      tpu.enqueue_dma source(%arg8 : memref<128x64xf32, #tpu.memory_space<vmem>>) target(%dma_start3A_214 : memref<128x64xf32, #tpu.memory_space<hbm>>) target_semaphore(%arg24 : memref<!tpu.dma_semaphore, #tpu.memory_space<semaphore_mem>>)
      %add3A_215 = arith.constant 8 : i32
      %add3A_216 = arith.addi %add3A_199, %add3A_215 : i32
      %sub3A_217 = arith.constant 2 : i32
      %sub3A_218 = arith.subi %add3A_216, %sub3A_217 : i32
      %lt3A_219 = arith.constant 80 : i32
      %lt3A_220 = arith.cmpi slt, %sub3A_218, %lt3A_219 : i32
      %convert_element_type3A_221 = arith.extui %lt3A_220 : i1 to i32
      %cond3A_222 = arith.constant 0 : i32
      %cond3A_223 = arith.cmpi ne, %convert_element_type3A_221, %cond3A_222 : i32
      scf.if %cond3A_223 {
        %ge3A = arith.constant 2 : i32
        %ge3A_354 = arith.cmpi sge, %add3A_199, %ge3A : i32
        %convert_element_type3A_355 = arith.extui %ge3A_354 : i1 to i32
        %cond3A_356 = arith.constant 0 : i32
        %cond3A_357 = arith.cmpi ne, %convert_element_type3A_355, %cond3A_356 : i32
        scf.if %cond3A_357 {
          %mul3A_368 = arith.constant 128 : i32
          %mul3A_369 = arith.muli %add3A_199, %mul3A_368 : i32
          %add3A_370 = arith.addi %mul3A_32, %mul3A_369 : i32
          %dma_wait3A_371 = arith.constant 0 : i32
          %dma_wait3A_372 = tpu.memref_slice %arg4[%select_n3A, %add3A_370, %dma_wait3A_371] : memref<16x20480x128xf32, #tpu.memory_space<hbm>> -> memref<1x128x64xf32, #tpu.memory_space<hbm>>
          %dma_wait3A_373 = tpu.memref_squeeze %dma_wait3A_372 : memref<1x128x64xf32, #tpu.memory_space<hbm>> -> memref<128x64xf32, #tpu.memory_space<hbm>>
          %dma_wait3A_374 = arith.constant 0 : i32
          %dma_wait3A_375 = tpu.memref_slice %arg4[%select_n3A, %add3A_370, %dma_wait3A_374] : memref<16x20480x128xf32, #tpu.memory_space<hbm>> -> memref<1x128x64xf32, #tpu.memory_space<hbm>>
          %dma_wait3A_376 = tpu.memref_squeeze %dma_wait3A_375 : memref<1x128x64xf32, #tpu.memory_space<hbm>> -> memref<128x64xf32, #tpu.memory_space<hbm>>
          tpu.wait_dma2 semaphore(%arg22 : memref<!tpu.dma_semaphore, #tpu.memory_space<semaphore_mem>>) src(%arg6 : memref<128x64xf32, #tpu.memory_space<vmem>>) dst(%dma_wait3A_376 : memref<128x64xf32, #tpu.memory_space<hbm>>)
        } else {
        }
        %add3A_358 = arith.constant 8 : i32
        %add3A_359 = arith.addi %add3A_199, %add3A_358 : i32
        %sub3A_360 = arith.constant 2 : i32
        %sub3A_361 = arith.subi %add3A_359, %sub3A_360 : i32
        %dma_start3A_362 = arith.constant 0 : i32
        %dma_start3A_363 = tpu.memref_slice %arg5[%sub3A_361, %dma_start3A_362] : memref<80x128xi32, #tpu.memory_space<vmem>> -> memref<1x128xi32, #tpu.memory_space<vmem>>
        %dma_start3A_364 = tpu.memref_squeeze %dma_start3A_363 : memref<1x128xi32, #tpu.memory_space<vmem>> -> memref<128xi32, #tpu.memory_space<vmem>>
        %dma_start3A_365 = arith.constant 0 : i32
        %dma_start3A_366 = arith.constant 0 : i32
        %dma_start3A_367 = tpu.memref_slice %arg2[%dma_start3A_365, %dma_start3A_366] : memref<20480x64xf32, #tpu.memory_space<hbm>> -> memref<20480x64xf32, #tpu.memory_space<hbm>>
        tpu.enqueue_indirect_dma source(%dma_start3A_367 : memref<20480x64xf32, #tpu.memory_space<hbm>>) target(%arg6 : memref<128x64xf32, #tpu.memory_space<vmem>>) offsets(%dma_start3A_364 : memref<128xi32, #tpu.memory_space<vmem>>) semaphore(%arg14 : memref<!tpu.dma_semaphore, #tpu.memory_space<semaphore_mem>>)
      } else {
      }
      %add3A_224 = arith.constant 3 : i32
      %add3A_225 = arith.addi %add3A_147, %add3A_224 : i32
      %dma_wait3A_226 = arith.constant 0 : i32
      %dma_wait3A_227 = tpu.memref_slice %arg5[%add3A_225, %dma_wait3A_226] : memref<80x128xi32, #tpu.memory_space<vmem>> -> memref<1x128xi32, #tpu.memory_space<vmem>>
      %dma_wait3A_228 = tpu.memref_squeeze %dma_wait3A_227 : memref<1x128xi32, #tpu.memory_space<vmem>> -> memref<128xi32, #tpu.memory_space<vmem>>
      %dma_wait3A_229 = arith.constant 0 : i32
      %dma_wait3A_230 = arith.constant 0 : i32
      %dma_wait3A_231 = tpu.memref_slice %arg2[%dma_wait3A_229, %dma_wait3A_230] : memref<20480x64xf32, #tpu.memory_space<hbm>> -> memref<20480x64xf32, #tpu.memory_space<hbm>>
      tpu.wait_indirect_dma semaphore(%arg17 : memref<!tpu.dma_semaphore, #tpu.memory_space<semaphore_mem>>) src(%dma_wait3A_231 : memref<20480x64xf32, #tpu.memory_space<hbm>>) dst(%arg9 : memref<128x64xf32, #tpu.memory_space<vmem>>)
      %mul3A_232 = arith.constant 128 : i32
      %mul3A_233 = arith.muli %add3A_225, %mul3A_232 : i32
      %add3A_234 = arith.addi %mul3A_32, %mul3A_233 : i32
      %dma_start3A_235 = arith.constant 0 : i32
      %dma_start3A_236 = tpu.memref_slice %arg4[%select_n3A, %add3A_234, %dma_start3A_235] : memref<16x20480x128xf32, #tpu.memory_space<hbm>> -> memref<1x128x64xf32, #tpu.memory_space<hbm>>
      %dma_start3A_237 = tpu.memref_squeeze %dma_start3A_236 : memref<1x128x64xf32, #tpu.memory_space<hbm>> -> memref<128x64xf32, #tpu.memory_space<hbm>>
      %dma_start3A_238 = arith.constant 0 : i32
      %dma_start3A_239 = tpu.memref_slice %arg4[%select_n3A, %add3A_234, %dma_start3A_238] : memref<16x20480x128xf32, #tpu.memory_space<hbm>> -> memref<1x128x64xf32, #tpu.memory_space<hbm>>
      %dma_start3A_240 = tpu.memref_squeeze %dma_start3A_239 : memref<1x128x64xf32, #tpu.memory_space<hbm>> -> memref<128x64xf32, #tpu.memory_space<hbm>>
      tpu.enqueue_dma source(%arg9 : memref<128x64xf32, #tpu.memory_space<vmem>>) target(%dma_start3A_240 : memref<128x64xf32, #tpu.memory_space<hbm>>) target_semaphore(%arg25 : memref<!tpu.dma_semaphore, #tpu.memory_space<semaphore_mem>>)
      %add3A_241 = arith.constant 8 : i32
      %add3A_242 = arith.addi %add3A_225, %add3A_241 : i32
      %sub3A_243 = arith.constant 2 : i32
      %sub3A_244 = arith.subi %add3A_242, %sub3A_243 : i32
      %lt3A_245 = arith.constant 80 : i32
      %lt3A_246 = arith.cmpi slt, %sub3A_244, %lt3A_245 : i32
      %convert_element_type3A_247 = arith.extui %lt3A_246 : i1 to i32
      %cond3A_248 = arith.constant 0 : i32
      %cond3A_249 = arith.cmpi ne, %convert_element_type3A_247, %cond3A_248 : i32
      scf.if %cond3A_249 {
        %ge3A = arith.constant 2 : i32
        %ge3A_354 = arith.cmpi sge, %add3A_225, %ge3A : i32
        %convert_element_type3A_355 = arith.extui %ge3A_354 : i1 to i32
        %cond3A_356 = arith.constant 0 : i32
        %cond3A_357 = arith.cmpi ne, %convert_element_type3A_355, %cond3A_356 : i32
        scf.if %cond3A_357 {
          %mul3A_368 = arith.constant 128 : i32
          %mul3A_369 = arith.muli %add3A_225, %mul3A_368 : i32
          %add3A_370 = arith.addi %mul3A_32, %mul3A_369 : i32
          %dma_wait3A_371 = arith.constant 0 : i32
          %dma_wait3A_372 = tpu.memref_slice %arg4[%select_n3A, %add3A_370, %dma_wait3A_371] : memref<16x20480x128xf32, #tpu.memory_space<hbm>> -> memref<1x128x64xf32, #tpu.memory_space<hbm>>
          %dma_wait3A_373 = tpu.memref_squeeze %dma_wait3A_372 : memref<1x128x64xf32, #tpu.memory_space<hbm>> -> memref<128x64xf32, #tpu.memory_space<hbm>>
          %dma_wait3A_374 = arith.constant 0 : i32
          %dma_wait3A_375 = tpu.memref_slice %arg4[%select_n3A, %add3A_370, %dma_wait3A_374] : memref<16x20480x128xf32, #tpu.memory_space<hbm>> -> memref<1x128x64xf32, #tpu.memory_space<hbm>>
          %dma_wait3A_376 = tpu.memref_squeeze %dma_wait3A_375 : memref<1x128x64xf32, #tpu.memory_space<hbm>> -> memref<128x64xf32, #tpu.memory_space<hbm>>
          tpu.wait_dma2 semaphore(%arg23 : memref<!tpu.dma_semaphore, #tpu.memory_space<semaphore_mem>>) src(%arg7 : memref<128x64xf32, #tpu.memory_space<vmem>>) dst(%dma_wait3A_376 : memref<128x64xf32, #tpu.memory_space<hbm>>)
        } else {
        }
        %add3A_358 = arith.constant 8 : i32
        %add3A_359 = arith.addi %add3A_225, %add3A_358 : i32
        %sub3A_360 = arith.constant 2 : i32
        %sub3A_361 = arith.subi %add3A_359, %sub3A_360 : i32
        %dma_start3A_362 = arith.constant 0 : i32
        %dma_start3A_363 = tpu.memref_slice %arg5[%sub3A_361, %dma_start3A_362] : memref<80x128xi32, #tpu.memory_space<vmem>> -> memref<1x128xi32, #tpu.memory_space<vmem>>
        %dma_start3A_364 = tpu.memref_squeeze %dma_start3A_363 : memref<1x128xi32, #tpu.memory_space<vmem>> -> memref<128xi32, #tpu.memory_space<vmem>>
        %dma_start3A_365 = arith.constant 0 : i32
        %dma_start3A_366 = arith.constant 0 : i32
        %dma_start3A_367 = tpu.memref_slice %arg2[%dma_start3A_365, %dma_start3A_366] : memref<20480x64xf32, #tpu.memory_space<hbm>> -> memref<20480x64xf32, #tpu.memory_space<hbm>>
        tpu.enqueue_indirect_dma source(%dma_start3A_367 : memref<20480x64xf32, #tpu.memory_space<hbm>>) target(%arg7 : memref<128x64xf32, #tpu.memory_space<vmem>>) offsets(%dma_start3A_364 : memref<128xi32, #tpu.memory_space<vmem>>) semaphore(%arg15 : memref<!tpu.dma_semaphore, #tpu.memory_space<semaphore_mem>>)
      } else {
      }
      %add3A_250 = arith.constant 4 : i32
      %add3A_251 = arith.addi %add3A_147, %add3A_250 : i32
      %dma_wait3A_252 = arith.constant 0 : i32
      %dma_wait3A_253 = tpu.memref_slice %arg5[%add3A_251, %dma_wait3A_252] : memref<80x128xi32, #tpu.memory_space<vmem>> -> memref<1x128xi32, #tpu.memory_space<vmem>>
      %dma_wait3A_254 = tpu.memref_squeeze %dma_wait3A_253 : memref<1x128xi32, #tpu.memory_space<vmem>> -> memref<128xi32, #tpu.memory_space<vmem>>
      %dma_wait3A_255 = arith.constant 0 : i32
      %dma_wait3A_256 = arith.constant 0 : i32
      %dma_wait3A_257 = tpu.memref_slice %arg2[%dma_wait3A_255, %dma_wait3A_256] : memref<20480x64xf32, #tpu.memory_space<hbm>> -> memref<20480x64xf32, #tpu.memory_space<hbm>>
      tpu.wait_indirect_dma semaphore(%arg18 : memref<!tpu.dma_semaphore, #tpu.memory_space<semaphore_mem>>) src(%dma_wait3A_257 : memref<20480x64xf32, #tpu.memory_space<hbm>>) dst(%arg10 : memref<128x64xf32, #tpu.memory_space<vmem>>)
      %mul3A_258 = arith.constant 128 : i32
      %mul3A_259 = arith.muli %add3A_251, %mul3A_258 : i32
      %add3A_260 = arith.addi %mul3A_32, %mul3A_259 : i32
      %dma_start3A_261 = arith.constant 0 : i32
      %dma_start3A_262 = tpu.memref_slice %arg4[%select_n3A, %add3A_260, %dma_start3A_261] : memref<16x20480x128xf32, #tpu.memory_space<hbm>> -> memref<1x128x64xf32, #tpu.memory_space<hbm>>
      %dma_start3A_263 = tpu.memref_squeeze %dma_start3A_262 : memref<1x128x64xf32, #tpu.memory_space<hbm>> -> memref<128x64xf32, #tpu.memory_space<hbm>>
      %dma_start3A_264 = arith.constant 0 : i32
      %dma_start3A_265 = tpu.memref_slice %arg4[%select_n3A, %add3A_260, %dma_start3A_264] : memref<16x20480x128xf32, #tpu.memory_space<hbm>> -> memref<1x128x64xf32, #tpu.memory_space<hbm>>
      %dma_start3A_266 = tpu.memref_squeeze %dma_start3A_265 : memref<1x128x64xf32, #tpu.memory_space<hbm>> -> memref<128x64xf32, #tpu.memory_space<hbm>>
      tpu.enqueue_dma source(%arg10 : memref<128x64xf32, #tpu.memory_space<vmem>>) target(%dma_start3A_266 : memref<128x64xf32, #tpu.memory_space<hbm>>) target_semaphore(%arg26 : memref<!tpu.dma_semaphore, #tpu.memory_space<semaphore_mem>>)
      %add3A_267 = arith.constant 8 : i32
      %add3A_268 = arith.addi %add3A_251, %add3A_267 : i32
      %sub3A_269 = arith.constant 2 : i32
      %sub3A_270 = arith.subi %add3A_268, %sub3A_269 : i32
      %lt3A_271 = arith.constant 80 : i32
      %lt3A_272 = arith.cmpi slt, %sub3A_270, %lt3A_271 : i32
      %convert_element_type3A_273 = arith.extui %lt3A_272 : i1 to i32
      %cond3A_274 = arith.constant 0 : i32
      %cond3A_275 = arith.cmpi ne, %convert_element_type3A_273, %cond3A_274 : i32
      scf.if %cond3A_275 {
        %ge3A = arith.constant 2 : i32
        %ge3A_354 = arith.cmpi sge, %add3A_251, %ge3A : i32
        %convert_element_type3A_355 = arith.extui %ge3A_354 : i1 to i32
        %cond3A_356 = arith.constant 0 : i32
        %cond3A_357 = arith.cmpi ne, %convert_element_type3A_355, %cond3A_356 : i32
        scf.if %cond3A_357 {
          %mul3A_368 = arith.constant 128 : i32
          %mul3A_369 = arith.muli %add3A_251, %mul3A_368 : i32
          %add3A_370 = arith.addi %mul3A_32, %mul3A_369 : i32
          %dma_wait3A_371 = arith.constant 0 : i32
          %dma_wait3A_372 = tpu.memref_slice %arg4[%select_n3A, %add3A_370, %dma_wait3A_371] : memref<16x20480x128xf32, #tpu.memory_space<hbm>> -> memref<1x128x64xf32, #tpu.memory_space<hbm>>
          %dma_wait3A_373 = tpu.memref_squeeze %dma_wait3A_372 : memref<1x128x64xf32, #tpu.memory_space<hbm>> -> memref<128x64xf32, #tpu.memory_space<hbm>>
          %dma_wait3A_374 = arith.constant 0 : i32
          %dma_wait3A_375 = tpu.memref_slice %arg4[%select_n3A, %add3A_370, %dma_wait3A_374] : memref<16x20480x128xf32, #tpu.memory_space<hbm>> -> memref<1x128x64xf32, #tpu.memory_space<hbm>>
          %dma_wait3A_376 = tpu.memref_squeeze %dma_wait3A_375 : memref<1x128x64xf32, #tpu.memory_space<hbm>> -> memref<128x64xf32, #tpu.memory_space<hbm>>
          tpu.wait_dma2 semaphore(%arg24 : memref<!tpu.dma_semaphore, #tpu.memory_space<semaphore_mem>>) src(%arg8 : memref<128x64xf32, #tpu.memory_space<vmem>>) dst(%dma_wait3A_376 : memref<128x64xf32, #tpu.memory_space<hbm>>)
        } else {
        }
        %add3A_358 = arith.constant 8 : i32
        %add3A_359 = arith.addi %add3A_251, %add3A_358 : i32
        %sub3A_360 = arith.constant 2 : i32
        %sub3A_361 = arith.subi %add3A_359, %sub3A_360 : i32
        %dma_start3A_362 = arith.constant 0 : i32
        %dma_start3A_363 = tpu.memref_slice %arg5[%sub3A_361, %dma_start3A_362] : memref<80x128xi32, #tpu.memory_space<vmem>> -> memref<1x128xi32, #tpu.memory_space<vmem>>
        %dma_start3A_364 = tpu.memref_squeeze %dma_start3A_363 : memref<1x128xi32, #tpu.memory_space<vmem>> -> memref<128xi32, #tpu.memory_space<vmem>>
        %dma_start3A_365 = arith.constant 0 : i32
        %dma_start3A_366 = arith.constant 0 : i32
        %dma_start3A_367 = tpu.memref_slice %arg2[%dma_start3A_365, %dma_start3A_366] : memref<20480x64xf32, #tpu.memory_space<hbm>> -> memref<20480x64xf32, #tpu.memory_space<hbm>>
        tpu.enqueue_indirect_dma source(%dma_start3A_367 : memref<20480x64xf32, #tpu.memory_space<hbm>>) target(%arg8 : memref<128x64xf32, #tpu.memory_space<vmem>>) offsets(%dma_start3A_364 : memref<128xi32, #tpu.memory_space<vmem>>) semaphore(%arg16 : memref<!tpu.dma_semaphore, #tpu.memory_space<semaphore_mem>>)
      } else {
      }
      %add3A_276 = arith.constant 5 : i32
      %add3A_277 = arith.addi %add3A_147, %add3A_276 : i32
      %dma_wait3A_278 = arith.constant 0 : i32
      %dma_wait3A_279 = tpu.memref_slice %arg5[%add3A_277, %dma_wait3A_278] : memref<80x128xi32, #tpu.memory_space<vmem>> -> memref<1x128xi32, #tpu.memory_space<vmem>>
      %dma_wait3A_280 = tpu.memref_squeeze %dma_wait3A_279 : memref<1x128xi32, #tpu.memory_space<vmem>> -> memref<128xi32, #tpu.memory_space<vmem>>
      %dma_wait3A_281 = arith.constant 0 : i32
      %dma_wait3A_282 = arith.constant 0 : i32
      %dma_wait3A_283 = tpu.memref_slice %arg2[%dma_wait3A_281, %dma_wait3A_282] : memref<20480x64xf32, #tpu.memory_space<hbm>> -> memref<20480x64xf32, #tpu.memory_space<hbm>>
      tpu.wait_indirect_dma semaphore(%arg19 : memref<!tpu.dma_semaphore, #tpu.memory_space<semaphore_mem>>) src(%dma_wait3A_283 : memref<20480x64xf32, #tpu.memory_space<hbm>>) dst(%arg11 : memref<128x64xf32, #tpu.memory_space<vmem>>)
      %mul3A_284 = arith.constant 128 : i32
      %mul3A_285 = arith.muli %add3A_277, %mul3A_284 : i32
      %add3A_286 = arith.addi %mul3A_32, %mul3A_285 : i32
      %dma_start3A_287 = arith.constant 0 : i32
      %dma_start3A_288 = tpu.memref_slice %arg4[%select_n3A, %add3A_286, %dma_start3A_287] : memref<16x20480x128xf32, #tpu.memory_space<hbm>> -> memref<1x128x64xf32, #tpu.memory_space<hbm>>
      %dma_start3A_289 = tpu.memref_squeeze %dma_start3A_288 : memref<1x128x64xf32, #tpu.memory_space<hbm>> -> memref<128x64xf32, #tpu.memory_space<hbm>>
      %dma_start3A_290 = arith.constant 0 : i32
      %dma_start3A_291 = tpu.memref_slice %arg4[%select_n3A, %add3A_286, %dma_start3A_290] : memref<16x20480x128xf32, #tpu.memory_space<hbm>> -> memref<1x128x64xf32, #tpu.memory_space<hbm>>
      %dma_start3A_292 = tpu.memref_squeeze %dma_start3A_291 : memref<1x128x64xf32, #tpu.memory_space<hbm>> -> memref<128x64xf32, #tpu.memory_space<hbm>>
      tpu.enqueue_dma source(%arg11 : memref<128x64xf32, #tpu.memory_space<vmem>>) target(%dma_start3A_292 : memref<128x64xf32, #tpu.memory_space<hbm>>) target_semaphore(%arg27 : memref<!tpu.dma_semaphore, #tpu.memory_space<semaphore_mem>>)
      %add3A_293 = arith.constant 8 : i32
      %add3A_294 = arith.addi %add3A_277, %add3A_293 : i32
      %sub3A_295 = arith.constant 2 : i32
      %sub3A_296 = arith.subi %add3A_294, %sub3A_295 : i32
      %lt3A_297 = arith.constant 80 : i32
      %lt3A_298 = arith.cmpi slt, %sub3A_296, %lt3A_297 : i32
      %convert_element_type3A_299 = arith.extui %lt3A_298 : i1 to i32
      %cond3A_300 = arith.constant 0 : i32
      %cond3A_301 = arith.cmpi ne, %convert_element_type3A_299, %cond3A_300 : i32
      scf.if %cond3A_301 {
        %ge3A = arith.constant 2 : i32
        %ge3A_354 = arith.cmpi sge, %add3A_277, %ge3A : i32
        %convert_element_type3A_355 = arith.extui %ge3A_354 : i1 to i32
        %cond3A_356 = arith.constant 0 : i32
        %cond3A_357 = arith.cmpi ne, %convert_element_type3A_355, %cond3A_356 : i32
        scf.if %cond3A_357 {
          %mul3A_368 = arith.constant 128 : i32
          %mul3A_369 = arith.muli %add3A_277, %mul3A_368 : i32
          %add3A_370 = arith.addi %mul3A_32, %mul3A_369 : i32
          %dma_wait3A_371 = arith.constant 0 : i32
          %dma_wait3A_372 = tpu.memref_slice %arg4[%select_n3A, %add3A_370, %dma_wait3A_371] : memref<16x20480x128xf32, #tpu.memory_space<hbm>> -> memref<1x128x64xf32, #tpu.memory_space<hbm>>
          %dma_wait3A_373 = tpu.memref_squeeze %dma_wait3A_372 : memref<1x128x64xf32, #tpu.memory_space<hbm>> -> memref<128x64xf32, #tpu.memory_space<hbm>>
          %dma_wait3A_374 = arith.constant 0 : i32
          %dma_wait3A_375 = tpu.memref_slice %arg4[%select_n3A, %add3A_370, %dma_wait3A_374] : memref<16x20480x128xf32, #tpu.memory_space<hbm>> -> memref<1x128x64xf32, #tpu.memory_space<hbm>>
          %dma_wait3A_376 = tpu.memref_squeeze %dma_wait3A_375 : memref<1x128x64xf32, #tpu.memory_space<hbm>> -> memref<128x64xf32, #tpu.memory_space<hbm>>
          tpu.wait_dma2 semaphore(%arg25 : memref<!tpu.dma_semaphore, #tpu.memory_space<semaphore_mem>>) src(%arg9 : memref<128x64xf32, #tpu.memory_space<vmem>>) dst(%dma_wait3A_376 : memref<128x64xf32, #tpu.memory_space<hbm>>)
        } else {
        }
        %add3A_358 = arith.constant 8 : i32
        %add3A_359 = arith.addi %add3A_277, %add3A_358 : i32
        %sub3A_360 = arith.constant 2 : i32
        %sub3A_361 = arith.subi %add3A_359, %sub3A_360 : i32
        %dma_start3A_362 = arith.constant 0 : i32
        %dma_start3A_363 = tpu.memref_slice %arg5[%sub3A_361, %dma_start3A_362] : memref<80x128xi32, #tpu.memory_space<vmem>> -> memref<1x128xi32, #tpu.memory_space<vmem>>
        %dma_start3A_364 = tpu.memref_squeeze %dma_start3A_363 : memref<1x128xi32, #tpu.memory_space<vmem>> -> memref<128xi32, #tpu.memory_space<vmem>>
        %dma_start3A_365 = arith.constant 0 : i32
        %dma_start3A_366 = arith.constant 0 : i32
        %dma_start3A_367 = tpu.memref_slice %arg2[%dma_start3A_365, %dma_start3A_366] : memref<20480x64xf32, #tpu.memory_space<hbm>> -> memref<20480x64xf32, #tpu.memory_space<hbm>>
        tpu.enqueue_indirect_dma source(%dma_start3A_367 : memref<20480x64xf32, #tpu.memory_space<hbm>>) target(%arg9 : memref<128x64xf32, #tpu.memory_space<vmem>>) offsets(%dma_start3A_364 : memref<128xi32, #tpu.memory_space<vmem>>) semaphore(%arg17 : memref<!tpu.dma_semaphore, #tpu.memory_space<semaphore_mem>>)
      } else {
      }
      %add3A_302 = arith.constant 6 : i32
      %add3A_303 = arith.addi %add3A_147, %add3A_302 : i32
      %dma_wait3A_304 = arith.constant 0 : i32
      %dma_wait3A_305 = tpu.memref_slice %arg5[%add3A_303, %dma_wait3A_304] : memref<80x128xi32, #tpu.memory_space<vmem>> -> memref<1x128xi32, #tpu.memory_space<vmem>>
      %dma_wait3A_306 = tpu.memref_squeeze %dma_wait3A_305 : memref<1x128xi32, #tpu.memory_space<vmem>> -> memref<128xi32, #tpu.memory_space<vmem>>
      %dma_wait3A_307 = arith.constant 0 : i32
      %dma_wait3A_308 = arith.constant 0 : i32
      %dma_wait3A_309 = tpu.memref_slice %arg2[%dma_wait3A_307, %dma_wait3A_308] : memref<20480x64xf32, #tpu.memory_space<hbm>> -> memref<20480x64xf32, #tpu.memory_space<hbm>>
      tpu.wait_indirect_dma semaphore(%arg20 : memref<!tpu.dma_semaphore, #tpu.memory_space<semaphore_mem>>) src(%dma_wait3A_309 : memref<20480x64xf32, #tpu.memory_space<hbm>>) dst(%arg12 : memref<128x64xf32, #tpu.memory_space<vmem>>)
      %mul3A_310 = arith.constant 128 : i32
      %mul3A_311 = arith.muli %add3A_303, %mul3A_310 : i32
      %add3A_312 = arith.addi %mul3A_32, %mul3A_311 : i32
      %dma_start3A_313 = arith.constant 0 : i32
      %dma_start3A_314 = tpu.memref_slice %arg4[%select_n3A, %add3A_312, %dma_start3A_313] : memref<16x20480x128xf32, #tpu.memory_space<hbm>> -> memref<1x128x64xf32, #tpu.memory_space<hbm>>
      %dma_start3A_315 = tpu.memref_squeeze %dma_start3A_314 : memref<1x128x64xf32, #tpu.memory_space<hbm>> -> memref<128x64xf32, #tpu.memory_space<hbm>>
      %dma_start3A_316 = arith.constant 0 : i32
      %dma_start3A_317 = tpu.memref_slice %arg4[%select_n3A, %add3A_312, %dma_start3A_316] : memref<16x20480x128xf32, #tpu.memory_space<hbm>> -> memref<1x128x64xf32, #tpu.memory_space<hbm>>
      %dma_start3A_318 = tpu.memref_squeeze %dma_start3A_317 : memref<1x128x64xf32, #tpu.memory_space<hbm>> -> memref<128x64xf32, #tpu.memory_space<hbm>>
      tpu.enqueue_dma source(%arg12 : memref<128x64xf32, #tpu.memory_space<vmem>>) target(%dma_start3A_318 : memref<128x64xf32, #tpu.memory_space<hbm>>) target_semaphore(%arg28 : memref<!tpu.dma_semaphore, #tpu.memory_space<semaphore_mem>>)
      %add3A_319 = arith.constant 8 : i32
      %add3A_320 = arith.addi %add3A_303, %add3A_319 : i32
      %sub3A_321 = arith.constant 2 : i32
      %sub3A_322 = arith.subi %add3A_320, %sub3A_321 : i32
      %lt3A_323 = arith.constant 80 : i32
      %lt3A_324 = arith.cmpi slt, %sub3A_322, %lt3A_323 : i32
      %convert_element_type3A_325 = arith.extui %lt3A_324 : i1 to i32
      %cond3A_326 = arith.constant 0 : i32
      %cond3A_327 = arith.cmpi ne, %convert_element_type3A_325, %cond3A_326 : i32
      scf.if %cond3A_327 {
        %ge3A = arith.constant 2 : i32
        %ge3A_354 = arith.cmpi sge, %add3A_303, %ge3A : i32
        %convert_element_type3A_355 = arith.extui %ge3A_354 : i1 to i32
        %cond3A_356 = arith.constant 0 : i32
        %cond3A_357 = arith.cmpi ne, %convert_element_type3A_355, %cond3A_356 : i32
        scf.if %cond3A_357 {
          %mul3A_368 = arith.constant 128 : i32
          %mul3A_369 = arith.muli %add3A_303, %mul3A_368 : i32
          %add3A_370 = arith.addi %mul3A_32, %mul3A_369 : i32
          %dma_wait3A_371 = arith.constant 0 : i32
          %dma_wait3A_372 = tpu.memref_slice %arg4[%select_n3A, %add3A_370, %dma_wait3A_371] : memref<16x20480x128xf32, #tpu.memory_space<hbm>> -> memref<1x128x64xf32, #tpu.memory_space<hbm>>
          %dma_wait3A_373 = tpu.memref_squeeze %dma_wait3A_372 : memref<1x128x64xf32, #tpu.memory_space<hbm>> -> memref<128x64xf32, #tpu.memory_space<hbm>>
          %dma_wait3A_374 = arith.constant 0 : i32
          %dma_wait3A_375 = tpu.memref_slice %arg4[%select_n3A, %add3A_370, %dma_wait3A_374] : memref<16x20480x128xf32, #tpu.memory_space<hbm>> -> memref<1x128x64xf32, #tpu.memory_space<hbm>>
          %dma_wait3A_376 = tpu.memref_squeeze %dma_wait3A_375 : memref<1x128x64xf32, #tpu.memory_space<hbm>> -> memref<128x64xf32, #tpu.memory_space<hbm>>
          tpu.wait_dma2 semaphore(%arg26 : memref<!tpu.dma_semaphore, #tpu.memory_space<semaphore_mem>>) src(%arg10 : memref<128x64xf32, #tpu.memory_space<vmem>>) dst(%dma_wait3A_376 : memref<128x64xf32, #tpu.memory_space<hbm>>)
        } else {
        }
        %add3A_358 = arith.constant 8 : i32
        %add3A_359 = arith.addi %add3A_303, %add3A_358 : i32
        %sub3A_360 = arith.constant 2 : i32
        %sub3A_361 = arith.subi %add3A_359, %sub3A_360 : i32
        %dma_start3A_362 = arith.constant 0 : i32
        %dma_start3A_363 = tpu.memref_slice %arg5[%sub3A_361, %dma_start3A_362] : memref<80x128xi32, #tpu.memory_space<vmem>> -> memref<1x128xi32, #tpu.memory_space<vmem>>
        %dma_start3A_364 = tpu.memref_squeeze %dma_start3A_363 : memref<1x128xi32, #tpu.memory_space<vmem>> -> memref<128xi32, #tpu.memory_space<vmem>>
        %dma_start3A_365 = arith.constant 0 : i32
        %dma_start3A_366 = arith.constant 0 : i32
        %dma_start3A_367 = tpu.memref_slice %arg2[%dma_start3A_365, %dma_start3A_366] : memref<20480x64xf32, #tpu.memory_space<hbm>> -> memref<20480x64xf32, #tpu.memory_space<hbm>>
        tpu.enqueue_indirect_dma source(%dma_start3A_367 : memref<20480x64xf32, #tpu.memory_space<hbm>>) target(%arg10 : memref<128x64xf32, #tpu.memory_space<vmem>>) offsets(%dma_start3A_364 : memref<128xi32, #tpu.memory_space<vmem>>) semaphore(%arg18 : memref<!tpu.dma_semaphore, #tpu.memory_space<semaphore_mem>>)
      } else {
      }
      %add3A_328 = arith.constant 7 : i32
      %add3A_329 = arith.addi %add3A_147, %add3A_328 : i32
      %dma_wait3A_330 = arith.constant 0 : i32
      %dma_wait3A_331 = tpu.memref_slice %arg5[%add3A_329, %dma_wait3A_330] : memref<80x128xi32, #tpu.memory_space<vmem>> -> memref<1x128xi32, #tpu.memory_space<vmem>>
      %dma_wait3A_332 = tpu.memref_squeeze %dma_wait3A_331 : memref<1x128xi32, #tpu.memory_space<vmem>> -> memref<128xi32, #tpu.memory_space<vmem>>
      %dma_wait3A_333 = arith.constant 0 : i32
      %dma_wait3A_334 = arith.constant 0 : i32
      %dma_wait3A_335 = tpu.memref_slice %arg2[%dma_wait3A_333, %dma_wait3A_334] : memref<20480x64xf32, #tpu.memory_space<hbm>> -> memref<20480x64xf32, #tpu.memory_space<hbm>>
      tpu.wait_indirect_dma semaphore(%arg21 : memref<!tpu.dma_semaphore, #tpu.memory_space<semaphore_mem>>) src(%dma_wait3A_335 : memref<20480x64xf32, #tpu.memory_space<hbm>>) dst(%arg13 : memref<128x64xf32, #tpu.memory_space<vmem>>)
      %mul3A_336 = arith.constant 128 : i32
      %mul3A_337 = arith.muli %add3A_329, %mul3A_336 : i32
      %add3A_338 = arith.addi %mul3A_32, %mul3A_337 : i32
      %dma_start3A_339 = arith.constant 0 : i32
      %dma_start3A_340 = tpu.memref_slice %arg4[%select_n3A, %add3A_338, %dma_start3A_339] : memref<16x20480x128xf32, #tpu.memory_space<hbm>> -> memref<1x128x64xf32, #tpu.memory_space<hbm>>
      %dma_start3A_341 = tpu.memref_squeeze %dma_start3A_340 : memref<1x128x64xf32, #tpu.memory_space<hbm>> -> memref<128x64xf32, #tpu.memory_space<hbm>>
      %dma_start3A_342 = arith.constant 0 : i32
      %dma_start3A_343 = tpu.memref_slice %arg4[%select_n3A, %add3A_338, %dma_start3A_342] : memref<16x20480x128xf32, #tpu.memory_space<hbm>> -> memref<1x128x64xf32, #tpu.memory_space<hbm>>
      %dma_start3A_344 = tpu.memref_squeeze %dma_start3A_343 : memref<1x128x64xf32, #tpu.memory_space<hbm>> -> memref<128x64xf32, #tpu.memory_space<hbm>>
      tpu.enqueue_dma source(%arg13 : memref<128x64xf32, #tpu.memory_space<vmem>>) target(%dma_start3A_344 : memref<128x64xf32, #tpu.memory_space<hbm>>) target_semaphore(%arg29 : memref<!tpu.dma_semaphore, #tpu.memory_space<semaphore_mem>>)
      %add3A_345 = arith.constant 8 : i32
      %add3A_346 = arith.addi %add3A_329, %add3A_345 : i32
      %sub3A_347 = arith.constant 2 : i32
      %sub3A_348 = arith.subi %add3A_346, %sub3A_347 : i32
      %lt3A_349 = arith.constant 80 : i32
      %lt3A_350 = arith.cmpi slt, %sub3A_348, %lt3A_349 : i32
      %convert_element_type3A_351 = arith.extui %lt3A_350 : i1 to i32
      %cond3A_352 = arith.constant 0 : i32
      %cond3A_353 = arith.cmpi ne, %convert_element_type3A_351, %cond3A_352 : i32
      scf.if %cond3A_353 {
        %ge3A = arith.constant 2 : i32
        %ge3A_354 = arith.cmpi sge, %add3A_329, %ge3A : i32
        %convert_element_type3A_355 = arith.extui %ge3A_354 : i1 to i32
        %cond3A_356 = arith.constant 0 : i32
        %cond3A_357 = arith.cmpi ne, %convert_element_type3A_355, %cond3A_356 : i32
        scf.if %cond3A_357 {
          %mul3A_368 = arith.constant 128 : i32
          %mul3A_369 = arith.muli %add3A_329, %mul3A_368 : i32
          %add3A_370 = arith.addi %mul3A_32, %mul3A_369 : i32
          %dma_wait3A_371 = arith.constant 0 : i32
          %dma_wait3A_372 = tpu.memref_slice %arg4[%select_n3A, %add3A_370, %dma_wait3A_371] : memref<16x20480x128xf32, #tpu.memory_space<hbm>> -> memref<1x128x64xf32, #tpu.memory_space<hbm>>
          %dma_wait3A_373 = tpu.memref_squeeze %dma_wait3A_372 : memref<1x128x64xf32, #tpu.memory_space<hbm>> -> memref<128x64xf32, #tpu.memory_space<hbm>>
          %dma_wait3A_374 = arith.constant 0 : i32
          %dma_wait3A_375 = tpu.memref_slice %arg4[%select_n3A, %add3A_370, %dma_wait3A_374] : memref<16x20480x128xf32, #tpu.memory_space<hbm>> -> memref<1x128x64xf32, #tpu.memory_space<hbm>>
          %dma_wait3A_376 = tpu.memref_squeeze %dma_wait3A_375 : memref<1x128x64xf32, #tpu.memory_space<hbm>> -> memref<128x64xf32, #tpu.memory_space<hbm>>
          tpu.wait_dma2 semaphore(%arg27 : memref<!tpu.dma_semaphore, #tpu.memory_space<semaphore_mem>>) src(%arg11 : memref<128x64xf32, #tpu.memory_space<vmem>>) dst(%dma_wait3A_376 : memref<128x64xf32, #tpu.memory_space<hbm>>)
        } else {
        }
        %add3A_358 = arith.constant 8 : i32
        %add3A_359 = arith.addi %add3A_329, %add3A_358 : i32
        %sub3A_360 = arith.constant 2 : i32
        %sub3A_361 = arith.subi %add3A_359, %sub3A_360 : i32
        %dma_start3A_362 = arith.constant 0 : i32
        %dma_start3A_363 = tpu.memref_slice %arg5[%sub3A_361, %dma_start3A_362] : memref<80x128xi32, #tpu.memory_space<vmem>> -> memref<1x128xi32, #tpu.memory_space<vmem>>
        %dma_start3A_364 = tpu.memref_squeeze %dma_start3A_363 : memref<1x128xi32, #tpu.memory_space<vmem>> -> memref<128xi32, #tpu.memory_space<vmem>>
        %dma_start3A_365 = arith.constant 0 : i32
        %dma_start3A_366 = arith.constant 0 : i32
        %dma_start3A_367 = tpu.memref_slice %arg2[%dma_start3A_365, %dma_start3A_366] : memref<20480x64xf32, #tpu.memory_space<hbm>> -> memref<20480x64xf32, #tpu.memory_space<hbm>>
        tpu.enqueue_indirect_dma source(%dma_start3A_367 : memref<20480x64xf32, #tpu.memory_space<hbm>>) target(%arg11 : memref<128x64xf32, #tpu.memory_space<vmem>>) offsets(%dma_start3A_364 : memref<128xi32, #tpu.memory_space<vmem>>) semaphore(%arg19 : memref<!tpu.dma_semaphore, #tpu.memory_space<semaphore_mem>>)
      } else {
      }
    }
    %scan3A_79 = arith.constant 10 : i32
    %add3A_80 = arith.constant 0 : i32
    %add3A_81 = arith.addi %mul3A_32, %add3A_80 : i32
    %dma_wait3A = arith.constant 0 : i32
    %dma_wait3A_82 = tpu.memref_slice %arg4[%select_n3A, %add3A_81, %dma_wait3A] : memref<16x20480x128xf32, #tpu.memory_space<hbm>> -> memref<1x128x64xf32, #tpu.memory_space<hbm>>
    %dma_wait3A_83 = tpu.memref_squeeze %dma_wait3A_82 : memref<1x128x64xf32, #tpu.memory_space<hbm>> -> memref<128x64xf32, #tpu.memory_space<hbm>>
    %dma_wait3A_84 = arith.constant 0 : i32
    %dma_wait3A_85 = tpu.memref_slice %arg4[%select_n3A, %add3A_81, %dma_wait3A_84] : memref<16x20480x128xf32, #tpu.memory_space<hbm>> -> memref<1x128x64xf32, #tpu.memory_space<hbm>>
    %dma_wait3A_86 = tpu.memref_squeeze %dma_wait3A_85 : memref<1x128x64xf32, #tpu.memory_space<hbm>> -> memref<128x64xf32, #tpu.memory_space<hbm>>
    tpu.wait_dma2 semaphore(%arg22 : memref<!tpu.dma_semaphore, #tpu.memory_space<semaphore_mem>>) src(%arg6 : memref<128x64xf32, #tpu.memory_space<vmem>>) dst(%dma_wait3A_86 : memref<128x64xf32, #tpu.memory_space<hbm>>)
    %add3A_87 = arith.constant 0 : i32
    %add3A_88 = arith.addi %mul3A_32, %add3A_87 : i32
    %dma_wait3A_89 = arith.constant 0 : i32
    %dma_wait3A_90 = tpu.memref_slice %arg4[%select_n3A, %add3A_88, %dma_wait3A_89] : memref<16x20480x128xf32, #tpu.memory_space<hbm>> -> memref<1x128x64xf32, #tpu.memory_space<hbm>>
    %dma_wait3A_91 = tpu.memref_squeeze %dma_wait3A_90 : memref<1x128x64xf32, #tpu.memory_space<hbm>> -> memref<128x64xf32, #tpu.memory_space<hbm>>
    %dma_wait3A_92 = arith.constant 0 : i32
    %dma_wait3A_93 = tpu.memref_slice %arg4[%select_n3A, %add3A_88, %dma_wait3A_92] : memref<16x20480x128xf32, #tpu.memory_space<hbm>> -> memref<1x128x64xf32, #tpu.memory_space<hbm>>
    %dma_wait3A_94 = tpu.memref_squeeze %dma_wait3A_93 : memref<1x128x64xf32, #tpu.memory_space<hbm>> -> memref<128x64xf32, #tpu.memory_space<hbm>>
    tpu.wait_dma2 semaphore(%arg23 : memref<!tpu.dma_semaphore, #tpu.memory_space<semaphore_mem>>) src(%arg7 : memref<128x64xf32, #tpu.memory_space<vmem>>) dst(%dma_wait3A_94 : memref<128x64xf32, #tpu.memory_space<hbm>>)
    %add3A_95 = arith.constant 0 : i32
    %add3A_96 = arith.addi %mul3A_32, %add3A_95 : i32
    %dma_wait3A_97 = arith.constant 0 : i32
    %dma_wait3A_98 = tpu.memref_slice %arg4[%select_n3A, %add3A_96, %dma_wait3A_97] : memref<16x20480x128xf32, #tpu.memory_space<hbm>> -> memref<1x128x64xf32, #tpu.memory_space<hbm>>
    %dma_wait3A_99 = tpu.memref_squeeze %dma_wait3A_98 : memref<1x128x64xf32, #tpu.memory_space<hbm>> -> memref<128x64xf32, #tpu.memory_space<hbm>>
    %dma_wait3A_100 = arith.constant 0 : i32
    %dma_wait3A_101 = tpu.memref_slice %arg4[%select_n3A, %add3A_96, %dma_wait3A_100] : memref<16x20480x128xf32, #tpu.memory_space<hbm>> -> memref<1x128x64xf32, #tpu.memory_space<hbm>>
    %dma_wait3A_102 = tpu.memref_squeeze %dma_wait3A_101 : memref<1x128x64xf32, #tpu.memory_space<hbm>> -> memref<128x64xf32, #tpu.memory_space<hbm>>
    tpu.wait_dma2 semaphore(%arg24 : memref<!tpu.dma_semaphore, #tpu.memory_space<semaphore_mem>>) src(%arg8 : memref<128x64xf32, #tpu.memory_space<vmem>>) dst(%dma_wait3A_102 : memref<128x64xf32, #tpu.memory_space<hbm>>)
    %add3A_103 = arith.constant 0 : i32
    %add3A_104 = arith.addi %mul3A_32, %add3A_103 : i32
    %dma_wait3A_105 = arith.constant 0 : i32
    %dma_wait3A_106 = tpu.memref_slice %arg4[%select_n3A, %add3A_104, %dma_wait3A_105] : memref<16x20480x128xf32, #tpu.memory_space<hbm>> -> memref<1x128x64xf32, #tpu.memory_space<hbm>>
    %dma_wait3A_107 = tpu.memref_squeeze %dma_wait3A_106 : memref<1x128x64xf32, #tpu.memory_space<hbm>> -> memref<128x64xf32, #tpu.memory_space<hbm>>
    %dma_wait3A_108 = arith.constant 0 : i32
    %dma_wait3A_109 = tpu.memref_slice %arg4[%select_n3A, %add3A_104, %dma_wait3A_108] : memref<16x20480x128xf32, #tpu.memory_space<hbm>> -> memref<1x128x64xf32, #tpu.memory_space<hbm>>
    %dma_wait3A_110 = tpu.memref_squeeze %dma_wait3A_109 : memref<1x128x64xf32, #tpu.memory_space<hbm>> -> memref<128x64xf32, #tpu.memory_space<hbm>>
    tpu.wait_dma2 semaphore(%arg25 : memref<!tpu.dma_semaphore, #tpu.memory_space<semaphore_mem>>) src(%arg9 : memref<128x64xf32, #tpu.memory_space<vmem>>) dst(%dma_wait3A_110 : memref<128x64xf32, #tpu.memory_space<hbm>>)
    %add3A_111 = arith.constant 0 : i32
    %add3A_112 = arith.addi %mul3A_32, %add3A_111 : i32
    %dma_wait3A_113 = arith.constant 0 : i32
    %dma_wait3A_114 = tpu.memref_slice %arg4[%select_n3A, %add3A_112, %dma_wait3A_113] : memref<16x20480x128xf32, #tpu.memory_space<hbm>> -> memref<1x128x64xf32, #tpu.memory_space<hbm>>
    %dma_wait3A_115 = tpu.memref_squeeze %dma_wait3A_114 : memref<1x128x64xf32, #tpu.memory_space<hbm>> -> memref<128x64xf32, #tpu.memory_space<hbm>>
    %dma_wait3A_116 = arith.constant 0 : i32
    %dma_wait3A_117 = tpu.memref_slice %arg4[%select_n3A, %add3A_112, %dma_wait3A_116] : memref<16x20480x128xf32, #tpu.memory_space<hbm>> -> memref<1x128x64xf32, #tpu.memory_space<hbm>>
    %dma_wait3A_118 = tpu.memref_squeeze %dma_wait3A_117 : memref<1x128x64xf32, #tpu.memory_space<hbm>> -> memref<128x64xf32, #tpu.memory_space<hbm>>
    tpu.wait_dma2 semaphore(%arg26 : memref<!tpu.dma_semaphore, #tpu.memory_space<semaphore_mem>>) src(%arg10 : memref<128x64xf32, #tpu.memory_space<vmem>>) dst(%dma_wait3A_118 : memref<128x64xf32, #tpu.memory_space<hbm>>)
    %add3A_119 = arith.constant 0 : i32
    %add3A_120 = arith.addi %mul3A_32, %add3A_119 : i32
    %dma_wait3A_121 = arith.constant 0 : i32
    %dma_wait3A_122 = tpu.memref_slice %arg4[%select_n3A, %add3A_120, %dma_wait3A_121] : memref<16x20480x128xf32, #tpu.memory_space<hbm>> -> memref<1x128x64xf32, #tpu.memory_space<hbm>>
    %dma_wait3A_123 = tpu.memref_squeeze %dma_wait3A_122 : memref<1x128x64xf32, #tpu.memory_space<hbm>> -> memref<128x64xf32, #tpu.memory_space<hbm>>
    %dma_wait3A_124 = arith.constant 0 : i32
    %dma_wait3A_125 = tpu.memref_slice %arg4[%select_n3A, %add3A_120, %dma_wait3A_124] : memref<16x20480x128xf32, #tpu.memory_space<hbm>> -> memref<1x128x64xf32, #tpu.memory_space<hbm>>
    %dma_wait3A_126 = tpu.memref_squeeze %dma_wait3A_125 : memref<1x128x64xf32, #tpu.memory_space<hbm>> -> memref<128x64xf32, #tpu.memory_space<hbm>>
    tpu.wait_dma2 semaphore(%arg27 : memref<!tpu.dma_semaphore, #tpu.memory_space<semaphore_mem>>) src(%arg11 : memref<128x64xf32, #tpu.memory_space<vmem>>) dst(%dma_wait3A_126 : memref<128x64xf32, #tpu.memory_space<hbm>>)
    %add3A_127 = arith.constant 0 : i32
    %add3A_128 = arith.addi %mul3A_32, %add3A_127 : i32
    %dma_wait3A_129 = arith.constant 0 : i32
    %dma_wait3A_130 = tpu.memref_slice %arg4[%select_n3A, %add3A_128, %dma_wait3A_129] : memref<16x20480x128xf32, #tpu.memory_space<hbm>> -> memref<1x128x64xf32, #tpu.memory_space<hbm>>
    %dma_wait3A_131 = tpu.memref_squeeze %dma_wait3A_130 : memref<1x128x64xf32, #tpu.memory_space<hbm>> -> memref<128x64xf32, #tpu.memory_space<hbm>>
    %dma_wait3A_132 = arith.constant 0 : i32
    %dma_wait3A_133 = tpu.memref_slice %arg4[%select_n3A, %add3A_128, %dma_wait3A_132] : memref<16x20480x128xf32, #tpu.memory_space<hbm>> -> memref<1x128x64xf32, #tpu.memory_space<hbm>>
    %dma_wait3A_134 = tpu.memref_squeeze %dma_wait3A_133 : memref<1x128x64xf32, #tpu.memory_space<hbm>> -> memref<128x64xf32, #tpu.memory_space<hbm>>
    tpu.wait_dma2 semaphore(%arg28 : memref<!tpu.dma_semaphore, #tpu.memory_space<semaphore_mem>>) src(%arg12 : memref<128x64xf32, #tpu.memory_space<vmem>>) dst(%dma_wait3A_134 : memref<128x64xf32, #tpu.memory_space<hbm>>)
    %add3A_135 = arith.constant 0 : i32
    %add3A_136 = arith.addi %mul3A_32, %add3A_135 : i32
    %dma_wait3A_137 = arith.constant 0 : i32
    %dma_wait3A_138 = tpu.memref_slice %arg4[%select_n3A, %add3A_136, %dma_wait3A_137] : memref<16x20480x128xf32, #tpu.memory_space<hbm>> -> memref<1x128x64xf32, #tpu.memory_space<hbm>>
    %dma_wait3A_139 = tpu.memref_squeeze %dma_wait3A_138 : memref<1x128x64xf32, #tpu.memory_space<hbm>> -> memref<128x64xf32, #tpu.memory_space<hbm>>
    %dma_wait3A_140 = arith.constant 0 : i32
    %dma_wait3A_141 = tpu.memref_slice %arg4[%select_n3A, %add3A_136, %dma_wait3A_140] : memref<16x20480x128xf32, #tpu.memory_space<hbm>> -> memref<1x128x64xf32, #tpu.memory_space<hbm>>
    %dma_wait3A_142 = tpu.memref_squeeze %dma_wait3A_141 : memref<1x128x64xf32, #tpu.memory_space<hbm>> -> memref<128x64xf32, #tpu.memory_space<hbm>>
    tpu.wait_dma2 semaphore(%arg29 : memref<!tpu.dma_semaphore, #tpu.memory_space<semaphore_mem>>) src(%arg13 : memref<128x64xf32, #tpu.memory_space<vmem>>) dst(%dma_wait3A_142 : memref<128x64xf32, #tpu.memory_space<hbm>>)
    return
  }
}

module attributes {stable_mosaic.version = 14 : i64} {
  func.func @body(%arg0: i32, %arg1: memref<1024x64xf32, #tpu.memory_space<vmem>>, %arg2: memref<80x2x64xf32, #tpu.memory_space<vmem>>, %arg3: memref<64xf32, #tpu.memory_space<vmem>>, %arg4: memref<64xf32, #tpu.memory_space<vmem>>, %arg5: memref<1024x64xf32, #tpu.memory_space<vmem>>) attributes {dimension_semantics = [#tpu.dimension_semantics<arbitrary>], iteration_bounds = array<i64: 20>, scalar_prefetch = 0 : i64, scratch_operands = 0 : i64, tpu.core_type = #tpu.core_type<tc>, window_params = [{transform_indices = @transform_0, window_bounds = array<i64: 1024, 64>}, {pipeline_mode = #tpu.pipeline_mode<synchronous>, transform_indices = @transform_1, window_bounds = array<i64: 80, 2, 64>}, {pipeline_mode = #tpu.pipeline_mode<synchronous>, transform_indices = @transform_2, window_bounds = array<i64: 64>}, {pipeline_mode = #tpu.pipeline_mode<synchronous>, transform_indices = @transform_3, window_bounds = array<i64: 64>}, {transform_indices = @transform_4, window_bounds = array<i64: 1024, 64>}]} {
    %get3A = arith.constant 0 : index
    %get3A_0 = arith.constant 0 : index
    %get3A_1 = arith.constant 0 : index
    %get3A_2 = vector.load %arg2[%get3A, %get3A_0, %get3A_1] : memref<80x2x64xf32, #tpu.memory_space<vmem>>, vector<80x2x64xf32>
    %slice3A = vector.extract_strided_slice %get3A_2 {offsets = [0, 0, 0], sizes = [80, 1, 64], strides = [1, 1, 1]} : vector<80x2x64xf32> to vector<80x1x64xf32>
    %squeeze3A = vector.shape_cast %slice3A : vector<80x1x64xf32> to vector<80x64xf32>
    %reduce_sum3A = arith.constant dense<0.000000e+00> : vector<64xf32>
    %reduce_sum3A_3 = vector.multi_reduction <add>, %squeeze3A, %reduce_sum3A [0] : vector<80x64xf32> to vector<64xf32>
    %slice3A_4 = vector.extract_strided_slice %get3A_2 {offsets = [0, 1, 0], sizes = [80, 1, 64], strides = [1, 1, 1]} : vector<80x2x64xf32> to vector<80x1x64xf32>
    %squeeze3A_5 = vector.shape_cast %slice3A_4 : vector<80x1x64xf32> to vector<80x64xf32>
    %reduce_sum3A_6 = arith.constant dense<0.000000e+00> : vector<64xf32>
    %reduce_sum3A_7 = vector.multi_reduction <add>, %squeeze3A_5, %reduce_sum3A_6 [0] : vector<80x64xf32> to vector<64xf32>
    %div3A = arith.constant 3.200000e+05 : f32
    %div3A_8 = vector.broadcast %div3A : f32 to vector<64xf32>
    %div3A_9 = arith.divf %reduce_sum3A_3, %div3A_8 : vector<64xf32>
    %div3A_10 = arith.constant 3.200000e+05 : f32
    %div3A_11 = vector.broadcast %div3A_10 : f32 to vector<64xf32>
    %div3A_12 = arith.divf %reduce_sum3A_7, %div3A_11 : vector<64xf32>
    %mul3A = arith.mulf %div3A_9, %div3A_9 : vector<64xf32>
    %sub3A = arith.subf %div3A_12, %mul3A : vector<64xf32>
    %get3A_13 = arith.constant 0 : index
    %get3A_14 = vector.load %arg3[%get3A_13] : memref<64xf32, #tpu.memory_space<vmem>>, vector<64xf32>
    %add3A = arith.constant 9.99999974E-6 : f32
    %add3A_15 = vector.broadcast %add3A : f32 to vector<64xf32>
    %add3A_16 = arith.addf %sub3A, %add3A_15 : vector<64xf32>
    %sqrt3A = math.sqrt %add3A_16 : vector<64xf32>
    %div3A_17 = arith.constant 1.000000e+00 : f32
    %div3A_18 = vector.broadcast %div3A_17 : f32 to vector<64xf32>
    %div3A_19 = arith.divf %div3A_18, %sqrt3A : vector<64xf32>
    %mul3A_20 = arith.mulf %get3A_14, %div3A_19 : vector<64xf32>
    %get3A_21 = arith.constant 0 : index
    %get3A_22 = vector.load %arg4[%get3A_21] : memref<64xf32, #tpu.memory_space<vmem>>, vector<64xf32>
    %mul3A_23 = arith.mulf %div3A_9, %mul3A_20 : vector<64xf32>
    %sub3A_24 = arith.subf %get3A_22, %mul3A_23 : vector<64xf32>
    %get3A_25 = arith.constant 0 : index
    %get3A_26 = arith.constant 0 : index
    %get3A_27 = vector.load %arg1[%get3A_25, %get3A_26] : memref<1024x64xf32, #tpu.memory_space<vmem>>, vector<1024x64xf32>
    %broadcast_in_dim3A = vector.shape_cast %mul3A_20 : vector<64xf32> to vector<1x64xf32>
    %mul3A_28 = vector.broadcast %broadcast_in_dim3A : vector<1x64xf32> to vector<1024x64xf32>
    %mul3A_29 = arith.mulf %get3A_27, %mul3A_28 : vector<1024x64xf32>
    %broadcast_in_dim3A_30 = vector.shape_cast %sub3A_24 : vector<64xf32> to vector<1x64xf32>
    %add3A_31 = vector.broadcast %broadcast_in_dim3A_30 : vector<1x64xf32> to vector<1024x64xf32>
    %add3A_32 = arith.addf %mul3A_29, %add3A_31 : vector<1024x64xf32>
    %ge3A = arith.constant 0.000000e+00 : f32
    %ge3A_33 = vector.broadcast %ge3A : f32 to vector<1024x64xf32>
    %ge3A_34 = arith.cmpf oge, %add3A_32, %ge3A_33 : vector<1024x64xf32>
    %mul3A_35 = arith.constant 2.000000e-01 : f32
    %mul3A_36 = vector.broadcast %mul3A_35 : f32 to vector<1024x64xf32>
    %mul3A_37 = arith.mulf %mul3A_36, %add3A_32 : vector<1024x64xf32>
    %select_n3A = arith.select %ge3A_34, %add3A_32, %mul3A_37 : vector<1024x64xi1>, vector<1024x64xf32>
    %mul3A_38 = arith.constant 1024 : i32
    %mul3A_39 = arith.muli %arg0, %mul3A_38 : i32
    %iota3A = tpu.iota {dimensions = array<i32: 0>} : vector<1024x1xi32>
    %add3A_40 = vector.broadcast %mul3A_39 : i32 to vector<1024x1xi32>
    %add3A_41 = arith.addi %add3A_40, %iota3A : vector<1024x1xi32>
    %jit3A = arith.constant 10240 : i32
    %eq3A = arith.constant 0 : i32
    %eq3A_42 = arith.cmpi eq, %jit3A, %eq3A : i32
    %jit3A_43 = arith.constant 1 : i32
    %select_n3A_44 = arith.select %eq3A_42, %jit3A_43, %jit3A : i32
    %rem3A = vector.broadcast %select_n3A_44 : i32 to vector<1024x1xi32>
    %rem3A_45 = arith.remsi %add3A_41, %rem3A : vector<1024x1xi32>
    %ne3A = arith.constant 0 : i32
    %ne3A_46 = vector.broadcast %ne3A : i32 to vector<1024x1xi32>
    %ne3A_47 = arith.cmpi ne, %rem3A_45, %ne3A_46 : vector<1024x1xi32>
    %lt3A = arith.constant 0 : i32
    %lt3A_48 = vector.broadcast %lt3A : i32 to vector<1024x1xi32>
    %lt3A_49 = arith.cmpi slt, %rem3A_45, %lt3A_48 : vector<1024x1xi32>
    %lt3A_50 = arith.constant 0 : i32
    %lt3A_51 = arith.cmpi slt, %select_n3A_44, %lt3A_50 : i32
    %ne3A_52 = vector.broadcast %lt3A_51 : i1 to vector<1024x1xi1>
    %ne3A_53 = vector.broadcast %ne3A_52 : vector<1024x1xi1> to vector<1024x1xi1>
    %ne3A_54 = arith.xori %lt3A_49, %ne3A_53 : vector<1024x1xi1>
    %and3A = arith.andi %ne3A_54, %ne3A_47 : vector<1024x1xi1>
    %add3A_55 = vector.broadcast %select_n3A_44 : i32 to vector<1024x1xi32>
    %add3A_56 = arith.addi %rem3A_45, %add3A_55 : vector<1024x1xi32>
    %select_n3A_57 = arith.select %and3A, %add3A_56, %rem3A_45 : vector<1024x1xi1>, vector<1024x1xi32>
    %lt3A_58 = arith.constant 10000 : i32
    %lt3A_59 = vector.broadcast %lt3A_58 : i32 to vector<1024x1xi32>
    %lt3A_60 = arith.cmpi slt, %select_n3A_57, %lt3A_59 : vector<1024x1xi32>
    %jit3A_61 = arith.constant 0.000000e+00 : f32
    %broadcast_in_dim3A_62 = vector.shape_cast %lt3A_60 : vector<1024x1xi1> to vector<1024x1xi1>
    %broadcast_in_dim3A_63 = vector.broadcast %broadcast_in_dim3A_62 : vector<1024x1xi1> to vector<1024x64xi1>
    %broadcast_in_dim3A_64 = vector.broadcast %jit3A_61 : f32 to vector<1024x64xf32>
    %select_n3A_65 = arith.select %broadcast_in_dim3A_63, %select_n3A, %broadcast_in_dim3A_64 : vector<1024x64xi1>, vector<1024x64xf32>
    %swap3A = arith.constant 0 : index
    %swap3A_66 = arith.constant 0 : index
    %swap3A_67 = vector.load %arg5[%swap3A, %swap3A_66] : memref<1024x64xf32, #tpu.memory_space<vmem>>, vector<1024x64xf32>
    tpu.vector_store %arg5[%swap3A, %swap3A_66], %select_n3A_65 {strides = array<i32>} : memref<1024x64xf32, #tpu.memory_space<vmem>>, vector<1024x64xf32>,
    return
  }
  func.func @transform_0(%arg0: i32) -> (i32, i32) {
    %c0_i32 = arith.constant 0 : i32
    %c0_i32_0 = arith.constant 0 : i32
    return %arg0, %c0_i32 : i32, i32
  }
  func.func @transform_1(%arg0: i32) -> (i32, i32, i32) {
    %c0_i32 = arith.constant 0 : i32
    %c0_i32_0 = arith.constant 0 : i32
    %c0_i32_1 = arith.constant 0 : i32
    %c0_i32_2 = arith.constant 0 : i32
    return %c0_i32, %c0_i32_0, %c0_i32_1 : i32, i32, i32
  }
  func.func @transform_2(%arg0: i32) -> i32 {
    %c0_i32 = arith.constant 0 : i32
    %c0_i32_0 = arith.constant 0 : i32
    return %c0_i32 : i32
  }
  func.func @transform_3(%arg0: i32) -> i32 {
    %c0_i32 = arith.constant 0 : i32
    %c0_i32_0 = arith.constant 0 : i32
    return %c0_i32 : i32
  }
  func.func @transform_4(%arg0: i32) -> (i32, i32) {
    %c0_i32 = arith.constant 0 : i32
    %c0_i32_0 = arith.constant 0 : i32
    return %arg0, %c0_i32 : i32, i32
  }
}

module attributes {stable_mosaic.version = 14 : i64} {
  func.func @body(%arg0: i32, %arg1: memref<16x256x128xf32, #tpu.memory_space<vmem>>, %arg2: memref<256x16xf32, #tpu.memory_space<vmem>>, %arg3: memref<64x128xf32, #tpu.memory_space<vmem>>, %arg4: memref<256x64xf32, #tpu.memory_space<vmem>>, %arg5: memref<1x2x64xf32, #tpu.memory_space<vmem>>) attributes {dimension_semantics = [#tpu.dimension_semantics<arbitrary>], iteration_bounds = array<i64: 80>, scalar_prefetch = 0 : i64, scratch_operands = 0 : i64, tpu.core_type = #tpu.core_type<tc>, window_params = [{transform_indices = @transform_0, window_bounds = array<i64: 16, 256, 128>}, {transform_indices = @transform_1, window_bounds = array<i64: 256, 16>}, {pipeline_mode = #tpu.pipeline_mode<synchronous>, transform_indices = @transform_2, window_bounds = array<i64: 64, 128>}, {transform_indices = @transform_3, window_bounds = array<i64: 256, 64>}, {transform_indices = @transform_4, window_bounds = array<i64: 1, 2, 64>}]} {
    %get3A = arith.constant 0 : index
    %get3A_0 = arith.constant 0 : index
    %get3A_1 = vector.load %arg2[%get3A, %get3A_0] : memref<256x16xf32, #tpu.memory_space<vmem>>, vector<256x16xf32>
    %broadcast_in_dim3A = arith.constant 0.000000e+00 : f32
    %broadcast_in_dim3A_2 = vector.broadcast %broadcast_in_dim3A : f32 to vector<256x112xf32>
    %concatenate3A = tpu.concatenate %get3A_1, %broadcast_in_dim3A_2 in 1 : vector<256x16xf32>, vector<256x112xf32> -> vector<256x128xf32>
    %get3A_3 = arith.constant 0 : index
    %get3A_4 = arith.constant 0 : index
    %get3A_5 = vector.load %arg3[%get3A_3, %get3A_4] : memref<64x128xf32, #tpu.memory_space<vmem>>, vector<64x128xf32>
    %iota3A = tpu.iota {dimensions = array<i32: 1>} : vector<4096x128xi32>
    %get3A_6 = arith.constant 0 : index
    %get3A_7 = arith.constant 0 : index
    %get3A_8 = arith.constant 0 : index
    %get3A_9 = vector.load %arg1[%get3A_6, %get3A_7, %get3A_8] : memref<16x256x128xf32, #tpu.memory_space<vmem>>, vector<16x256x128xf32>
    %broadcast_in_dim3A_10 = vector.shape_cast %concatenate3A : vector<256x128xf32> to vector<1x256x128xf32>
    %sub3A = vector.broadcast %broadcast_in_dim3A_10 : vector<1x256x128xf32> to vector<16x256x128xf32>
    %sub3A_11 = arith.subf %get3A_9, %sub3A : vector<16x256x128xf32>
    %reshape3A = vector.shape_cast %sub3A_11 : vector<16x256x128xf32> to vector<4096x128xf32>
    %lt3A = arith.constant 16 : i32
    %lt3A_12 = vector.broadcast %lt3A : i32 to vector<4096x128xi32>
    %lt3A_13 = arith.cmpi slt, %iota3A, %lt3A_12 : vector<4096x128xi32>
    %jit3A = arith.constant 0.000000e+00 : f32
    %broadcast_in_dim3A_14 = vector.broadcast %jit3A : f32 to vector<4096x128xf32>
    %select_n3A = arith.select %lt3A_13, %reshape3A, %broadcast_in_dim3A_14 : vector<4096x128xi1>, vector<4096x128xf32>
    %dot_general3A = arith.constant dense<0.000000e+00> : vector<4096x64xf32>
    %dot_general3A_15 = tpu.matmul %select_n3A, %get3A_5, %dot_general3A {dimension_numbers = #tpu.dot_dimension_numbers<[1], [1], [0], [0], [0, 0, 1, 0], [], []>, transpose_lhs_hint = false} : vector<4096x128xf32>, vector<64x128xf32>, vector<4096x64xf32> -> vector<4096x64xf32>
    %slice3A = vector.extract_strided_slice %dot_general3A_15 {offsets = [0, 0], sizes = [256, 64], strides = [1, 1]} : vector<4096x64xf32> to vector<256x64xf32>
    %slice3A_16 = vector.extract_strided_slice %dot_general3A_15 {offsets = [256, 0], sizes = [256, 64], strides = [1, 1]} : vector<4096x64xf32> to vector<256x64xf32>
    %max3A = arith.maximumf %slice3A, %slice3A_16 : vector<256x64xf32>
    %slice3A_17 = vector.extract_strided_slice %dot_general3A_15 {offsets = [512, 0], sizes = [256, 64], strides = [1, 1]} : vector<4096x64xf32> to vector<256x64xf32>
    %max3A_18 = arith.maximumf %max3A, %slice3A_17 : vector<256x64xf32>
    %slice3A_19 = vector.extract_strided_slice %dot_general3A_15 {offsets = [768, 0], sizes = [256, 64], strides = [1, 1]} : vector<4096x64xf32> to vector<256x64xf32>
    %max3A_20 = arith.maximumf %max3A_18, %slice3A_19 : vector<256x64xf32>
    %slice3A_21 = vector.extract_strided_slice %dot_general3A_15 {offsets = [1024, 0], sizes = [256, 64], strides = [1, 1]} : vector<4096x64xf32> to vector<256x64xf32>
    %max3A_22 = arith.maximumf %max3A_20, %slice3A_21 : vector<256x64xf32>
    %slice3A_23 = vector.extract_strided_slice %dot_general3A_15 {offsets = [1280, 0], sizes = [256, 64], strides = [1, 1]} : vector<4096x64xf32> to vector<256x64xf32>
    %max3A_24 = arith.maximumf %max3A_22, %slice3A_23 : vector<256x64xf32>
    %slice3A_25 = vector.extract_strided_slice %dot_general3A_15 {offsets = [1536, 0], sizes = [256, 64], strides = [1, 1]} : vector<4096x64xf32> to vector<256x64xf32>
    %max3A_26 = arith.maximumf %max3A_24, %slice3A_25 : vector<256x64xf32>
    %slice3A_27 = vector.extract_strided_slice %dot_general3A_15 {offsets = [1792, 0], sizes = [256, 64], strides = [1, 1]} : vector<4096x64xf32> to vector<256x64xf32>
    %max3A_28 = arith.maximumf %max3A_26, %slice3A_27 : vector<256x64xf32>
    %slice3A_29 = vector.extract_strided_slice %dot_general3A_15 {offsets = [2048, 0], sizes = [256, 64], strides = [1, 1]} : vector<4096x64xf32> to vector<256x64xf32>
    %max3A_30 = arith.maximumf %max3A_28, %slice3A_29 : vector<256x64xf32>
    %slice3A_31 = vector.extract_strided_slice %dot_general3A_15 {offsets = [2304, 0], sizes = [256, 64], strides = [1, 1]} : vector<4096x64xf32> to vector<256x64xf32>
    %max3A_32 = arith.maximumf %max3A_30, %slice3A_31 : vector<256x64xf32>
    %slice3A_33 = vector.extract_strided_slice %dot_general3A_15 {offsets = [2560, 0], sizes = [256, 64], strides = [1, 1]} : vector<4096x64xf32> to vector<256x64xf32>
    %max3A_34 = arith.maximumf %max3A_32, %slice3A_33 : vector<256x64xf32>
    %slice3A_35 = vector.extract_strided_slice %dot_general3A_15 {offsets = [2816, 0], sizes = [256, 64], strides = [1, 1]} : vector<4096x64xf32> to vector<256x64xf32>
    %max3A_36 = arith.maximumf %max3A_34, %slice3A_35 : vector<256x64xf32>
    %slice3A_37 = vector.extract_strided_slice %dot_general3A_15 {offsets = [3072, 0], sizes = [256, 64], strides = [1, 1]} : vector<4096x64xf32> to vector<256x64xf32>
    %max3A_38 = arith.maximumf %max3A_36, %slice3A_37 : vector<256x64xf32>
    %slice3A_39 = vector.extract_strided_slice %dot_general3A_15 {offsets = [3328, 0], sizes = [256, 64], strides = [1, 1]} : vector<4096x64xf32> to vector<256x64xf32>
    %max3A_40 = arith.maximumf %max3A_38, %slice3A_39 : vector<256x64xf32>
    %slice3A_41 = vector.extract_strided_slice %dot_general3A_15 {offsets = [3584, 0], sizes = [256, 64], strides = [1, 1]} : vector<4096x64xf32> to vector<256x64xf32>
    %max3A_42 = arith.maximumf %max3A_40, %slice3A_41 : vector<256x64xf32>
    %slice3A_43 = vector.extract_strided_slice %dot_general3A_15 {offsets = [3840, 0], sizes = [256, 64], strides = [1, 1]} : vector<4096x64xf32> to vector<256x64xf32>
    %max3A_44 = arith.maximumf %max3A_42, %slice3A_43 : vector<256x64xf32>
    %swap3A = arith.constant 0 : index
    %swap3A_45 = arith.constant 0 : index
    %swap3A_46 = vector.load %arg4[%swap3A, %swap3A_45] : memref<256x64xf32, #tpu.memory_space<vmem>>, vector<256x64xf32>
    tpu.vector_store %arg4[%swap3A, %swap3A_45], %max3A_44 {strides = array<i32>} : memref<256x64xf32, #tpu.memory_space<vmem>>, vector<256x64xf32>,
    %reduce_sum3A = arith.constant dense<0.000000e+00> : vector<64xf32>
    %reduce_sum3A_47 = vector.multi_reduction <add>, %dot_general3A_15, %reduce_sum3A [0] : vector<4096x64xf32> to vector<64xf32>
    %mul3A = arith.mulf %dot_general3A_15, %dot_general3A_15 : vector<4096x64xf32>
    %reduce_sum3A_48 = arith.constant dense<0.000000e+00> : vector<64xf32>
    %reduce_sum3A_49 = vector.multi_reduction <add>, %mul3A, %reduce_sum3A_48 [0] : vector<4096x64xf32> to vector<64xf32>
    %stack3A = vector.shape_cast %reduce_sum3A_47 : vector<64xf32> to vector<1x64xf32>
    %stack3A_50 = vector.shape_cast %reduce_sum3A_49 : vector<64xf32> to vector<1x64xf32>
    %stack3A_51 = tpu.concatenate %stack3A, %stack3A_50 in 0 : vector<1x64xf32>, vector<1x64xf32> -> vector<2x64xf32>
    %broadcast_in_dim3A_52 = vector.shape_cast %stack3A_51 : vector<2x64xf32> to vector<1x2x64xf32>
    %swap3A_53 = arith.constant 0 : index
    %swap3A_54 = arith.constant 0 : index
    %swap3A_55 = arith.constant 0 : index
    %swap3A_56 = vector.load %arg5[%swap3A_53, %swap3A_54, %swap3A_55] : memref<1x2x64xf32, #tpu.memory_space<vmem>>, vector<1x2x64xf32>
    tpu.vector_store %arg5[%swap3A_53, %swap3A_54, %swap3A_55], %broadcast_in_dim3A_52 {strides = array<i32>} : memref<1x2x64xf32, #tpu.memory_space<vmem>>, vector<1x2x64xf32>,
    return
  }
  func.func @transform_0(%arg0: i32) -> (i32, i32, i32) {
    %c0_i32 = arith.constant 0 : i32
    %c0_i32_0 = arith.constant 0 : i32
    %c0_i32_1 = arith.constant 0 : i32
    return %c0_i32, %arg0, %c0_i32_0 : i32, i32, i32
  }
  func.func @transform_1(%arg0: i32) -> (i32, i32) {
    %c0_i32 = arith.constant 0 : i32
    %c0_i32_0 = arith.constant 0 : i32
    return %arg0, %c0_i32 : i32, i32
  }
  func.func @transform_2(%arg0: i32) -> (i32, i32) {
    %c0_i32 = arith.constant 0 : i32
    %c0_i32_0 = arith.constant 0 : i32
    %c0_i32_1 = arith.constant 0 : i32
    return %c0_i32, %c0_i32_0 : i32, i32
  }
  func.func @transform_3(%arg0: i32) -> (i32, i32) {
    %c0_i32 = arith.constant 0 : i32
    %c0_i32_0 = arith.constant 0 : i32
    return %arg0, %c0_i32 : i32, i32
  }
  func.func @transform_4(%arg0: i32) -> (i32, i32, i32) {
    %c0_i32 = arith.constant 0 : i32
    %c0_i32_0 = arith.constant 0 : i32
    %c0_i32_1 = arith.constant 0 : i32
    return %arg0, %c0_i32, %c0_i32_0 : i32, i32, i32
  }
}

module attributes {stable_mosaic.version = 14 : i64} {
  func.func @body(%arg0: i32, %arg1: memref<16x256x128xf32, #tpu.memory_space<vmem>>, %arg2: memref<256x64xf32, #tpu.memory_space<vmem>>, %arg3: memref<64x128xf32, #tpu.memory_space<vmem>>, %arg4: memref<256x64xf32, #tpu.memory_space<vmem>>, %arg5: memref<1x2x64xf32, #tpu.memory_space<vmem>>) attributes {dimension_semantics = [#tpu.dimension_semantics<arbitrary>], iteration_bounds = array<i64: 80>, scalar_prefetch = 0 : i64, scratch_operands = 0 : i64, tpu.core_type = #tpu.core_type<tc>, window_params = [{transform_indices = @transform_0, window_bounds = array<i64: 16, 256, 128>}, {transform_indices = @transform_1, window_bounds = array<i64: 256, 64>}, {pipeline_mode = #tpu.pipeline_mode<synchronous>, transform_indices = @transform_2, window_bounds = array<i64: 64, 128>}, {transform_indices = @transform_3, window_bounds = array<i64: 256, 64>}, {transform_indices = @transform_4, window_bounds = array<i64: 1, 2, 64>}]} {
    %get3A = arith.constant 0 : index
    %get3A_0 = arith.constant 0 : index
    %get3A_1 = vector.load %arg2[%get3A, %get3A_0] : memref<256x64xf32, #tpu.memory_space<vmem>>, vector<256x64xf32>
    %broadcast_in_dim3A = arith.constant 0.000000e+00 : f32
    %broadcast_in_dim3A_2 = vector.broadcast %broadcast_in_dim3A : f32 to vector<256x64xf32>
    %concatenate3A = tpu.concatenate %get3A_1, %broadcast_in_dim3A_2 in 1 : vector<256x64xf32>, vector<256x64xf32> -> vector<256x128xf32>
    %get3A_3 = arith.constant 0 : index
    %get3A_4 = arith.constant 0 : index
    %get3A_5 = vector.load %arg3[%get3A_3, %get3A_4] : memref<64x128xf32, #tpu.memory_space<vmem>>, vector<64x128xf32>
    %iota3A = tpu.iota {dimensions = array<i32: 1>} : vector<4096x128xi32>
    %get3A_6 = arith.constant 0 : index
    %get3A_7 = arith.constant 0 : index
    %get3A_8 = arith.constant 0 : index
    %get3A_9 = vector.load %arg1[%get3A_6, %get3A_7, %get3A_8] : memref<16x256x128xf32, #tpu.memory_space<vmem>>, vector<16x256x128xf32>
    %broadcast_in_dim3A_10 = vector.shape_cast %concatenate3A : vector<256x128xf32> to vector<1x256x128xf32>
    %sub3A = vector.broadcast %broadcast_in_dim3A_10 : vector<1x256x128xf32> to vector<16x256x128xf32>
    %sub3A_11 = arith.subf %get3A_9, %sub3A : vector<16x256x128xf32>
    %reshape3A = vector.shape_cast %sub3A_11 : vector<16x256x128xf32> to vector<4096x128xf32>
    %lt3A = arith.constant 64 : i32
    %lt3A_12 = vector.broadcast %lt3A : i32 to vector<4096x128xi32>
    %lt3A_13 = arith.cmpi slt, %iota3A, %lt3A_12 : vector<4096x128xi32>
    %jit3A = arith.constant 0.000000e+00 : f32
    %broadcast_in_dim3A_14 = vector.broadcast %jit3A : f32 to vector<4096x128xf32>
    %select_n3A = arith.select %lt3A_13, %reshape3A, %broadcast_in_dim3A_14 : vector<4096x128xi1>, vector<4096x128xf32>
    %dot_general3A = arith.constant dense<0.000000e+00> : vector<4096x64xf32>
    %dot_general3A_15 = tpu.matmul %select_n3A, %get3A_5, %dot_general3A {dimension_numbers = #tpu.dot_dimension_numbers<[1], [1], [0], [0], [0, 0, 1, 0], [], []>, transpose_lhs_hint = false} : vector<4096x128xf32>, vector<64x128xf32>, vector<4096x64xf32> -> vector<4096x64xf32>
    %slice3A = vector.extract_strided_slice %dot_general3A_15 {offsets = [0, 0], sizes = [256, 64], strides = [1, 1]} : vector<4096x64xf32> to vector<256x64xf32>
    %slice3A_16 = vector.extract_strided_slice %dot_general3A_15 {offsets = [256, 0], sizes = [256, 64], strides = [1, 1]} : vector<4096x64xf32> to vector<256x64xf32>
    %max3A = arith.maximumf %slice3A, %slice3A_16 : vector<256x64xf32>
    %slice3A_17 = vector.extract_strided_slice %dot_general3A_15 {offsets = [512, 0], sizes = [256, 64], strides = [1, 1]} : vector<4096x64xf32> to vector<256x64xf32>
    %max3A_18 = arith.maximumf %max3A, %slice3A_17 : vector<256x64xf32>
    %slice3A_19 = vector.extract_strided_slice %dot_general3A_15 {offsets = [768, 0], sizes = [256, 64], strides = [1, 1]} : vector<4096x64xf32> to vector<256x64xf32>
    %max3A_20 = arith.maximumf %max3A_18, %slice3A_19 : vector<256x64xf32>
    %slice3A_21 = vector.extract_strided_slice %dot_general3A_15 {offsets = [1024, 0], sizes = [256, 64], strides = [1, 1]} : vector<4096x64xf32> to vector<256x64xf32>
    %max3A_22 = arith.maximumf %max3A_20, %slice3A_21 : vector<256x64xf32>
    %slice3A_23 = vector.extract_strided_slice %dot_general3A_15 {offsets = [1280, 0], sizes = [256, 64], strides = [1, 1]} : vector<4096x64xf32> to vector<256x64xf32>
    %max3A_24 = arith.maximumf %max3A_22, %slice3A_23 : vector<256x64xf32>
    %slice3A_25 = vector.extract_strided_slice %dot_general3A_15 {offsets = [1536, 0], sizes = [256, 64], strides = [1, 1]} : vector<4096x64xf32> to vector<256x64xf32>
    %max3A_26 = arith.maximumf %max3A_24, %slice3A_25 : vector<256x64xf32>
    %slice3A_27 = vector.extract_strided_slice %dot_general3A_15 {offsets = [1792, 0], sizes = [256, 64], strides = [1, 1]} : vector<4096x64xf32> to vector<256x64xf32>
    %max3A_28 = arith.maximumf %max3A_26, %slice3A_27 : vector<256x64xf32>
    %slice3A_29 = vector.extract_strided_slice %dot_general3A_15 {offsets = [2048, 0], sizes = [256, 64], strides = [1, 1]} : vector<4096x64xf32> to vector<256x64xf32>
    %max3A_30 = arith.maximumf %max3A_28, %slice3A_29 : vector<256x64xf32>
    %slice3A_31 = vector.extract_strided_slice %dot_general3A_15 {offsets = [2304, 0], sizes = [256, 64], strides = [1, 1]} : vector<4096x64xf32> to vector<256x64xf32>
    %max3A_32 = arith.maximumf %max3A_30, %slice3A_31 : vector<256x64xf32>
    %slice3A_33 = vector.extract_strided_slice %dot_general3A_15 {offsets = [2560, 0], sizes = [256, 64], strides = [1, 1]} : vector<4096x64xf32> to vector<256x64xf32>
    %max3A_34 = arith.maximumf %max3A_32, %slice3A_33 : vector<256x64xf32>
    %slice3A_35 = vector.extract_strided_slice %dot_general3A_15 {offsets = [2816, 0], sizes = [256, 64], strides = [1, 1]} : vector<4096x64xf32> to vector<256x64xf32>
    %max3A_36 = arith.maximumf %max3A_34, %slice3A_35 : vector<256x64xf32>
    %slice3A_37 = vector.extract_strided_slice %dot_general3A_15 {offsets = [3072, 0], sizes = [256, 64], strides = [1, 1]} : vector<4096x64xf32> to vector<256x64xf32>
    %max3A_38 = arith.maximumf %max3A_36, %slice3A_37 : vector<256x64xf32>
    %slice3A_39 = vector.extract_strided_slice %dot_general3A_15 {offsets = [3328, 0], sizes = [256, 64], strides = [1, 1]} : vector<4096x64xf32> to vector<256x64xf32>
    %max3A_40 = arith.maximumf %max3A_38, %slice3A_39 : vector<256x64xf32>
    %slice3A_41 = vector.extract_strided_slice %dot_general3A_15 {offsets = [3584, 0], sizes = [256, 64], strides = [1, 1]} : vector<4096x64xf32> to vector<256x64xf32>
    %max3A_42 = arith.maximumf %max3A_40, %slice3A_41 : vector<256x64xf32>
    %slice3A_43 = vector.extract_strided_slice %dot_general3A_15 {offsets = [3840, 0], sizes = [256, 64], strides = [1, 1]} : vector<4096x64xf32> to vector<256x64xf32>
    %max3A_44 = arith.maximumf %max3A_42, %slice3A_43 : vector<256x64xf32>
    %swap3A = arith.constant 0 : index
    %swap3A_45 = arith.constant 0 : index
    %swap3A_46 = vector.load %arg4[%swap3A, %swap3A_45] : memref<256x64xf32, #tpu.memory_space<vmem>>, vector<256x64xf32>
    tpu.vector_store %arg4[%swap3A, %swap3A_45], %max3A_44 {strides = array<i32>} : memref<256x64xf32, #tpu.memory_space<vmem>>, vector<256x64xf32>,
    %reduce_sum3A = arith.constant dense<0.000000e+00> : vector<64xf32>
    %reduce_sum3A_47 = vector.multi_reduction <add>, %dot_general3A_15, %reduce_sum3A [0] : vector<4096x64xf32> to vector<64xf32>
    %mul3A = arith.mulf %dot_general3A_15, %dot_general3A_15 : vector<4096x64xf32>
    %reduce_sum3A_48 = arith.constant dense<0.000000e+00> : vector<64xf32>
    %reduce_sum3A_49 = vector.multi_reduction <add>, %mul3A, %reduce_sum3A_48 [0] : vector<4096x64xf32> to vector<64xf32>
    %stack3A = vector.shape_cast %reduce_sum3A_47 : vector<64xf32> to vector<1x64xf32>
    %stack3A_50 = vector.shape_cast %reduce_sum3A_49 : vector<64xf32> to vector<1x64xf32>
    %stack3A_51 = tpu.concatenate %stack3A, %stack3A_50 in 0 : vector<1x64xf32>, vector<1x64xf32> -> vector<2x64xf32>
    %broadcast_in_dim3A_52 = vector.shape_cast %stack3A_51 : vector<2x64xf32> to vector<1x2x64xf32>
    %swap3A_53 = arith.constant 0 : index
    %swap3A_54 = arith.constant 0 : index
    %swap3A_55 = arith.constant 0 : index
    %swap3A_56 = vector.load %arg5[%swap3A_53, %swap3A_54, %swap3A_55] : memref<1x2x64xf32, #tpu.memory_space<vmem>>, vector<1x2x64xf32>
    tpu.vector_store %arg5[%swap3A_53, %swap3A_54, %swap3A_55], %broadcast_in_dim3A_52 {strides = array<i32>} : memref<1x2x64xf32, #tpu.memory_space<vmem>>, vector<1x2x64xf32>,
    return
  }
  func.func @transform_0(%arg0: i32) -> (i32, i32, i32) {
    %c0_i32 = arith.constant 0 : i32
    %c0_i32_0 = arith.constant 0 : i32
    %c0_i32_1 = arith.constant 0 : i32
    return %c0_i32, %arg0, %c0_i32_0 : i32, i32, i32
  }
  func.func @transform_1(%arg0: i32) -> (i32, i32) {
    %c0_i32 = arith.constant 0 : i32
    %c0_i32_0 = arith.constant 0 : i32
    return %arg0, %c0_i32 : i32, i32
  }
  func.func @transform_2(%arg0: i32) -> (i32, i32) {
    %c0_i32 = arith.constant 0 : i32
    %c0_i32_0 = arith.constant 0 : i32
    %c0_i32_1 = arith.constant 0 : i32
    return %c0_i32, %c0_i32_0 : i32, i32
  }
  func.func @transform_3(%arg0: i32) -> (i32, i32) {
    %c0_i32 = arith.constant 0 : i32
    %c0_i32_0 = arith.constant 0 : i32
    return %arg0, %c0_i32 : i32, i32
  }
  func.func @transform_4(%arg0: i32) -> (i32, i32, i32) {
    %c0_i32 = arith.constant 0 : i32
    %c0_i32_0 = arith.constant 0 : i32
    %c0_i32_1 = arith.constant 0 : i32
    return %arg0, %c0_i32, %c0_i32_0 : i32, i32, i32
  }
}

module attributes {stable_mosaic.version = 14 : i64} {
  func.func @body(%arg0: i32, %arg1: memref<16x256x128xf32, #tpu.memory_space<vmem>>, %arg2: memref<256x64xf32, #tpu.memory_space<vmem>>, %arg3: memref<128x128xf32, #tpu.memory_space<vmem>>, %arg4: memref<256x128xf32, #tpu.memory_space<vmem>>, %arg5: memref<1x2x128xf32, #tpu.memory_space<vmem>>) attributes {dimension_semantics = [#tpu.dimension_semantics<arbitrary>], iteration_bounds = array<i64: 80>, scalar_prefetch = 0 : i64, scratch_operands = 0 : i64, tpu.core_type = #tpu.core_type<tc>, window_params = [{transform_indices = @transform_0, window_bounds = array<i64: 16, 256, 128>}, {transform_indices = @transform_1, window_bounds = array<i64: 256, 64>}, {pipeline_mode = #tpu.pipeline_mode<synchronous>, transform_indices = @transform_2, window_bounds = array<i64: 128, 128>}, {transform_indices = @transform_3, window_bounds = array<i64: 256, 128>}, {transform_indices = @transform_4, window_bounds = array<i64: 1, 2, 128>}]} {
    %get3A = arith.constant 0 : index
    %get3A_0 = arith.constant 0 : index
    %get3A_1 = vector.load %arg2[%get3A, %get3A_0] : memref<256x64xf32, #tpu.memory_space<vmem>>, vector<256x64xf32>
    %broadcast_in_dim3A = arith.constant 0.000000e+00 : f32
    %broadcast_in_dim3A_2 = vector.broadcast %broadcast_in_dim3A : f32 to vector<256x64xf32>
    %concatenate3A = tpu.concatenate %get3A_1, %broadcast_in_dim3A_2 in 1 : vector<256x64xf32>, vector<256x64xf32> -> vector<256x128xf32>
    %get3A_3 = arith.constant 0 : index
    %get3A_4 = arith.constant 0 : index
    %get3A_5 = vector.load %arg3[%get3A_3, %get3A_4] : memref<128x128xf32, #tpu.memory_space<vmem>>, vector<128x128xf32>
    %iota3A = tpu.iota {dimensions = array<i32: 1>} : vector<4096x128xi32>
    %get3A_6 = arith.constant 0 : index
    %get3A_7 = arith.constant 0 : index
    %get3A_8 = arith.constant 0 : index
    %get3A_9 = vector.load %arg1[%get3A_6, %get3A_7, %get3A_8] : memref<16x256x128xf32, #tpu.memory_space<vmem>>, vector<16x256x128xf32>
    %broadcast_in_dim3A_10 = vector.shape_cast %concatenate3A : vector<256x128xf32> to vector<1x256x128xf32>
    %sub3A = vector.broadcast %broadcast_in_dim3A_10 : vector<1x256x128xf32> to vector<16x256x128xf32>
    %sub3A_11 = arith.subf %get3A_9, %sub3A : vector<16x256x128xf32>
    %reshape3A = vector.shape_cast %sub3A_11 : vector<16x256x128xf32> to vector<4096x128xf32>
    %lt3A = arith.constant 64 : i32
    %lt3A_12 = vector.broadcast %lt3A : i32 to vector<4096x128xi32>
    %lt3A_13 = arith.cmpi slt, %iota3A, %lt3A_12 : vector<4096x128xi32>
    %jit3A = arith.constant 0.000000e+00 : f32
    %broadcast_in_dim3A_14 = vector.broadcast %jit3A : f32 to vector<4096x128xf32>
    %select_n3A = arith.select %lt3A_13, %reshape3A, %broadcast_in_dim3A_14 : vector<4096x128xi1>, vector<4096x128xf32>
    %dot_general3A = arith.constant dense<0.000000e+00> : vector<4096x128xf32>
    %dot_general3A_15 = tpu.matmul %select_n3A, %get3A_5, %dot_general3A {dimension_numbers = #tpu.dot_dimension_numbers<[1], [1], [0], [0], [0, 0, 1, 0], [], []>, transpose_lhs_hint = false} : vector<4096x128xf32>, vector<128x128xf32>, vector<4096x128xf32> -> vector<4096x128xf32>
    %slice3A = vector.extract_strided_slice %dot_general3A_15 {offsets = [0, 0], sizes = [256, 128], strides = [1, 1]} : vector<4096x128xf32> to vector<256x128xf32>
    %slice3A_16 = vector.extract_strided_slice %dot_general3A_15 {offsets = [256, 0], sizes = [256, 128], strides = [1, 1]} : vector<4096x128xf32> to vector<256x128xf32>
    %max3A = arith.maximumf %slice3A, %slice3A_16 : vector<256x128xf32>
    %slice3A_17 = vector.extract_strided_slice %dot_general3A_15 {offsets = [512, 0], sizes = [256, 128], strides = [1, 1]} : vector<4096x128xf32> to vector<256x128xf32>
    %max3A_18 = arith.maximumf %max3A, %slice3A_17 : vector<256x128xf32>
    %slice3A_19 = vector.extract_strided_slice %dot_general3A_15 {offsets = [768, 0], sizes = [256, 128], strides = [1, 1]} : vector<4096x128xf32> to vector<256x128xf32>
    %max3A_20 = arith.maximumf %max3A_18, %slice3A_19 : vector<256x128xf32>
    %slice3A_21 = vector.extract_strided_slice %dot_general3A_15 {offsets = [1024, 0], sizes = [256, 128], strides = [1, 1]} : vector<4096x128xf32> to vector<256x128xf32>
    %max3A_22 = arith.maximumf %max3A_20, %slice3A_21 : vector<256x128xf32>
    %slice3A_23 = vector.extract_strided_slice %dot_general3A_15 {offsets = [1280, 0], sizes = [256, 128], strides = [1, 1]} : vector<4096x128xf32> to vector<256x128xf32>
    %max3A_24 = arith.maximumf %max3A_22, %slice3A_23 : vector<256x128xf32>
    %slice3A_25 = vector.extract_strided_slice %dot_general3A_15 {offsets = [1536, 0], sizes = [256, 128], strides = [1, 1]} : vector<4096x128xf32> to vector<256x128xf32>
    %max3A_26 = arith.maximumf %max3A_24, %slice3A_25 : vector<256x128xf32>
    %slice3A_27 = vector.extract_strided_slice %dot_general3A_15 {offsets = [1792, 0], sizes = [256, 128], strides = [1, 1]} : vector<4096x128xf32> to vector<256x128xf32>
    %max3A_28 = arith.maximumf %max3A_26, %slice3A_27 : vector<256x128xf32>
    %slice3A_29 = vector.extract_strided_slice %dot_general3A_15 {offsets = [2048, 0], sizes = [256, 128], strides = [1, 1]} : vector<4096x128xf32> to vector<256x128xf32>
    %max3A_30 = arith.maximumf %max3A_28, %slice3A_29 : vector<256x128xf32>
    %slice3A_31 = vector.extract_strided_slice %dot_general3A_15 {offsets = [2304, 0], sizes = [256, 128], strides = [1, 1]} : vector<4096x128xf32> to vector<256x128xf32>
    %max3A_32 = arith.maximumf %max3A_30, %slice3A_31 : vector<256x128xf32>
    %slice3A_33 = vector.extract_strided_slice %dot_general3A_15 {offsets = [2560, 0], sizes = [256, 128], strides = [1, 1]} : vector<4096x128xf32> to vector<256x128xf32>
    %max3A_34 = arith.maximumf %max3A_32, %slice3A_33 : vector<256x128xf32>
    %slice3A_35 = vector.extract_strided_slice %dot_general3A_15 {offsets = [2816, 0], sizes = [256, 128], strides = [1, 1]} : vector<4096x128xf32> to vector<256x128xf32>
    %max3A_36 = arith.maximumf %max3A_34, %slice3A_35 : vector<256x128xf32>
    %slice3A_37 = vector.extract_strided_slice %dot_general3A_15 {offsets = [3072, 0], sizes = [256, 128], strides = [1, 1]} : vector<4096x128xf32> to vector<256x128xf32>
    %max3A_38 = arith.maximumf %max3A_36, %slice3A_37 : vector<256x128xf32>
    %slice3A_39 = vector.extract_strided_slice %dot_general3A_15 {offsets = [3328, 0], sizes = [256, 128], strides = [1, 1]} : vector<4096x128xf32> to vector<256x128xf32>
    %max3A_40 = arith.maximumf %max3A_38, %slice3A_39 : vector<256x128xf32>
    %slice3A_41 = vector.extract_strided_slice %dot_general3A_15 {offsets = [3584, 0], sizes = [256, 128], strides = [1, 1]} : vector<4096x128xf32> to vector<256x128xf32>
    %max3A_42 = arith.maximumf %max3A_40, %slice3A_41 : vector<256x128xf32>
    %slice3A_43 = vector.extract_strided_slice %dot_general3A_15 {offsets = [3840, 0], sizes = [256, 128], strides = [1, 1]} : vector<4096x128xf32> to vector<256x128xf32>
    %max3A_44 = arith.maximumf %max3A_42, %slice3A_43 : vector<256x128xf32>
    %swap3A = arith.constant 0 : index
    %swap3A_45 = arith.constant 0 : index
    %swap3A_46 = vector.load %arg4[%swap3A, %swap3A_45] : memref<256x128xf32, #tpu.memory_space<vmem>>, vector<256x128xf32>
    tpu.vector_store %arg4[%swap3A, %swap3A_45], %max3A_44 {strides = array<i32>} : memref<256x128xf32, #tpu.memory_space<vmem>>, vector<256x128xf32>,
    %reduce_sum3A = arith.constant dense<0.000000e+00> : vector<128xf32>
    %reduce_sum3A_47 = vector.multi_reduction <add>, %dot_general3A_15, %reduce_sum3A [0] : vector<4096x128xf32> to vector<128xf32>
    %mul3A = arith.mulf %dot_general3A_15, %dot_general3A_15 : vector<4096x128xf32>
    %reduce_sum3A_48 = arith.constant dense<0.000000e+00> : vector<128xf32>
    %reduce_sum3A_49 = vector.multi_reduction <add>, %mul3A, %reduce_sum3A_48 [0] : vector<4096x128xf32> to vector<128xf32>
    %stack3A = vector.shape_cast %reduce_sum3A_47 : vector<128xf32> to vector<1x128xf32>
    %stack3A_50 = vector.shape_cast %reduce_sum3A_49 : vector<128xf32> to vector<1x128xf32>
    %stack3A_51 = tpu.concatenate %stack3A, %stack3A_50 in 0 : vector<1x128xf32>, vector<1x128xf32> -> vector<2x128xf32>
    %broadcast_in_dim3A_52 = vector.shape_cast %stack3A_51 : vector<2x128xf32> to vector<1x2x128xf32>
    %swap3A_53 = arith.constant 0 : index
    %swap3A_54 = arith.constant 0 : index
    %swap3A_55 = arith.constant 0 : index
    %swap3A_56 = vector.load %arg5[%swap3A_53, %swap3A_54, %swap3A_55] : memref<1x2x128xf32, #tpu.memory_space<vmem>>, vector<1x2x128xf32>
    tpu.vector_store %arg5[%swap3A_53, %swap3A_54, %swap3A_55], %broadcast_in_dim3A_52 {strides = array<i32>} : memref<1x2x128xf32, #tpu.memory_space<vmem>>, vector<1x2x128xf32>,
    return
  }
  func.func @transform_0(%arg0: i32) -> (i32, i32, i32) {
    %c0_i32 = arith.constant 0 : i32
    %c0_i32_0 = arith.constant 0 : i32
    %c0_i32_1 = arith.constant 0 : i32
    return %c0_i32, %arg0, %c0_i32_0 : i32, i32, i32
  }
  func.func @transform_1(%arg0: i32) -> (i32, i32) {
    %c0_i32 = arith.constant 0 : i32
    %c0_i32_0 = arith.constant 0 : i32
    return %arg0, %c0_i32 : i32, i32
  }
  func.func @transform_2(%arg0: i32) -> (i32, i32) {
    %c0_i32 = arith.constant 0 : i32
    %c0_i32_0 = arith.constant 0 : i32
    %c0_i32_1 = arith.constant 0 : i32
    return %c0_i32, %c0_i32_0 : i32, i32
  }
  func.func @transform_3(%arg0: i32) -> (i32, i32) {
    %c0_i32 = arith.constant 0 : i32
    %c0_i32_0 = arith.constant 0 : i32
    return %arg0, %c0_i32 : i32, i32
  }
  func.func @transform_4(%arg0: i32) -> (i32, i32, i32) {
    %c0_i32 = arith.constant 0 : i32
    %c0_i32_0 = arith.constant 0 : i32
    %c0_i32_1 = arith.constant 0 : i32
    return %arg0, %c0_i32, %c0_i32_0 : i32, i32, i32
  }
}

module attributes {stable_mosaic.version = 14 : i64} {
  func.func @body(%arg0: i32, %arg1: memref<16x256x128xf32, #tpu.memory_space<vmem>>, %arg2: memref<256x128xf32, #tpu.memory_space<vmem>>, %arg3: memref<256x128xf32, #tpu.memory_space<vmem>>, %arg4: memref<256x256xf32, #tpu.memory_space<vmem>>, %arg5: memref<1x2x256xf32, #tpu.memory_space<vmem>>) attributes {dimension_semantics = [#tpu.dimension_semantics<arbitrary>], iteration_bounds = array<i64: 80>, scalar_prefetch = 0 : i64, scratch_operands = 0 : i64, tpu.core_type = #tpu.core_type<tc>, window_params = [{transform_indices = @transform_0, window_bounds = array<i64: 16, 256, 128>}, {transform_indices = @transform_1, window_bounds = array<i64: 256, 128>}, {pipeline_mode = #tpu.pipeline_mode<synchronous>, transform_indices = @transform_2, window_bounds = array<i64: 256, 128>}, {transform_indices = @transform_3, window_bounds = array<i64: 256, 256>}, {transform_indices = @transform_4, window_bounds = array<i64: 1, 2, 256>}]} {
    %get3A = arith.constant 0 : index
    %get3A_0 = arith.constant 0 : index
    %get3A_1 = vector.load %arg2[%get3A, %get3A_0] : memref<256x128xf32, #tpu.memory_space<vmem>>, vector<256x128xf32>
    %get3A_2 = arith.constant 0 : index
    %get3A_3 = arith.constant 0 : index
    %get3A_4 = vector.load %arg3[%get3A_2, %get3A_3] : memref<256x128xf32, #tpu.memory_space<vmem>>, vector<256x128xf32>
    %iota3A = tpu.iota {dimensions = array<i32: 1>} : vector<4096x128xi32>
    %get3A_5 = arith.constant 0 : index
    %get3A_6 = arith.constant 0 : index
    %get3A_7 = arith.constant 0 : index
    %get3A_8 = vector.load %arg1[%get3A_5, %get3A_6, %get3A_7] : memref<16x256x128xf32, #tpu.memory_space<vmem>>, vector<16x256x128xf32>
    %broadcast_in_dim3A = vector.shape_cast %get3A_1 : vector<256x128xf32> to vector<1x256x128xf32>
    %sub3A = vector.broadcast %broadcast_in_dim3A : vector<1x256x128xf32> to vector<16x256x128xf32>
    %sub3A_9 = arith.subf %get3A_8, %sub3A : vector<16x256x128xf32>
    %reshape3A = vector.shape_cast %sub3A_9 : vector<16x256x128xf32> to vector<4096x128xf32>
    %lt3A = arith.constant 128 : i32
    %lt3A_10 = vector.broadcast %lt3A : i32 to vector<4096x128xi32>
    %lt3A_11 = arith.cmpi slt, %iota3A, %lt3A_10 : vector<4096x128xi32>
    %jit3A = arith.constant 0.000000e+00 : f32
    %broadcast_in_dim3A_12 = vector.broadcast %jit3A : f32 to vector<4096x128xf32>
    %select_n3A = arith.select %lt3A_11, %reshape3A, %broadcast_in_dim3A_12 : vector<4096x128xi1>, vector<4096x128xf32>
    %dot_general3A = arith.constant dense<0.000000e+00> : vector<4096x256xf32>
    %dot_general3A_13 = tpu.matmul %select_n3A, %get3A_4, %dot_general3A {dimension_numbers = #tpu.dot_dimension_numbers<[1], [1], [0], [0], [0, 0, 1, 0], [], []>, transpose_lhs_hint = false} : vector<4096x128xf32>, vector<256x128xf32>, vector<4096x256xf32> -> vector<4096x256xf32>
    %slice3A = vector.extract_strided_slice %dot_general3A_13 {offsets = [0, 0], sizes = [256, 256], strides = [1, 1]} : vector<4096x256xf32> to vector<256x256xf32>
    %slice3A_14 = vector.extract_strided_slice %dot_general3A_13 {offsets = [256, 0], sizes = [256, 256], strides = [1, 1]} : vector<4096x256xf32> to vector<256x256xf32>
    %max3A = arith.maximumf %slice3A, %slice3A_14 : vector<256x256xf32>
    %slice3A_15 = vector.extract_strided_slice %dot_general3A_13 {offsets = [512, 0], sizes = [256, 256], strides = [1, 1]} : vector<4096x256xf32> to vector<256x256xf32>
    %max3A_16 = arith.maximumf %max3A, %slice3A_15 : vector<256x256xf32>
    %slice3A_17 = vector.extract_strided_slice %dot_general3A_13 {offsets = [768, 0], sizes = [256, 256], strides = [1, 1]} : vector<4096x256xf32> to vector<256x256xf32>
    %max3A_18 = arith.maximumf %max3A_16, %slice3A_17 : vector<256x256xf32>
    %slice3A_19 = vector.extract_strided_slice %dot_general3A_13 {offsets = [1024, 0], sizes = [256, 256], strides = [1, 1]} : vector<4096x256xf32> to vector<256x256xf32>
    %max3A_20 = arith.maximumf %max3A_18, %slice3A_19 : vector<256x256xf32>
    %slice3A_21 = vector.extract_strided_slice %dot_general3A_13 {offsets = [1280, 0], sizes = [256, 256], strides = [1, 1]} : vector<4096x256xf32> to vector<256x256xf32>
    %max3A_22 = arith.maximumf %max3A_20, %slice3A_21 : vector<256x256xf32>
    %slice3A_23 = vector.extract_strided_slice %dot_general3A_13 {offsets = [1536, 0], sizes = [256, 256], strides = [1, 1]} : vector<4096x256xf32> to vector<256x256xf32>
    %max3A_24 = arith.maximumf %max3A_22, %slice3A_23 : vector<256x256xf32>
    %slice3A_25 = vector.extract_strided_slice %dot_general3A_13 {offsets = [1792, 0], sizes = [256, 256], strides = [1, 1]} : vector<4096x256xf32> to vector<256x256xf32>
    %max3A_26 = arith.maximumf %max3A_24, %slice3A_25 : vector<256x256xf32>
    %slice3A_27 = vector.extract_strided_slice %dot_general3A_13 {offsets = [2048, 0], sizes = [256, 256], strides = [1, 1]} : vector<4096x256xf32> to vector<256x256xf32>
    %max3A_28 = arith.maximumf %max3A_26, %slice3A_27 : vector<256x256xf32>
    %slice3A_29 = vector.extract_strided_slice %dot_general3A_13 {offsets = [2304, 0], sizes = [256, 256], strides = [1, 1]} : vector<4096x256xf32> to vector<256x256xf32>
    %max3A_30 = arith.maximumf %max3A_28, %slice3A_29 : vector<256x256xf32>
    %slice3A_31 = vector.extract_strided_slice %dot_general3A_13 {offsets = [2560, 0], sizes = [256, 256], strides = [1, 1]} : vector<4096x256xf32> to vector<256x256xf32>
    %max3A_32 = arith.maximumf %max3A_30, %slice3A_31 : vector<256x256xf32>
    %slice3A_33 = vector.extract_strided_slice %dot_general3A_13 {offsets = [2816, 0], sizes = [256, 256], strides = [1, 1]} : vector<4096x256xf32> to vector<256x256xf32>
    %max3A_34 = arith.maximumf %max3A_32, %slice3A_33 : vector<256x256xf32>
    %slice3A_35 = vector.extract_strided_slice %dot_general3A_13 {offsets = [3072, 0], sizes = [256, 256], strides = [1, 1]} : vector<4096x256xf32> to vector<256x256xf32>
    %max3A_36 = arith.maximumf %max3A_34, %slice3A_35 : vector<256x256xf32>
    %slice3A_37 = vector.extract_strided_slice %dot_general3A_13 {offsets = [3328, 0], sizes = [256, 256], strides = [1, 1]} : vector<4096x256xf32> to vector<256x256xf32>
    %max3A_38 = arith.maximumf %max3A_36, %slice3A_37 : vector<256x256xf32>
    %slice3A_39 = vector.extract_strided_slice %dot_general3A_13 {offsets = [3584, 0], sizes = [256, 256], strides = [1, 1]} : vector<4096x256xf32> to vector<256x256xf32>
    %max3A_40 = arith.maximumf %max3A_38, %slice3A_39 : vector<256x256xf32>
    %slice3A_41 = vector.extract_strided_slice %dot_general3A_13 {offsets = [3840, 0], sizes = [256, 256], strides = [1, 1]} : vector<4096x256xf32> to vector<256x256xf32>
    %max3A_42 = arith.maximumf %max3A_40, %slice3A_41 : vector<256x256xf32>
    %swap3A = arith.constant 0 : index
    %swap3A_43 = arith.constant 0 : index
    %swap3A_44 = vector.load %arg4[%swap3A, %swap3A_43] : memref<256x256xf32, #tpu.memory_space<vmem>>, vector<256x256xf32>
    tpu.vector_store %arg4[%swap3A, %swap3A_43], %max3A_42 {strides = array<i32>} : memref<256x256xf32, #tpu.memory_space<vmem>>, vector<256x256xf32>,
    %reduce_sum3A = arith.constant dense<0.000000e+00> : vector<256xf32>
    %reduce_sum3A_45 = vector.multi_reduction <add>, %dot_general3A_13, %reduce_sum3A [0] : vector<4096x256xf32> to vector<256xf32>
    %mul3A = arith.mulf %dot_general3A_13, %dot_general3A_13 : vector<4096x256xf32>
    %reduce_sum3A_46 = arith.constant dense<0.000000e+00> : vector<256xf32>
    %reduce_sum3A_47 = vector.multi_reduction <add>, %mul3A, %reduce_sum3A_46 [0] : vector<4096x256xf32> to vector<256xf32>
    %stack3A = vector.shape_cast %reduce_sum3A_45 : vector<256xf32> to vector<1x256xf32>
    %stack3A_48 = vector.shape_cast %reduce_sum3A_47 : vector<256xf32> to vector<1x256xf32>
    %stack3A_49 = tpu.concatenate %stack3A, %stack3A_48 in 0 : vector<1x256xf32>, vector<1x256xf32> -> vector<2x256xf32>
    %broadcast_in_dim3A_50 = vector.shape_cast %stack3A_49 : vector<2x256xf32> to vector<1x2x256xf32>
    %swap3A_51 = arith.constant 0 : index
    %swap3A_52 = arith.constant 0 : index
    %swap3A_53 = arith.constant 0 : index
    %swap3A_54 = vector.load %arg5[%swap3A_51, %swap3A_52, %swap3A_53] : memref<1x2x256xf32, #tpu.memory_space<vmem>>, vector<1x2x256xf32>
    tpu.vector_store %arg5[%swap3A_51, %swap3A_52, %swap3A_53], %broadcast_in_dim3A_50 {strides = array<i32>} : memref<1x2x256xf32, #tpu.memory_space<vmem>>, vector<1x2x256xf32>,
    return
  }
  func.func @transform_0(%arg0: i32) -> (i32, i32, i32) {
    %c0_i32 = arith.constant 0 : i32
    %c0_i32_0 = arith.constant 0 : i32
    %c0_i32_1 = arith.constant 0 : i32
    return %c0_i32, %arg0, %c0_i32_0 : i32, i32, i32
  }
  func.func @transform_1(%arg0: i32) -> (i32, i32) {
    %c0_i32 = arith.constant 0 : i32
    %c0_i32_0 = arith.constant 0 : i32
    return %arg0, %c0_i32 : i32, i32
  }
  func.func @transform_2(%arg0: i32) -> (i32, i32) {
    %c0_i32 = arith.constant 0 : i32
    %c0_i32_0 = arith.constant 0 : i32
    %c0_i32_1 = arith.constant 0 : i32
    return %c0_i32, %c0_i32_0 : i32, i32
  }
  func.func @transform_3(%arg0: i32) -> (i32, i32) {
    %c0_i32 = arith.constant 0 : i32
    %c0_i32_0 = arith.constant 0 : i32
    return %arg0, %c0_i32 : i32, i32
  }
  func.func @transform_4(%arg0: i32) -> (i32, i32, i32) {
    %c0_i32 = arith.constant 0 : i32
    %c0_i32_0 = arith.constant 0 : i32
    %c0_i32_1 = arith.constant 0 : i32
    return %arg0, %c0_i32, %c0_i32_0 : i32, i32, i32
  }
}

module attributes {stable_mosaic.version = 14 : i64} {
  func.func @body(%arg0: i32, %arg1: memref<1024x128xf32, #tpu.memory_space<vmem>>, %arg2: memref<80x2x128xf32, #tpu.memory_space<vmem>>, %arg3: memref<128xf32, #tpu.memory_space<vmem>>, %arg4: memref<128xf32, #tpu.memory_space<vmem>>, %arg5: memref<1024x128xf32, #tpu.memory_space<vmem>>) attributes {dimension_semantics = [#tpu.dimension_semantics<arbitrary>], iteration_bounds = array<i64: 20>, scalar_prefetch = 0 : i64, scratch_operands = 0 : i64, tpu.core_type = #tpu.core_type<tc>, window_params = [{transform_indices = @transform_0, window_bounds = array<i64: 1024, 128>}, {pipeline_mode = #tpu.pipeline_mode<synchronous>, transform_indices = @transform_1, window_bounds = array<i64: 80, 2, 128>}, {pipeline_mode = #tpu.pipeline_mode<synchronous>, transform_indices = @transform_2, window_bounds = array<i64: 128>}, {pipeline_mode = #tpu.pipeline_mode<synchronous>, transform_indices = @transform_3, window_bounds = array<i64: 128>}, {transform_indices = @transform_4, window_bounds = array<i64: 1024, 128>}]} {
    %get3A = arith.constant 0 : index
    %get3A_0 = arith.constant 0 : index
    %get3A_1 = arith.constant 0 : index
    %get3A_2 = vector.load %arg2[%get3A, %get3A_0, %get3A_1] : memref<80x2x128xf32, #tpu.memory_space<vmem>>, vector<80x2x128xf32>
    %slice3A = vector.extract_strided_slice %get3A_2 {offsets = [0, 0, 0], sizes = [80, 1, 128], strides = [1, 1, 1]} : vector<80x2x128xf32> to vector<80x1x128xf32>
    %squeeze3A = vector.shape_cast %slice3A : vector<80x1x128xf32> to vector<80x128xf32>
    %reduce_sum3A = arith.constant dense<0.000000e+00> : vector<128xf32>
    %reduce_sum3A_3 = vector.multi_reduction <add>, %squeeze3A, %reduce_sum3A [0] : vector<80x128xf32> to vector<128xf32>
    %slice3A_4 = vector.extract_strided_slice %get3A_2 {offsets = [0, 1, 0], sizes = [80, 1, 128], strides = [1, 1, 1]} : vector<80x2x128xf32> to vector<80x1x128xf32>
    %squeeze3A_5 = vector.shape_cast %slice3A_4 : vector<80x1x128xf32> to vector<80x128xf32>
    %reduce_sum3A_6 = arith.constant dense<0.000000e+00> : vector<128xf32>
    %reduce_sum3A_7 = vector.multi_reduction <add>, %squeeze3A_5, %reduce_sum3A_6 [0] : vector<80x128xf32> to vector<128xf32>
    %div3A = arith.constant 3.200000e+05 : f32
    %div3A_8 = vector.broadcast %div3A : f32 to vector<128xf32>
    %div3A_9 = arith.divf %reduce_sum3A_3, %div3A_8 : vector<128xf32>
    %div3A_10 = arith.constant 3.200000e+05 : f32
    %div3A_11 = vector.broadcast %div3A_10 : f32 to vector<128xf32>
    %div3A_12 = arith.divf %reduce_sum3A_7, %div3A_11 : vector<128xf32>
    %mul3A = arith.mulf %div3A_9, %div3A_9 : vector<128xf32>
    %sub3A = arith.subf %div3A_12, %mul3A : vector<128xf32>
    %get3A_13 = arith.constant 0 : index
    %get3A_14 = vector.load %arg3[%get3A_13] : memref<128xf32, #tpu.memory_space<vmem>>, vector<128xf32>
    %add3A = arith.constant 9.99999974E-6 : f32
    %add3A_15 = vector.broadcast %add3A : f32 to vector<128xf32>
    %add3A_16 = arith.addf %sub3A, %add3A_15 : vector<128xf32>
    %sqrt3A = math.sqrt %add3A_16 : vector<128xf32>
    %div3A_17 = arith.constant 1.000000e+00 : f32
    %div3A_18 = vector.broadcast %div3A_17 : f32 to vector<128xf32>
    %div3A_19 = arith.divf %div3A_18, %sqrt3A : vector<128xf32>
    %mul3A_20 = arith.mulf %get3A_14, %div3A_19 : vector<128xf32>
    %get3A_21 = arith.constant 0 : index
    %get3A_22 = vector.load %arg4[%get3A_21] : memref<128xf32, #tpu.memory_space<vmem>>, vector<128xf32>
    %mul3A_23 = arith.mulf %div3A_9, %mul3A_20 : vector<128xf32>
    %sub3A_24 = arith.subf %get3A_22, %mul3A_23 : vector<128xf32>
    %get3A_25 = arith.constant 0 : index
    %get3A_26 = arith.constant 0 : index
    %get3A_27 = vector.load %arg1[%get3A_25, %get3A_26] : memref<1024x128xf32, #tpu.memory_space<vmem>>, vector<1024x128xf32>
    %broadcast_in_dim3A = vector.shape_cast %mul3A_20 : vector<128xf32> to vector<1x128xf32>
    %mul3A_28 = vector.broadcast %broadcast_in_dim3A : vector<1x128xf32> to vector<1024x128xf32>
    %mul3A_29 = arith.mulf %get3A_27, %mul3A_28 : vector<1024x128xf32>
    %broadcast_in_dim3A_30 = vector.shape_cast %sub3A_24 : vector<128xf32> to vector<1x128xf32>
    %add3A_31 = vector.broadcast %broadcast_in_dim3A_30 : vector<1x128xf32> to vector<1024x128xf32>
    %add3A_32 = arith.addf %mul3A_29, %add3A_31 : vector<1024x128xf32>
    %ge3A = arith.constant 0.000000e+00 : f32
    %ge3A_33 = vector.broadcast %ge3A : f32 to vector<1024x128xf32>
    %ge3A_34 = arith.cmpf oge, %add3A_32, %ge3A_33 : vector<1024x128xf32>
    %mul3A_35 = arith.constant 2.000000e-01 : f32
    %mul3A_36 = vector.broadcast %mul3A_35 : f32 to vector<1024x128xf32>
    %mul3A_37 = arith.mulf %mul3A_36, %add3A_32 : vector<1024x128xf32>
    %select_n3A = arith.select %ge3A_34, %add3A_32, %mul3A_37 : vector<1024x128xi1>, vector<1024x128xf32>
    %mul3A_38 = arith.constant 1024 : i32
    %mul3A_39 = arith.muli %arg0, %mul3A_38 : i32
    %iota3A = tpu.iota {dimensions = array<i32: 0>} : vector<1024x1xi32>
    %add3A_40 = vector.broadcast %mul3A_39 : i32 to vector<1024x1xi32>
    %add3A_41 = arith.addi %add3A_40, %iota3A : vector<1024x1xi32>
    %jit3A = arith.constant 10240 : i32
    %eq3A = arith.constant 0 : i32
    %eq3A_42 = arith.cmpi eq, %jit3A, %eq3A : i32
    %jit3A_43 = arith.constant 1 : i32
    %select_n3A_44 = arith.select %eq3A_42, %jit3A_43, %jit3A : i32
    %rem3A = vector.broadcast %select_n3A_44 : i32 to vector<1024x1xi32>
    %rem3A_45 = arith.remsi %add3A_41, %rem3A : vector<1024x1xi32>
    %ne3A = arith.constant 0 : i32
    %ne3A_46 = vector.broadcast %ne3A : i32 to vector<1024x1xi32>
    %ne3A_47 = arith.cmpi ne, %rem3A_45, %ne3A_46 : vector<1024x1xi32>
    %lt3A = arith.constant 0 : i32
    %lt3A_48 = vector.broadcast %lt3A : i32 to vector<1024x1xi32>
    %lt3A_49 = arith.cmpi slt, %rem3A_45, %lt3A_48 : vector<1024x1xi32>
    %lt3A_50 = arith.constant 0 : i32
    %lt3A_51 = arith.cmpi slt, %select_n3A_44, %lt3A_50 : i32
    %ne3A_52 = vector.broadcast %lt3A_51 : i1 to vector<1024x1xi1>
    %ne3A_53 = vector.broadcast %ne3A_52 : vector<1024x1xi1> to vector<1024x1xi1>
    %ne3A_54 = arith.xori %lt3A_49, %ne3A_53 : vector<1024x1xi1>
    %and3A = arith.andi %ne3A_54, %ne3A_47 : vector<1024x1xi1>
    %add3A_55 = vector.broadcast %select_n3A_44 : i32 to vector<1024x1xi32>
    %add3A_56 = arith.addi %rem3A_45, %add3A_55 : vector<1024x1xi32>
    %select_n3A_57 = arith.select %and3A, %add3A_56, %rem3A_45 : vector<1024x1xi1>, vector<1024x1xi32>
    %lt3A_58 = arith.constant 10000 : i32
    %lt3A_59 = vector.broadcast %lt3A_58 : i32 to vector<1024x1xi32>
    %lt3A_60 = arith.cmpi slt, %select_n3A_57, %lt3A_59 : vector<1024x1xi32>
    %jit3A_61 = arith.constant 0.000000e+00 : f32
    %broadcast_in_dim3A_62 = vector.shape_cast %lt3A_60 : vector<1024x1xi1> to vector<1024x1xi1>
    %broadcast_in_dim3A_63 = vector.broadcast %broadcast_in_dim3A_62 : vector<1024x1xi1> to vector<1024x128xi1>
    %broadcast_in_dim3A_64 = vector.broadcast %jit3A_61 : f32 to vector<1024x128xf32>
    %select_n3A_65 = arith.select %broadcast_in_dim3A_63, %select_n3A, %broadcast_in_dim3A_64 : vector<1024x128xi1>, vector<1024x128xf32>
    %swap3A = arith.constant 0 : index
    %swap3A_66 = arith.constant 0 : index
    %swap3A_67 = vector.load %arg5[%swap3A, %swap3A_66] : memref<1024x128xf32, #tpu.memory_space<vmem>>, vector<1024x128xf32>
    tpu.vector_store %arg5[%swap3A, %swap3A_66], %select_n3A_65 {strides = array<i32>} : memref<1024x128xf32, #tpu.memory_space<vmem>>, vector<1024x128xf32>,
    return
  }
  func.func @transform_0(%arg0: i32) -> (i32, i32) {
    %c0_i32 = arith.constant 0 : i32
    %c0_i32_0 = arith.constant 0 : i32
    return %arg0, %c0_i32 : i32, i32
  }
  func.func @transform_1(%arg0: i32) -> (i32, i32, i32) {
    %c0_i32 = arith.constant 0 : i32
    %c0_i32_0 = arith.constant 0 : i32
    %c0_i32_1 = arith.constant 0 : i32
    %c0_i32_2 = arith.constant 0 : i32
    return %c0_i32, %c0_i32_0, %c0_i32_1 : i32, i32, i32
  }
  func.func @transform_2(%arg0: i32) -> i32 {
    %c0_i32 = arith.constant 0 : i32
    %c0_i32_0 = arith.constant 0 : i32
    return %c0_i32 : i32
  }
  func.func @transform_3(%arg0: i32) -> i32 {
    %c0_i32 = arith.constant 0 : i32
    %c0_i32_0 = arith.constant 0 : i32
    return %c0_i32 : i32
  }
  func.func @transform_4(%arg0: i32) -> (i32, i32) {
    %c0_i32 = arith.constant 0 : i32
    %c0_i32_0 = arith.constant 0 : i32
    return %arg0, %c0_i32 : i32, i32
  }
}

module attributes {stable_mosaic.version = 14 : i64} {
  func.func @body(%arg0: i32, %arg1: memref<1024x256xf32, #tpu.memory_space<vmem>>, %arg2: memref<80x2x256xf32, #tpu.memory_space<vmem>>, %arg3: memref<256xf32, #tpu.memory_space<vmem>>, %arg4: memref<256xf32, #tpu.memory_space<vmem>>, %arg5: memref<1024x64xf32, #tpu.memory_space<vmem>>, %arg6: memref<1024x64xf32, #tpu.memory_space<vmem>>, %arg7: memref<1024x128xf32, #tpu.memory_space<vmem>>, %arg8: memref<256x64xf32, #tpu.memory_space<vmem>>, %arg9: memref<256x64xf32, #tpu.memory_space<vmem>>, %arg10: memref<256x128xf32, #tpu.memory_space<vmem>>, %arg11: memref<256x256xf32, #tpu.memory_space<vmem>>, %arg12: memref<1024x256xf32, #tpu.memory_space<vmem>>, %arg13: memref<1x2x256xf32, #tpu.memory_space<vmem>>) attributes {dimension_semantics = [#tpu.dimension_semantics<arbitrary>], iteration_bounds = array<i64: 20>, scalar_prefetch = 0 : i64, scratch_operands = 0 : i64, tpu.core_type = #tpu.core_type<tc>, window_params = [{transform_indices = @transform_0, window_bounds = array<i64: 1024, 256>}, {pipeline_mode = #tpu.pipeline_mode<synchronous>, transform_indices = @transform_1, window_bounds = array<i64: 80, 2, 256>}, {pipeline_mode = #tpu.pipeline_mode<synchronous>, transform_indices = @transform_2, window_bounds = array<i64: 256>}, {pipeline_mode = #tpu.pipeline_mode<synchronous>, transform_indices = @transform_3, window_bounds = array<i64: 256>}, {transform_indices = @transform_4, window_bounds = array<i64: 1024, 64>}, {transform_indices = @transform_5, window_bounds = array<i64: 1024, 64>}, {transform_indices = @transform_6, window_bounds = array<i64: 1024, 128>}, {pipeline_mode = #tpu.pipeline_mode<synchronous>, transform_indices = @transform_7, window_bounds = array<i64: 256, 64>}, {pipeline_mode = #tpu.pipeline_mode<synchronous>, transform_indices = @transform_8, window_bounds = array<i64: 256, 64>}, {pipeline_mode = #tpu.pipeline_mode<synchronous>, transform_indices = @transform_9, window_bounds = array<i64: 256, 128>}, {pipeline_mode = #tpu.pipeline_mode<synchronous>, transform_indices = @transform_10, window_bounds = array<i64: 256, 256>}, {transform_indices = @transform_11, window_bounds = array<i64: 1024, 256>}, {transform_indices = @transform_12, window_bounds = array<i64: 1, 2, 256>}]} {
    %get3A = arith.constant 0 : index
    %get3A_0 = arith.constant 0 : index
    %get3A_1 = arith.constant 0 : index
    %get3A_2 = vector.load %arg2[%get3A, %get3A_0, %get3A_1] : memref<80x2x256xf32, #tpu.memory_space<vmem>>, vector<80x2x256xf32>
    %slice3A = vector.extract_strided_slice %get3A_2 {offsets = [0, 0, 0], sizes = [80, 1, 256], strides = [1, 1, 1]} : vector<80x2x256xf32> to vector<80x1x256xf32>
    %squeeze3A = vector.shape_cast %slice3A : vector<80x1x256xf32> to vector<80x256xf32>
    %reduce_sum3A = arith.constant dense<0.000000e+00> : vector<256xf32>
    %reduce_sum3A_3 = vector.multi_reduction <add>, %squeeze3A, %reduce_sum3A [0] : vector<80x256xf32> to vector<256xf32>
    %slice3A_4 = vector.extract_strided_slice %get3A_2 {offsets = [0, 1, 0], sizes = [80, 1, 256], strides = [1, 1, 1]} : vector<80x2x256xf32> to vector<80x1x256xf32>
    %squeeze3A_5 = vector.shape_cast %slice3A_4 : vector<80x1x256xf32> to vector<80x256xf32>
    %reduce_sum3A_6 = arith.constant dense<0.000000e+00> : vector<256xf32>
    %reduce_sum3A_7 = vector.multi_reduction <add>, %squeeze3A_5, %reduce_sum3A_6 [0] : vector<80x256xf32> to vector<256xf32>
    %div3A = arith.constant 3.200000e+05 : f32
    %div3A_8 = vector.broadcast %div3A : f32 to vector<256xf32>
    %div3A_9 = arith.divf %reduce_sum3A_3, %div3A_8 : vector<256xf32>
    %div3A_10 = arith.constant 3.200000e+05 : f32
    %div3A_11 = vector.broadcast %div3A_10 : f32 to vector<256xf32>
    %div3A_12 = arith.divf %reduce_sum3A_7, %div3A_11 : vector<256xf32>
    %mul3A = arith.mulf %div3A_9, %div3A_9 : vector<256xf32>
    %sub3A = arith.subf %div3A_12, %mul3A : vector<256xf32>
    %get3A_13 = arith.constant 0 : index
    %get3A_14 = vector.load %arg3[%get3A_13] : memref<256xf32, #tpu.memory_space<vmem>>, vector<256xf32>
    %add3A = arith.constant 9.99999974E-6 : f32
    %add3A_15 = vector.broadcast %add3A : f32 to vector<256xf32>
    %add3A_16 = arith.addf %sub3A, %add3A_15 : vector<256xf32>
    %sqrt3A = math.sqrt %add3A_16 : vector<256xf32>
    %div3A_17 = arith.constant 1.000000e+00 : f32
    %div3A_18 = vector.broadcast %div3A_17 : f32 to vector<256xf32>
    %div3A_19 = arith.divf %div3A_18, %sqrt3A : vector<256xf32>
    %mul3A_20 = arith.mulf %get3A_14, %div3A_19 : vector<256xf32>
    %get3A_21 = arith.constant 0 : index
    %get3A_22 = vector.load %arg4[%get3A_21] : memref<256xf32, #tpu.memory_space<vmem>>, vector<256xf32>
    %mul3A_23 = arith.mulf %div3A_9, %mul3A_20 : vector<256xf32>
    %sub3A_24 = arith.subf %get3A_22, %mul3A_23 : vector<256xf32>
    %get3A_25 = arith.constant 0 : index
    %get3A_26 = arith.constant 0 : index
    %get3A_27 = vector.load %arg1[%get3A_25, %get3A_26] : memref<1024x256xf32, #tpu.memory_space<vmem>>, vector<1024x256xf32>
    %broadcast_in_dim3A = vector.shape_cast %mul3A_20 : vector<256xf32> to vector<1x256xf32>
    %mul3A_28 = vector.broadcast %broadcast_in_dim3A : vector<1x256xf32> to vector<1024x256xf32>
    %mul3A_29 = arith.mulf %get3A_27, %mul3A_28 : vector<1024x256xf32>
    %broadcast_in_dim3A_30 = vector.shape_cast %sub3A_24 : vector<256xf32> to vector<1x256xf32>
    %add3A_31 = vector.broadcast %broadcast_in_dim3A_30 : vector<1x256xf32> to vector<1024x256xf32>
    %add3A_32 = arith.addf %mul3A_29, %add3A_31 : vector<1024x256xf32>
    %ge3A = arith.constant 0.000000e+00 : f32
    %ge3A_33 = vector.broadcast %ge3A : f32 to vector<1024x256xf32>
    %ge3A_34 = arith.cmpf oge, %add3A_32, %ge3A_33 : vector<1024x256xf32>
    %mul3A_35 = arith.constant 2.000000e-01 : f32
    %mul3A_36 = vector.broadcast %mul3A_35 : f32 to vector<1024x256xf32>
    %mul3A_37 = arith.mulf %mul3A_36, %add3A_32 : vector<1024x256xf32>
    %select_n3A = arith.select %ge3A_34, %add3A_32, %mul3A_37 : vector<1024x256xi1>, vector<1024x256xf32>
    %mul3A_38 = arith.constant 1024 : i32
    %mul3A_39 = arith.muli %arg0, %mul3A_38 : i32
    %iota3A = tpu.iota {dimensions = array<i32: 0>} : vector<1024x1xi32>
    %add3A_40 = vector.broadcast %mul3A_39 : i32 to vector<1024x1xi32>
    %add3A_41 = arith.addi %add3A_40, %iota3A : vector<1024x1xi32>
    %jit3A = arith.constant 10240 : i32
    %eq3A = arith.constant 0 : i32
    %eq3A_42 = arith.cmpi eq, %jit3A, %eq3A : i32
    %jit3A_43 = arith.constant 1 : i32
    %select_n3A_44 = arith.select %eq3A_42, %jit3A_43, %jit3A : i32
    %rem3A = vector.broadcast %select_n3A_44 : i32 to vector<1024x1xi32>
    %rem3A_45 = arith.remsi %add3A_41, %rem3A : vector<1024x1xi32>
    %ne3A = arith.constant 0 : i32
    %ne3A_46 = vector.broadcast %ne3A : i32 to vector<1024x1xi32>
    %ne3A_47 = arith.cmpi ne, %rem3A_45, %ne3A_46 : vector<1024x1xi32>
    %lt3A = arith.constant 0 : i32
    %lt3A_48 = vector.broadcast %lt3A : i32 to vector<1024x1xi32>
    %lt3A_49 = arith.cmpi slt, %rem3A_45, %lt3A_48 : vector<1024x1xi32>
    %lt3A_50 = arith.constant 0 : i32
    %lt3A_51 = arith.cmpi slt, %select_n3A_44, %lt3A_50 : i32
    %ne3A_52 = vector.broadcast %lt3A_51 : i1 to vector<1024x1xi1>
    %ne3A_53 = vector.broadcast %ne3A_52 : vector<1024x1xi1> to vector<1024x1xi1>
    %ne3A_54 = arith.xori %lt3A_49, %ne3A_53 : vector<1024x1xi1>
    %and3A = arith.andi %ne3A_54, %ne3A_47 : vector<1024x1xi1>
    %add3A_55 = vector.broadcast %select_n3A_44 : i32 to vector<1024x1xi32>
    %add3A_56 = arith.addi %rem3A_45, %add3A_55 : vector<1024x1xi32>
    %select_n3A_57 = arith.select %and3A, %add3A_56, %rem3A_45 : vector<1024x1xi1>, vector<1024x1xi32>
    %lt3A_58 = arith.constant 10000 : i32
    %lt3A_59 = vector.broadcast %lt3A_58 : i32 to vector<1024x1xi32>
    %lt3A_60 = arith.cmpi slt, %select_n3A_57, %lt3A_59 : vector<1024x1xi32>
    %jit3A_61 = arith.constant 0.000000e+00 : f32
    %broadcast_in_dim3A_62 = vector.shape_cast %lt3A_60 : vector<1024x1xi1> to vector<1024x1xi1>
    %broadcast_in_dim3A_63 = vector.broadcast %broadcast_in_dim3A_62 : vector<1024x1xi1> to vector<1024x256xi1>
    %broadcast_in_dim3A_64 = vector.broadcast %jit3A_61 : f32 to vector<1024x256xf32>
    %select_n3A_65 = arith.select %broadcast_in_dim3A_63, %select_n3A, %broadcast_in_dim3A_64 : vector<1024x256xi1>, vector<1024x256xf32>
    %get3A_66 = arith.constant 0 : index
    %get3A_67 = arith.constant 0 : index
    %get3A_68 = vector.load %arg5[%get3A_66, %get3A_67] : memref<1024x64xf32, #tpu.memory_space<vmem>>, vector<1024x64xf32>
    %get3A_69 = arith.constant 0 : index
    %get3A_70 = arith.constant 0 : index
    %get3A_71 = vector.load %arg8[%get3A_69, %get3A_70] : memref<256x64xf32, #tpu.memory_space<vmem>>, vector<256x64xf32>
    %dot_general3A = arith.constant dense<0.000000e+00> : vector<1024x256xf32>
    %dot_general3A_72 = tpu.matmul %get3A_68, %get3A_71, %dot_general3A {dimension_numbers = #tpu.dot_dimension_numbers<[1], [1], [0], [0], [0, 0, 1, 0], [], []>, transpose_lhs_hint = false} : vector<1024x64xf32>, vector<256x64xf32>, vector<1024x256xf32> -> vector<1024x256xf32>
    %get3A_73 = arith.constant 0 : index
    %get3A_74 = arith.constant 0 : index
    %get3A_75 = vector.load %arg6[%get3A_73, %get3A_74] : memref<1024x64xf32, #tpu.memory_space<vmem>>, vector<1024x64xf32>
    %get3A_76 = arith.constant 0 : index
    %get3A_77 = arith.constant 0 : index
    %get3A_78 = vector.load %arg9[%get3A_76, %get3A_77] : memref<256x64xf32, #tpu.memory_space<vmem>>, vector<256x64xf32>
    %dot_general3A_79 = arith.constant dense<0.000000e+00> : vector<1024x256xf32>
    %dot_general3A_80 = tpu.matmul %get3A_75, %get3A_78, %dot_general3A_79 {dimension_numbers = #tpu.dot_dimension_numbers<[1], [1], [0], [0], [0, 0, 1, 0], [], []>, transpose_lhs_hint = false} : vector<1024x64xf32>, vector<256x64xf32>, vector<1024x256xf32> -> vector<1024x256xf32>
    %add3A_81 = arith.addf %dot_general3A_72, %dot_general3A_80 : vector<1024x256xf32>
    %get3A_82 = arith.constant 0 : index
    %get3A_83 = arith.constant 0 : index
    %get3A_84 = vector.load %arg7[%get3A_82, %get3A_83] : memref<1024x128xf32, #tpu.memory_space<vmem>>, vector<1024x128xf32>
    %get3A_85 = arith.constant 0 : index
    %get3A_86 = arith.constant 0 : index
    %get3A_87 = vector.load %arg10[%get3A_85, %get3A_86] : memref<256x128xf32, #tpu.memory_space<vmem>>, vector<256x128xf32>
    %dot_general3A_88 = arith.constant dense<0.000000e+00> : vector<1024x256xf32>
    %dot_general3A_89 = tpu.matmul %get3A_84, %get3A_87, %dot_general3A_88 {dimension_numbers = #tpu.dot_dimension_numbers<[1], [1], [0], [0], [0, 0, 1, 0], [], []>, transpose_lhs_hint = false} : vector<1024x128xf32>, vector<256x128xf32>, vector<1024x256xf32> -> vector<1024x256xf32>
    %add3A_90 = arith.addf %add3A_81, %dot_general3A_89 : vector<1024x256xf32>
    %get3A_91 = arith.constant 0 : index
    %get3A_92 = arith.constant 0 : index
    %get3A_93 = vector.load %arg11[%get3A_91, %get3A_92] : memref<256x256xf32, #tpu.memory_space<vmem>>, vector<256x256xf32>
    %dot_general3A_94 = arith.constant dense<0.000000e+00> : vector<1024x256xf32>
    %dot_general3A_95 = tpu.matmul %select_n3A_65, %get3A_93, %dot_general3A_94 {dimension_numbers = #tpu.dot_dimension_numbers<[1], [1], [0], [0], [0, 0, 1, 0], [], []>, transpose_lhs_hint = false} : vector<1024x256xf32>, vector<256x256xf32>, vector<1024x256xf32> -> vector<1024x256xf32>
    %add3A_96 = arith.addf %add3A_90, %dot_general3A_95 : vector<1024x256xf32>
    %swap3A = arith.constant 0 : index
    %swap3A_97 = arith.constant 0 : index
    %swap3A_98 = vector.load %arg12[%swap3A, %swap3A_97] : memref<1024x256xf32, #tpu.memory_space<vmem>>, vector<1024x256xf32>
    tpu.vector_store %arg12[%swap3A, %swap3A_97], %add3A_96 {strides = array<i32>} : memref<1024x256xf32, #tpu.memory_space<vmem>>, vector<1024x256xf32>,
    %reduce_sum3A_99 = arith.constant dense<0.000000e+00> : vector<256xf32>
    %reduce_sum3A_100 = vector.multi_reduction <add>, %add3A_96, %reduce_sum3A_99 [0] : vector<1024x256xf32> to vector<256xf32>
    %mul3A_101 = arith.mulf %add3A_96, %add3A_96 : vector<1024x256xf32>
    %reduce_sum3A_102 = arith.constant dense<0.000000e+00> : vector<256xf32>
    %reduce_sum3A_103 = vector.multi_reduction <add>, %mul3A_101, %reduce_sum3A_102 [0] : vector<1024x256xf32> to vector<256xf32>
    %stack3A = vector.shape_cast %reduce_sum3A_100 : vector<256xf32> to vector<1x256xf32>
    %stack3A_104 = vector.shape_cast %reduce_sum3A_103 : vector<256xf32> to vector<1x256xf32>
    %stack3A_105 = tpu.concatenate %stack3A, %stack3A_104 in 0 : vector<1x256xf32>, vector<1x256xf32> -> vector<2x256xf32>
    %broadcast_in_dim3A_106 = vector.shape_cast %stack3A_105 : vector<2x256xf32> to vector<1x2x256xf32>
    %swap3A_107 = arith.constant 0 : index
    %swap3A_108 = arith.constant 0 : index
    %swap3A_109 = arith.constant 0 : index
    %swap3A_110 = vector.load %arg13[%swap3A_107, %swap3A_108, %swap3A_109] : memref<1x2x256xf32, #tpu.memory_space<vmem>>, vector<1x2x256xf32>
    tpu.vector_store %arg13[%swap3A_107, %swap3A_108, %swap3A_109], %broadcast_in_dim3A_106 {strides = array<i32>} : memref<1x2x256xf32, #tpu.memory_space<vmem>>, vector<1x2x256xf32>,
    return
  }
  func.func @transform_0(%arg0: i32) -> (i32, i32) {
    %c0_i32 = arith.constant 0 : i32
    %c0_i32_0 = arith.constant 0 : i32
    return %arg0, %c0_i32 : i32, i32
  }
  func.func @transform_1(%arg0: i32) -> (i32, i32, i32) {
    %c0_i32 = arith.constant 0 : i32
    %c0_i32_0 = arith.constant 0 : i32
    %c0_i32_1 = arith.constant 0 : i32
    %c0_i32_2 = arith.constant 0 : i32
    return %c0_i32, %c0_i32_0, %c0_i32_1 : i32, i32, i32
  }
  func.func @transform_2(%arg0: i32) -> i32 {
    %c0_i32 = arith.constant 0 : i32
    %c0_i32_0 = arith.constant 0 : i32
    return %c0_i32 : i32
  }
  func.func @transform_3(%arg0: i32) -> i32 {
    %c0_i32 = arith.constant 0 : i32
    %c0_i32_0 = arith.constant 0 : i32
    return %c0_i32 : i32
  }
  func.func @transform_4(%arg0: i32) -> (i32, i32) {
    %c0_i32 = arith.constant 0 : i32
    %c0_i32_0 = arith.constant 0 : i32
    return %arg0, %c0_i32 : i32, i32
  }
  func.func @transform_5(%arg0: i32) -> (i32, i32) {
    %c0_i32 = arith.constant 0 : i32
    %c0_i32_0 = arith.constant 0 : i32
    return %arg0, %c0_i32 : i32, i32
  }
  func.func @transform_6(%arg0: i32) -> (i32, i32) {
    %c0_i32 = arith.constant 0 : i32
    %c0_i32_0 = arith.constant 0 : i32
    return %arg0, %c0_i32 : i32, i32
  }
  func.func @transform_7(%arg0: i32) -> (i32, i32) {
    %c0_i32 = arith.constant 0 : i32
    %c0_i32_0 = arith.constant 0 : i32
    %c0_i32_1 = arith.constant 0 : i32
    return %c0_i32, %c0_i32_0 : i32, i32
  }
  func.func @transform_8(%arg0: i32) -> (i32, i32) {
    %c0_i32 = arith.constant 0 : i32
    %c0_i32_0 = arith.constant 0 : i32
    %c0_i32_1 = arith.constant 0 : i32
    return %c0_i32, %c0_i32_0 : i32, i32
  }
  func.func @transform_9(%arg0: i32) -> (i32, i32) {
    %c0_i32 = arith.constant 0 : i32
    %c0_i32_0 = arith.constant 0 : i32
    %c0_i32_1 = arith.constant 0 : i32
    return %c0_i32, %c0_i32_0 : i32, i32
  }
  func.func @transform_10(%arg0: i32) -> (i32, i32) {
    %c0_i32 = arith.constant 0 : i32
    %c0_i32_0 = arith.constant 0 : i32
    %c0_i32_1 = arith.constant 0 : i32
    return %c0_i32, %c0_i32_0 : i32, i32
  }
  func.func @transform_11(%arg0: i32) -> (i32, i32) {
    %c0_i32 = arith.constant 0 : i32
    %c0_i32_0 = arith.constant 0 : i32
    return %arg0, %c0_i32 : i32, i32
  }
  func.func @transform_12(%arg0: i32) -> (i32, i32, i32) {
    %c0_i32 = arith.constant 0 : i32
    %c0_i32_0 = arith.constant 0 : i32
    %c0_i32_1 = arith.constant 0 : i32
    return %arg0, %c0_i32, %c0_i32_0 : i32, i32, i32
  }
}

module attributes {stable_mosaic.version = 14 : i64} {
  func.func @body(%arg0: i32, %arg1: memref<1024x256xf32, #tpu.memory_space<vmem>>, %arg2: memref<20x2x256xf32, #tpu.memory_space<vmem>>, %arg3: memref<256xf32, #tpu.memory_space<vmem>>, %arg4: memref<256xf32, #tpu.memory_space<vmem>>, %arg5: memref<128x256xf32, #tpu.memory_space<vmem>>, %arg6: memref<1024x128xf32, #tpu.memory_space<vmem>>, %arg7: memref<1x2x128xf32, #tpu.memory_space<vmem>>) attributes {dimension_semantics = [#tpu.dimension_semantics<arbitrary>], iteration_bounds = array<i64: 20>, scalar_prefetch = 0 : i64, scratch_operands = 0 : i64, tpu.core_type = #tpu.core_type<tc>, window_params = [{transform_indices = @transform_0, window_bounds = array<i64: 1024, 256>}, {pipeline_mode = #tpu.pipeline_mode<synchronous>, transform_indices = @transform_1, window_bounds = array<i64: 20, 2, 256>}, {pipeline_mode = #tpu.pipeline_mode<synchronous>, transform_indices = @transform_2, window_bounds = array<i64: 256>}, {pipeline_mode = #tpu.pipeline_mode<synchronous>, transform_indices = @transform_3, window_bounds = array<i64: 256>}, {pipeline_mode = #tpu.pipeline_mode<synchronous>, transform_indices = @transform_4, window_bounds = array<i64: 128, 256>}, {transform_indices = @transform_5, window_bounds = array<i64: 1024, 128>}, {transform_indices = @transform_6, window_bounds = array<i64: 1, 2, 128>}]} {
    %get3A = arith.constant 0 : index
    %get3A_0 = arith.constant 0 : index
    %get3A_1 = arith.constant 0 : index
    %get3A_2 = vector.load %arg2[%get3A, %get3A_0, %get3A_1] : memref<20x2x256xf32, #tpu.memory_space<vmem>>, vector<20x2x256xf32>
    %slice3A = vector.extract_strided_slice %get3A_2 {offsets = [0, 0, 0], sizes = [20, 1, 256], strides = [1, 1, 1]} : vector<20x2x256xf32> to vector<20x1x256xf32>
    %squeeze3A = vector.shape_cast %slice3A : vector<20x1x256xf32> to vector<20x256xf32>
    %reduce_sum3A = arith.constant dense<0.000000e+00> : vector<256xf32>
    %reduce_sum3A_3 = vector.multi_reduction <add>, %squeeze3A, %reduce_sum3A [0] : vector<20x256xf32> to vector<256xf32>
    %slice3A_4 = vector.extract_strided_slice %get3A_2 {offsets = [0, 1, 0], sizes = [20, 1, 256], strides = [1, 1, 1]} : vector<20x2x256xf32> to vector<20x1x256xf32>
    %squeeze3A_5 = vector.shape_cast %slice3A_4 : vector<20x1x256xf32> to vector<20x256xf32>
    %reduce_sum3A_6 = arith.constant dense<0.000000e+00> : vector<256xf32>
    %reduce_sum3A_7 = vector.multi_reduction <add>, %squeeze3A_5, %reduce_sum3A_6 [0] : vector<20x256xf32> to vector<256xf32>
    %div3A = arith.constant 2.000000e+04 : f32
    %div3A_8 = vector.broadcast %div3A : f32 to vector<256xf32>
    %div3A_9 = arith.divf %reduce_sum3A_3, %div3A_8 : vector<256xf32>
    %div3A_10 = arith.constant 2.000000e+04 : f32
    %div3A_11 = vector.broadcast %div3A_10 : f32 to vector<256xf32>
    %div3A_12 = arith.divf %reduce_sum3A_7, %div3A_11 : vector<256xf32>
    %mul3A = arith.mulf %div3A_9, %div3A_9 : vector<256xf32>
    %sub3A = arith.subf %div3A_12, %mul3A : vector<256xf32>
    %get3A_13 = arith.constant 0 : index
    %get3A_14 = vector.load %arg3[%get3A_13] : memref<256xf32, #tpu.memory_space<vmem>>, vector<256xf32>
    %add3A = arith.constant 9.99999974E-6 : f32
    %add3A_15 = vector.broadcast %add3A : f32 to vector<256xf32>
    %add3A_16 = arith.addf %sub3A, %add3A_15 : vector<256xf32>
    %sqrt3A = math.sqrt %add3A_16 : vector<256xf32>
    %div3A_17 = arith.constant 1.000000e+00 : f32
    %div3A_18 = vector.broadcast %div3A_17 : f32 to vector<256xf32>
    %div3A_19 = arith.divf %div3A_18, %sqrt3A : vector<256xf32>
    %mul3A_20 = arith.mulf %get3A_14, %div3A_19 : vector<256xf32>
    %get3A_21 = arith.constant 0 : index
    %get3A_22 = vector.load %arg4[%get3A_21] : memref<256xf32, #tpu.memory_space<vmem>>, vector<256xf32>
    %mul3A_23 = arith.mulf %div3A_9, %mul3A_20 : vector<256xf32>
    %sub3A_24 = arith.subf %get3A_22, %mul3A_23 : vector<256xf32>
    %get3A_25 = arith.constant 0 : index
    %get3A_26 = arith.constant 0 : index
    %get3A_27 = vector.load %arg1[%get3A_25, %get3A_26] : memref<1024x256xf32, #tpu.memory_space<vmem>>, vector<1024x256xf32>
    %broadcast_in_dim3A = vector.shape_cast %mul3A_20 : vector<256xf32> to vector<1x256xf32>
    %mul3A_28 = vector.broadcast %broadcast_in_dim3A : vector<1x256xf32> to vector<1024x256xf32>
    %mul3A_29 = arith.mulf %get3A_27, %mul3A_28 : vector<1024x256xf32>
    %broadcast_in_dim3A_30 = vector.shape_cast %sub3A_24 : vector<256xf32> to vector<1x256xf32>
    %add3A_31 = vector.broadcast %broadcast_in_dim3A_30 : vector<1x256xf32> to vector<1024x256xf32>
    %add3A_32 = arith.addf %mul3A_29, %add3A_31 : vector<1024x256xf32>
    %ge3A = arith.constant 0.000000e+00 : f32
    %ge3A_33 = vector.broadcast %ge3A : f32 to vector<1024x256xf32>
    %ge3A_34 = arith.cmpf oge, %add3A_32, %ge3A_33 : vector<1024x256xf32>
    %mul3A_35 = arith.constant 2.000000e-01 : f32
    %mul3A_36 = vector.broadcast %mul3A_35 : f32 to vector<1024x256xf32>
    %mul3A_37 = arith.mulf %mul3A_36, %add3A_32 : vector<1024x256xf32>
    %select_n3A = arith.select %ge3A_34, %add3A_32, %mul3A_37 : vector<1024x256xi1>, vector<1024x256xf32>
    %mul3A_38 = arith.constant 1024 : i32
    %mul3A_39 = arith.muli %arg0, %mul3A_38 : i32
    %iota3A = tpu.iota {dimensions = array<i32: 0>} : vector<1024x1xi32>
    %add3A_40 = vector.broadcast %mul3A_39 : i32 to vector<1024x1xi32>
    %add3A_41 = arith.addi %add3A_40, %iota3A : vector<1024x1xi32>
    %jit3A = arith.constant 10240 : i32
    %eq3A = arith.constant 0 : i32
    %eq3A_42 = arith.cmpi eq, %jit3A, %eq3A : i32
    %jit3A_43 = arith.constant 1 : i32
    %select_n3A_44 = arith.select %eq3A_42, %jit3A_43, %jit3A : i32
    %rem3A = vector.broadcast %select_n3A_44 : i32 to vector<1024x1xi32>
    %rem3A_45 = arith.remsi %add3A_41, %rem3A : vector<1024x1xi32>
    %ne3A = arith.constant 0 : i32
    %ne3A_46 = vector.broadcast %ne3A : i32 to vector<1024x1xi32>
    %ne3A_47 = arith.cmpi ne, %rem3A_45, %ne3A_46 : vector<1024x1xi32>
    %lt3A = arith.constant 0 : i32
    %lt3A_48 = vector.broadcast %lt3A : i32 to vector<1024x1xi32>
    %lt3A_49 = arith.cmpi slt, %rem3A_45, %lt3A_48 : vector<1024x1xi32>
    %lt3A_50 = arith.constant 0 : i32
    %lt3A_51 = arith.cmpi slt, %select_n3A_44, %lt3A_50 : i32
    %ne3A_52 = vector.broadcast %lt3A_51 : i1 to vector<1024x1xi1>
    %ne3A_53 = vector.broadcast %ne3A_52 : vector<1024x1xi1> to vector<1024x1xi1>
    %ne3A_54 = arith.xori %lt3A_49, %ne3A_53 : vector<1024x1xi1>
    %and3A = arith.andi %ne3A_54, %ne3A_47 : vector<1024x1xi1>
    %add3A_55 = vector.broadcast %select_n3A_44 : i32 to vector<1024x1xi32>
    %add3A_56 = arith.addi %rem3A_45, %add3A_55 : vector<1024x1xi32>
    %select_n3A_57 = arith.select %and3A, %add3A_56, %rem3A_45 : vector<1024x1xi1>, vector<1024x1xi32>
    %lt3A_58 = arith.constant 10000 : i32
    %lt3A_59 = vector.broadcast %lt3A_58 : i32 to vector<1024x1xi32>
    %lt3A_60 = arith.cmpi slt, %select_n3A_57, %lt3A_59 : vector<1024x1xi32>
    %jit3A_61 = arith.constant 0.000000e+00 : f32
    %broadcast_in_dim3A_62 = vector.shape_cast %lt3A_60 : vector<1024x1xi1> to vector<1024x1xi1>
    %broadcast_in_dim3A_63 = vector.broadcast %broadcast_in_dim3A_62 : vector<1024x1xi1> to vector<1024x256xi1>
    %broadcast_in_dim3A_64 = vector.broadcast %jit3A_61 : f32 to vector<1024x256xf32>
    %select_n3A_65 = arith.select %broadcast_in_dim3A_63, %select_n3A, %broadcast_in_dim3A_64 : vector<1024x256xi1>, vector<1024x256xf32>
    %get3A_66 = arith.constant 0 : index
    %get3A_67 = arith.constant 0 : index
    %get3A_68 = vector.load %arg5[%get3A_66, %get3A_67] : memref<128x256xf32, #tpu.memory_space<vmem>>, vector<128x256xf32>
    %dot_general3A = arith.constant dense<0.000000e+00> : vector<1024x128xf32>
    %dot_general3A_69 = tpu.matmul %select_n3A_65, %get3A_68, %dot_general3A {dimension_numbers = #tpu.dot_dimension_numbers<[1], [1], [0], [0], [0, 0, 1, 0], [], []>, transpose_lhs_hint = false} : vector<1024x256xf32>, vector<128x256xf32>, vector<1024x128xf32> -> vector<1024x128xf32>
    %swap3A = arith.constant 0 : index
    %swap3A_70 = arith.constant 0 : index
    %swap3A_71 = vector.load %arg6[%swap3A, %swap3A_70] : memref<1024x128xf32, #tpu.memory_space<vmem>>, vector<1024x128xf32>
    tpu.vector_store %arg6[%swap3A, %swap3A_70], %dot_general3A_69 {strides = array<i32>} : memref<1024x128xf32, #tpu.memory_space<vmem>>, vector<1024x128xf32>,
    %reduce_sum3A_72 = arith.constant dense<0.000000e+00> : vector<128xf32>
    %reduce_sum3A_73 = vector.multi_reduction <add>, %dot_general3A_69, %reduce_sum3A_72 [0] : vector<1024x128xf32> to vector<128xf32>
    %mul3A_74 = arith.mulf %dot_general3A_69, %dot_general3A_69 : vector<1024x128xf32>
    %reduce_sum3A_75 = arith.constant dense<0.000000e+00> : vector<128xf32>
    %reduce_sum3A_76 = vector.multi_reduction <add>, %mul3A_74, %reduce_sum3A_75 [0] : vector<1024x128xf32> to vector<128xf32>
    %stack3A = vector.shape_cast %reduce_sum3A_73 : vector<128xf32> to vector<1x128xf32>
    %stack3A_77 = vector.shape_cast %reduce_sum3A_76 : vector<128xf32> to vector<1x128xf32>
    %stack3A_78 = tpu.concatenate %stack3A, %stack3A_77 in 0 : vector<1x128xf32>, vector<1x128xf32> -> vector<2x128xf32>
    %broadcast_in_dim3A_79 = vector.shape_cast %stack3A_78 : vector<2x128xf32> to vector<1x2x128xf32>
    %swap3A_80 = arith.constant 0 : index
    %swap3A_81 = arith.constant 0 : index
    %swap3A_82 = arith.constant 0 : index
    %swap3A_83 = vector.load %arg7[%swap3A_80, %swap3A_81, %swap3A_82] : memref<1x2x128xf32, #tpu.memory_space<vmem>>, vector<1x2x128xf32>
    tpu.vector_store %arg7[%swap3A_80, %swap3A_81, %swap3A_82], %broadcast_in_dim3A_79 {strides = array<i32>} : memref<1x2x128xf32, #tpu.memory_space<vmem>>, vector<1x2x128xf32>,
    return
  }
  func.func @transform_0(%arg0: i32) -> (i32, i32) {
    %c0_i32 = arith.constant 0 : i32
    %c0_i32_0 = arith.constant 0 : i32
    return %arg0, %c0_i32 : i32, i32
  }
  func.func @transform_1(%arg0: i32) -> (i32, i32, i32) {
    %c0_i32 = arith.constant 0 : i32
    %c0_i32_0 = arith.constant 0 : i32
    %c0_i32_1 = arith.constant 0 : i32
    %c0_i32_2 = arith.constant 0 : i32
    return %c0_i32, %c0_i32_0, %c0_i32_1 : i32, i32, i32
  }
  func.func @transform_2(%arg0: i32) -> i32 {
    %c0_i32 = arith.constant 0 : i32
    %c0_i32_0 = arith.constant 0 : i32
    return %c0_i32 : i32
  }
  func.func @transform_3(%arg0: i32) -> i32 {
    %c0_i32 = arith.constant 0 : i32
    %c0_i32_0 = arith.constant 0 : i32
    return %c0_i32 : i32
  }
  func.func @transform_4(%arg0: i32) -> (i32, i32) {
    %c0_i32 = arith.constant 0 : i32
    %c0_i32_0 = arith.constant 0 : i32
    %c0_i32_1 = arith.constant 0 : i32
    return %c0_i32, %c0_i32_0 : i32, i32
  }
  func.func @transform_5(%arg0: i32) -> (i32, i32) {
    %c0_i32 = arith.constant 0 : i32
    %c0_i32_0 = arith.constant 0 : i32
    return %arg0, %c0_i32 : i32, i32
  }
  func.func @transform_6(%arg0: i32) -> (i32, i32, i32) {
    %c0_i32 = arith.constant 0 : i32
    %c0_i32_0 = arith.constant 0 : i32
    %c0_i32_1 = arith.constant 0 : i32
    return %arg0, %c0_i32, %c0_i32_0 : i32, i32, i32
  }
}

module attributes {stable_mosaic.version = 14 : i64} {
  func.func @body(%arg0: i32, %arg1: memref<1024x128xf32, #tpu.memory_space<vmem>>, %arg2: memref<20x2x128xf32, #tpu.memory_space<vmem>>, %arg3: memref<128xf32, #tpu.memory_space<vmem>>, %arg4: memref<128xf32, #tpu.memory_space<vmem>>, %arg5: memref<1x128xf32, #tpu.memory_space<vmem>>, %arg6: memref<1024x1xf32, #tpu.memory_space<vmem>>) attributes {dimension_semantics = [#tpu.dimension_semantics<arbitrary>], iteration_bounds = array<i64: 20>, scalar_prefetch = 0 : i64, scratch_operands = 0 : i64, tpu.core_type = #tpu.core_type<tc>, window_params = [{transform_indices = @transform_0, window_bounds = array<i64: 1024, 128>}, {pipeline_mode = #tpu.pipeline_mode<synchronous>, transform_indices = @transform_1, window_bounds = array<i64: 20, 2, 128>}, {pipeline_mode = #tpu.pipeline_mode<synchronous>, transform_indices = @transform_2, window_bounds = array<i64: 128>}, {pipeline_mode = #tpu.pipeline_mode<synchronous>, transform_indices = @transform_3, window_bounds = array<i64: 128>}, {pipeline_mode = #tpu.pipeline_mode<synchronous>, transform_indices = @transform_4, window_bounds = array<i64: 1, 128>}, {transform_indices = @transform_5, window_bounds = array<i64: 1024, 1>}]} {
    %get3A = arith.constant 0 : index
    %get3A_0 = arith.constant 0 : index
    %get3A_1 = arith.constant 0 : index
    %get3A_2 = vector.load %arg2[%get3A, %get3A_0, %get3A_1] : memref<20x2x128xf32, #tpu.memory_space<vmem>>, vector<20x2x128xf32>
    %slice3A = vector.extract_strided_slice %get3A_2 {offsets = [0, 0, 0], sizes = [20, 1, 128], strides = [1, 1, 1]} : vector<20x2x128xf32> to vector<20x1x128xf32>
    %squeeze3A = vector.shape_cast %slice3A : vector<20x1x128xf32> to vector<20x128xf32>
    %reduce_sum3A = arith.constant dense<0.000000e+00> : vector<128xf32>
    %reduce_sum3A_3 = vector.multi_reduction <add>, %squeeze3A, %reduce_sum3A [0] : vector<20x128xf32> to vector<128xf32>
    %slice3A_4 = vector.extract_strided_slice %get3A_2 {offsets = [0, 1, 0], sizes = [20, 1, 128], strides = [1, 1, 1]} : vector<20x2x128xf32> to vector<20x1x128xf32>
    %squeeze3A_5 = vector.shape_cast %slice3A_4 : vector<20x1x128xf32> to vector<20x128xf32>
    %reduce_sum3A_6 = arith.constant dense<0.000000e+00> : vector<128xf32>
    %reduce_sum3A_7 = vector.multi_reduction <add>, %squeeze3A_5, %reduce_sum3A_6 [0] : vector<20x128xf32> to vector<128xf32>
    %div3A = arith.constant 2.000000e+04 : f32
    %div3A_8 = vector.broadcast %div3A : f32 to vector<128xf32>
    %div3A_9 = arith.divf %reduce_sum3A_3, %div3A_8 : vector<128xf32>
    %div3A_10 = arith.constant 2.000000e+04 : f32
    %div3A_11 = vector.broadcast %div3A_10 : f32 to vector<128xf32>
    %div3A_12 = arith.divf %reduce_sum3A_7, %div3A_11 : vector<128xf32>
    %mul3A = arith.mulf %div3A_9, %div3A_9 : vector<128xf32>
    %sub3A = arith.subf %div3A_12, %mul3A : vector<128xf32>
    %get3A_13 = arith.constant 0 : index
    %get3A_14 = vector.load %arg3[%get3A_13] : memref<128xf32, #tpu.memory_space<vmem>>, vector<128xf32>
    %add3A = arith.constant 9.99999974E-6 : f32
    %add3A_15 = vector.broadcast %add3A : f32 to vector<128xf32>
    %add3A_16 = arith.addf %sub3A, %add3A_15 : vector<128xf32>
    %sqrt3A = math.sqrt %add3A_16 : vector<128xf32>
    %div3A_17 = arith.constant 1.000000e+00 : f32
    %div3A_18 = vector.broadcast %div3A_17 : f32 to vector<128xf32>
    %div3A_19 = arith.divf %div3A_18, %sqrt3A : vector<128xf32>
    %mul3A_20 = arith.mulf %get3A_14, %div3A_19 : vector<128xf32>
    %get3A_21 = arith.constant 0 : index
    %get3A_22 = vector.load %arg4[%get3A_21] : memref<128xf32, #tpu.memory_space<vmem>>, vector<128xf32>
    %mul3A_23 = arith.mulf %div3A_9, %mul3A_20 : vector<128xf32>
    %sub3A_24 = arith.subf %get3A_22, %mul3A_23 : vector<128xf32>
    %get3A_25 = arith.constant 0 : index
    %get3A_26 = arith.constant 0 : index
    %get3A_27 = vector.load %arg1[%get3A_25, %get3A_26] : memref<1024x128xf32, #tpu.memory_space<vmem>>, vector<1024x128xf32>
    %broadcast_in_dim3A = vector.shape_cast %mul3A_20 : vector<128xf32> to vector<1x128xf32>
    %mul3A_28 = vector.broadcast %broadcast_in_dim3A : vector<1x128xf32> to vector<1024x128xf32>
    %mul3A_29 = arith.mulf %get3A_27, %mul3A_28 : vector<1024x128xf32>
    %broadcast_in_dim3A_30 = vector.shape_cast %sub3A_24 : vector<128xf32> to vector<1x128xf32>
    %add3A_31 = vector.broadcast %broadcast_in_dim3A_30 : vector<1x128xf32> to vector<1024x128xf32>
    %add3A_32 = arith.addf %mul3A_29, %add3A_31 : vector<1024x128xf32>
    %ge3A = arith.constant 0.000000e+00 : f32
    %ge3A_33 = vector.broadcast %ge3A : f32 to vector<1024x128xf32>
    %ge3A_34 = arith.cmpf oge, %add3A_32, %ge3A_33 : vector<1024x128xf32>
    %mul3A_35 = arith.constant 2.000000e-01 : f32
    %mul3A_36 = vector.broadcast %mul3A_35 : f32 to vector<1024x128xf32>
    %mul3A_37 = arith.mulf %mul3A_36, %add3A_32 : vector<1024x128xf32>
    %select_n3A = arith.select %ge3A_34, %add3A_32, %mul3A_37 : vector<1024x128xi1>, vector<1024x128xf32>
    %get3A_38 = arith.constant 0 : index
    %get3A_39 = arith.constant 0 : index
    %get3A_40 = vector.load %arg5[%get3A_38, %get3A_39] : memref<1x128xf32, #tpu.memory_space<vmem>>, vector<1x128xf32>
    %dot_general3A = arith.constant dense<0.000000e+00> : vector<1024x1xf32>
    %dot_general3A_41 = tpu.matmul %select_n3A, %get3A_40, %dot_general3A {dimension_numbers = #tpu.dot_dimension_numbers<[1], [1], [0], [0], [0, 0, 1, 0], [], []>, transpose_lhs_hint = false} : vector<1024x128xf32>, vector<1x128xf32>, vector<1024x1xf32> -> vector<1024x1xf32>
    %ge3A_42 = arith.constant 0.000000e+00 : f32
    %ge3A_43 = vector.broadcast %ge3A_42 : f32 to vector<1024x1xf32>
    %ge3A_44 = arith.cmpf oge, %dot_general3A_41, %ge3A_43 : vector<1024x1xf32>
    %mul3A_45 = arith.constant 2.000000e-01 : f32
    %mul3A_46 = vector.broadcast %mul3A_45 : f32 to vector<1024x1xf32>
    %mul3A_47 = arith.mulf %mul3A_46, %dot_general3A_41 : vector<1024x1xf32>
    %select_n3A_48 = arith.select %ge3A_44, %dot_general3A_41, %mul3A_47 : vector<1024x1xi1>, vector<1024x1xf32>
    %swap3A = arith.constant 0 : index
    %swap3A_49 = arith.constant 0 : index
    %swap3A_50 = vector.load %arg6[%swap3A, %swap3A_49] : memref<1024x1xf32, #tpu.memory_space<vmem>>, vector<1024x1xf32>
    tpu.vector_store %arg6[%swap3A, %swap3A_49], %select_n3A_48 {strides = array<i32>} : memref<1024x1xf32, #tpu.memory_space<vmem>>, vector<1024x1xf32>,
    return
  }
  func.func @transform_0(%arg0: i32) -> (i32, i32) {
    %c0_i32 = arith.constant 0 : i32
    %c0_i32_0 = arith.constant 0 : i32
    return %arg0, %c0_i32 : i32, i32
  }
  func.func @transform_1(%arg0: i32) -> (i32, i32, i32) {
    %c0_i32 = arith.constant 0 : i32
    %c0_i32_0 = arith.constant 0 : i32
    %c0_i32_1 = arith.constant 0 : i32
    %c0_i32_2 = arith.constant 0 : i32
    return %c0_i32, %c0_i32_0, %c0_i32_1 : i32, i32, i32
  }
  func.func @transform_2(%arg0: i32) -> i32 {
    %c0_i32 = arith.constant 0 : i32
    %c0_i32_0 = arith.constant 0 : i32
    return %c0_i32 : i32
  }
  func.func @transform_3(%arg0: i32) -> i32 {
    %c0_i32 = arith.constant 0 : i32
    %c0_i32_0 = arith.constant 0 : i32
    return %c0_i32 : i32
  }
  func.func @transform_4(%arg0: i32) -> (i32, i32) {
    %c0_i32 = arith.constant 0 : i32
    %c0_i32_0 = arith.constant 0 : i32
    %c0_i32_1 = arith.constant 0 : i32
    return %c0_i32, %c0_i32_0 : i32, i32
  }
  func.func @transform_5(%arg0: i32) -> (i32, i32) {
    %c0_i32 = arith.constant 0 : i32
    %c0_i32_0 = arith.constant 0 : i32
    return %arg0, %c0_i32 : i32, i32
  }
}

</mosaic_0001>

<sc_bundles>
// kernel: kernel.16.cloned.1.call-start
scs
__scs_entry_jumppad:
0x0: {  	(pc) =	sbr.rel $0x88, $3  }
0x1: {  	(tag) =	ssettag $0x0;
	lr =	simm.s32 $0x1  }
0x2: {  	[smem:$0x3F8C] =	sst lr;
	_ =	strace $0xD0000000  }
0x3: {  	_ = 	snop  }
0x4: {  	_ = 	snop  }
0x5: {  	_ = 	snop  }
0x6: {  	_ = 	snop  }
0x7: {  	_ = 	snop  }
__scs_overlays_trampoline_lowered:
0x8: {  	[smem:$0x3F9B] =	sst s0  }
0x9: {  	[smem:$0x3F9C] =	sst s1  }
0xa: {  	[smem:$0x3F9D] =	sst s2  }
0xb: {  	[smem:$0x3F9E] =	sst s3  }
0xc: {  	[smem:$0x3F9F] =	sst s4  }
0xd: {  	[smem:$0x3FA0] =	sst s5  }
0xe: {  	[smem:$0x3FA1] =	sst s6  }
0xf: {  	[smem:$0x3FA2] =	sst s7  }
0x10: {  	[smem:$0x3FA3] =	sst s8  }
0x11: {  	[smem:$0x3FA4] =	sst s9;
	s0 =	simm.s32 @!p0 $0x0  }
0x12: {  	s1 =	sld [smem:$0x3F8A];
	s0 =	simm.s32 @p0 $0x1  }
0x13: {  	[smem:$0x3FA5] =	sst s0;
	s0 =	simm.s32 @!p1 $0x0  }
0x14: {  	s2 =	sld [smem:$0x3F89];
	s0 =	simm.s32 @p1 $0x1  }
0x15: {  	[smem:$0x3FA6] =	sst s0;
	s0 =	simm.s32 @!p2 $0x0  }
0x16: {  	s3 =	sld [smem:$0x3FDB];
	s0 =	simm.s32 @p2 $0x1  }
0x17: {  	s4 =	simm.s32 $0x1BF5;
	[smem:$0x3FA8] =	sst s0  }
0x18: {  	s0 =	sld [smem:$0x3F8B];
	_ =	swait.ge [sflag:s4], $0x0  }
0x19: {  	s7 =	sld [smem:$0x3F8C]  }
0x1a: {  	s8 =	sadd.s32 $0xFFFFE003, lr  }
0x1b: {  	s9 =	sadd.s32 $0xFFFFFEF7, lr;
	s5 =	simm.s32 $0xFFFFFFFF;
	p2 =	slt.u32 s8, $0xFFFFF086  }
0x1c: {  	p1 =	slt.u32 s9, $0xF7A;
	s5 =	simm.s32 @!p2 $0x0  }
0x1d: {  	s5 =	simm.s32 @p1 $0x1;
	p0 =	seq.s32 s7, s2  }
0x1e: {  	s7 =	smul.u32 @!p0 $0xF7A, s2;
	p2 =	seq.s32 @!p0 s5, $0x0  }
0x1f: {  	s9 =	smul.u32 $0xF7A, s1;
	s8 =	simm.s32 @!p0 $0x1BF5;
	p2 =	por !p2, p0  }
0x20: {  	[sflag:s8] =	ssyncset.s32 @!p0 $0xFFFFF086;
	s6 =	sadd.s32 @!p0 s3, s7;
	s7 =	simm.s32 @!p0 $0x108  }
0x21: {  	s3 =	sadd.s32 s3, s9;
	s6 =	sadd.s32 @!p0 $0x88, s6;
	s7 =	simm.s32 @p2 $0x1082  }
0x22: {  	[simem:s7], [sflag:s8] =	dma.local @!p0 [hbm:s6], $0xF7A  }
0x23: {  	s9 =	sor.u32 $0xD0000000, s2;
	s6 =	simm.s32 $0x108;
	_ =	swait.ge @!p0 [sflag:s8], $0x0  }
0x24: {  	s3 =	sadd.s32 $0x88, s3;
	s6 =	simm.s32 @!p1 $0x1082;
	[sflag:s4] =	ssyncset.s32 $0xFFFFF086  }
0x25: {  	[simem:s6], [sflag:s4] =	dma.local [hbm:s3], $0xF7A  }
0x26: {  	[smem:$0x3F8C] =	sst s1;
	(tag) =	ssettag s2;
	_ =	strace s9  }
0x27: {  	s1 =	sld [smem:$0x3F9C]  }
0x28: {  	s2 =	sld [smem:$0x3F9D]  }
0x29: {  	s4 =	sld [smem:$0x3F9F]  }
0x2a: {  	p0 =	seq.s32 s5, $0x0;
	s5 =	sld [smem:$0x3FA0]  }
0x2b: {  	s6 =	sld [smem:$0x3FA1]  }
0x2c: {  	s7 =	sld [smem:$0x3FA2]  }
0x2d: {  	s3 =	simm.s32 $0x108;
	s8 =	sld [smem:$0x3FA3]  }
0x2e: {  	s3 =	simm.s32 @!p0 $0x1082;
	s9 =	sld [smem:$0x3FA4]  }
0x2f: {  	lr =	sadd.s32 s0, s3;
	s0 =	sld [smem:$0x3F9B]  }
0x30: {  	s3 =	sld [smem:$0x3F9E]  }
0x31: {  	[smem:$0x3FA7] =	sst s10  }
0x32: {  	s10 =	sld [smem:$0x3FA5];
	_ =	sdelay $0x3  }
0x33: {  	p0 =	seq.s32 s10, $0x1;
	s10 =	sld [smem:$0x3FA7];
	_ =	sdelay $0x3  }
0x34: {  	[smem:$0x3FA7] =	sst s10  }
0x35: {  	s10 =	sld [smem:$0x3FA6];
	_ =	sdelay $0x3  }
0x36: {  	p1 =	seq.s32 s10, $0x1;
	s10 =	sld [smem:$0x3FA7];
	_ =	sdelay $0x3  }
0x37: {  	[smem:$0x3FA7] =	sst s10  }
0x38: {  	s10 =	sld [smem:$0x3FA8]  }
0x39: {  	_ = 	snop;
	(pc) =	sbr.ind lr, $3  }
0x3a: {  	_ = 	snop  }
0x3b: {  	_ = 	snop  }
0x3c: {  	p2 =	seq.s32 s10, $0x1;
	s10 =	sld [smem:$0x3FA7]  }
0x3d: {  	_ =	shalt  }
0x3e: {  	_ =	shalt  }
0x3f: {  	_ =	shalt  }
0x40: {  	_ =	shalt  }
0x41: {  	_ =	shalt  }
0x42: {  	_ =	shalt  }
0x43: {  	_ =	shalt  }
0x44: {  	_ =	shalt  }
0x45: {  	_ =	shalt  }
0x46: {  	_ =	shalt  }
0x47: {  	_ =	shalt  }
0x48: {  	_ =	shalt  }
0x49: {  	_ =	shalt  }
0x4a: {  	_ =	shalt  }
0x4b: {  	_ =	shalt  }
0x4c: {  	_ =	shalt  }
0x4d: {  	_ =	shalt  }
0x4e: {  	_ =	shalt  }
0x4f: {  	_ =	shalt  }
0x50: {  	_ =	shalt  }
0x51: {  	_ =	shalt  }
0x52: {  	_ =	shalt  }
0x53: {  	_ =	shalt  }
0x54: {  	_ =	shalt  }
0x55: {  	_ =	shalt  }
0x56: {  	_ =	shalt  }
0x57: {  	_ =	shalt  }
0x58: {  	_ =	shalt  }
0x59: {  	_ =	shalt  }
0x5a: {  	_ =	shalt  }
0x5b: {  	_ =	shalt  }
0x5c: {  	_ =	shalt  }
0x5d: {  	_ =	shalt  }
0x5e: {  	_ =	shalt  }
0x5f: {  	_ =	shalt  }
0x60: {  	_ =	shalt  }
0x61: {  	_ =	shalt  }
0x62: {  	_ =	shalt  }
0x63: {  	_ =	shalt  }
0x64: {  	_ =	shalt  }
0x65: {  	_ =	shalt  }
0x66: {  	_ =	shalt  }
0x67: {  	_ =	shalt  }
0x68: {  	_ =	shalt  }
0x69: {  	_ =	shalt  }
0x6a: {  	_ =	shalt  }
0x6b: {  	_ =	shalt  }
0x6c: {  	_ =	shalt  }
0x6d: {  	_ =	shalt  }
0x6e: {  	_ =	shalt  }
0x6f: {  	_ =	shalt  }
0x70: {  	_ =	shalt  }
0x71: {  	_ =	shalt  }
0x72: {  	_ =	shalt  }
0x73: {  	_ =	shalt  }
0x74: {  	_ =	shalt  }
0x75: {  	_ =	shalt  }
0x76: {  	_ =	shalt  }
0x77: {  	_ =	shalt  }
0x78: {  	_ =	shalt  }
0x79: {  	_ =	shalt  }
0x7a: {  	_ =	shalt  }
0x7b: {  	_ =	shalt  }
0x7c: {  	_ =	shalt  }
0x7d: {  	_ =	shalt  }
0x7e: {  	_ =	shalt  }
0x7f: {  	_ =	shalt  }
0x80: {  	_ =	shalt  }
0x81: {  	_ =	shalt  }
0x82: {  	_ =	shalt  }
0x83: {  	_ =	shalt  }
0x84: {  	_ =	shalt  }
0x85: {  	_ =	shalt  }
0x86: {  	_ =	shalt  }
0x87: {  	_ =	shalt  }
.Lfunc_end0:
.L_simem_size_0:
called_computation_lowered:
.L_overlay_start_0:
0x88: {  	s2 =	sld [smem:$0x3FD9]  }
0x89: {  	s3 =	sld [smem:$0x3FFE];
	_ =	sdelay $0x1  }
0x8a: {  	s1 =	srdreg.scid  }
0x8b: {  	s0 =	sand.u32 $0x1, s1  }
0x8c: {  	s16 =	sshll.u32 s0, $0xA;
	s2 =	sadd.s32 s3, s2  }
0x8d: {  	s2 =	sadd.s32 s2, s16  }
0x8e: {  	[smem:$0x3FB3] =	sst s2  }
0x8f: {  	_ = 	snop  }
0x90: {  	(tm) =	ssettm $0x1  }
0x91: {  	s17 =	sld [smem:$0x3FFB];
	_ =	sdelay $0x3  }
0x92: {  	_ =	strace s17  }
0x93: {  	s2 =	sld [smem:$0x3FFC];
	_ =	sdelay $0x3  }
0x94: {  	_ =	strace s2  }
0x95: {  	s2 =	sld [smem:$0x3FFD];
	_ =	sdelay $0x3  }
0x96: {  	_ =	strace s2  }
0x97: {  	_ =	strace $0x8FFFFFFF  }
0x98: {  	s18 =	sld [smem:$0x3FDB];
	_ =	sdelay $0x1  }
0x99: {  	s19 =	simm.s32 $_scs_section_size  }
0x9a: {  	s4 =	simm.s32 $_size__tile_overlayer_lowered;
	s5 =	simm.s32 $_tile_overlayer_lowered  }
0x9b: {  	s22 =	simm.s32 $0x1BFF;
	s21 =	sshll.u32 s5, $0x1;
	s2 =	sadd.s32 s19, s18  }
0x9c: {  	s6 =	simm.s32 $0x0;
	s20 =	sshll.u32 s4, $0x1;
	s4 =	sadd.s32 s21, s2  }
0x9d: {  	[timem:s6], [sflag:s22] =	dma.local [hbm:s4], s20  }
0x9e: {  	_ =	swait.ge [sflag:s22], s20  }
0x9f: {  	s3 =	ssub.s32 $0x0, s20;
	[sflag:s22] =	ssyncset.done $0x0  }
0xa0: {  	[sflag:s22] =	ssyncadd.s32 s3;
	_ =	sdelay $0x1  }
0xa1: {  	s23 =	simm.s32 $0x1B8B  }
0xa2: {  	_ =	swait.ge [sflag:s23], $0x1  }
0xa3: {  	[sflag:s23] =	ssyncset.done $0x0  }
0xa4: {  	s25 =	simm.s32 $0x1B8E;
	s24 =	sld [smem:$0x3FFE];
	[sflag:s23] =	ssyncadd.s32 $0xFFFFFFFF  }
0xa5: {  	s26 =	simm.s32 $execute0_lowered;
	[smem:$0x3FD2] =	sst s25  }
0xa6: {  	s4 =	sshll.u32 s26, $0x1;
	_ =	strace $0x80000046;
	[dreg:$0x1] =	wrdreg $0xFFFFFFFF  }
0xa7: {  	s28 =	simm.s32 $_size_execute0_lowered;
	s2 =	sadd.s32 s2, s4;
	[dreg:$0x0] =	wrdreg $0x0  }
0xa8: {  	s4 =	sshll.u32 s28, $0x1;
	[dreg:$0x2] =	wrdreg s2  }
0xa9: {  	[dreg:$0x3] =	wrdreg s4  }
0xaa: {  	[dreg:$0x4] =	wrdreg $0xC0  }
0xab: {  	_ =	task [dreg:s6], $0x5FFFF  }
0xac: {  	[dreg:$0x1] =	wrdreg $0xFFFFFFFF  }
0xad: {  	[dreg:$0x0] =	wrdreg $0x60  }
0xae: {  	[dreg:$0x2] =	wrdreg s24  }
0xaf: {  	[dreg:$0x3] =	wrdreg $0x9  }
0xb0: {  	_ =	task.clear_ibuf [dreg:s6], $0x4FFFF;
	_ =	strace $0x90000046  }
0xb1: {  	s29 =	simm.s32 $0x9;
	_ =	strace $0x80000048  }
0xb2: {  	_ =	swait.ge [sflag:s29], $0x1  }
0xb3: {  	[sflag:s29] =	ssyncadd.s32 $0xFFFFFFFF  }
0xb4: {  	_ =	strace $0x90000048  }
0xb5: {  	_ =	sfence  }
0xb6: {  	s30 =	sld [smem:$0x0];
	_ =	sdelay $0x2  }
0xb7: {  	s31 =	sshll.u32 s1, $0xD;
	s1 =	sshrl.u32 s1, $0x2  }
0xb8: {  	s3 =	sand.u32 $0x4000, s31;
	s1 =	sadd.s32 s1, s30  }
0xb9: {  	s0 =	sor.u32 s3, s0;
	s1 =	sshll.u32 s1, $0x11  }
0xba: {  	s0 =	sor.u32 s1, s0  }
0xbb: {  	s0 =	sadd.s32 $0x8F2B, s0  }
0xbc: {  	[sflag:s0] =	ssyncadd.remote.s32 $0x1  }
0xbd: {  	_ =	sfence.sel $0xFFFF  }
0xbe: {  	[dreg:$0x0] =	wrdreg $0xFFFFFFFF;
	(pc) =	sbr.abs _section_cstart, $3  }
0xbf: {  	[dreg:$0x1] =	wrdreg $0xFFFFFFFF  }
0xc0: {  	_ =	task.clear_ibuf [dreg:s6], $0x2FFFF;
	_ =	strace $0x9FFFFFFF  }
0xc1: {  	(tm) =	ssettm $0x7FFFFFFF  }
tec
execute0_lowered:
.L_overlay_start_1:
0x0: {  	(tag) =	ssettag $0x1  }
0x1: {  	s0 =	srdreg.scid  }
0x2: {  	s4 =	stileid.u32;
	s2 =	rddreg [dreg:$0x0]  }
0x3: {  	s5 =	simm.s32 $0x0;
	s3 =	simm.s32 $0x1;
	s12 =	simm.s32 $0x80  }
0x4: {  	s13 =	simm.s32 $0x2800;
	s14 =	simm.s32 $0x3000;
	s16 =	simm.s32 $0x3800  }
0x5: {  	s20 =	simm.s32 $0x4800;
	s28 =	simm.s32 $0x3;
	s29 =	simm.s32 $0x5  }
0x6: {  	s30 =	simm.s32 $0x7;
	s0 =	sand.u32 $0x1, s0;
	s1 =	sshll.u32 s4, $0x1  }
0x7: {  	s31 =	simm.s32 $0x8;
	s19 =	simm.s32 $0xE;
	s1 =	sor.u32 s0, s1  }
0x8: {  	[smem:$0x7FF] =	sst s5;
	p0 =	seq.s32 s0, $0x1;
	p1 =	seq.s32 s1, $0x0  }
0x9: {  	s5 =	simm.s32 $0x140000;
	s0 =	ssub.s32 $0x2, s0;
	p1 =	por !p1, !p0  }
0xa: {  	s1 =	smul.u32 $0x500, s1;
	s21 =	sshrl.u32 s0, $0x1;
	p1 =	por !p1, !p1  }
0xb: {  	_ =	strace $0x80000047;
	s0 =	ssub.s32 s0, s21;
	s3 =	simm.s32 @!p1 $0x0  }
0xc: {  	s1 =	sadd.s32 s1, s2;
	s0 =	smax.u32 s0, $0x1;
	s4 =	ssub.s32 s4, s3  }
0xd: {  	s1 =	sadd.s32 $0x5400, s1;
	[dreg:$0x3] =	wrdreg s0;
	s6 =	smul.u32 $0x280000, s4  }
0xe: {  	s5 =	simm.s32 @!p0 $0x0;
	s3 =	sadd.s32 $0x5F400, s2;
	[dreg:$0x2] =	wrdreg s1  }
0xf: {  	s1 =	simm.s32 $0x0;
	s4 =	sadd.s32 $0x69400, s2;
	s6 =	sadd.s32 s6, s5  }
.Ltmp0:
0x10: {  	s5 =	simm.s32 $0x1;
	s22 =	sadd.s32 $0x12C000, s6;
	(pc) =	sbr.rel .LBB2_1-.Ltmp0, $4  }
0x11: {  	s24 =	sadd.s32 $0x134000, s6;
	s26 =	sor.u32 $0x10000, s6;
	s23 =	sshrl.u32 s22, $0x3  }
0x12: {  	s25 =	sshrl.u32 s24, $0x3;
	[dreg:$0x4] =	wrdreg s26;
	s22 =	simm.s32 $0x5000  }
0x13: {  	s24 =	simm.s32 $0x5800;
	s26 =	simm.s32 $0x6000;
	s8 =	sadd.s32 s4, s23  }
0x14: {  	s9 =	sadd.s32 s4, s25;
	s23 =	simm.s32 $0x10;
	s25 =	simm.s32 $0x2  }
.LBB2_4:
0x15: {  	s0 =	simm.s32 $0x9  }
0x16: {  	_ =	swait.ge [sflag:s0], $0x800  }
0x17: {  	[sflag:s0] =	ssyncset.done $0x0  }
0x18: {  	s10 =	simm.s32 $0xA;
	[sflag:s0] =	ssyncadd.s32 $0xFFFFF800  }
0x19: {  	_ =	swait.ge [sflag:s10], $0x800  }
0x1a: {  	[sflag:s10] =	ssyncset.done $0x0  }
0x1b: {  	s11 =	simm.s32 $0xB;
	[sflag:s10] =	ssyncadd.s32 $0xFFFFF800  }
0x1c: {  	_ =	swait.ge [sflag:s11], $0x800  }
0x1d: {  	[sflag:s11] =	ssyncset.done $0x0  }
0x1e: {  	s15 =	simm.s32 $0xC;
	[sflag:s11] =	ssyncadd.s32 $0xFFFFF800  }
0x1f: {  	_ =	swait.ge [sflag:s15], $0x800  }
0x20: {  	[sflag:s15] =	ssyncset.done $0x0  }
0x21: {  	s17 =	simm.s32 $0xD;
	[sflag:s15] =	ssyncadd.s32 $0xFFFFF800  }
0x22: {  	_ =	swait.ge [sflag:s17], $0x800  }
0x23: {  	[sflag:s17] =	ssyncset.done $0x0  }
0x24: {  	[sflag:s17] =	ssyncadd.s32 $0xFFFFF800  }
0x25: {  	_ =	swait.ge [sflag:s19], $0x800  }
0x26: {  	[sflag:s19] =	ssyncset.done $0x0  }
0x27: {  	s18 =	simm.s32 $0xF;
	[sflag:s19] =	ssyncadd.s32 $0xFFFFF800  }
0x28: {  	_ =	swait.ge [sflag:s18], $0x800  }
0x29: {  	[sflag:s18] =	ssyncset.done $0x0  }
0x2a: {  	[sflag:s18] =	ssyncadd.s32 $0xFFFFF800  }
0x2b: {  	_ =	swait.ge [sflag:s23], $0x800  }
0x2c: {  	s1 =	rddreg [dreg:$0x5]  }
0x2d: {  	s21 =	rddreg [dreg:$0x3];
	s1 =	sadd.s32 $0x1, s1  }
0x2e: {  	p0 =	sne.s32 s1, s21  }
.Ltmp1:
0x2f: {  	_ = 	snop;
	(pc) =	sbr.rel @!p0 .LBB2_5-.Ltmp1, $3  }
0x30: {  	_ =	sdelay $0x1  }
0x31: {  	[sflag:s23] =	ssyncset.done $0x0  }
0x32: {  	[sflag:s23] =	ssyncadd.s32 $0xFFFFF800  }
.LBB2_1:
0x33: {  	[dreg:$0x5] =	wrdreg s1  }
0x34: {  	s0 =	simm.s32 $0x0;
	s7 =	rddreg [dreg:$0x2];
	s10 =	simm.s32 $0x11  }
0x35: {  	[tilespmem:s0], [sflag:$0x11] =	stream.linear.gather [hbm4b:s7+s0], $0x2800, $0x38;
	[tilespmem:$0x6800] =	vst v63  }
0x36: {  	_ =	swait.ge [sflag:s10], $0x2800  }
0x37: {  	[sflag:s10] =	ssyncset.done $0x0  }
0x38: {  	[sflag:s10] =	ssyncadd.s32 $0xFFFFD800  }
0x39: {  	[tilespmem:s13], [sflag:$0x1] =	stream.indirect.gather [hbm4b:s3+s12], $0x10, s0, s12, $0xb8;
	[tilespmem:$0x6800] =	vst v63  }
0x3a: {  	_ = 	snop  }
0x3b: {  	[tilespmem:s14], [sflag:$0x2] =	stream.indirect.gather [hbm4b:s3+s12], $0x10, s12, s12, $0xb8;
	[tilespmem:$0x6800] =	vst v63  }
0x3c: {  	s11 =	simm.s32 $0x100  }
0x3d: {  	[tilespmem:s16], [sflag:$0x3] =	stream.indirect.gather [hbm4b:s3+s12], $0x10, s11, s12, $0xb8;
	[tilespmem:$0x6800] =	vst v63  }
0x3e: {  	s15 =	simm.s32 $0x180;
	s17 =	simm.s32 $0x4000  }
0x3f: {  	[tilespmem:s17], [sflag:$0x4] =	stream.indirect.gather [hbm4b:s3+s12], $0x10, s15, s12, $0xb8;
	[tilespmem:$0x6800] =	vst v63  }
0x40: {  	s18 =	simm.s32 $0x200  }
0x41: {  	[tilespmem:s20], [sflag:$0x5] =	stream.indirect.gather [hbm4b:s3+s12], $0x10, s18, s12, $0xb8;
	[tilespmem:$0x6800] =	vst v63  }
0x42: {  	s21 =	simm.s32 $0x280;
	s7 =	simm.s32 $0x0;
	s10 =	rddreg [dreg:$0x4]  }
0x43: {  	[tilespmem:s22], [sflag:$0x6] =	stream.indirect.gather [hbm4b:s3+s12], $0x10, s21, s12, $0xb8;
	[tilespmem:$0x6800] =	vst v63  }
.LBB2_2:
0x44: {  	_ =	swait.ge [sflag:s5], $0x800;
	s1 =	sadd.s32 $0xFFFF0000, s10  }
0x45: {  	[sflag:s5] =	ssyncset.done $0x0;
	s1 =	sshrl.u32 s1, $0x3  }
0x46: {  	p0 =	seq.s32 s7, $0x0;
	[sflag:s5] =	ssyncadd.s32 $0xFFFFF800;
	s1 =	sadd.s32 s4, s1  }
0x47: {  	[hbm4b:s1+s23] =	stream.strided.scatter [tilespmem:s13], [sflag:$0x9], $0x800, s12, s23, $0x38;
	[tilespmem:$0x6800] =	vst v63  }
0x48: {  	s1 =	simm.s32 @!p0 $0xF  }
0x49: {  	_ =	swait.ge @!p0 [sflag:s1], $0x800  }
0x4a: {  	s6 =	sshra.s32 s7, $0x2;
	[sflag:s1] =	ssyncset.done @!p0 $0x0  }
0x4b: {  	s0 =	sadd.s32 $0x300, s6;
	[sflag:s1] =	ssyncadd.s32 @!p0 $0xFFFFF800  }
0x4c: {  	[tilespmem:s24], [sflag:$0x7] =	stream.indirect.gather [hbm4b:s3+s12], $0x10, s0, s12, $0xb8;
	[tilespmem:$0x6800] =	vst v63  }
0x4d: {  	s2 =	sadd.s32 $0xFFFF4000, s10;
	_ =	swait.ge [sflag:s25], $0x800  }
0x4e: {  	s1 =	sshrl.u32 s2, $0x3;
	[sflag:s25] =	ssyncset.done $0x0  }
0x4f: {  	s1 =	sadd.s32 s4, s1;
	[sflag:s25] =	ssyncadd.s32 $0xFFFFF800  }
0x50: {  	[hbm4b:s1+s23] =	stream.strided.scatter [tilespmem:s14], [sflag:$0xA], $0x800, s12, s23, $0x38;
	[tilespmem:$0x6800] =	vst v63  }
0x51: {  	s1 =	simm.s32 @!p0 $0x10  }
0x52: {  	_ =	swait.ge @!p0 [sflag:s1], $0x800  }
0x53: {  	[sflag:s1] =	ssyncset.done @!p0 $0x0  }
0x54: {  	s11 =	sadd.s32 $0x380, s6;
	[sflag:s1] =	ssyncadd.s32 @!p0 $0xFFFFF800  }
0x55: {  	[tilespmem:s26], [sflag:$0x8] =	stream.indirect.gather [hbm4b:s3+s12], $0x10, s11, s12, $0xb8;
	[tilespmem:$0x6800] =	vst v63  }
0x56: {  	s15 =	sadd.s32 $0xFFFF8000, s10;
	_ =	swait.ge [sflag:s28], $0x800  }
0x57: {  	s1 =	sshrl.u32 s15, $0x3;
	[sflag:s28] =	ssyncset.done $0x0  }
0x58: {  	p0 =	seq.s32 s7, $0x9000;
	s1 =	sadd.s32 s4, s1;
	[sflag:s28] =	ssyncadd.s32 $0xFFFFF800  }
0x59: {  	[hbm4b:s1+s23] =	stream.strided.scatter [tilespmem:s16], [sflag:$0xB], $0x800, s12, s23, $0x38;
	[tilespmem:$0x6800] =	vst v63  }
0x5a: {  	s1 =	simm.s32 @p0 $0x4  }
0x5b: {  	_ =	swait.ge @p0 [sflag:s1], $0x800  }
0x5c: {  	s0 =	simm.s32 @p0 $0x10;
	[sflag:s1] =	ssyncset.done @p0 $0x0  }
0x5d: {  	s15 =	simm.s32 @p0 $0x80;
	[sflag:s1] =	ssyncadd.s32 @p0 $0xFFFFF800;
	s1 =	simm.s32 @p0 $0x4000  }
0x5e: {  	[hbm4b:s8+s0] =	stream.strided.scatter @p0 [tilespmem:s1], [sflag:$0xC], $0x800, s15, s0, $0x38;
	[tilespmem:$0x6800] =	vst v63  }
0x5f: {  	s1 =	simm.s32 @!p0 $0x9  }
0x60: {  	_ =	swait.ge @!p0 [sflag:s1], $0x800  }
0x61: {  	s11 =	sshra.s32 @!p0 s7, $0x2;
	s18 =	simm.s32 @!p0 $0x2800;
	[sflag:s1] =	ssyncset.done @!p0 $0x0  }
0x62: {  	s17 =	sadd.s32 @!p0 $0x400, s11;
	[sflag:s1] =	ssyncadd.s32 @!p0 $0xFFFFF800;
	s1 =	simm.s32 @!p0 $0x80  }
0x63: {  	[tilespmem:s18], [sflag:$0x1] =	stream.indirect.gather @!p0 [hbm4b:s3+s1], $0x10, s17, s1, $0xb8;
	[tilespmem:$0x6800] =	vst v63  }
0x64: {  	s17 =	simm.s32 @!p0 $0x4  }
0x65: {  	_ =	swait.ge @!p0 [sflag:s17], $0x800  }
0x66: {  	s18 =	sadd.s32 @!p0 $0xFFFFC000, s10;
	[sflag:s17] =	ssyncset.done @!p0 $0x0  }
0x67: {  	[sflag:s17] =	ssyncadd.s32 @!p0 $0xFFFFF800;
	s17 =	sshrl.u32 @!p0 s18, $0x3  }
0x68: {  	s21 =	simm.s32 @!p0 $0x4000;
	s18 =	simm.s32 @!p0 $0x10;
	s17 =	sadd.s32 @!p0 s4, s17  }
0x69: {  	[hbm4b:s17+s18] =	stream.strided.scatter @!p0 [tilespmem:s21], [sflag:$0xC], $0x800, s1, s18, $0x38;
	[tilespmem:$0x6800] =	vst v63  }
0x6a: {  	s17 =	simm.s32 @!p0 $0xA  }
0x6b: {  	_ =	swait.ge @!p0 [sflag:s17], $0x800  }
0x6c: {  	[sflag:s17] =	ssyncset.done @!p0 $0x0  }
0x6d: {  	s2 =	simm.s32 @!p0 $0x3000;
	[sflag:s17] =	ssyncadd.s32 @!p0 $0xFFFFF800;
	s17 =	sadd.s32 @!p0 $0x480, s11  }
0x6e: {  	[tilespmem:s2], [sflag:$0x2] =	stream.indirect.gather @!p0 [hbm4b:s3+s1], $0x10, s17, s1, $0xb8;
	[tilespmem:$0x6800] =	vst v63  }
0x6f: {  	_ =	swait.ge [sflag:s29], $0x800  }
0x70: {  	s17 =	sshrl.u32 s10, $0x3;
	[sflag:s29] =	ssyncset.done $0x0  }
0x71: {  	s2 =	sadd.s32 s4, s17;
	[sflag:s29] =	ssyncadd.s32 $0xFFFFF800  }
0x72: {  	[hbm4b:s2+s23] =	stream.strided.scatter [tilespmem:s20], [sflag:$0xD], $0x800, s12, s23, $0x38;
	[tilespmem:$0x6800] =	vst v63  }
0x73: {  	s2 =	simm.s32 @p0 $0x6  }
0x74: {  	_ =	swait.ge @p0 [sflag:s2], $0x800  }
0x75: {  	[sflag:s2] =	ssyncset.done @p0 $0x0  }
0x76: {  	[sflag:s2] =	ssyncadd.s32 @p0 $0xFFFFF800;
	s2 =	simm.s32 @p0 $0x5000  }
0x77: {  	[hbm4b:s9+s0] =	stream.strided.scatter @p0 [tilespmem:s2], [sflag:$0xE], $0x800, s15, s0, $0x38;
	[tilespmem:$0x6800] =	vst v63  }
0x78: {  	s0 =	simm.s32 @!p0 $0xB  }
0x79: {  	_ =	swait.ge @!p0 [sflag:s0], $0x800  }
0x7a: {  	[sflag:s0] =	ssyncset.done @!p0 $0x0  }
0x7b: {  	s2 =	simm.s32 @!p0 $0x3800;
	[sflag:s0] =	ssyncadd.s32 @!p0 $0xFFFFF800;
	s0 =	sadd.s32 @!p0 $0x500, s11  }
0x7c: {  	[tilespmem:s2], [sflag:$0x3] =	stream.indirect.gather @!p0 [hbm4b:s3+s1], $0x10, s0, s1, $0xb8;
	[tilespmem:$0x6800] =	vst v63  }
0x7d: {  	s0 =	simm.s32 @!p0 $0x6  }
0x7e: {  	s2 =	sadd.s32 @!p0 $0x4000, s10;
	_ =	swait.ge @!p0 [sflag:s0], $0x800  }
0x7f: {  	s2 =	sshrl.u32 @!p0 s2, $0x3;
	[sflag:s0] =	ssyncset.done @!p0 $0x0  }
0x80: {  	[sflag:s0] =	ssyncadd.s32 @!p0 $0xFFFFF800;
	s0 =	sadd.s32 @!p0 s4, s2;
	s2 =	simm.s32 @!p0 $0x5000  }
0x81: {  	[hbm4b:s0+s18] =	stream.strided.scatter @!p0 [tilespmem:s2], [sflag:$0xE], $0x800, s1, s18, $0x38;
	[tilespmem:$0x6800] =	vst v63  }
0x82: {  	s0 =	simm.s32 @!p0 $0xC  }
0x83: {  	_ =	swait.ge @!p0 [sflag:s0], $0x800  }
0x84: {  	[sflag:s0] =	ssyncset.done @!p0 $0x0  }
0x85: {  	[sflag:s0] =	ssyncadd.s32 @!p0 $0xFFFFF800;
	s0 =	sadd.s32 @!p0 $0x580, s11  }
0x86: {  	[tilespmem:s21], [sflag:$0x4] =	stream.indirect.gather @!p0 [hbm4b:s3+s1], $0x10, s0, s1, $0xb8;
	[tilespmem:$0x6800] =	vst v63  }
0x87: {  	s18 =	sadd.s32 $0x8000, s10;
	_ =	swait.ge [sflag:s30], $0x800  }
0x88: {  	s0 =	sshrl.u32 s18, $0x3;
	[sflag:s30] =	ssyncset.done $0x0  }
0x89: {  	s0 =	sadd.s32 s4, s0;
	[sflag:s30] =	ssyncadd.s32 $0xFFFFF800  }
0x8a: {  	[hbm4b:s0+s23] =	stream.strided.scatter [tilespmem:s24], [sflag:$0xF], $0x800, s12, s23, $0x38;
	[tilespmem:$0x6800] =	vst v63  }
0x8b: {  	s0 =	simm.s32 @!p0 $0xD  }
0x8c: {  	_ =	swait.ge @!p0 [sflag:s0], $0x800  }
0x8d: {  	[sflag:s0] =	ssyncset.done @!p0 $0x0  }
0x8e: {  	s2 =	simm.s32 @!p0 $0x4800;
	[sflag:s0] =	ssyncadd.s32 @!p0 $0xFFFFF800;
	s0 =	sadd.s32 @!p0 $0x600, s11  }
0x8f: {  	[tilespmem:s2], [sflag:$0x5] =	stream.indirect.gather @!p0 [hbm4b:s3+s1], $0x10, s0, s1, $0xb8;
	[tilespmem:$0x6800] =	vst v63  }
.Ltmp2:
0x90: {  	_ = 	snop;
	(pc) =	sbr.rel @p0 .LBB2_4-.Ltmp2, $4  }
0x91: {  	s21 =	sadd.s32 $0xC000, s10;
	_ =	swait.ge [sflag:s31], $0x800  }
0x92: {  	s0 =	sshrl.u32 s21, $0x3;
	[sflag:s31] =	ssyncset.done $0x0  }
0x93: {  	s0 =	sadd.s32 s4, s0;
	[sflag:s31] =	ssyncadd.s32 $0xFFFFF800  }
0x94: {  	[hbm4b:s0+s23] =	stream.strided.scatter [tilespmem:s26], [sflag:$0x10], $0x800, s12, s23, $0x38;
	[tilespmem:$0x6800] =	vst v63  }
.Ltmp3:
0x95: {  	(pc) =	sbr.rel .LBB2_2-.Ltmp3, $4  }
0x96: {  	_ =	swait.ge [sflag:s19], $0x800  }
0x97: {  	s0 =	sadd.s32 $0x680, s6;
	[sflag:s19] =	ssyncset.done $0x0  }
0x98: {  	s7 =	sadd.s32 $0x1000, s7;
	s10 =	sadd.s32 $0x20000, s10;
	[sflag:s19] =	ssyncadd.s32 $0xFFFFF800  }
0x99: {  	[tilespmem:s22], [sflag:$0x6] =	stream.indirect.gather [hbm4b:s3+s12], $0x10, s0, s12, $0xb8;
	[tilespmem:$0x6800] =	vst v63  }
.LBB2_5:
0x9a: {  	_ =	sfence.sel $0x180000  }
0x9b: {  	[bflag:$0x0] =	sbarrier.arrive $0xFFFF  }
0x9c: {  	_ =	strace $0x90000047  }
0x9d: {  	s0 =	stileid.u32;
	[bflag:$0x2] =	sbarrier.arrive $0xFFFF  }
0x9e: {  	p0 =	sne.s32 s0, $0x0;
	s0 =	rddreg [dreg:$0x1]  }
0x9f: {  	s0 =	sadd.s32 @!p0 $0x100000, s0  }
0xa0: {  	[sflag:s0] =	ssyncadd.tile.s32 @!p0 $0x1;
	_ =	shalt  }
.Lfunc_end2:
_tile_overlayer_lowered:
.L_overlay_start_2:
0xa1: {  	(tag) =	ssettag $0x2  }
0xa2: {  	s0 =	rddreg [dreg:$0x0];
	s2 =	stileid.u32  }
0xa3: {  	s1 =	rddreg [dreg:$0x1];
	p0 =	sne.s32 s2, $0x0  }
0xa4: {  	s3 =	rddreg [dreg:$0x2];
	[bflag:$0x3] =	sbarrier.arrive $0xFFFF;
	s2 =	simm.s32 @!p0 $0x1C11  }
0xa5: {  	[timem:s3], [sflag:s2] =	dma.local @!p0 [hbm:s0], s1  }
0xa6: {  	s0 =	simm.s32 @!p0 $0x11  }
0xa7: {  	_ =	swait.ge @!p0 [sflag:s0], s1  }
0xa8: {  	s1 =	ssub.s32 @!p0 $0x0, s1;
	[sflag:s0] =	ssyncset.done @!p0 $0x0  }
0xa9: {  	[sflag:s0] =	ssyncadd.s32 @!p0 s1  }
0xaa: {  	[bflag:$0x3] =	sbarrier.arrive $0xFFFF  }
0xab: {  	_ =	shalt  }

// kernel: kernel.19.cloned.1.call-start
scs
__scs_entry_jumppad:
0x0: {  	(pc) =	sbr.rel $0x88, $3  }
0x1: {  	(tag) =	ssettag $0x0;
	lr =	simm.s32 $0x1  }
0x2: {  	[smem:$0x3F8C] =	sst lr;
	_ =	strace $0xD0000000  }
0x3: {  	_ = 	snop  }
0x4: {  	_ = 	snop  }
0x5: {  	_ = 	snop  }
0x6: {  	_ = 	snop  }
0x7: {  	_ = 	snop  }
__scs_overlays_trampoline_lowered:
0x8: {  	[smem:$0x3F9B] =	sst s0  }
0x9: {  	[smem:$0x3F9C] =	sst s1  }
0xa: {  	[smem:$0x3F9D] =	sst s2  }
0xb: {  	[smem:$0x3F9E] =	sst s3  }
0xc: {  	[smem:$0x3F9F] =	sst s4  }
0xd: {  	[smem:$0x3FA0] =	sst s5  }
0xe: {  	[smem:$0x3FA1] =	sst s6  }
0xf: {  	[smem:$0x3FA2] =	sst s7  }
0x10: {  	[smem:$0x3FA3] =	sst s8  }
0x11: {  	[smem:$0x3FA4] =	sst s9;
	s0 =	simm.s32 @!p0 $0x0  }
0x12: {  	s1 =	sld [smem:$0x3F8A];
	s0 =	simm.s32 @p0 $0x1  }
0x13: {  	[smem:$0x3FA5] =	sst s0;
	s0 =	simm.s32 @!p1 $0x0  }
0x14: {  	s2 =	sld [smem:$0x3F89];
	s0 =	simm.s32 @p1 $0x1  }
0x15: {  	[smem:$0x3FA6] =	sst s0;
	s0 =	simm.s32 @!p2 $0x0  }
0x16: {  	s3 =	sld [smem:$0x3FDB];
	s0 =	simm.s32 @p2 $0x1  }
0x17: {  	s4 =	simm.s32 $0x1BF5;
	[smem:$0x3FA8] =	sst s0  }
0x18: {  	s0 =	sld [smem:$0x3F8B];
	_ =	swait.ge [sflag:s4], $0x0  }
0x19: {  	s7 =	sld [smem:$0x3F8C]  }
0x1a: {  	s8 =	sadd.s32 $0xFFFFE003, lr  }
0x1b: {  	s9 =	sadd.s32 $0xFFFFFEF7, lr;
	s5 =	simm.s32 $0xFFFFFFFF;
	p2 =	slt.u32 s8, $0xFFFFF086  }
0x1c: {  	p1 =	slt.u32 s9, $0xF7A;
	s5 =	simm.s32 @!p2 $0x0  }
0x1d: {  	s5 =	simm.s32 @p1 $0x1;
	p0 =	seq.s32 s7, s2  }
0x1e: {  	s7 =	smul.u32 @!p0 $0xF7A, s2;
	p2 =	seq.s32 @!p0 s5, $0x0  }
0x1f: {  	s9 =	smul.u32 $0xF7A, s1;
	s8 =	simm.s32 @!p0 $0x1BF5;
	p2 =	por !p2, p0  }
0x20: {  	[sflag:s8] =	ssyncset.s32 @!p0 $0xFFFFF086;
	s6 =	sadd.s32 @!p0 s3, s7;
	s7 =	simm.s32 @!p0 $0x108  }
0x21: {  	s3 =	sadd.s32 s3, s9;
	s6 =	sadd.s32 @!p0 $0x88, s6;
	s7 =	simm.s32 @p2 $0x1082  }
0x22: {  	[simem:s7], [sflag:s8] =	dma.local @!p0 [hbm:s6], $0xF7A  }
0x23: {  	s9 =	sor.u32 $0xD0000000, s2;
	s6 =	simm.s32 $0x108;
	_ =	swait.ge @!p0 [sflag:s8], $0x0  }
0x24: {  	s3 =	sadd.s32 $0x88, s3;
	s6 =	simm.s32 @!p1 $0x1082;
	[sflag:s4] =	ssyncset.s32 $0xFFFFF086  }
0x25: {  	[simem:s6], [sflag:s4] =	dma.local [hbm:s3], $0xF7A  }
0x26: {  	[smem:$0x3F8C] =	sst s1;
	(tag) =	ssettag s2;
	_ =	strace s9  }
0x27: {  	s1 =	sld [smem:$0x3F9C]  }
0x28: {  	s2 =	sld [smem:$0x3F9D]  }
0x29: {  	s4 =	sld [smem:$0x3F9F]  }
0x2a: {  	p0 =	seq.s32 s5, $0x0;
	s5 =	sld [smem:$0x3FA0]  }
0x2b: {  	s6 =	sld [smem:$0x3FA1]  }
0x2c: {  	s7 =	sld [smem:$0x3FA2]  }
0x2d: {  	s3 =	simm.s32 $0x108;
	s8 =	sld [smem:$0x3FA3]  }
0x2e: {  	s3 =	simm.s32 @!p0 $0x1082;
	s9 =	sld [smem:$0x3FA4]  }
0x2f: {  	lr =	sadd.s32 s0, s3;
	s0 =	sld [smem:$0x3F9B]  }
0x30: {  	s3 =	sld [smem:$0x3F9E]  }
0x31: {  	[smem:$0x3FA7] =	sst s10  }
0x32: {  	s10 =	sld [smem:$0x3FA5];
	_ =	sdelay $0x3  }
0x33: {  	p0 =	seq.s32 s10, $0x1;
	s10 =	sld [smem:$0x3FA7];
	_ =	sdelay $0x3  }
0x34: {  	[smem:$0x3FA7] =	sst s10  }
0x35: {  	s10 =	sld [smem:$0x3FA6];
	_ =	sdelay $0x3  }
0x36: {  	p1 =	seq.s32 s10, $0x1;
	s10 =	sld [smem:$0x3FA7];
	_ =	sdelay $0x3  }
0x37: {  	[smem:$0x3FA7] =	sst s10  }
0x38: {  	s10 =	sld [smem:$0x3FA8]  }
0x39: {  	_ = 	snop;
	(pc) =	sbr.ind lr, $3  }
0x3a: {  	_ = 	snop  }
0x3b: {  	_ = 	snop  }
0x3c: {  	p2 =	seq.s32 s10, $0x1;
	s10 =	sld [smem:$0x3FA7]  }
0x3d: {  	_ =	shalt  }
0x3e: {  	_ =	shalt  }
0x3f: {  	_ =	shalt  }
0x40: {  	_ =	shalt  }
0x41: {  	_ =	shalt  }
0x42: {  	_ =	shalt  }
0x43: {  	_ =	shalt  }
0x44: {  	_ =	shalt  }
0x45: {  	_ =	shalt  }
0x46: {  	_ =	shalt  }
0x47: {  	_ =	shalt  }
0x48: {  	_ =	shalt  }
0x49: {  	_ =	shalt  }
0x4a: {  	_ =	shalt  }
0x4b: {  	_ =	shalt  }
0x4c: {  	_ =	shalt  }
0x4d: {  	_ =	shalt  }
0x4e: {  	_ =	shalt  }
0x4f: {  	_ =	shalt  }
0x50: {  	_ =	shalt  }
0x51: {  	_ =	shalt  }
0x52: {  	_ =	shalt  }
0x53: {  	_ =	shalt  }
0x54: {  	_ =	shalt  }
0x55: {  	_ =	shalt  }
0x56: {  	_ =	shalt  }
0x57: {  	_ =	shalt  }
0x58: {  	_ =	shalt  }
0x59: {  	_ =	shalt  }
0x5a: {  	_ =	shalt  }
0x5b: {  	_ =	shalt  }
0x5c: {  	_ =	shalt  }
0x5d: {  	_ =	shalt  }
0x5e: {  	_ =	shalt  }
0x5f: {  	_ =	shalt  }
0x60: {  	_ =	shalt  }
0x61: {  	_ =	shalt  }
0x62: {  	_ =	shalt  }
0x63: {  	_ =	shalt  }
0x64: {  	_ =	shalt  }
0x65: {  	_ =	shalt  }
0x66: {  	_ =	shalt  }
0x67: {  	_ =	shalt  }
0x68: {  	_ =	shalt  }
0x69: {  	_ =	shalt  }
0x6a: {  	_ =	shalt  }
0x6b: {  	_ =	shalt  }
0x6c: {  	_ =	shalt  }
0x6d: {  	_ =	shalt  }
0x6e: {  	_ =	shalt  }
0x6f: {  	_ =	shalt  }
0x70: {  	_ =	shalt  }
0x71: {  	_ =	shalt  }
0x72: {  	_ =	shalt  }
0x73: {  	_ =	shalt  }
0x74: {  	_ =	shalt  }
0x75: {  	_ =	shalt  }
0x76: {  	_ =	shalt  }
0x77: {  	_ =	shalt  }
0x78: {  	_ =	shalt  }
0x79: {  	_ =	shalt  }
0x7a: {  	_ =	shalt  }
0x7b: {  	_ =	shalt  }
0x7c: {  	_ =	shalt  }
0x7d: {  	_ =	shalt  }
0x7e: {  	_ =	shalt  }
0x7f: {  	_ =	shalt  }
0x80: {  	_ =	shalt  }
0x81: {  	_ =	shalt  }
0x82: {  	_ =	shalt  }
0x83: {  	_ =	shalt  }
0x84: {  	_ =	shalt  }
0x85: {  	_ =	shalt  }
0x86: {  	_ =	shalt  }
0x87: {  	_ =	shalt  }
.Lfunc_end0:
.L_simem_size_0:
called_computation.1_lowered:
.L_overlay_start_0:
0x88: {  	s2 =	sld [smem:$0x3FD9]  }
0x89: {  	s3 =	sld [smem:$0x3FFE];
	_ =	sdelay $0x1  }
0x8a: {  	s1 =	srdreg.scid  }
0x8b: {  	s0 =	sand.u32 $0x1, s1  }
0x8c: {  	s16 =	sshll.u32 s0, $0xA;
	s2 =	sadd.s32 s3, s2  }
0x8d: {  	s2 =	sadd.s32 s2, s16  }
0x8e: {  	[smem:$0x3FB3] =	sst s2  }
0x8f: {  	_ = 	snop  }
0x90: {  	(tm) =	ssettm $0x1  }
0x91: {  	s17 =	sld [smem:$0x3FFB];
	_ =	sdelay $0x3  }
0x92: {  	_ =	strace s17  }
0x93: {  	s2 =	sld [smem:$0x3FFC];
	_ =	sdelay $0x3  }
0x94: {  	_ =	strace s2  }
0x95: {  	s2 =	sld [smem:$0x3FFD];
	_ =	sdelay $0x3  }
0x96: {  	_ =	strace s2  }
0x97: {  	_ =	strace $0x8FFFFFFF  }
0x98: {  	s18 =	sld [smem:$0x3FDB];
	_ =	sdelay $0x1  }
0x99: {  	s19 =	simm.s32 $_scs_section_size  }
0x9a: {  	s4 =	simm.s32 $_size__tile_overlayer_lowered;
	s5 =	simm.s32 $_tile_overlayer_lowered  }
0x9b: {  	s22 =	simm.s32 $0x1BFF;
	s21 =	sshll.u32 s5, $0x1;
	s2 =	sadd.s32 s19, s18  }
0x9c: {  	s6 =	simm.s32 $0x0;
	s20 =	sshll.u32 s4, $0x1;
	s4 =	sadd.s32 s21, s2  }
0x9d: {  	[timem:s6], [sflag:s22] =	dma.local [hbm:s4], s20  }
0x9e: {  	_ =	swait.ge [sflag:s22], s20  }
0x9f: {  	s3 =	ssub.s32 $0x0, s20;
	[sflag:s22] =	ssyncset.done $0x0  }
0xa0: {  	[sflag:s22] =	ssyncadd.s32 s3;
	_ =	sdelay $0x1  }
0xa1: {  	s23 =	simm.s32 $0x1B8B  }
0xa2: {  	_ =	swait.ge [sflag:s23], $0x1  }
0xa3: {  	[sflag:s23] =	ssyncset.done $0x0  }
0xa4: {  	s25 =	simm.s32 $0x1B8E;
	s24 =	sld [smem:$0x3FFE];
	[sflag:s23] =	ssyncadd.s32 $0xFFFFFFFF  }
0xa5: {  	s26 =	simm.s32 $execute0_lowered;
	[smem:$0x3FD2] =	sst s25  }
0xa6: {  	s4 =	sshll.u32 s26, $0x1;
	_ =	strace $0x80000049;
	[dreg:$0x1] =	wrdreg $0xFFFFFFFF  }
0xa7: {  	s28 =	simm.s32 $_size_execute0_lowered;
	s2 =	sadd.s32 s2, s4;
	[dreg:$0x0] =	wrdreg $0x0  }
0xa8: {  	s4 =	sshll.u32 s28, $0x1;
	[dreg:$0x2] =	wrdreg s2  }
0xa9: {  	[dreg:$0x3] =	wrdreg s4  }
0xaa: {  	[dreg:$0x4] =	wrdreg $0xC0  }
0xab: {  	_ =	task [dreg:s6], $0x5FFFF  }
0xac: {  	[dreg:$0x1] =	wrdreg $0xFFFFFFFF  }
0xad: {  	[dreg:$0x0] =	wrdreg $0x60  }
0xae: {  	[dreg:$0x2] =	wrdreg s24  }
0xaf: {  	[dreg:$0x3] =	wrdreg $0x9  }
0xb0: {  	_ =	task.clear_ibuf [dreg:s6], $0x4FFFF;
	_ =	strace $0x90000049  }
0xb1: {  	s29 =	simm.s32 $0x9;
	_ =	strace $0x8000004B  }
0xb2: {  	_ =	swait.ge [sflag:s29], $0x1  }
0xb3: {  	[sflag:s29] =	ssyncadd.s32 $0xFFFFFFFF  }
0xb4: {  	_ =	strace $0x9000004B  }
0xb5: {  	_ =	sfence  }
0xb6: {  	s30 =	sld [smem:$0x0];
	_ =	sdelay $0x2  }
0xb7: {  	s31 =	sshll.u32 s1, $0xD;
	s1 =	sshrl.u32 s1, $0x2  }
0xb8: {  	s3 =	sand.u32 $0x4000, s31;
	s1 =	sadd.s32 s1, s30  }
0xb9: {  	s0 =	sor.u32 s3, s0;
	s1 =	sshll.u32 s1, $0x11  }
0xba: {  	s0 =	sor.u32 s1, s0  }
0xbb: {  	s0 =	sadd.s32 $0x8F2B, s0  }
0xbc: {  	[sflag:s0] =	ssyncadd.remote.s32 $0x1  }
0xbd: {  	_ =	sfence.sel $0xFFFF  }
0xbe: {  	[dreg:$0x0] =	wrdreg $0xFFFFFFFF;
	(pc) =	sbr.abs _section_cstart, $3  }
0xbf: {  	[dreg:$0x1] =	wrdreg $0xFFFFFFFF  }
0xc0: {  	_ =	task.clear_ibuf [dreg:s6], $0x2FFFF;
	_ =	strace $0x9FFFFFFF  }
0xc1: {  	(tm) =	ssettm $0x7FFFFFFF  }
tec
execute0_lowered:
.L_overlay_start_1:
0x0: {  	(tag) =	ssettag $0x1  }
0x1: {  	s0 =	srdreg.scid  }
0x2: {  	s5 =	stileid.u32;
	s2 =	rddreg [dreg:$0x0]  }
0x3: {  	s3 =	simm.s32 $0x0;
	s4 =	simm.s32 $0x1;
	s12 =	simm.s32 $0x80  }
0x4: {  	s13 =	simm.s32 $0x2800;
	s14 =	simm.s32 $0x4800;
	s16 =	simm.s32 $0x6800  }
0x5: {  	s20 =	simm.s32 $0xA800;
	s28 =	simm.s32 $0x3;
	s29 =	simm.s32 $0x5  }
0x6: {  	s30 =	simm.s32 $0x7;
	s0 =	sand.u32 $0x1, s0;
	s1 =	sshll.u32 s5, $0x1  }
0x7: {  	s31 =	simm.s32 $0x8;
	s19 =	simm.s32 $0xE;
	s1 =	sor.u32 s0, s1  }
0x8: {  	[smem:$0x7FF] =	sst s3;
	p0 =	seq.s32 s0, $0x1;
	p1 =	seq.s32 s1, $0x0  }
0x9: {  	s0 =	ssub.s32 $0x2, s0;
	s1 =	smul.u32 $0x500, s1;
	p1 =	por !p1, !p0  }
0xa: {  	_ =	strace $0x8000004A;
	s7 =	sshrl.u32 s0, $0x1;
	p1 =	por !p1, !p1  }
0xb: {  	s0 =	ssub.s32 s0, s7;
	s1 =	sadd.s32 s1, s2;
	s4 =	simm.s32 @!p1 $0x0  }
0xc: {  	s0 =	smax.u32 s0, $0x1;
	s1 =	sadd.s32 $0x5400, s1;
	s4 =	ssub.s32 s5, s4  }
0xd: {  	[dreg:$0x3] =	wrdreg s0;
	s5 =	simm.s32 $0x140000;
	s6 =	smul.u32 $0x280000, s4  }
0xe: {  	s3 =	sadd.s32 $0x5F400, s2;
	[dreg:$0x2] =	wrdreg s1;
	s5 =	simm.s32 @!p0 $0x0  }
0xf: {  	s4 =	sadd.s32 $0x87400, s2;
	s2 =	simm.s32 $0x0;
	s22 =	sadd.s32 s6, s5  }
.Ltmp0:
0x10: {  	s5 =	simm.s32 $0x1;
	s6 =	sadd.s32 $0x12C000, s22;
	(pc) =	sbr.rel .LBB2_1-.Ltmp0, $4  }
0x11: {  	s23 =	sadd.s32 $0x134000, s22;
	s26 =	sor.u32 $0x10000, s22;
	s22 =	simm.s32 $0xC800  }
0x12: {  	s24 =	sshrl.u32 s6, $0x3;
	s25 =	sshrl.u32 s23, $0x3;
	[dreg:$0x4] =	wrdreg s26  }
0x13: {  	s23 =	simm.s32 $0x40;
	s26 =	simm.s32 $0x10800;
	s8 =	sadd.s32 s4, s24  }
0x14: {  	s9 =	sadd.s32 s4, s25;
	s24 =	simm.s32 $0xE800;
	s25 =	simm.s32 $0x2  }
.LBB2_4:
0x15: {  	s0 =	simm.s32 $0x9  }
0x16: {  	_ =	swait.ge [sflag:s0], $0x2000  }
0x17: {  	[sflag:s0] =	ssyncset.done $0x0  }
0x18: {  	s10 =	simm.s32 $0xA;
	[sflag:s0] =	ssyncadd.s32 $0xFFFFE000  }
0x19: {  	_ =	swait.ge [sflag:s10], $0x2000  }
0x1a: {  	[sflag:s10] =	ssyncset.done $0x0  }
0x1b: {  	s11 =	simm.s32 $0xB;
	[sflag:s10] =	ssyncadd.s32 $0xFFFFE000  }
0x1c: {  	_ =	swait.ge [sflag:s11], $0x2000  }
0x1d: {  	[sflag:s11] =	ssyncset.done $0x0  }
0x1e: {  	s15 =	simm.s32 $0xC;
	[sflag:s11] =	ssyncadd.s32 $0xFFFFE000  }
0x1f: {  	_ =	swait.ge [sflag:s15], $0x2000  }
0x20: {  	[sflag:s15] =	ssyncset.done $0x0  }
0x21: {  	s17 =	simm.s32 $0xD;
	[sflag:s15] =	ssyncadd.s32 $0xFFFFE000  }
0x22: {  	_ =	swait.ge [sflag:s17], $0x2000  }
0x23: {  	[sflag:s17] =	ssyncset.done $0x0  }
0x24: {  	[sflag:s17] =	ssyncadd.s32 $0xFFFFE000  }
0x25: {  	_ =	swait.ge [sflag:s19], $0x2000  }
0x26: {  	[sflag:s19] =	ssyncset.done $0x0  }
0x27: {  	s18 =	simm.s32 $0xF;
	[sflag:s19] =	ssyncadd.s32 $0xFFFFE000  }
0x28: {  	_ =	swait.ge [sflag:s18], $0x2000  }
0x29: {  	[sflag:s18] =	ssyncset.done $0x0  }
0x2a: {  	s1 =	simm.s32 $0x10;
	[sflag:s18] =	ssyncadd.s32 $0xFFFFE000  }
0x2b: {  	_ =	swait.ge [sflag:s1], $0x2000  }
0x2c: {  	s2 =	rddreg [dreg:$0x5]  }
0x2d: {  	s21 =	rddreg [dreg:$0x3];
	s2 =	sadd.s32 $0x1, s2  }
0x2e: {  	p0 =	sne.s32 s2, s21  }
.Ltmp1:
0x2f: {  	_ = 	snop;
	(pc) =	sbr.rel @!p0 .LBB2_5-.Ltmp1, $3  }
0x30: {  	_ =	sdelay $0x1  }
0x31: {  	[sflag:s1] =	ssyncset.done $0x0  }
0x32: {  	[sflag:s1] =	ssyncadd.s32 $0xFFFFE000  }
.LBB2_1:
0x33: {  	[dreg:$0x5] =	wrdreg s2  }
0x34: {  	s0 =	simm.s32 $0x0;
	s1 =	rddreg [dreg:$0x2];
	s10 =	simm.s32 $0x11  }
0x35: {  	[tilespmem:s0], [sflag:$0x11] =	stream.linear.gather [hbm4b:s1+s0], $0x2800, $0x38;
	[tilespmem:$0x12800] =	vst v63  }
0x36: {  	_ =	swait.ge [sflag:s10], $0x2800  }
0x37: {  	[sflag:s10] =	ssyncset.done $0x0  }
0x38: {  	[sflag:s10] =	ssyncadd.s32 $0xFFFFD800  }
0x39: {  	[tilespmem:s13], [sflag:$0x1] =	stream.indirect.gather [hbm4b:s3+s12], $0x40, s0, s12, $0xb8;
	[tilespmem:$0x12800] =	vst v63  }
0x3a: {  	_ = 	snop  }
0x3b: {  	[tilespmem:s14], [sflag:$0x2] =	stream.indirect.gather [hbm4b:s3+s12], $0x40, s12, s12, $0xb8;
	[tilespmem:$0x12800] =	vst v63  }
0x3c: {  	s11 =	simm.s32 $0x100  }
0x3d: {  	[tilespmem:s16], [sflag:$0x3] =	stream.indirect.gather [hbm4b:s3+s12], $0x40, s11, s12, $0xb8;
	[tilespmem:$0x12800] =	vst v63  }
0x3e: {  	s15 =	simm.s32 $0x180;
	s17 =	simm.s32 $0x8800  }
0x3f: {  	[tilespmem:s17], [sflag:$0x4] =	stream.indirect.gather [hbm4b:s3+s12], $0x40, s15, s12, $0xb8;
	[tilespmem:$0x12800] =	vst v63  }
0x40: {  	s18 =	simm.s32 $0x200  }
0x41: {  	[tilespmem:s20], [sflag:$0x5] =	stream.indirect.gather [hbm4b:s3+s12], $0x40, s18, s12, $0xb8;
	[tilespmem:$0x12800] =	vst v63  }
0x42: {  	s21 =	simm.s32 $0x280;
	s7 =	simm.s32 $0x0;
	s10 =	rddreg [dreg:$0x4]  }
0x43: {  	[tilespmem:s22], [sflag:$0x6] =	stream.indirect.gather [hbm4b:s3+s12], $0x40, s21, s12, $0xb8;
	[tilespmem:$0x12800] =	vst v63  }
.LBB2_2:
0x44: {  	_ =	swait.ge [sflag:s5], $0x2000;
	s0 =	sadd.s32 $0xFFFF0000, s10  }
0x45: {  	[sflag:s5] =	ssyncset.done $0x0;
	s0 =	sshrl.u32 s0, $0x3  }
0x46: {  	p0 =	seq.s32 s7, $0x0;
	[sflag:s5] =	ssyncadd.s32 $0xFFFFE000;
	s0 =	sadd.s32 s4, s0  }
0x47: {  	[hbm4b:s0+s23] =	stream.strided.scatter [tilespmem:s13], [sflag:$0x9], $0x2000, s12, s23, $0x38;
	[tilespmem:$0x12800] =	vst v63  }
0x48: {  	s0 =	simm.s32 @!p0 $0xF  }
0x49: {  	_ =	swait.ge @!p0 [sflag:s0], $0x2000  }
0x4a: {  	s11 =	sshra.s32 s7, $0x2;
	[sflag:s0] =	ssyncset.done @!p0 $0x0  }
0x4b: {  	s2 =	sadd.s32 $0x300, s11;
	[sflag:s0] =	ssyncadd.s32 @!p0 $0xFFFFE000  }
0x4c: {  	[tilespmem:s24], [sflag:$0x7] =	stream.indirect.gather [hbm4b:s3+s12], $0x40, s2, s12, $0xb8;
	[tilespmem:$0x12800] =	vst v63  }
0x4d: {  	s6 =	sadd.s32 $0xFFFF4000, s10;
	_ =	swait.ge [sflag:s25], $0x2000  }
0x4e: {  	s0 =	sshrl.u32 s6, $0x3;
	[sflag:s25] =	ssyncset.done $0x0  }
0x4f: {  	s0 =	sadd.s32 s4, s0;
	[sflag:s25] =	ssyncadd.s32 $0xFFFFE000  }
0x50: {  	[hbm4b:s0+s23] =	stream.strided.scatter [tilespmem:s14], [sflag:$0xA], $0x2000, s12, s23, $0x38;
	[tilespmem:$0x12800] =	vst v63  }
0x51: {  	s0 =	simm.s32 @!p0 $0x10  }
0x52: {  	_ =	swait.ge @!p0 [sflag:s0], $0x2000  }
0x53: {  	[sflag:s0] =	ssyncset.done @!p0 $0x0  }
0x54: {  	s15 =	sadd.s32 $0x380, s11;
	[sflag:s0] =	ssyncadd.s32 @!p0 $0xFFFFE000  }
0x55: {  	[tilespmem:s26], [sflag:$0x8] =	stream.indirect.gather [hbm4b:s3+s12], $0x40, s15, s12, $0xb8;
	[tilespmem:$0x12800] =	vst v63  }
0x56: {  	s17 =	sadd.s32 $0xFFFF8000, s10;
	_ =	swait.ge [sflag:s28], $0x2000  }
0x57: {  	s0 =	sshrl.u32 s17, $0x3;
	[sflag:s28] =	ssyncset.done $0x0  }
0x58: {  	p0 =	seq.s32 s7, $0x9000;
	s0 =	sadd.s32 s4, s0;
	[sflag:s28] =	ssyncadd.s32 $0xFFFFE000  }
0x59: {  	[hbm4b:s0+s23] =	stream.strided.scatter [tilespmem:s16], [sflag:$0xB], $0x2000, s12, s23, $0x38;
	[tilespmem:$0x12800] =	vst v63  }
0x5a: {  	s0 =	simm.s32 @p0 $0x4  }
0x5b: {  	_ =	swait.ge @p0 [sflag:s0], $0x2000  }
0x5c: {  	s15 =	simm.s32 @p0 $0x40;
	[sflag:s0] =	ssyncset.done @p0 $0x0  }
0x5d: {  	s17 =	simm.s32 @p0 $0x80;
	[sflag:s0] =	ssyncadd.s32 @p0 $0xFFFFE000;
	s0 =	simm.s32 @p0 $0x8800  }
0x5e: {  	[hbm4b:s8+s15] =	stream.strided.scatter @p0 [tilespmem:s0], [sflag:$0xC], $0x2000, s17, s15, $0x38;
	[tilespmem:$0x12800] =	vst v63  }
0x5f: {  	s0 =	simm.s32 @!p0 $0x9  }
0x60: {  	_ =	swait.ge @!p0 [sflag:s0], $0x2000  }
0x61: {  	s1 =	sshra.s32 @!p0 s7, $0x2;
	s21 =	simm.s32 @!p0 $0x2800;
	[sflag:s0] =	ssyncset.done @!p0 $0x0  }
0x62: {  	s18 =	sadd.s32 @!p0 $0x400, s1;
	[sflag:s0] =	ssyncadd.s32 @!p0 $0xFFFFE000;
	s0 =	simm.s32 @!p0 $0x80  }
0x63: {  	[tilespmem:s21], [sflag:$0x1] =	stream.indirect.gather @!p0 [hbm4b:s3+s0], $0x40, s18, s0, $0xb8;
	[tilespmem:$0x12800] =	vst v63  }
0x64: {  	s18 =	simm.s32 @!p0 $0x4  }
0x65: {  	_ =	swait.ge @!p0 [sflag:s18], $0x2000  }
0x66: {  	s21 =	sadd.s32 @!p0 $0xFFFFC000, s10;
	[sflag:s18] =	ssyncset.done @!p0 $0x0  }
0x67: {  	[sflag:s18] =	ssyncadd.s32 @!p0 $0xFFFFE000;
	s18 =	sshrl.u32 @!p0 s21, $0x3  }
0x68: {  	s2 =	simm.s32 @!p0 $0x8800;
	s21 =	simm.s32 @!p0 $0x40;
	s18 =	sadd.s32 @!p0 s4, s18  }
0x69: {  	[hbm4b:s18+s21] =	stream.strided.scatter @!p0 [tilespmem:s2], [sflag:$0xC], $0x2000, s0, s21, $0x38;
	[tilespmem:$0x12800] =	vst v63  }
0x6a: {  	s18 =	simm.s32 @!p0 $0xA  }
0x6b: {  	_ =	swait.ge @!p0 [sflag:s18], $0x2000  }
0x6c: {  	[sflag:s18] =	ssyncset.done @!p0 $0x0  }
0x6d: {  	s6 =	simm.s32 @!p0 $0x4800;
	[sflag:s18] =	ssyncadd.s32 @!p0 $0xFFFFE000;
	s18 =	sadd.s32 @!p0 $0x480, s1  }
0x6e: {  	[tilespmem:s6], [sflag:$0x2] =	stream.indirect.gather @!p0 [hbm4b:s3+s0], $0x40, s18, s0, $0xb8;
	[tilespmem:$0x12800] =	vst v63  }
0x6f: {  	_ =	swait.ge [sflag:s29], $0x2000  }
0x70: {  	s18 =	sshrl.u32 s10, $0x3;
	[sflag:s29] =	ssyncset.done $0x0  }
0x71: {  	s6 =	sadd.s32 s4, s18;
	[sflag:s29] =	ssyncadd.s32 $0xFFFFE000  }
0x72: {  	[hbm4b:s6+s23] =	stream.strided.scatter [tilespmem:s20], [sflag:$0xD], $0x2000, s12, s23, $0x38;
	[tilespmem:$0x12800] =	vst v63  }
0x73: {  	s6 =	simm.s32 @p0 $0x6  }
0x74: {  	_ =	swait.ge @p0 [sflag:s6], $0x2000  }
0x75: {  	[sflag:s6] =	ssyncset.done @p0 $0x0  }
0x76: {  	[sflag:s6] =	ssyncadd.s32 @p0 $0xFFFFE000;
	s6 =	simm.s32 @p0 $0xC800  }
0x77: {  	[hbm4b:s9+s15] =	stream.strided.scatter @p0 [tilespmem:s6], [sflag:$0xE], $0x2000, s17, s15, $0x38;
	[tilespmem:$0x12800] =	vst v63  }
0x78: {  	s6 =	simm.s32 @!p0 $0xB  }
0x79: {  	_ =	swait.ge @!p0 [sflag:s6], $0x2000  }
0x7a: {  	[sflag:s6] =	ssyncset.done @!p0 $0x0  }
0x7b: {  	s15 =	simm.s32 @!p0 $0x6800;
	[sflag:s6] =	ssyncadd.s32 @!p0 $0xFFFFE000;
	s6 =	sadd.s32 @!p0 $0x500, s1  }
0x7c: {  	[tilespmem:s15], [sflag:$0x3] =	stream.indirect.gather @!p0 [hbm4b:s3+s0], $0x40, s6, s0, $0xb8;
	[tilespmem:$0x12800] =	vst v63  }
0x7d: {  	s6 =	simm.s32 @!p0 $0x6  }
0x7e: {  	s15 =	sadd.s32 @!p0 $0x4000, s10;
	_ =	swait.ge @!p0 [sflag:s6], $0x2000  }
0x7f: {  	s15 =	sshrl.u32 @!p0 s15, $0x3;
	[sflag:s6] =	ssyncset.done @!p0 $0x0  }
0x80: {  	[sflag:s6] =	ssyncadd.s32 @!p0 $0xFFFFE000;
	s6 =	sadd.s32 @!p0 s4, s15;
	s15 =	simm.s32 @!p0 $0xC800  }
0x81: {  	[hbm4b:s6+s21] =	stream.strided.scatter @!p0 [tilespmem:s15], [sflag:$0xE], $0x2000, s0, s21, $0x38;
	[tilespmem:$0x12800] =	vst v63  }
0x82: {  	s6 =	simm.s32 @!p0 $0xC  }
0x83: {  	_ =	swait.ge @!p0 [sflag:s6], $0x2000  }
0x84: {  	[sflag:s6] =	ssyncset.done @!p0 $0x0  }
0x85: {  	[sflag:s6] =	ssyncadd.s32 @!p0 $0xFFFFE000;
	s6 =	sadd.s32 @!p0 $0x580, s1  }
0x86: {  	[tilespmem:s2], [sflag:$0x4] =	stream.indirect.gather @!p0 [hbm4b:s3+s0], $0x40, s6, s0, $0xb8;
	[tilespmem:$0x12800] =	vst v63  }
0x87: {  	s18 =	sadd.s32 $0x8000, s10;
	_ =	swait.ge [sflag:s30], $0x2000  }
0x88: {  	s2 =	sshrl.u32 s18, $0x3;
	[sflag:s30] =	ssyncset.done $0x0  }
0x89: {  	s2 =	sadd.s32 s4, s2;
	[sflag:s30] =	ssyncadd.s32 $0xFFFFE000  }
0x8a: {  	[hbm4b:s2+s23] =	stream.strided.scatter [tilespmem:s24], [sflag:$0xF], $0x2000, s12, s23, $0x38;
	[tilespmem:$0x12800] =	vst v63  }
0x8b: {  	s2 =	simm.s32 @!p0 $0xD  }
0x8c: {  	_ =	swait.ge @!p0 [sflag:s2], $0x2000  }
0x8d: {  	[sflag:s2] =	ssyncset.done @!p0 $0x0  }
0x8e: {  	s1 =	sadd.s32 @!p0 $0x600, s1;
	[sflag:s2] =	ssyncadd.s32 @!p0 $0xFFFFE000;
	s2 =	simm.s32 @!p0 $0xA800  }
0x8f: {  	[tilespmem:s2], [sflag:$0x5] =	stream.indirect.gather @!p0 [hbm4b:s3+s0], $0x40, s1, s0, $0xb8;
	[tilespmem:$0x12800] =	vst v63  }
.Ltmp2:
0x90: {  	_ = 	snop;
	(pc) =	sbr.rel @p0 .LBB2_4-.Ltmp2, $4  }
0x91: {  	s21 =	sadd.s32 $0xC000, s10;
	_ =	swait.ge [sflag:s31], $0x2000  }
0x92: {  	s0 =	sshrl.u32 s21, $0x3;
	[sflag:s31] =	ssyncset.done $0x0  }
0x93: {  	s0 =	sadd.s32 s4, s0;
	[sflag:s31] =	ssyncadd.s32 $0xFFFFE000  }
0x94: {  	[hbm4b:s0+s23] =	stream.strided.scatter [tilespmem:s26], [sflag:$0x10], $0x2000, s12, s23, $0x38;
	[tilespmem:$0x12800] =	vst v63  }
.Ltmp3:
0x95: {  	(pc) =	sbr.rel .LBB2_2-.Ltmp3, $4  }
0x96: {  	_ =	swait.ge [sflag:s19], $0x2000  }
0x97: {  	s0 =	sadd.s32 $0x680, s11;
	[sflag:s19] =	ssyncset.done $0x0  }
0x98: {  	s7 =	sadd.s32 $0x1000, s7;
	s10 =	sadd.s32 $0x20000, s10;
	[sflag:s19] =	ssyncadd.s32 $0xFFFFE000  }
0x99: {  	[tilespmem:s22], [sflag:$0x6] =	stream.indirect.gather [hbm4b:s3+s12], $0x40, s0, s12, $0xb8;
	[tilespmem:$0x12800] =	vst v63  }
.LBB2_5:
0x9a: {  	_ =	sfence.sel $0x180000  }
0x9b: {  	[bflag:$0x0] =	sbarrier.arrive $0xFFFF  }
0x9c: {  	_ =	strace $0x9000004A  }
0x9d: {  	s0 =	stileid.u32;
	[bflag:$0x2] =	sbarrier.arrive $0xFFFF  }
0x9e: {  	p0 =	sne.s32 s0, $0x0;
	s0 =	rddreg [dreg:$0x1]  }
0x9f: {  	s0 =	sadd.s32 @!p0 $0x100000, s0  }
0xa0: {  	[sflag:s0] =	ssyncadd.tile.s32 @!p0 $0x1;
	_ =	shalt  }
.Lfunc_end2:
_tile_overlayer_lowered:
.L_overlay_start_2:
0xa1: {  	(tag) =	ssettag $0x2  }
0xa2: {  	s0 =	rddreg [dreg:$0x0];
	s2 =	stileid.u32  }
0xa3: {  	s1 =	rddreg [dreg:$0x1];
	p0 =	sne.s32 s2, $0x0  }
0xa4: {  	s3 =	rddreg [dreg:$0x2];
	[bflag:$0x3] =	sbarrier.arrive $0xFFFF;
	s2 =	simm.s32 @!p0 $0x1C11  }
0xa5: {  	[timem:s3], [sflag:s2] =	dma.local @!p0 [hbm:s0], s1  }
0xa6: {  	s0 =	simm.s32 @!p0 $0x11  }
0xa7: {  	_ =	swait.ge @!p0 [sflag:s0], s1  }
0xa8: {  	s1 =	ssub.s32 @!p0 $0x0, s1;
	[sflag:s0] =	ssyncset.done @!p0 $0x0  }
0xa9: {  	[sflag:s0] =	ssyncadd.s32 @!p0 s1  }
0xaa: {  	[bflag:$0x3] =	sbarrier.arrive $0xFFFF  }
0xab: {  	_ =	shalt  }

// kernel: kernel.22.cloned.1.call-start
scs
__scs_entry_jumppad:
0x0: {  	(pc) =	sbr.rel $0x88, $3  }
0x1: {  	(tag) =	ssettag $0x0;
	lr =	simm.s32 $0x1  }
0x2: {  	[smem:$0x3F8C] =	sst lr;
	_ =	strace $0xD0000000  }
0x3: {  	_ = 	snop  }
0x4: {  	_ = 	snop  }
0x5: {  	_ = 	snop  }
0x6: {  	_ = 	snop  }
0x7: {  	_ = 	snop  }
__scs_overlays_trampoline_lowered:
0x8: {  	[smem:$0x3F9B] =	sst s0  }
0x9: {  	[smem:$0x3F9C] =	sst s1  }
0xa: {  	[smem:$0x3F9D] =	sst s2  }
0xb: {  	[smem:$0x3F9E] =	sst s3  }
0xc: {  	[smem:$0x3F9F] =	sst s4  }
0xd: {  	[smem:$0x3FA0] =	sst s5  }
0xe: {  	[smem:$0x3FA1] =	sst s6  }
0xf: {  	[smem:$0x3FA2] =	sst s7  }
0x10: {  	[smem:$0x3FA3] =	sst s8  }
0x11: {  	[smem:$0x3FA4] =	sst s9;
	s0 =	simm.s32 @!p0 $0x0  }
0x12: {  	s1 =	sld [smem:$0x3F8A];
	s0 =	simm.s32 @p0 $0x1  }
0x13: {  	[smem:$0x3FA5] =	sst s0;
	s0 =	simm.s32 @!p1 $0x0  }
0x14: {  	s2 =	sld [smem:$0x3F89];
	s0 =	simm.s32 @p1 $0x1  }
0x15: {  	[smem:$0x3FA6] =	sst s0;
	s0 =	simm.s32 @!p2 $0x0  }
0x16: {  	s3 =	sld [smem:$0x3FDB];
	s0 =	simm.s32 @p2 $0x1  }
0x17: {  	s4 =	simm.s32 $0x1BF5;
	[smem:$0x3FA8] =	sst s0  }
0x18: {  	s0 =	sld [smem:$0x3F8B];
	_ =	swait.ge [sflag:s4], $0x0  }
0x19: {  	s7 =	sld [smem:$0x3F8C]  }
0x1a: {  	s8 =	sadd.s32 $0xFFFFE003, lr  }
0x1b: {  	s9 =	sadd.s32 $0xFFFFFEF7, lr;
	s5 =	simm.s32 $0xFFFFFFFF;
	p2 =	slt.u32 s8, $0xFFFFF086  }
0x1c: {  	p1 =	slt.u32 s9, $0xF7A;
	s5 =	simm.s32 @!p2 $0x0  }
0x1d: {  	s5 =	simm.s32 @p1 $0x1;
	p0 =	seq.s32 s7, s2  }
0x1e: {  	s7 =	smul.u32 @!p0 $0xF7A, s2;
	p2 =	seq.s32 @!p0 s5, $0x0  }
0x1f: {  	s9 =	smul.u32 $0xF7A, s1;
	s8 =	simm.s32 @!p0 $0x1BF5;
	p2 =	por !p2, p0  }
0x20: {  	[sflag:s8] =	ssyncset.s32 @!p0 $0xFFFFF086;
	s6 =	sadd.s32 @!p0 s3, s7;
	s7 =	simm.s32 @!p0 $0x108  }
0x21: {  	s3 =	sadd.s32 s3, s9;
	s6 =	sadd.s32 @!p0 $0x88, s6;
	s7 =	simm.s32 @p2 $0x1082  }
0x22: {  	[simem:s7], [sflag:s8] =	dma.local @!p0 [hbm:s6], $0xF7A  }
0x23: {  	s9 =	sor.u32 $0xD0000000, s2;
	s6 =	simm.s32 $0x108;
	_ =	swait.ge @!p0 [sflag:s8], $0x0  }
0x24: {  	s3 =	sadd.s32 $0x88, s3;
	s6 =	simm.s32 @!p1 $0x1082;
	[sflag:s4] =	ssyncset.s32 $0xFFFFF086  }
0x25: {  	[simem:s6], [sflag:s4] =	dma.local [hbm:s3], $0xF7A  }
0x26: {  	[smem:$0x3F8C] =	sst s1;
	(tag) =	ssettag s2;
	_ =	strace s9  }
0x27: {  	s1 =	sld [smem:$0x3F9C]  }
0x28: {  	s2 =	sld [smem:$0x3F9D]  }
0x29: {  	s4 =	sld [smem:$0x3F9F]  }
0x2a: {  	p0 =	seq.s32 s5, $0x0;
	s5 =	sld [smem:$0x3FA0]  }
0x2b: {  	s6 =	sld [smem:$0x3FA1]  }
0x2c: {  	s7 =	sld [smem:$0x3FA2]  }
0x2d: {  	s3 =	simm.s32 $0x108;
	s8 =	sld [smem:$0x3FA3]  }
0x2e: {  	s3 =	simm.s32 @!p0 $0x1082;
	s9 =	sld [smem:$0x3FA4]  }
0x2f: {  	lr =	sadd.s32 s0, s3;
	s0 =	sld [smem:$0x3F9B]  }
0x30: {  	s3 =	sld [smem:$0x3F9E]  }
0x31: {  	[smem:$0x3FA7] =	sst s10  }
0x32: {  	s10 =	sld [smem:$0x3FA5];
	_ =	sdelay $0x3  }
0x33: {  	p0 =	seq.s32 s10, $0x1;
	s10 =	sld [smem:$0x3FA7];
	_ =	sdelay $0x3  }
0x34: {  	[smem:$0x3FA7] =	sst s10  }
0x35: {  	s10 =	sld [smem:$0x3FA6];
	_ =	sdelay $0x3  }
0x36: {  	p1 =	seq.s32 s10, $0x1;
	s10 =	sld [smem:$0x3FA7];
	_ =	sdelay $0x3  }
0x37: {  	[smem:$0x3FA7] =	sst s10  }
0x38: {  	s10 =	sld [smem:$0x3FA8]  }
0x39: {  	_ = 	snop;
	(pc) =	sbr.ind lr, $3  }
0x3a: {  	_ = 	snop  }
0x3b: {  	_ = 	snop  }
0x3c: {  	p2 =	seq.s32 s10, $0x1;
	s10 =	sld [smem:$0x3FA7]  }
0x3d: {  	_ =	shalt  }
0x3e: {  	_ =	shalt  }
0x3f: {  	_ =	shalt  }
0x40: {  	_ =	shalt  }
0x41: {  	_ =	shalt  }
0x42: {  	_ =	shalt  }
0x43: {  	_ =	shalt  }
0x44: {  	_ =	shalt  }
0x45: {  	_ =	shalt  }
0x46: {  	_ =	shalt  }
0x47: {  	_ =	shalt  }
0x48: {  	_ =	shalt  }
0x49: {  	_ =	shalt  }
0x4a: {  	_ =	shalt  }
0x4b: {  	_ =	shalt  }
0x4c: {  	_ =	shalt  }
0x4d: {  	_ =	shalt  }
0x4e: {  	_ =	shalt  }
0x4f: {  	_ =	shalt  }
0x50: {  	_ =	shalt  }
0x51: {  	_ =	shalt  }
0x52: {  	_ =	shalt  }
0x53: {  	_ =	shalt  }
0x54: {  	_ =	shalt  }
0x55: {  	_ =	shalt  }
0x56: {  	_ =	shalt  }
0x57: {  	_ =	shalt  }
0x58: {  	_ =	shalt  }
0x59: {  	_ =	shalt  }
0x5a: {  	_ =	shalt  }
0x5b: {  	_ =	shalt  }
0x5c: {  	_ =	shalt  }
0x5d: {  	_ =	shalt  }
0x5e: {  	_ =	shalt  }
0x5f: {  	_ =	shalt  }
0x60: {  	_ =	shalt  }
0x61: {  	_ =	shalt  }
0x62: {  	_ =	shalt  }
0x63: {  	_ =	shalt  }
0x64: {  	_ =	shalt  }
0x65: {  	_ =	shalt  }
0x66: {  	_ =	shalt  }
0x67: {  	_ =	shalt  }
0x68: {  	_ =	shalt  }
0x69: {  	_ =	shalt  }
0x6a: {  	_ =	shalt  }
0x6b: {  	_ =	shalt  }
0x6c: {  	_ =	shalt  }
0x6d: {  	_ =	shalt  }
0x6e: {  	_ =	shalt  }
0x6f: {  	_ =	shalt  }
0x70: {  	_ =	shalt  }
0x71: {  	_ =	shalt  }
0x72: {  	_ =	shalt  }
0x73: {  	_ =	shalt  }
0x74: {  	_ =	shalt  }
0x75: {  	_ =	shalt  }
0x76: {  	_ =	shalt  }
0x77: {  	_ =	shalt  }
0x78: {  	_ =	shalt  }
0x79: {  	_ =	shalt  }
0x7a: {  	_ =	shalt  }
0x7b: {  	_ =	shalt  }
0x7c: {  	_ =	shalt  }
0x7d: {  	_ =	shalt  }
0x7e: {  	_ =	shalt  }
0x7f: {  	_ =	shalt  }
0x80: {  	_ =	shalt  }
0x81: {  	_ =	shalt  }
0x82: {  	_ =	shalt  }
0x83: {  	_ =	shalt  }
0x84: {  	_ =	shalt  }
0x85: {  	_ =	shalt  }
0x86: {  	_ =	shalt  }
0x87: {  	_ =	shalt  }
.Lfunc_end0:
.L_simem_size_0:
called_computation.2_lowered:
.L_overlay_start_0:
0x88: {  	s2 =	sld [smem:$0x3FD9]  }
0x89: {  	s3 =	sld [smem:$0x3FFE];
	_ =	sdelay $0x1  }
0x8a: {  	s1 =	srdreg.scid  }
0x8b: {  	s0 =	sand.u32 $0x1, s1  }
0x8c: {  	s16 =	sshll.u32 s0, $0xA;
	s2 =	sadd.s32 s3, s2  }
0x8d: {  	s2 =	sadd.s32 s2, s16  }
0x8e: {  	[smem:$0x3FB3] =	sst s2  }
0x8f: {  	_ = 	snop  }
0x90: {  	(tm) =	ssettm $0x1  }
0x91: {  	s17 =	sld [smem:$0x3FFB];
	_ =	sdelay $0x3  }
0x92: {  	_ =	strace s17  }
0x93: {  	s2 =	sld [smem:$0x3FFC];
	_ =	sdelay $0x3  }
0x94: {  	_ =	strace s2  }
0x95: {  	s2 =	sld [smem:$0x3FFD];
	_ =	sdelay $0x3  }
0x96: {  	_ =	strace s2  }
0x97: {  	_ =	strace $0x8FFFFFFF  }
0x98: {  	s18 =	sld [smem:$0x3FDB];
	_ =	sdelay $0x1  }
0x99: {  	s19 =	simm.s32 $_scs_section_size  }
0x9a: {  	s4 =	simm.s32 $_size__tile_overlayer_lowered;
	s5 =	simm.s32 $_tile_overlayer_lowered  }
0x9b: {  	s22 =	simm.s32 $0x1BFF;
	s21 =	sshll.u32 s5, $0x1;
	s2 =	sadd.s32 s19, s18  }
0x9c: {  	s6 =	simm.s32 $0x0;
	s20 =	sshll.u32 s4, $0x1;
	s4 =	sadd.s32 s21, s2  }
0x9d: {  	[timem:s6], [sflag:s22] =	dma.local [hbm:s4], s20  }
0x9e: {  	_ =	swait.ge [sflag:s22], s20  }
0x9f: {  	s3 =	ssub.s32 $0x0, s20;
	[sflag:s22] =	ssyncset.done $0x0  }
0xa0: {  	[sflag:s22] =	ssyncadd.s32 s3;
	_ =	sdelay $0x1  }
0xa1: {  	s23 =	simm.s32 $0x1B8B  }
0xa2: {  	_ =	swait.ge [sflag:s23], $0x1  }
0xa3: {  	[sflag:s23] =	ssyncset.done $0x0  }
0xa4: {  	s25 =	simm.s32 $0x1B8E;
	s24 =	sld [smem:$0x3FFE];
	[sflag:s23] =	ssyncadd.s32 $0xFFFFFFFF  }
0xa5: {  	s26 =	simm.s32 $execute0_lowered;
	[smem:$0x3FD2] =	sst s25  }
0xa6: {  	s4 =	sshll.u32 s26, $0x1;
	_ =	strace $0x8000004C;
	[dreg:$0x1] =	wrdreg $0xFFFFFFFF  }
0xa7: {  	s28 =	simm.s32 $_size_execute0_lowered;
	s2 =	sadd.s32 s2, s4;
	[dreg:$0x0] =	wrdreg $0x0  }
0xa8: {  	s4 =	sshll.u32 s28, $0x1;
	[dreg:$0x2] =	wrdreg s2  }
0xa9: {  	[dreg:$0x3] =	wrdreg s4  }
0xaa: {  	[dreg:$0x4] =	wrdreg $0xC0  }
0xab: {  	_ =	task [dreg:s6], $0x5FFFF  }
0xac: {  	[dreg:$0x1] =	wrdreg $0xFFFFFFFF  }
0xad: {  	[dreg:$0x0] =	wrdreg $0x60  }
0xae: {  	[dreg:$0x2] =	wrdreg s24  }
0xaf: {  	[dreg:$0x3] =	wrdreg $0x9  }
0xb0: {  	_ =	task.clear_ibuf [dreg:s6], $0x4FFFF;
	_ =	strace $0x9000004C  }
0xb1: {  	s29 =	simm.s32 $0x9;
	_ =	strace $0x8000004E  }
0xb2: {  	_ =	swait.ge [sflag:s29], $0x1  }
0xb3: {  	[sflag:s29] =	ssyncadd.s32 $0xFFFFFFFF  }
0xb4: {  	_ =	strace $0x9000004E  }
0xb5: {  	_ =	sfence  }
0xb6: {  	s30 =	sld [smem:$0x0];
	_ =	sdelay $0x2  }
0xb7: {  	s31 =	sshll.u32 s1, $0xD;
	s1 =	sshrl.u32 s1, $0x2  }
0xb8: {  	s3 =	sand.u32 $0x4000, s31;
	s1 =	sadd.s32 s1, s30  }
0xb9: {  	s0 =	sor.u32 s3, s0;
	s1 =	sshll.u32 s1, $0x11  }
0xba: {  	s0 =	sor.u32 s1, s0  }
0xbb: {  	s0 =	sadd.s32 $0x8F2B, s0  }
0xbc: {  	[sflag:s0] =	ssyncadd.remote.s32 $0x1  }
0xbd: {  	_ =	sfence.sel $0xFFFF  }
0xbe: {  	[dreg:$0x0] =	wrdreg $0xFFFFFFFF;
	(pc) =	sbr.abs _section_cstart, $3  }
0xbf: {  	[dreg:$0x1] =	wrdreg $0xFFFFFFFF  }
0xc0: {  	_ =	task.clear_ibuf [dreg:s6], $0x2FFFF;
	_ =	strace $0x9FFFFFFF  }
0xc1: {  	(tm) =	ssettm $0x7FFFFFFF  }
tec
execute0_lowered:
.L_overlay_start_1:
0x0: {  	(tag) =	ssettag $0x1  }
0x1: {  	s0 =	srdreg.scid  }
0x2: {  	s5 =	stileid.u32;
	s2 =	rddreg [dreg:$0x0]  }
0x3: {  	s3 =	simm.s32 $0x0;
	s4 =	simm.s32 $0x1;
	s12 =	simm.s32 $0x80  }
0x4: {  	s13 =	simm.s32 $0x2800;
	s14 =	simm.s32 $0x4800;
	s16 =	simm.s32 $0x6800  }
0x5: {  	s20 =	simm.s32 $0xA800;
	s28 =	simm.s32 $0x3;
	s29 =	simm.s32 $0x5  }
0x6: {  	s30 =	simm.s32 $0x7;
	s0 =	sand.u32 $0x1, s0;
	s1 =	sshll.u32 s5, $0x1  }
0x7: {  	s31 =	simm.s32 $0x8;
	s19 =	simm.s32 $0xE;
	s1 =	sor.u32 s0, s1  }
0x8: {  	[smem:$0x7FF] =	sst s3;
	p0 =	seq.s32 s0, $0x1;
	p1 =	seq.s32 s1, $0x0  }
0x9: {  	s0 =	ssub.s32 $0x2, s0;
	s1 =	smul.u32 $0x500, s1;
	p1 =	por !p1, !p0  }
0xa: {  	_ =	strace $0x8000004D;
	s7 =	sshrl.u32 s0, $0x1;
	p1 =	por !p1, !p1  }
0xb: {  	s0 =	ssub.s32 s0, s7;
	s1 =	sadd.s32 s1, s2;
	s4 =	simm.s32 @!p1 $0x0  }
0xc: {  	s0 =	smax.u32 s0, $0x1;
	s1 =	sadd.s32 $0x5400, s1;
	s4 =	ssub.s32 s5, s4  }
0xd: {  	[dreg:$0x3] =	wrdreg s0;
	s5 =	simm.s32 $0x140000;
	s6 =	smul.u32 $0x280000, s4  }
0xe: {  	s3 =	sadd.s32 $0xAF400, s2;
	[dreg:$0x2] =	wrdreg s1;
	s5 =	simm.s32 @!p0 $0x0  }
0xf: {  	s4 =	sadd.s32 $0xD7400, s2;
	s2 =	simm.s32 $0x0;
	s22 =	sadd.s32 s6, s5  }
.Ltmp0:
0x10: {  	s5 =	simm.s32 $0x1;
	s6 =	sadd.s32 $0x12C000, s22;
	(pc) =	sbr.rel .LBB2_1-.Ltmp0, $4  }
0x11: {  	s23 =	sadd.s32 $0x134000, s22;
	s26 =	sor.u32 $0x10000, s22;
	s22 =	simm.s32 $0xC800  }
0x12: {  	s24 =	sshrl.u32 s6, $0x3;
	s25 =	sshrl.u32 s23, $0x3;
	[dreg:$0x4] =	wrdreg s26  }
0x13: {  	s23 =	simm.s32 $0x40;
	s26 =	simm.s32 $0x10800;
	s8 =	sadd.s32 s4, s24  }
0x14: {  	s9 =	sadd.s32 s4, s25;
	s24 =	simm.s32 $0xE800;
	s25 =	simm.s32 $0x2  }
.LBB2_4:
0x15: {  	s0 =	simm.s32 $0x9  }
0x16: {  	_ =	swait.ge [sflag:s0], $0x2000  }
0x17: {  	[sflag:s0] =	ssyncset.done $0x0  }
0x18: {  	s10 =	simm.s32 $0xA;
	[sflag:s0] =	ssyncadd.s32 $0xFFFFE000  }
0x19: {  	_ =	swait.ge [sflag:s10], $0x2000  }
0x1a: {  	[sflag:s10] =	ssyncset.done $0x0  }
0x1b: {  	s11 =	simm.s32 $0xB;
	[sflag:s10] =	ssyncadd.s32 $0xFFFFE000  }
0x1c: {  	_ =	swait.ge [sflag:s11], $0x2000  }
0x1d: {  	[sflag:s11] =	ssyncset.done $0x0  }
0x1e: {  	s15 =	simm.s32 $0xC;
	[sflag:s11] =	ssyncadd.s32 $0xFFFFE000  }
0x1f: {  	_ =	swait.ge [sflag:s15], $0x2000  }
0x20: {  	[sflag:s15] =	ssyncset.done $0x0  }
0x21: {  	s17 =	simm.s32 $0xD;
	[sflag:s15] =	ssyncadd.s32 $0xFFFFE000  }
0x22: {  	_ =	swait.ge [sflag:s17], $0x2000  }
0x23: {  	[sflag:s17] =	ssyncset.done $0x0  }
0x24: {  	[sflag:s17] =	ssyncadd.s32 $0xFFFFE000  }
0x25: {  	_ =	swait.ge [sflag:s19], $0x2000  }
0x26: {  	[sflag:s19] =	ssyncset.done $0x0  }
0x27: {  	s18 =	simm.s32 $0xF;
	[sflag:s19] =	ssyncadd.s32 $0xFFFFE000  }
0x28: {  	_ =	swait.ge [sflag:s18], $0x2000  }
0x29: {  	[sflag:s18] =	ssyncset.done $0x0  }
0x2a: {  	s1 =	simm.s32 $0x10;
	[sflag:s18] =	ssyncadd.s32 $0xFFFFE000  }
0x2b: {  	_ =	swait.ge [sflag:s1], $0x2000  }
0x2c: {  	s2 =	rddreg [dreg:$0x5]  }
0x2d: {  	s21 =	rddreg [dreg:$0x3];
	s2 =	sadd.s32 $0x1, s2  }
0x2e: {  	p0 =	sne.s32 s2, s21  }
.Ltmp1:
0x2f: {  	_ = 	snop;
	(pc) =	sbr.rel @!p0 .LBB2_5-.Ltmp1, $3  }
0x30: {  	_ =	sdelay $0x1  }
0x31: {  	[sflag:s1] =	ssyncset.done $0x0  }
0x32: {  	[sflag:s1] =	ssyncadd.s32 $0xFFFFE000  }
.LBB2_1:
0x33: {  	[dreg:$0x5] =	wrdreg s2  }
0x34: {  	s0 =	simm.s32 $0x0;
	s1 =	rddreg [dreg:$0x2];
	s10 =	simm.s32 $0x11  }
0x35: {  	[tilespmem:s0], [sflag:$0x11] =	stream.linear.gather [hbm4b:s1+s0], $0x2800, $0x38;
	[tilespmem:$0x12800] =	vst v63  }
0x36: {  	_ =	swait.ge [sflag:s10], $0x2800  }
0x37: {  	[sflag:s10] =	ssyncset.done $0x0  }
0x38: {  	[sflag:s10] =	ssyncadd.s32 $0xFFFFD800  }
0x39: {  	[tilespmem:s13], [sflag:$0x1] =	stream.indirect.gather [hbm4b:s3+s12], $0x40, s0, s12, $0xb8;
	[tilespmem:$0x12800] =	vst v63  }
0x3a: {  	_ = 	snop  }
0x3b: {  	[tilespmem:s14], [sflag:$0x2] =	stream.indirect.gather [hbm4b:s3+s12], $0x40, s12, s12, $0xb8;
	[tilespmem:$0x12800] =	vst v63  }
0x3c: {  	s11 =	simm.s32 $0x100  }
0x3d: {  	[tilespmem:s16], [sflag:$0x3] =	stream.indirect.gather [hbm4b:s3+s12], $0x40, s11, s12, $0xb8;
	[tilespmem:$0x12800] =	vst v63  }
0x3e: {  	s15 =	simm.s32 $0x180;
	s17 =	simm.s32 $0x8800  }
0x3f: {  	[tilespmem:s17], [sflag:$0x4] =	stream.indirect.gather [hbm4b:s3+s12], $0x40, s15, s12, $0xb8;
	[tilespmem:$0x12800] =	vst v63  }
0x40: {  	s18 =	simm.s32 $0x200  }
0x41: {  	[tilespmem:s20], [sflag:$0x5] =	stream.indirect.gather [hbm4b:s3+s12], $0x40, s18, s12, $0xb8;
	[tilespmem:$0x12800] =	vst v63  }
0x42: {  	s21 =	simm.s32 $0x280;
	s7 =	simm.s32 $0x0;
	s10 =	rddreg [dreg:$0x4]  }
0x43: {  	[tilespmem:s22], [sflag:$0x6] =	stream.indirect.gather [hbm4b:s3+s12], $0x40, s21, s12, $0xb8;
	[tilespmem:$0x12800] =	vst v63  }
.LBB2_2:
0x44: {  	_ =	swait.ge [sflag:s5], $0x2000;
	s0 =	sadd.s32 $0xFFFF0000, s10  }
0x45: {  	[sflag:s5] =	ssyncset.done $0x0;
	s0 =	sshrl.u32 s0, $0x3  }
0x46: {  	p0 =	seq.s32 s7, $0x0;
	[sflag:s5] =	ssyncadd.s32 $0xFFFFE000;
	s0 =	sadd.s32 s4, s0  }
0x47: {  	[hbm4b:s0+s23] =	stream.strided.scatter [tilespmem:s13], [sflag:$0x9], $0x2000, s12, s23, $0x38;
	[tilespmem:$0x12800] =	vst v63  }
0x48: {  	s0 =	simm.s32 @!p0 $0xF  }
0x49: {  	_ =	swait.ge @!p0 [sflag:s0], $0x2000  }
0x4a: {  	s11 =	sshra.s32 s7, $0x2;
	[sflag:s0] =	ssyncset.done @!p0 $0x0  }
0x4b: {  	s2 =	sadd.s32 $0x300, s11;
	[sflag:s0] =	ssyncadd.s32 @!p0 $0xFFFFE000  }
0x4c: {  	[tilespmem:s24], [sflag:$0x7] =	stream.indirect.gather [hbm4b:s3+s12], $0x40, s2, s12, $0xb8;
	[tilespmem:$0x12800] =	vst v63  }
0x4d: {  	s6 =	sadd.s32 $0xFFFF4000, s10;
	_ =	swait.ge [sflag:s25], $0x2000  }
0x4e: {  	s0 =	sshrl.u32 s6, $0x3;
	[sflag:s25] =	ssyncset.done $0x0  }
0x4f: {  	s0 =	sadd.s32 s4, s0;
	[sflag:s25] =	ssyncadd.s32 $0xFFFFE000  }
0x50: {  	[hbm4b:s0+s23] =	stream.strided.scatter [tilespmem:s14], [sflag:$0xA], $0x2000, s12, s23, $0x38;
	[tilespmem:$0x12800] =	vst v63  }
0x51: {  	s0 =	simm.s32 @!p0 $0x10  }
0x52: {  	_ =	swait.ge @!p0 [sflag:s0], $0x2000  }
0x53: {  	[sflag:s0] =	ssyncset.done @!p0 $0x0  }
0x54: {  	s15 =	sadd.s32 $0x380, s11;
	[sflag:s0] =	ssyncadd.s32 @!p0 $0xFFFFE000  }
0x55: {  	[tilespmem:s26], [sflag:$0x8] =	stream.indirect.gather [hbm4b:s3+s12], $0x40, s15, s12, $0xb8;
	[tilespmem:$0x12800] =	vst v63  }
0x56: {  	s17 =	sadd.s32 $0xFFFF8000, s10;
	_ =	swait.ge [sflag:s28], $0x2000  }
0x57: {  	s0 =	sshrl.u32 s17, $0x3;
	[sflag:s28] =	ssyncset.done $0x0  }
0x58: {  	p0 =	seq.s32 s7, $0x9000;
	s0 =	sadd.s32 s4, s0;
	[sflag:s28] =	ssyncadd.s32 $0xFFFFE000  }
0x59: {  	[hbm4b:s0+s23] =	stream.strided.scatter [tilespmem:s16], [sflag:$0xB], $0x2000, s12, s23, $0x38;
	[tilespmem:$0x12800] =	vst v63  }
0x5a: {  	s0 =	simm.s32 @p0 $0x4  }
0x5b: {  	_ =	swait.ge @p0 [sflag:s0], $0x2000  }
0x5c: {  	s15 =	simm.s32 @p0 $0x40;
	[sflag:s0] =	ssyncset.done @p0 $0x0  }
0x5d: {  	s17 =	simm.s32 @p0 $0x80;
	[sflag:s0] =	ssyncadd.s32 @p0 $0xFFFFE000;
	s0 =	simm.s32 @p0 $0x8800  }
0x5e: {  	[hbm4b:s8+s15] =	stream.strided.scatter @p0 [tilespmem:s0], [sflag:$0xC], $0x2000, s17, s15, $0x38;
	[tilespmem:$0x12800] =	vst v63  }
0x5f: {  	s0 =	simm.s32 @!p0 $0x9  }
0x60: {  	_ =	swait.ge @!p0 [sflag:s0], $0x2000  }
0x61: {  	s1 =	sshra.s32 @!p0 s7, $0x2;
	s21 =	simm.s32 @!p0 $0x2800;
	[sflag:s0] =	ssyncset.done @!p0 $0x0  }
0x62: {  	s18 =	sadd.s32 @!p0 $0x400, s1;
	[sflag:s0] =	ssyncadd.s32 @!p0 $0xFFFFE000;
	s0 =	simm.s32 @!p0 $0x80  }
0x63: {  	[tilespmem:s21], [sflag:$0x1] =	stream.indirect.gather @!p0 [hbm4b:s3+s0], $0x40, s18, s0, $0xb8;
	[tilespmem:$0x12800] =	vst v63  }
0x64: {  	s18 =	simm.s32 @!p0 $0x4  }
0x65: {  	_ =	swait.ge @!p0 [sflag:s18], $0x2000  }
0x66: {  	s21 =	sadd.s32 @!p0 $0xFFFFC000, s10;
	[sflag:s18] =	ssyncset.done @!p0 $0x0  }
0x67: {  	[sflag:s18] =	ssyncadd.s32 @!p0 $0xFFFFE000;
	s18 =	sshrl.u32 @!p0 s21, $0x3  }
0x68: {  	s2 =	simm.s32 @!p0 $0x8800;
	s21 =	simm.s32 @!p0 $0x40;
	s18 =	sadd.s32 @!p0 s4, s18  }
0x69: {  	[hbm4b:s18+s21] =	stream.strided.scatter @!p0 [tilespmem:s2], [sflag:$0xC], $0x2000, s0, s21, $0x38;
	[tilespmem:$0x12800] =	vst v63  }
0x6a: {  	s18 =	simm.s32 @!p0 $0xA  }
0x6b: {  	_ =	swait.ge @!p0 [sflag:s18], $0x2000  }
0x6c: {  	[sflag:s18] =	ssyncset.done @!p0 $0x0  }
0x6d: {  	s6 =	simm.s32 @!p0 $0x4800;
	[sflag:s18] =	ssyncadd.s32 @!p0 $0xFFFFE000;
	s18 =	sadd.s32 @!p0 $0x480, s1  }
0x6e: {  	[tilespmem:s6], [sflag:$0x2] =	stream.indirect.gather @!p0 [hbm4b:s3+s0], $0x40, s18, s0, $0xb8;
	[tilespmem:$0x12800] =	vst v63  }
0x6f: {  	_ =	swait.ge [sflag:s29], $0x2000  }
0x70: {  	s18 =	sshrl.u32 s10, $0x3;
	[sflag:s29] =	ssyncset.done $0x0  }
0x71: {  	s6 =	sadd.s32 s4, s18;
	[sflag:s29] =	ssyncadd.s32 $0xFFFFE000  }
0x72: {  	[hbm4b:s6+s23] =	stream.strided.scatter [tilespmem:s20], [sflag:$0xD], $0x2000, s12, s23, $0x38;
	[tilespmem:$0x12800] =	vst v63  }
0x73: {  	s6 =	simm.s32 @p0 $0x6  }
0x74: {  	_ =	swait.ge @p0 [sflag:s6], $0x2000  }
0x75: {  	[sflag:s6] =	ssyncset.done @p0 $0x0  }
0x76: {  	[sflag:s6] =	ssyncadd.s32 @p0 $0xFFFFE000;
	s6 =	simm.s32 @p0 $0xC800  }
0x77: {  	[hbm4b:s9+s15] =	stream.strided.scatter @p0 [tilespmem:s6], [sflag:$0xE], $0x2000, s17, s15, $0x38;
	[tilespmem:$0x12800] =	vst v63  }
0x78: {  	s6 =	simm.s32 @!p0 $0xB  }
0x79: {  	_ =	swait.ge @!p0 [sflag:s6], $0x2000  }
0x7a: {  	[sflag:s6] =	ssyncset.done @!p0 $0x0  }
0x7b: {  	s15 =	simm.s32 @!p0 $0x6800;
	[sflag:s6] =	ssyncadd.s32 @!p0 $0xFFFFE000;
	s6 =	sadd.s32 @!p0 $0x500, s1  }
0x7c: {  	[tilespmem:s15], [sflag:$0x3] =	stream.indirect.gather @!p0 [hbm4b:s3+s0], $0x40, s6, s0, $0xb8;
	[tilespmem:$0x12800] =	vst v63  }
0x7d: {  	s6 =	simm.s32 @!p0 $0x6  }
0x7e: {  	s15 =	sadd.s32 @!p0 $0x4000, s10;
	_ =	swait.ge @!p0 [sflag:s6], $0x2000  }
0x7f: {  	s15 =	sshrl.u32 @!p0 s15, $0x3;
	[sflag:s6] =	ssyncset.done @!p0 $0x0  }
0x80: {  	[sflag:s6] =	ssyncadd.s32 @!p0 $0xFFFFE000;
	s6 =	sadd.s32 @!p0 s4, s15;
	s15 =	simm.s32 @!p0 $0xC800  }
0x81: {  	[hbm4b:s6+s21] =	stream.strided.scatter @!p0 [tilespmem:s15], [sflag:$0xE], $0x2000, s0, s21, $0x38;
	[tilespmem:$0x12800] =	vst v63  }
0x82: {  	s6 =	simm.s32 @!p0 $0xC  }
0x83: {  	_ =	swait.ge @!p0 [sflag:s6], $0x2000  }
0x84: {  	[sflag:s6] =	ssyncset.done @!p0 $0x0  }
0x85: {  	[sflag:s6] =	ssyncadd.s32 @!p0 $0xFFFFE000;
	s6 =	sadd.s32 @!p0 $0x580, s1  }
0x86: {  	[tilespmem:s2], [sflag:$0x4] =	stream.indirect.gather @!p0 [hbm4b:s3+s0], $0x40, s6, s0, $0xb8;
	[tilespmem:$0x12800] =	vst v63  }
0x87: {  	s18 =	sadd.s32 $0x8000, s10;
	_ =	swait.ge [sflag:s30], $0x2000  }
0x88: {  	s2 =	sshrl.u32 s18, $0x3;
	[sflag:s30] =	ssyncset.done $0x0  }
0x89: {  	s2 =	sadd.s32 s4, s2;
	[sflag:s30] =	ssyncadd.s32 $0xFFFFE000  }
0x8a: {  	[hbm4b:s2+s23] =	stream.strided.scatter [tilespmem:s24], [sflag:$0xF], $0x2000, s12, s23, $0x38;
	[tilespmem:$0x12800] =	vst v63  }
0x8b: {  	s2 =	simm.s32 @!p0 $0xD  }
0x8c: {  	_ =	swait.ge @!p0 [sflag:s2], $0x2000  }
0x8d: {  	[sflag:s2] =	ssyncset.done @!p0 $0x0  }
0x8e: {  	s1 =	sadd.s32 @!p0 $0x600, s1;
	[sflag:s2] =	ssyncadd.s32 @!p0 $0xFFFFE000;
	s2 =	simm.s32 @!p0 $0xA800  }
0x8f: {  	[tilespmem:s2], [sflag:$0x5] =	stream.indirect.gather @!p0 [hbm4b:s3+s0], $0x40, s1, s0, $0xb8;
	[tilespmem:$0x12800] =	vst v63  }
.Ltmp2:
0x90: {  	_ = 	snop;
	(pc) =	sbr.rel @p0 .LBB2_4-.Ltmp2, $4  }
0x91: {  	s21 =	sadd.s32 $0xC000, s10;
	_ =	swait.ge [sflag:s31], $0x2000  }
0x92: {  	s0 =	sshrl.u32 s21, $0x3;
	[sflag:s31] =	ssyncset.done $0x0  }
0x93: {  	s0 =	sadd.s32 s4, s0;
	[sflag:s31] =	ssyncadd.s32 $0xFFFFE000  }
0x94: {  	[hbm4b:s0+s23] =	stream.strided.scatter [tilespmem:s26], [sflag:$0x10], $0x2000, s12, s23, $0x38;
	[tilespmem:$0x12800] =	vst v63  }
.Ltmp3:
0x95: {  	(pc) =	sbr.rel .LBB2_2-.Ltmp3, $4  }
0x96: {  	_ =	swait.ge [sflag:s19], $0x2000  }
0x97: {  	s0 =	sadd.s32 $0x680, s11;
	[sflag:s19] =	ssyncset.done $0x0  }
0x98: {  	s7 =	sadd.s32 $0x1000, s7;
	s10 =	sadd.s32 $0x20000, s10;
	[sflag:s19] =	ssyncadd.s32 $0xFFFFE000  }
0x99: {  	[tilespmem:s22], [sflag:$0x6] =	stream.indirect.gather [hbm4b:s3+s12], $0x40, s0, s12, $0xb8;
	[tilespmem:$0x12800] =	vst v63  }
.LBB2_5:
0x9a: {  	_ =	sfence.sel $0x180000  }
0x9b: {  	[bflag:$0x0] =	sbarrier.arrive $0xFFFF  }
0x9c: {  	_ =	strace $0x9000004D  }
0x9d: {  	s0 =	stileid.u32;
	[bflag:$0x2] =	sbarrier.arrive $0xFFFF  }
0x9e: {  	p0 =	sne.s32 s0, $0x0;
	s0 =	rddreg [dreg:$0x1]  }
0x9f: {  	s0 =	sadd.s32 @!p0 $0x100000, s0  }
0xa0: {  	[sflag:s0] =	ssyncadd.tile.s32 @!p0 $0x1;
	_ =	shalt  }
.Lfunc_end2:
_tile_overlayer_lowered:
.L_overlay_start_2:
0xa1: {  	(tag) =	ssettag $0x2  }
0xa2: {  	s0 =	rddreg [dreg:$0x0];
	s2 =	stileid.u32  }
0xa3: {  	s1 =	rddreg [dreg:$0x1];
	p0 =	sne.s32 s2, $0x0  }
0xa4: {  	s3 =	rddreg [dreg:$0x2];
	[bflag:$0x3] =	sbarrier.arrive $0xFFFF;
	s2 =	simm.s32 @!p0 $0x1C11  }
0xa5: {  	[timem:s3], [sflag:s2] =	dma.local @!p0 [hbm:s0], s1  }
0xa6: {  	s0 =	simm.s32 @!p0 $0x11  }
0xa7: {  	_ =	swait.ge @!p0 [sflag:s0], s1  }
0xa8: {  	s1 =	ssub.s32 @!p0 $0x0, s1;
	[sflag:s0] =	ssyncset.done @!p0 $0x0  }
0xa9: {  	[sflag:s0] =	ssyncadd.s32 @!p0 s1  }
0xaa: {  	[bflag:$0x3] =	sbarrier.arrive $0xFFFF  }
0xab: {  	_ =	shalt  }

// kernel: kernel.25.cloned.1.call-start
scs
__scs_entry_jumppad:
0x0: {  	(pc) =	sbr.rel $0x88, $3  }
0x1: {  	(tag) =	ssettag $0x0;
	lr =	simm.s32 $0x1  }
0x2: {  	[smem:$0x3F8C] =	sst lr;
	_ =	strace $0xD0000000  }
0x3: {  	_ = 	snop  }
0x4: {  	_ = 	snop  }
0x5: {  	_ = 	snop  }
0x6: {  	_ = 	snop  }
0x7: {  	_ = 	snop  }
__scs_overlays_trampoline_lowered:
0x8: {  	[smem:$0x3F9B] =	sst s0  }
0x9: {  	[smem:$0x3F9C] =	sst s1  }
0xa: {  	[smem:$0x3F9D] =	sst s2  }
0xb: {  	[smem:$0x3F9E] =	sst s3  }
0xc: {  	[smem:$0x3F9F] =	sst s4  }
0xd: {  	[smem:$0x3FA0] =	sst s5  }
0xe: {  	[smem:$0x3FA1] =	sst s6  }
0xf: {  	[smem:$0x3FA2] =	sst s7  }
0x10: {  	[smem:$0x3FA3] =	sst s8  }
0x11: {  	[smem:$0x3FA4] =	sst s9;
	s0 =	simm.s32 @!p0 $0x0  }
0x12: {  	s1 =	sld [smem:$0x3F8A];
	s0 =	simm.s32 @p0 $0x1  }
0x13: {  	[smem:$0x3FA5] =	sst s0;
	s0 =	simm.s32 @!p1 $0x0  }
0x14: {  	s2 =	sld [smem:$0x3F89];
	s0 =	simm.s32 @p1 $0x1  }
0x15: {  	[smem:$0x3FA6] =	sst s0;
	s0 =	simm.s32 @!p2 $0x0  }
0x16: {  	s3 =	sld [smem:$0x3FDB];
	s0 =	simm.s32 @p2 $0x1  }
0x17: {  	s4 =	simm.s32 $0x1BF5;
	[smem:$0x3FA8] =	sst s0  }
0x18: {  	s0 =	sld [smem:$0x3F8B];
	_ =	swait.ge [sflag:s4], $0x0  }
0x19: {  	s7 =	sld [smem:$0x3F8C]  }
0x1a: {  	s8 =	sadd.s32 $0xFFFFE003, lr  }
0x1b: {  	s9 =	sadd.s32 $0xFFFFFEF7, lr;
	s5 =	simm.s32 $0xFFFFFFFF;
	p2 =	slt.u32 s8, $0xFFFFF086  }
0x1c: {  	p1 =	slt.u32 s9, $0xF7A;
	s5 =	simm.s32 @!p2 $0x0  }
0x1d: {  	s5 =	simm.s32 @p1 $0x1;
	p0 =	seq.s32 s7, s2  }
0x1e: {  	s7 =	smul.u32 @!p0 $0xF7A, s2;
	p2 =	seq.s32 @!p0 s5, $0x0  }
0x1f: {  	s9 =	smul.u32 $0xF7A, s1;
	s8 =	simm.s32 @!p0 $0x1BF5;
	p2 =	por !p2, p0  }
0x20: {  	[sflag:s8] =	ssyncset.s32 @!p0 $0xFFFFF086;
	s6 =	sadd.s32 @!p0 s3, s7;
	s7 =	simm.s32 @!p0 $0x108  }
0x21: {  	s3 =	sadd.s32 s3, s9;
	s6 =	sadd.s32 @!p0 $0x88, s6;
	s7 =	simm.s32 @p2 $0x1082  }
0x22: {  	[simem:s7], [sflag:s8] =	dma.local @!p0 [hbm:s6], $0xF7A  }
0x23: {  	s9 =	sor.u32 $0xD0000000, s2;
	s6 =	simm.s32 $0x108;
	_ =	swait.ge @!p0 [sflag:s8], $0x0  }
0x24: {  	s3 =	sadd.s32 $0x88, s3;
	s6 =	simm.s32 @!p1 $0x1082;
	[sflag:s4] =	ssyncset.s32 $0xFFFFF086  }
0x25: {  	[simem:s6], [sflag:s4] =	dma.local [hbm:s3], $0xF7A  }
0x26: {  	[smem:$0x3F8C] =	sst s1;
	(tag) =	ssettag s2;
	_ =	strace s9  }
0x27: {  	s1 =	sld [smem:$0x3F9C]  }
0x28: {  	s2 =	sld [smem:$0x3F9D]  }
0x29: {  	s4 =	sld [smem:$0x3F9F]  }
0x2a: {  	p0 =	seq.s32 s5, $0x0;
	s5 =	sld [smem:$0x3FA0]  }
0x2b: {  	s6 =	sld [smem:$0x3FA1]  }
0x2c: {  	s7 =	sld [smem:$0x3FA2]  }
0x2d: {  	s3 =	simm.s32 $0x108;
	s8 =	sld [smem:$0x3FA3]  }
0x2e: {  	s3 =	simm.s32 @!p0 $0x1082;
	s9 =	sld [smem:$0x3FA4]  }
0x2f: {  	lr =	sadd.s32 s0, s3;
	s0 =	sld [smem:$0x3F9B]  }
0x30: {  	s3 =	sld [smem:$0x3F9E]  }
0x31: {  	[smem:$0x3FA7] =	sst s10  }
0x32: {  	s10 =	sld [smem:$0x3FA5];
	_ =	sdelay $0x3  }
0x33: {  	p0 =	seq.s32 s10, $0x1;
	s10 =	sld [smem:$0x3FA7];
	_ =	sdelay $0x3  }
0x34: {  	[smem:$0x3FA7] =	sst s10  }
0x35: {  	s10 =	sld [smem:$0x3FA6];
	_ =	sdelay $0x3  }
0x36: {  	p1 =	seq.s32 s10, $0x1;
	s10 =	sld [smem:$0x3FA7];
	_ =	sdelay $0x3  }
0x37: {  	[smem:$0x3FA7] =	sst s10  }
0x38: {  	s10 =	sld [smem:$0x3FA8]  }
0x39: {  	_ = 	snop;
	(pc) =	sbr.ind lr, $3  }
0x3a: {  	_ = 	snop  }
0x3b: {  	_ = 	snop  }
0x3c: {  	p2 =	seq.s32 s10, $0x1;
	s10 =	sld [smem:$0x3FA7]  }
0x3d: {  	_ =	shalt  }
0x3e: {  	_ =	shalt  }
0x3f: {  	_ =	shalt  }
0x40: {  	_ =	shalt  }
0x41: {  	_ =	shalt  }
0x42: {  	_ =	shalt  }
0x43: {  	_ =	shalt  }
0x44: {  	_ =	shalt  }
0x45: {  	_ =	shalt  }
0x46: {  	_ =	shalt  }
0x47: {  	_ =	shalt  }
0x48: {  	_ =	shalt  }
0x49: {  	_ =	shalt  }
0x4a: {  	_ =	shalt  }
0x4b: {  	_ =	shalt  }
0x4c: {  	_ =	shalt  }
0x4d: {  	_ =	shalt  }
0x4e: {  	_ =	shalt  }
0x4f: {  	_ =	shalt  }
0x50: {  	_ =	shalt  }
0x51: {  	_ =	shalt  }
0x52: {  	_ =	shalt  }
0x53: {  	_ =	shalt  }
0x54: {  	_ =	shalt  }
0x55: {  	_ =	shalt  }
0x56: {  	_ =	shalt  }
0x57: {  	_ =	shalt  }
0x58: {  	_ =	shalt  }
0x59: {  	_ =	shalt  }
0x5a: {  	_ =	shalt  }
0x5b: {  	_ =	shalt  }
0x5c: {  	_ =	shalt  }
0x5d: {  	_ =	shalt  }
0x5e: {  	_ =	shalt  }
0x5f: {  	_ =	shalt  }
0x60: {  	_ =	shalt  }
0x61: {  	_ =	shalt  }
0x62: {  	_ =	shalt  }
0x63: {  	_ =	shalt  }
0x64: {  	_ =	shalt  }
0x65: {  	_ =	shalt  }
0x66: {  	_ =	shalt  }
0x67: {  	_ =	shalt  }
0x68: {  	_ =	shalt  }
0x69: {  	_ =	shalt  }
0x6a: {  	_ =	shalt  }
0x6b: {  	_ =	shalt  }
0x6c: {  	_ =	shalt  }
0x6d: {  	_ =	shalt  }
0x6e: {  	_ =	shalt  }
0x6f: {  	_ =	shalt  }
0x70: {  	_ =	shalt  }
0x71: {  	_ =	shalt  }
0x72: {  	_ =	shalt  }
0x73: {  	_ =	shalt  }
0x74: {  	_ =	shalt  }
0x75: {  	_ =	shalt  }
0x76: {  	_ =	shalt  }
0x77: {  	_ =	shalt  }
0x78: {  	_ =	shalt  }
0x79: {  	_ =	shalt  }
0x7a: {  	_ =	shalt  }
0x7b: {  	_ =	shalt  }
0x7c: {  	_ =	shalt  }
0x7d: {  	_ =	shalt  }
0x7e: {  	_ =	shalt  }
0x7f: {  	_ =	shalt  }
0x80: {  	_ =	shalt  }
0x81: {  	_ =	shalt  }
0x82: {  	_ =	shalt  }
0x83: {  	_ =	shalt  }
0x84: {  	_ =	shalt  }
0x85: {  	_ =	shalt  }
0x86: {  	_ =	shalt  }
0x87: {  	_ =	shalt  }
.Lfunc_end0:
.L_simem_size_0:
called_computation.3_lowered:
.L_overlay_start_0:
0x88: {  	s2 =	sld [smem:$0x3FD9]  }
0x89: {  	s3 =	sld [smem:$0x3FFE];
	_ =	sdelay $0x1  }
0x8a: {  	s1 =	srdreg.scid  }
0x8b: {  	s0 =	sand.u32 $0x1, s1  }
0x8c: {  	s16 =	sshll.u32 s0, $0xA;
	s2 =	sadd.s32 s3, s2  }
0x8d: {  	s2 =	sadd.s32 s2, s16  }
0x8e: {  	[smem:$0x3FB3] =	sst s2  }
0x8f: {  	_ = 	snop  }
0x90: {  	(tm) =	ssettm $0x1  }
0x91: {  	s17 =	sld [smem:$0x3FFB];
	_ =	sdelay $0x3  }
0x92: {  	_ =	strace s17  }
0x93: {  	s2 =	sld [smem:$0x3FFC];
	_ =	sdelay $0x3  }
0x94: {  	_ =	strace s2  }
0x95: {  	s2 =	sld [smem:$0x3FFD];
	_ =	sdelay $0x3  }
0x96: {  	_ =	strace s2  }
0x97: {  	_ =	strace $0x8FFFFFFF  }
0x98: {  	s18 =	sld [smem:$0x3FDB];
	_ =	sdelay $0x1  }
0x99: {  	s19 =	simm.s32 $_scs_section_size  }
0x9a: {  	s4 =	simm.s32 $_size__tile_overlayer_lowered;
	s5 =	simm.s32 $_tile_overlayer_lowered  }
0x9b: {  	s22 =	simm.s32 $0x1BFF;
	s21 =	sshll.u32 s5, $0x1;
	s2 =	sadd.s32 s19, s18  }
0x9c: {  	s6 =	simm.s32 $0x0;
	s20 =	sshll.u32 s4, $0x1;
	s4 =	sadd.s32 s21, s2  }
0x9d: {  	[timem:s6], [sflag:s22] =	dma.local [hbm:s4], s20  }
0x9e: {  	_ =	swait.ge [sflag:s22], s20  }
0x9f: {  	s3 =	ssub.s32 $0x0, s20;
	[sflag:s22] =	ssyncset.done $0x0  }
0xa0: {  	[sflag:s22] =	ssyncadd.s32 s3;
	_ =	sdelay $0x1  }
0xa1: {  	s23 =	simm.s32 $0x1B8B  }
0xa2: {  	_ =	swait.ge [sflag:s23], $0x1  }
0xa3: {  	[sflag:s23] =	ssyncset.done $0x0  }
0xa4: {  	s25 =	simm.s32 $0x1B8E;
	s24 =	sld [smem:$0x3FFE];
	[sflag:s23] =	ssyncadd.s32 $0xFFFFFFFF  }
0xa5: {  	s26 =	simm.s32 $execute0_lowered;
	[smem:$0x3FD2] =	sst s25  }
0xa6: {  	s4 =	sshll.u32 s26, $0x1;
	_ =	strace $0x8000004F;
	[dreg:$0x1] =	wrdreg $0xFFFFFFFF  }
0xa7: {  	s28 =	simm.s32 $_size_execute0_lowered;
	s2 =	sadd.s32 s2, s4;
	[dreg:$0x0] =	wrdreg $0x0  }
0xa8: {  	s4 =	sshll.u32 s28, $0x1;
	[dreg:$0x2] =	wrdreg s2  }
0xa9: {  	[dreg:$0x3] =	wrdreg s4  }
0xaa: {  	[dreg:$0x4] =	wrdreg $0xC0  }
0xab: {  	_ =	task [dreg:s6], $0x5FFFF  }
0xac: {  	[dreg:$0x1] =	wrdreg $0xFFFFFFFF  }
0xad: {  	[dreg:$0x0] =	wrdreg $0x60  }
0xae: {  	[dreg:$0x2] =	wrdreg s24  }
0xaf: {  	[dreg:$0x3] =	wrdreg $0x9  }
0xb0: {  	_ =	task.clear_ibuf [dreg:s6], $0x4FFFF;
	_ =	strace $0x9000004F  }
0xb1: {  	s29 =	simm.s32 $0x9;
	_ =	strace $0x80000051  }
0xb2: {  	_ =	swait.ge [sflag:s29], $0x1  }
0xb3: {  	[sflag:s29] =	ssyncadd.s32 $0xFFFFFFFF  }
0xb4: {  	_ =	strace $0x90000051  }
0xb5: {  	_ =	sfence  }
0xb6: {  	s30 =	sld [smem:$0x0];
	_ =	sdelay $0x2  }
0xb7: {  	s31 =	sshll.u32 s1, $0xD;
	s1 =	sshrl.u32 s1, $0x2  }
0xb8: {  	s3 =	sand.u32 $0x4000, s31;
	s1 =	sadd.s32 s1, s30  }
0xb9: {  	s0 =	sor.u32 s3, s0;
	s1 =	sshll.u32 s1, $0x11  }
0xba: {  	s0 =	sor.u32 s1, s0  }
0xbb: {  	s0 =	sadd.s32 $0x8F2B, s0  }
0xbc: {  	[sflag:s0] =	ssyncadd.remote.s32 $0x1  }
0xbd: {  	_ =	sfence.sel $0xFFFF  }
0xbe: {  	[dreg:$0x0] =	wrdreg $0xFFFFFFFF;
	(pc) =	sbr.abs _section_cstart, $3  }
0xbf: {  	[dreg:$0x1] =	wrdreg $0xFFFFFFFF  }
0xc0: {  	_ =	task.clear_ibuf [dreg:s6], $0x2FFFF;
	_ =	strace $0x9FFFFFFF  }
0xc1: {  	(tm) =	ssettm $0x7FFFFFFF  }
tec
execute0_lowered:
.L_overlay_start_1:
0x0: {  	(tag) =	ssettag $0x1  }
0x1: {  	s1 =	srdreg.scid  }
0x2: {  	s0 =	stileid.u32;
	s4 =	rddreg [dreg:$0x0]  }
0x3: {  	s7 =	simm.s32 $0x1;
	s9 =	simm.s32 $0x140000;
	s11 =	simm.s32 $0x2800  }
0x4: {  	s12 =	simm.s32 $0x6800;
	s14 =	simm.s32 $0xA800;
	s15 =	simm.s32 $0xE800  }
0x5: {  	s16 =	simm.s32 $0x2;
	s17 =	simm.s32 $0x12800;
	s18 =	simm.s32 $0x3  }
0x6: {  	s19 =	simm.s32 $0x4;
	s20 =	simm.s32 $0x5;
	s21 =	simm.s32 $0x6  }
0x7: {  	s22 =	simm.s32 $0x7;
	s23 =	simm.s32 $0x8;
	s24 =	simm.s32 $0x9  }
0x8: {  	s25 =	simm.s32 $0xA;
	s5 =	sand.u32 $0x1, s1;
	s2 =	sshll.u32 s0, $0x1  }
0x9: {  	s26 =	simm.s32 $0x0;
	s3 =	sor.u32 s5, s2;
	s2 =	simm.s32 $0x0  }
0xa: {  	p0 =	seq.s32 s5, $0x1;
	s5 =	ssub.s32 $0x2, s5;
	p1 =	seq.s32 s3, $0x0  }
0xb: {  	[smem:$0x7FF] =	sst s2;
	s6 =	smul.u32 $0x500, s3;
	p1 =	por !p1, !p0  }
0xc: {  	s3 =	sadd.s32 $0xAF400, s4;
	s8 =	sshrl.u32 s5, $0x1;
	p1 =	por !p1, !p1  }
.Ltmp0:
0xd: {  	s9 =	simm.s32 @!p0 $0x0;
	s7 =	simm.s32 @!p1 $0x0;
	(pc) =	sbr.rel .LBB2_1-.Ltmp0, $4  }
0xe: {  	_ =	strace $0x80000050;
	s31 =	ssub.s32 s5, s8;
	s7 =	ssub.s32 s0, s7  }
0xf: {  	s5 =	simm.s32 $0x1;
	s6 =	sadd.s32 s6, s4;
	s10 =	smul.u32 $0x280000, s7  }
0x10: {  	s4 =	sadd.s32 $0xFF400, s4;
	s6 =	sadd.s32 $0x5400, s6;
	s7 =	smax.u32 s31, $0x1  }
0x11: {  	s8 =	sadd.s32 s9, s10;
	s9 =	simm.s32 $0xB;
	s10 =	simm.s32 $0x80  }
.LBB2_4:
0x12: {  	_ =	swait.ge [sflag:s21], $0x4000  }
0x13: {  	[sflag:s21] =	ssyncset.done $0x0  }
0x14: {  	[sflag:s21] =	ssyncadd.s32 $0xFFFFC000  }
0x15: {  	_ =	swait.ge [sflag:s22], $0x4000  }
0x16: {  	[sflag:s22] =	ssyncset.done $0x0  }
0x17: {  	[sflag:s22] =	ssyncadd.s32 $0xFFFFC000  }
0x18: {  	_ =	swait.ge [sflag:s23], $0x4000  }
0x19: {  	[sflag:s23] =	ssyncset.done $0x0  }
0x1a: {  	s26 =	sadd.s32 $0x1, s26;
	[sflag:s23] =	ssyncadd.s32 $0xFFFFC000  }
0x1b: {  	p0 =	sne.s32 s26, s7;
	_ =	swait.ge [sflag:s24], $0x4000  }
.Ltmp1:
0x1c: {  	[sflag:s24] =	ssyncset.done $0x0;
	(pc) =	sbr.rel @!p0 .LBB2_5-.Ltmp1, $4  }
0x1d: {  	[sflag:s24] =	ssyncadd.s32 $0xFFFFC000  }
0x1e: {  	_ =	swait.ge [sflag:s25], $0x4000  }
0x1f: {  	[sflag:s25] =	ssyncset.done $0x0  }
0x20: {  	[sflag:s25] =	ssyncadd.s32 $0xFFFFC000  }
.LBB2_1:
0x21: {  	[tilespmem:s2], [sflag:$0xB] =	stream.linear.gather [hbm4b:s6+s2], $0x2800, $0x38;
	[tilespmem:$0x16800] =	vst v63  }
0x22: {  	_ =	swait.ge [sflag:s9], $0x2800  }
0x23: {  	[sflag:s9] =	ssyncset.done $0x0  }
0x24: {  	[sflag:s9] =	ssyncadd.s32 $0xFFFFD800  }
0x25: {  	[tilespmem:s11], [sflag:$0x1] =	stream.indirect.gather [hbm4b:s3+s10], $0x80, s2, s10, $0xb8;
	[tilespmem:$0x16800] =	vst v63  }
0x26: {  	_ = 	snop  }
0x27: {  	[tilespmem:s12], [sflag:$0x2] =	stream.indirect.gather [hbm4b:s3+s10], $0x80, s10, s10, $0xb8;
	[tilespmem:$0x16800] =	vst v63  }
0x28: {  	s0 =	simm.s32 $0x100;
	s28 =	smov.u32 s8;
	s29 =	simm.s32 $0x0  }
0x29: {  	[tilespmem:s14], [sflag:$0x3] =	stream.indirect.gather [hbm4b:s3+s10], $0x80, s0, s10, $0xb8;
	[tilespmem:$0x16800] =	vst v63  }
.LBB2_2:
0x2a: {  	_ =	swait.ge [sflag:s5], $0x4000  }
0x2b: {  	s30 =	sshrl.u32 s28, $0x3;
	p0 =	seq.s32 s29, $0x0;
	[sflag:s5] =	ssyncset.done $0x0  }
0x2c: {  	s30 =	sadd.s32 s4, s30;
	s31 =	simm.s32 @!p0 $0x9;
	[sflag:s5] =	ssyncadd.s32 $0xFFFFC000  }
0x2d: {  	[hbm4b:s30+s2] =	stream.linear.scatter [tilespmem:s11], [sflag:$0x6], $0x4000, $0x38;
	[tilespmem:$0x16800] =	vst v63  }
0x2e: {  	_ =	swait.ge @!p0 [sflag:s31], $0x4000  }
0x2f: {  	s30 =	sshra.s32 s29, $0x2;
	[sflag:s31] =	ssyncset.done @!p0 $0x0  }
0x30: {  	s1 =	sadd.s32 $0x180, s30;
	[sflag:s31] =	ssyncadd.s32 @!p0 $0xFFFFC000  }
0x31: {  	[tilespmem:s15], [sflag:$0x4] =	stream.indirect.gather [hbm4b:s3+s10], $0x80, s1, s10, $0xb8;
	[tilespmem:$0x16800] =	vst v63  }
0x32: {  	s13 =	sadd.s32 $0x4000, s28;
	_ =	swait.ge [sflag:s16], $0x4000  }
0x33: {  	s31 =	sshrl.u32 s13, $0x3;
	[sflag:s16] =	ssyncset.done $0x0  }
0x34: {  	s31 =	sadd.s32 s4, s31;
	[sflag:s16] =	ssyncadd.s32 $0xFFFFC000  }
0x35: {  	[hbm4b:s31+s2] =	stream.linear.scatter [tilespmem:s12], [sflag:$0x7], $0x4000, $0x38;
	[tilespmem:$0x16800] =	vst v63  }
0x36: {  	s31 =	simm.s32 @!p0 $0xA  }
0x37: {  	_ =	swait.ge @!p0 [sflag:s31], $0x4000  }
0x38: {  	[sflag:s31] =	ssyncset.done @!p0 $0x0  }
0x39: {  	s0 =	sadd.s32 $0x200, s30;
	[sflag:s31] =	ssyncadd.s32 @!p0 $0xFFFFC000  }
0x3a: {  	[tilespmem:s17], [sflag:$0x5] =	stream.indirect.gather [hbm4b:s3+s10], $0x80, s0, s10, $0xb8;
	[tilespmem:$0x16800] =	vst v63  }
0x3b: {  	s1 =	sadd.s32 $0x8000, s28;
	_ =	swait.ge [sflag:s18], $0x4000  }
0x3c: {  	s31 =	sshrl.u32 s1, $0x3;
	[sflag:s18] =	ssyncset.done $0x0  }
0x3d: {  	p0 =	seq.s32 s29, $0x9600;
	s31 =	sadd.s32 s4, s31;
	[sflag:s18] =	ssyncadd.s32 $0xFFFFC000  }
0x3e: {  	[hbm4b:s31+s2] =	stream.linear.scatter [tilespmem:s14], [sflag:$0x8], $0x4000, $0x38;
	[tilespmem:$0x16800] =	vst v63  }
0x3f: {  	s31 =	simm.s32 @!p0 $0x6  }
0x40: {  	_ =	swait.ge @!p0 [sflag:s31], $0x4000  }
0x41: {  	[sflag:s31] =	ssyncset.done @!p0 $0x0  }
0x42: {  	[sflag:s31] =	ssyncadd.s32 @!p0 $0xFFFFC000;
	s31 =	sshra.s32 @!p0 s29, $0x2  }
0x43: {  	s0 =	simm.s32 @!p0 $0x80;
	s13 =	simm.s32 @!p0 $0x2800;
	s1 =	sadd.s32 @!p0 $0x280, s31  }
0x44: {  	[tilespmem:s13], [sflag:$0x1] =	stream.indirect.gather @!p0 [hbm4b:s3+s0], $0x80, s1, s0, $0xb8;
	[tilespmem:$0x16800] =	vst v63  }
0x45: {  	s13 =	sadd.s32 $0xC000, s28;
	_ =	swait.ge [sflag:s19], $0x4000  }
0x46: {  	s1 =	sshrl.u32 s13, $0x3;
	[sflag:s19] =	ssyncset.done $0x0  }
0x47: {  	s1 =	sadd.s32 s4, s1;
	[sflag:s19] =	ssyncadd.s32 $0xFFFFC000  }
0x48: {  	[hbm4b:s1+s2] =	stream.linear.scatter [tilespmem:s15], [sflag:$0x9], $0x4000, $0x38;
	[tilespmem:$0x16800] =	vst v63  }
0x49: {  	s1 =	simm.s32 @!p0 $0x7  }
0x4a: {  	_ =	swait.ge @!p0 [sflag:s1], $0x4000  }
0x4b: {  	[sflag:s1] =	ssyncset.done @!p0 $0x0  }
0x4c: {  	s13 =	simm.s32 @!p0 $0x6800;
	[sflag:s1] =	ssyncadd.s32 @!p0 $0xFFFFC000;
	s1 =	sadd.s32 @!p0 $0x300, s31  }
0x4d: {  	[tilespmem:s13], [sflag:$0x2] =	stream.indirect.gather @!p0 [hbm4b:s3+s0], $0x80, s1, s0, $0xb8;
	[tilespmem:$0x16800] =	vst v63  }
.Ltmp2:
0x4e: {  	_ = 	snop;
	(pc) =	sbr.rel @p0 .LBB2_4-.Ltmp2, $4  }
0x4f: {  	s31 =	sadd.s32 $0x10000, s28;
	_ =	swait.ge [sflag:s20], $0x4000  }
0x50: {  	s0 =	sshrl.u32 s31, $0x3;
	[sflag:s20] =	ssyncset.done $0x0  }
0x51: {  	s0 =	sadd.s32 s4, s0;
	[sflag:s20] =	ssyncadd.s32 $0xFFFFC000  }
0x52: {  	[hbm4b:s0+s2] =	stream.linear.scatter [tilespmem:s17], [sflag:$0xA], $0x4000, $0x38;
	[tilespmem:$0x16800] =	vst v63  }
.Ltmp3:
0x53: {  	(pc) =	sbr.rel .LBB2_2-.Ltmp3, $4  }
0x54: {  	_ =	swait.ge [sflag:s23], $0x4000  }
0x55: {  	s0 =	sadd.s32 $0x380, s30;
	[sflag:s23] =	ssyncset.done $0x0  }
0x56: {  	s29 =	sadd.s32 $0xA00, s29;
	s28 =	sadd.s32 $0x14000, s28;
	[sflag:s23] =	ssyncadd.s32 $0xFFFFC000  }
0x57: {  	[tilespmem:s14], [sflag:$0x3] =	stream.indirect.gather [hbm4b:s3+s10], $0x80, s0, s10, $0xb8;
	[tilespmem:$0x16800] =	vst v63  }
.LBB2_5:
0x58: {  	_ =	sfence.sel $0x180000  }
0x59: {  	[bflag:$0x0] =	sbarrier.arrive $0xFFFF  }
0x5a: {  	_ =	strace $0x90000050  }
0x5b: {  	s0 =	stileid.u32;
	[bflag:$0x2] =	sbarrier.arrive $0xFFFF  }
0x5c: {  	p0 =	sne.s32 s0, $0x0;
	s0 =	rddreg [dreg:$0x1]  }
0x5d: {  	s0 =	sadd.s32 @!p0 $0x100000, s0  }
0x5e: {  	[sflag:s0] =	ssyncadd.tile.s32 @!p0 $0x1;
	_ =	shalt  }
.Lfunc_end2:
_tile_overlayer_lowered:
.L_overlay_start_2:
0x5f: {  	(tag) =	ssettag $0x2  }
0x60: {  	s0 =	rddreg [dreg:$0x0];
	s2 =	stileid.u32  }
0x61: {  	s1 =	rddreg [dreg:$0x1];
	p0 =	sne.s32 s2, $0x0  }
0x62: {  	s3 =	rddreg [dreg:$0x2];
	[bflag:$0x3] =	sbarrier.arrive $0xFFFF;
	s2 =	simm.s32 @!p0 $0x1C0B  }
0x63: {  	[timem:s3], [sflag:s2] =	dma.local @!p0 [hbm:s0], s1  }
0x64: {  	s0 =	simm.s32 @!p0 $0xB  }
0x65: {  	_ =	swait.ge @!p0 [sflag:s0], s1  }
0x66: {  	s1 =	ssub.s32 @!p0 $0x0, s1;
	[sflag:s0] =	ssyncset.done @!p0 $0x0  }
0x67: {  	[sflag:s0] =	ssyncadd.s32 @!p0 s1  }
0x68: {  	[bflag:$0x3] =	sbarrier.arrive $0xFFFF  }
0x69: {  	_ =	shalt  }

</sc_bundles>
